<compile_context>
chip_gen: v7x
topology: tpu7x:2x2x1
jax: 0.10.2.dev20260603
libtpu: 0.0.44.dev20260713+nightly
codegen_flags: <defaults>
</compile_context>

<pallas_src>
import functools

import jax
import jax.numpy as jnp
from jax import lax
from jax.experimental import pallas as pl
from jax.experimental.pallas import tpu as pltpu
from jax.experimental.pallas import tpu_sc as plsc

N = 10000
D = 128
E = 320000
GAT_W = 0.8
ORG_W = 0.2
NEG_SLOPE = 0.2

NPAD = 10240
NC = 2
NS = 16
NW = NC * NS
EW = NPAD
EPAD = NW * EW
C = 64
NCHUNK = EW // C
NSUB = NPAD // NS

_f32 = jnp.float32
_i32 = jnp.int32



def _proj_body(x_ref, w_ref, a_ref, h_ref, s_ref):
    xb = x_ref[...]
    h = jnp.dot(xb, w_ref[...], preferred_element_type=_f32)
    h_ref[...] = h
    s_ref[...] = lax.dot_general(a_ref[...], h,
                                 dimension_numbers=(((1,), (1,)), ((), ())))


_BM = 512


def _proj(x, W, A):
    return pl.pallas_call(
        _proj_body,
        grid=(NPAD // _BM,),
        in_specs=[
            pl.BlockSpec((_BM, D), lambda i: (i, 0)),
            pl.BlockSpec((D, D), lambda i: (0, 0)),
            pl.BlockSpec((2, D), lambda i: (0, 0)),
        ],
        out_specs=[
            pl.BlockSpec((_BM, D), lambda i: (i, 0)),
            pl.BlockSpec((2, _BM), lambda i: (0, i)),
        ],
        out_shape=[
            jax.ShapeDtypeStruct((NPAD, D), _f32),
            jax.ShapeDtypeStruct((2, NPAD), _f32),
        ],
    )(x, W, A)


def _combine_body(agg_ref, den_ref, x_ref, o_ref):
    a = agg_ref[0] + agg_ref[1]
    dsum = den_ref[0, :] + den_ref[1, :] + 1e-16
    q = a / dsum[:, None]
    z = jnp.where(q > 0.0, q, jnp.exp(q) - 1.0)
    o_ref[...] = GAT_W * z + ORG_W * x_ref[...]


def _combine(agg, den, x):
    return pl.pallas_call(
        _combine_body,
        grid=(NPAD // _BM,),
        in_specs=[
            pl.BlockSpec((2, _BM, D), lambda i: (0, i, 0)),
            pl.BlockSpec((2, _BM), lambda i: (0, i)),
            pl.BlockSpec((_BM, D), lambda i: (i, 0)),
        ],
        out_specs=pl.BlockSpec((_BM, D), lambda i: (i, 0)),
        out_shape=jax.ShapeDtypeStruct((NPAD, D), _f32),
    )(agg, den, x)



def _sc_gat_body(h_hbm, s2_hbm, src_hbm, dst_hbm,
                 agg_out, den_out,
                 ssrc_v, sdst_v, srcb, dstb, eeb, rows,
                 shared_agg, shared_den, sem_g):
    c = lax.axis_index("c")
    s = lax.axis_index("s")
    wid = c * NS + s

    pltpu.sync_copy(s2_hbm.at[0], ssrc_v)
    pltpu.sync_copy(s2_hbm.at[1], sdst_v)

    def _zero_rows(i, _):
        for g in range(8):
            rows[0, i, pl.ds(g * 16, 16)] = jnp.zeros((16,), _f32)
        return 0
    lax.fori_loop(0, C, _zero_rows, 0)
    for g in range(C // 16):
        eeb[pl.ds(g * 16, 16)] = jnp.zeros((16,), _f32)

    for b in range(NSUB // C):
        pltpu.sync_copy(rows.at[0], shared_agg.at[pl.ds(s * NSUB + b * C, C)])
        pltpu.sync_copy(eeb, shared_den.at[pl.ds(s * NSUB + b * C, C)])

    plsc.subcore_barrier()

    def _chunk(j, _):
        b = lax.rem(j, 2)
        pltpu.sync_copy(src_hbm.at[wid, j], srcb.at[b])
        pltpu.sync_copy(dst_hbm.at[wid, j], dstb.at[b])
        cp = pltpu.async_copy(h_hbm.at[srcb.at[b]], rows.at[b], sem_g)

        for g in range(C // 16):
            si = srcb[b, pl.ds(g * 16, 16)]
            di = dstb[b, pl.ds(g * 16, 16)]
            ss = plsc.load_gather(ssrc_v, [si])
            sd = plsc.load_gather(sdst_v, [di])
            e = ss + sd
            e = jnp.where(e >= 0.0, e, e * NEG_SLOPE)
            eeb[pl.ds(g * 16, 16)] = jnp.exp(e)

        pltpu.sync_copy(eeb, shared_den.at[dstb.at[b]], add=True)

        cp.wait()

        def _scale(r, _):
            eb = plsc.load_gather(eeb, [jnp.full((16,), r, _i32)])
            for g in range(8):
                rows[b, r, pl.ds(g * 16, 16)] = (
                    rows[b, r, pl.ds(g * 16, 16)] * eb)
            return 0
        lax.fori_loop(0, C, _scale, 0)

        pltpu.sync_copy(rows.at[b], shared_agg.at[dstb.at[b]], add=True)
        return 0
    lax.fori_loop(0, NCHUNK, _chunk, 0)

    plsc.subcore_barrier()

    for b in range(NSUB // C):
        base = s * NSUB + b * C
        pltpu.sync_copy(shared_agg.at[pl.ds(base, C)], rows.at[0])
        pltpu.sync_copy(rows.at[0], agg_out.at[c, pl.ds(base, C)])
        pltpu.sync_copy(shared_den.at[pl.ds(base, C)], eeb)
        pltpu.sync_copy(eeb, den_out.at[c, pl.ds(base, C)])


_sc_gat = functools.partial(
    pl.kernel,
    mesh=plsc.VectorSubcoreMesh(core_axis_name="c", subcore_axis_name="s"),
    compiler_params=pltpu.CompilerParams(needs_layout_passes=False),
    out_type=[
        jax.ShapeDtypeStruct((NC, NPAD, D), _f32),
        jax.ShapeDtypeStruct((NC, NPAD), _f32),
    ],
    scratch_types=[
        pltpu.VMEM((NPAD,), _f32),
        pltpu.VMEM((NPAD,), _f32),
        pltpu.VMEM((2, C), _i32),
        pltpu.VMEM((2, C), _i32),
        pltpu.VMEM((C,), _f32),
        pltpu.VMEM((2, C, D), _f32),
        pltpu.VMEM_SHARED((NPAD, D), _f32),
        pltpu.VMEM_SHARED((NPAD,), _f32),
        pltpu.SemaphoreType.DMA,
    ],
)(_sc_gat_body)


def _gat_layer_fast(x, W, a_src, a_dst, src_r, dst_r):
    A = jnp.stack([a_src, a_dst])
    h, s2 = _proj(x, W, A)
    agg, den = _sc_gat(h, s2, src_r, dst_r)
    return _combine(agg, den, x)


def kernel(x, edge_index, W1, a_src1, a_dst1, W2, a_src2, a_dst2):
    xpad = jnp.pad(x, ((0, NPAD - N), (0, 0)))
    src = edge_index[0]
    dst = edge_index[1]
    src_r = jnp.concatenate(
        [src, jnp.zeros((EPAD - E,), _i32)]).reshape(NW, NCHUNK, C)
    dst_r = jnp.concatenate(
        [dst, jnp.full((EPAD - E,), NPAD - 1, _i32)]).reshape(NW, NCHUNK, C)

    h1 = _gat_layer_fast(xpad, W1, a_src1, a_dst1, src_r, dst_r)
    h2 = _gat_layer_fast(h1, W2, a_src2, a_dst2, src_r, dst_r)
    return h2[:N]

# --- scband reference (transcript-rebuilt; emitter-appended) ---
"""Pipeline reference for scband-scatter-net-21706764714521 (READ-ONLY COPY).

The authoritative reference and input builder live on the scoring server;
editing this copy changes nothing except your own understanding.
"""

import jax, jax.numpy as jnp
import numpy as np

N = 10000
E = 320000
D = 128
GAT_W = 0.8
ORG_W = 0.2
NEG_SLOPE = 0.2


def setup_inputs(seed: int = 0) -> dict:
    key = jax.random.key(seed)
    ks = jax.random.split(key, 9)
    x = jax.random.normal(ks[0], (N, D), dtype=jnp.float32)
    edge_index = jax.random.randint(ks[1], (2, E), 0, N, dtype=jnp.int32)
    W1 = jax.random.normal(ks[2], (D, D), dtype=jnp.float32) * 0.05
    a_src1 = jax.random.normal(ks[3], (D,), dtype=jnp.float32) * 0.05
    a_dst1 = jax.random.normal(ks[4], (D,), dtype=jnp.float32) * 0.05
    W2 = jax.random.normal(ks[5], (D, D), dtype=jnp.float32) * 0.05
    a_src2 = jax.random.normal(ks[6], (D,), dtype=jnp.float32) * 0.05
    a_dst2 = jax.random.normal(ks[7], (D,), dtype=jnp.float32) * 0.05
    return {"x": x, "edge_index": edge_index, "W1": W1, "a_src1": a_src1,
            "a_dst1": a_dst1, "W2": W2, "a_src2": a_src2, "a_dst2": a_dst2}


def _gat_layer(x, W, a_src, a_dst, src, dst):
    # GAT-style message passing (faithful to GATLayer + combine_feature_lists residual mix)
    h = x @ W                               # [N, D]
    e = jax.nn.leaky_relu(h[src] @ a_src + h[dst] @ a_dst, NEG_SLOPE)  # [E]
    # softmax over incoming edges per destination node
    emax = jax.ops.segment_max(e, dst, num_segments=N)
    emax = jnp.where(jnp.isfinite(emax), emax, 0.0)
    emax = jax.lax.stop_gradient(emax)
    ee = jnp.exp(e - emax[dst])
    denom = jax.ops.segment_sum(ee, dst, num_segments=N)
    alpha = ee / (denom[dst] + 1e-16)       # [E]
    agg = jax.ops.segment_sum(alpha[:, None] * h[src], dst, num_segments=N)  # [N, D]
    # combine GAT output with original features (a_weight=GAT_W, b_weight=ORG_W)
    return GAT_W * jax.nn.elu(agg) + ORG_W * x


def reference(x, edge_index, W1, a_src1, a_dst1, W2, a_src2, a_dst2):
    src = edge_index[0]
    dst = edge_index[1]
    h = _gat_layer(x, W1, a_src1, a_dst1, src, dst)
    h = _gat_layer(h, W2, a_src2, a_dst2, src, dst)
    return h

if __name__ == "__main__":
    import jax
    _d = setup_inputs()
    print(jax.jit(kernel)(*tuple(_d.values())))

</pallas_src>

<mosaic_0001>
#map = affine_map<(d0, d1) -> (0, 0)>
#map1 = affine_map<(d0, d1) -> (0, 0, 0)>
module attributes {stable_mosaic.version = 14 : i64} {
  func.func @_sc_gat_body(%arg0: i32, %arg1: i32, %arg2: memref<10240x128xf32, #tpu.memory_space<hbm>>, %arg3: memref<2x10240xf32, #tpu.memory_space<hbm>>, %arg4: memref<32x160x64xi32, #tpu.memory_space<hbm>>, %arg5: memref<32x160x64xi32, #tpu.memory_space<hbm>>, %arg6: memref<2x10240x128xf32, #tpu.memory_space<hbm>>, %arg7: memref<2x10240xf32, #tpu.memory_space<hbm>>, %arg8: memref<10240xf32, #tpu.memory_space<vmem>>, %arg9: memref<10240xf32, #tpu.memory_space<vmem>>, %arg10: memref<2x64xi32, #tpu.memory_space<vmem>>, %arg11: memref<2x64xi32, #tpu.memory_space<vmem>>, %arg12: memref<64xf32, #tpu.memory_space<vmem>>, %arg13: memref<2x64x128xf32, #tpu.memory_space<vmem>>, %arg14: memref<10240x128xf32, #tpu.memory_space<vmem_shared>>, %arg15: memref<10240xf32, #tpu.memory_space<vmem_shared>>, %arg16: memref<!tpu.dma_semaphore, #tpu.memory_space<semaphore_mem>>) attributes {dimension_semantics = [#tpu.dimension_semantics<core_parallel>, #tpu.dimension_semantics<subcore_parallel>], iteration_bounds = array<i64: 2, 16>, scalar_prefetch = 0 : i64, scratch_operands = 9 : i64, tpu.core_type = #tpu.core_type<sc_vector_subcore>, window_params = [{transform_indices = #map}, {transform_indices = #map}, {transform_indices = #map1}, {transform_indices = #map1}, {transform_indices = #map1}, {transform_indices = #map}]} {
    %mul3A = arith.constant 16 : i32
    %mul3A_0 = arith.muli %arg0, %mul3A : i32
    %add3A = arith.addi %mul3A_0, %arg1 : i32
    %run_scoped3A = arith.constant 0 : i32
    "tpu.region"() ({
      %run_scoped3A_180 = tpu.sem_alloc : memref<!tpu.dma_semaphore, #tpu.memory_space<semaphore_mem>>
      %dma_start3A = arith.constant 0 : i32
      %dma_start3A_181 = tpu.memref_slice %arg3[%run_scoped3A, %dma_start3A] : memref<2x10240xf32, #tpu.memory_space<hbm>> -> memref<1x10240xf32, #tpu.memory_space<hbm>>
      %dma_start3A_182 = tpu.memref_squeeze %dma_start3A_181 : memref<1x10240xf32, #tpu.memory_space<hbm>> -> memref<10240xf32, #tpu.memory_space<hbm>>
      %dma_start3A_183 = arith.constant 0 : i32
      %dma_start3A_184 = tpu.memref_slice %arg3[%run_scoped3A, %dma_start3A_183] : memref<2x10240xf32, #tpu.memory_space<hbm>> -> memref<1x10240xf32, #tpu.memory_space<hbm>>
      %dma_start3A_185 = tpu.memref_squeeze %dma_start3A_184 : memref<1x10240xf32, #tpu.memory_space<hbm>> -> memref<10240xf32, #tpu.memory_space<hbm>>
      tpu.enqueue_dma source(%dma_start3A_185 : memref<10240xf32, #tpu.memory_space<hbm>>) target(%arg8 : memref<10240xf32, #tpu.memory_space<vmem>>) target_semaphore(%run_scoped3A_180 : memref<!tpu.dma_semaphore, #tpu.memory_space<semaphore_mem>>)
      %dma_wait3A = arith.constant 0 : i32
      %dma_wait3A_186 = tpu.memref_slice %arg3[%run_scoped3A, %dma_wait3A] : memref<2x10240xf32, #tpu.memory_space<hbm>> -> memref<1x10240xf32, #tpu.memory_space<hbm>>
      %dma_wait3A_187 = tpu.memref_squeeze %dma_wait3A_186 : memref<1x10240xf32, #tpu.memory_space<hbm>> -> memref<10240xf32, #tpu.memory_space<hbm>>
      %dma_wait3A_188 = arith.constant 0 : i32
      %dma_wait3A_189 = tpu.memref_slice %arg3[%run_scoped3A, %dma_wait3A_188] : memref<2x10240xf32, #tpu.memory_space<hbm>> -> memref<1x10240xf32, #tpu.memory_space<hbm>>
      %dma_wait3A_190 = tpu.memref_squeeze %dma_wait3A_189 : memref<1x10240xf32, #tpu.memory_space<hbm>> -> memref<10240xf32, #tpu.memory_space<hbm>>
      tpu.wait_dma2 semaphore(%run_scoped3A_180 : memref<!tpu.dma_semaphore, #tpu.memory_space<semaphore_mem>>) src(%dma_wait3A_190 : memref<10240xf32, #tpu.memory_space<hbm>>) dst(%arg8 : memref<10240xf32, #tpu.memory_space<vmem>>)
      tpu.yield
    }) : () -> ()
    %run_scoped3A_1 = arith.constant 1 : i32
    "tpu.region"() ({
      %run_scoped3A_180 = tpu.sem_alloc : memref<!tpu.dma_semaphore, #tpu.memory_space<semaphore_mem>>
      %dma_start3A = arith.constant 0 : i32
      %dma_start3A_181 = tpu.memref_slice %arg3[%run_scoped3A_1, %dma_start3A] : memref<2x10240xf32, #tpu.memory_space<hbm>> -> memref<1x10240xf32, #tpu.memory_space<hbm>>
      %dma_start3A_182 = tpu.memref_squeeze %dma_start3A_181 : memref<1x10240xf32, #tpu.memory_space<hbm>> -> memref<10240xf32, #tpu.memory_space<hbm>>
      %dma_start3A_183 = arith.constant 0 : i32
      %dma_start3A_184 = tpu.memref_slice %arg3[%run_scoped3A_1, %dma_start3A_183] : memref<2x10240xf32, #tpu.memory_space<hbm>> -> memref<1x10240xf32, #tpu.memory_space<hbm>>
      %dma_start3A_185 = tpu.memref_squeeze %dma_start3A_184 : memref<1x10240xf32, #tpu.memory_space<hbm>> -> memref<10240xf32, #tpu.memory_space<hbm>>
      tpu.enqueue_dma source(%dma_start3A_185 : memref<10240xf32, #tpu.memory_space<hbm>>) target(%arg9 : memref<10240xf32, #tpu.memory_space<vmem>>) target_semaphore(%run_scoped3A_180 : memref<!tpu.dma_semaphore, #tpu.memory_space<semaphore_mem>>)
      %dma_wait3A = arith.constant 0 : i32
      %dma_wait3A_186 = tpu.memref_slice %arg3[%run_scoped3A_1, %dma_wait3A] : memref<2x10240xf32, #tpu.memory_space<hbm>> -> memref<1x10240xf32, #tpu.memory_space<hbm>>
      %dma_wait3A_187 = tpu.memref_squeeze %dma_wait3A_186 : memref<1x10240xf32, #tpu.memory_space<hbm>> -> memref<10240xf32, #tpu.memory_space<hbm>>
      %dma_wait3A_188 = arith.constant 0 : i32
      %dma_wait3A_189 = tpu.memref_slice %arg3[%run_scoped3A_1, %dma_wait3A_188] : memref<2x10240xf32, #tpu.memory_space<hbm>> -> memref<1x10240xf32, #tpu.memory_space<hbm>>
      %dma_wait3A_190 = tpu.memref_squeeze %dma_wait3A_189 : memref<1x10240xf32, #tpu.memory_space<hbm>> -> memref<10240xf32, #tpu.memory_space<hbm>>
      tpu.wait_dma2 semaphore(%run_scoped3A_180 : memref<!tpu.dma_semaphore, #tpu.memory_space<semaphore_mem>>) src(%dma_wait3A_190 : memref<10240xf32, #tpu.memory_space<hbm>>) dst(%arg9 : memref<10240xf32, #tpu.memory_space<vmem>>)
      tpu.yield
    }) : () -> ()
    %scan3A = arith.constant 0 : i32
    %scan3A_2 = arith.constant 0 : i32
    %scan3A_3 = arith.constant 64 : i32
    %scan3A_4 = arith.addi %scan3A_2, %scan3A_3 : i32
    %scan3A_5 = arith.constant 1 : i32
    %scan3A_6 = scf.for %scan3A_180 = %scan3A_2 to %scan3A_4 step %scan3A_5 iter_args(%scan3A_181 = %scan3A) -> (i32)  : i32 {
      %broadcast_in_dim3A_182 = arith.constant 0.000000e+00 : f32
      %broadcast_in_dim3A_183 = vector.broadcast %broadcast_in_dim3A_182 : f32 to vector<16xf32>
      %swap3A_184 = arith.constant 0 : i32
      %swap3A_185 = arith.index_cast %swap3A_184 : i32 to index
      %swap3A_186 = arith.index_cast %scan3A_180 : i32 to index
      %swap3A_187 = arith.constant 0 : index
      %swap3A_188 = tpu.vector_load %arg13[%swap3A_185, %swap3A_186, %swap3A_187] {strides = array<i32>} : memref<2x64x128xf32, #tpu.memory_space<vmem>>, vector<16xf32>,
      tpu.vector_store %arg13[%swap3A_185, %swap3A_186, %swap3A_187], %broadcast_in_dim3A_183 {strides = array<i32>} : memref<2x64x128xf32, #tpu.memory_space<vmem>>, vector<16xf32>,
      %broadcast_in_dim3A_189 = arith.constant 0.000000e+00 : f32
      %broadcast_in_dim3A_190 = vector.broadcast %broadcast_in_dim3A_189 : f32 to vector<16xf32>
      %swap3A_191 = arith.constant 0 : i32
      %swap3A_192 = arith.index_cast %swap3A_191 : i32 to index
      %swap3A_193 = arith.index_cast %scan3A_180 : i32 to index
      %swap3A_194 = arith.constant 16 : index
      %swap3A_195 = tpu.vector_load %arg13[%swap3A_192, %swap3A_193, %swap3A_194] {strides = array<i32>} : memref<2x64x128xf32, #tpu.memory_space<vmem>>, vector<16xf32>,
      tpu.vector_store %arg13[%swap3A_192, %swap3A_193, %swap3A_194], %broadcast_in_dim3A_190 {strides = array<i32>} : memref<2x64x128xf32, #tpu.memory_space<vmem>>, vector<16xf32>,
      %broadcast_in_dim3A_196 = arith.constant 0.000000e+00 : f32
      %broadcast_in_dim3A_197 = vector.broadcast %broadcast_in_dim3A_196 : f32 to vector<16xf32>
      %swap3A_198 = arith.constant 0 : i32
      %swap3A_199 = arith.index_cast %swap3A_198 : i32 to index
      %swap3A_200 = arith.index_cast %scan3A_180 : i32 to index
      %swap3A_201 = arith.constant 32 : index
      %swap3A_202 = tpu.vector_load %arg13[%swap3A_199, %swap3A_200, %swap3A_201] {strides = array<i32>} : memref<2x64x128xf32, #tpu.memory_space<vmem>>, vector<16xf32>,
      tpu.vector_store %arg13[%swap3A_199, %swap3A_200, %swap3A_201], %broadcast_in_dim3A_197 {strides = array<i32>} : memref<2x64x128xf32, #tpu.memory_space<vmem>>, vector<16xf32>,
      %broadcast_in_dim3A_203 = arith.constant 0.000000e+00 : f32
      %broadcast_in_dim3A_204 = vector.broadcast %broadcast_in_dim3A_203 : f32 to vector<16xf32>
      %swap3A_205 = arith.constant 0 : i32
      %swap3A_206 = arith.index_cast %swap3A_205 : i32 to index
      %swap3A_207 = arith.index_cast %scan3A_180 : i32 to index
      %swap3A_208 = arith.constant 48 : index
      %swap3A_209 = tpu.vector_load %arg13[%swap3A_206, %swap3A_207, %swap3A_208] {strides = array<i32>} : memref<2x64x128xf32, #tpu.memory_space<vmem>>, vector<16xf32>,
      tpu.vector_store %arg13[%swap3A_206, %swap3A_207, %swap3A_208], %broadcast_in_dim3A_204 {strides = array<i32>} : memref<2x64x128xf32, #tpu.memory_space<vmem>>, vector<16xf32>,
      %broadcast_in_dim3A_210 = arith.constant 0.000000e+00 : f32
      %broadcast_in_dim3A_211 = vector.broadcast %broadcast_in_dim3A_210 : f32 to vector<16xf32>
      %swap3A_212 = arith.constant 0 : i32
      %swap3A_213 = arith.index_cast %swap3A_212 : i32 to index
      %swap3A_214 = arith.index_cast %scan3A_180 : i32 to index
      %swap3A_215 = arith.constant 64 : index
      %swap3A_216 = tpu.vector_load %arg13[%swap3A_213, %swap3A_214, %swap3A_215] {strides = array<i32>} : memref<2x64x128xf32, #tpu.memory_space<vmem>>, vector<16xf32>,
      tpu.vector_store %arg13[%swap3A_213, %swap3A_214, %swap3A_215], %broadcast_in_dim3A_211 {strides = array<i32>} : memref<2x64x128xf32, #tpu.memory_space<vmem>>, vector<16xf32>,
      %broadcast_in_dim3A_217 = arith.constant 0.000000e+00 : f32
      %broadcast_in_dim3A_218 = vector.broadcast %broadcast_in_dim3A_217 : f32 to vector<16xf32>
      %swap3A_219 = arith.constant 0 : i32
      %swap3A_220 = arith.index_cast %swap3A_219 : i32 to index
      %swap3A_221 = arith.index_cast %scan3A_180 : i32 to index
      %swap3A_222 = arith.constant 80 : index
      %swap3A_223 = tpu.vector_load %arg13[%swap3A_220, %swap3A_221, %swap3A_222] {strides = array<i32>} : memref<2x64x128xf32, #tpu.memory_space<vmem>>, vector<16xf32>,
      tpu.vector_store %arg13[%swap3A_220, %swap3A_221, %swap3A_222], %broadcast_in_dim3A_218 {strides = array<i32>} : memref<2x64x128xf32, #tpu.memory_space<vmem>>, vector<16xf32>,
      %broadcast_in_dim3A_224 = arith.constant 0.000000e+00 : f32
      %broadcast_in_dim3A_225 = vector.broadcast %broadcast_in_dim3A_224 : f32 to vector<16xf32>
      %swap3A_226 = arith.constant 0 : i32
      %swap3A_227 = arith.index_cast %swap3A_226 : i32 to index
      %swap3A_228 = arith.index_cast %scan3A_180 : i32 to index
      %swap3A_229 = arith.constant 96 : index
      %swap3A_230 = tpu.vector_load %arg13[%swap3A_227, %swap3A_228, %swap3A_229] {strides = array<i32>} : memref<2x64x128xf32, #tpu.memory_space<vmem>>, vector<16xf32>,
      tpu.vector_store %arg13[%swap3A_227, %swap3A_228, %swap3A_229], %broadcast_in_dim3A_225 {strides = array<i32>} : memref<2x64x128xf32, #tpu.memory_space<vmem>>, vector<16xf32>,
      %broadcast_in_dim3A_231 = arith.constant 0.000000e+00 : f32
      %broadcast_in_dim3A_232 = vector.broadcast %broadcast_in_dim3A_231 : f32 to vector<16xf32>
      %swap3A_233 = arith.constant 0 : i32
      %swap3A_234 = arith.index_cast %swap3A_233 : i32 to index
      %swap3A_235 = arith.index_cast %scan3A_180 : i32 to index
      %swap3A_236 = arith.constant 112 : index
      %swap3A_237 = tpu.vector_load %arg13[%swap3A_234, %swap3A_235, %swap3A_236] {strides = array<i32>} : memref<2x64x128xf32, #tpu.memory_space<vmem>>, vector<16xf32>,
      tpu.vector_store %arg13[%swap3A_234, %swap3A_235, %swap3A_236], %broadcast_in_dim3A_232 {strides = array<i32>} : memref<2x64x128xf32, #tpu.memory_space<vmem>>, vector<16xf32>,
      %scan3A_238 = arith.constant 0 : i32
      scf.yield %scan3A_238 : i32
    }
    %scan3A_7 = arith.constant 64 : i32
    %broadcast_in_dim3A = arith.constant 0.000000e+00 : f32
    %broadcast_in_dim3A_8 = vector.broadcast %broadcast_in_dim3A : f32 to vector<16xf32>
    %swap3A = arith.constant 0 : index
    %swap3A_9 = tpu.vector_load %arg12[%swap3A] {strides = array<i32>} : memref<64xf32, #tpu.memory_space<vmem>>, vector<16xf32>,
    tpu.vector_store %arg12[%swap3A], %broadcast_in_dim3A_8 {strides = array<i32>} : memref<64xf32, #tpu.memory_space<vmem>>, vector<16xf32>,
    %broadcast_in_dim3A_10 = arith.constant 0.000000e+00 : f32
    %broadcast_in_dim3A_11 = vector.broadcast %broadcast_in_dim3A_10 : f32 to vector<16xf32>
    %swap3A_12 = arith.constant 16 : index
    %swap3A_13 = tpu.vector_load %arg12[%swap3A_12] {strides = array<i32>} : memref<64xf32, #tpu.memory_space<vmem>>, vector<16xf32>,
    tpu.vector_store %arg12[%swap3A_12], %broadcast_in_dim3A_11 {strides = array<i32>} : memref<64xf32, #tpu.memory_space<vmem>>, vector<16xf32>,
    %broadcast_in_dim3A_14 = arith.constant 0.000000e+00 : f32
    %broadcast_in_dim3A_15 = vector.broadcast %broadcast_in_dim3A_14 : f32 to vector<16xf32>
    %swap3A_16 = arith.constant 32 : index
    %swap3A_17 = tpu.vector_load %arg12[%swap3A_16] {strides = array<i32>} : memref<64xf32, #tpu.memory_space<vmem>>, vector<16xf32>,
    tpu.vector_store %arg12[%swap3A_16], %broadcast_in_dim3A_15 {strides = array<i32>} : memref<64xf32, #tpu.memory_space<vmem>>, vector<16xf32>,
    %broadcast_in_dim3A_18 = arith.constant 0.000000e+00 : f32
    %broadcast_in_dim3A_19 = vector.broadcast %broadcast_in_dim3A_18 : f32 to vector<16xf32>
    %swap3A_20 = arith.constant 48 : index
    %swap3A_21 = tpu.vector_load %arg12[%swap3A_20] {strides = array<i32>} : memref<64xf32, #tpu.memory_space<vmem>>, vector<16xf32>,
    tpu.vector_store %arg12[%swap3A_20], %broadcast_in_dim3A_19 {strides = array<i32>} : memref<64xf32, #tpu.memory_space<vmem>>, vector<16xf32>,
    %mul3A_22 = arith.constant 640 : i32
    %mul3A_23 = arith.muli %arg1, %mul3A_22 : i32
    %add3A_24 = arith.constant 0 : i32
    %add3A_25 = arith.addi %mul3A_23, %add3A_24 : i32
    %run_scoped3A_26 = arith.constant 0 : i32
    "tpu.region"() ({
      %run_scoped3A_180 = tpu.sem_alloc : memref<!tpu.dma_semaphore, #tpu.memory_space<semaphore_mem>>
      %dma_start3A = arith.constant 0 : i32
      %dma_start3A_181 = arith.constant 0 : i32
      %dma_start3A_182 = tpu.memref_slice %arg13[%run_scoped3A_26, %dma_start3A, %dma_start3A_181] : memref<2x64x128xf32, #tpu.memory_space<vmem>> -> memref<1x64x128xf32, #tpu.memory_space<vmem>>
      %dma_start3A_183 = tpu.memref_squeeze %dma_start3A_182 : memref<1x64x128xf32, #tpu.memory_space<vmem>> -> memref<64x128xf32, #tpu.memory_space<vmem>>
      %dma_start3A_184 = arith.constant 0 : i32
      %dma_start3A_185 = tpu.memref_slice %arg14[%add3A_25, %dma_start3A_184] : memref<10240x128xf32, #tpu.memory_space<vmem_shared>> -> memref<64x128xf32, #tpu.memory_space<vmem_shared>>
      %dma_start3A_186 = arith.constant 0 : i32
      %dma_start3A_187 = tpu.memref_slice %arg14[%add3A_25, %dma_start3A_186] : memref<10240x128xf32, #tpu.memory_space<vmem_shared>> -> memref<64x128xf32, #tpu.memory_space<vmem_shared>>
      %dma_start3A_188 = arith.constant 0 : i32
      %dma_start3A_189 = arith.constant 0 : i32
      %dma_start3A_190 = tpu.memref_slice %arg13[%run_scoped3A_26, %dma_start3A_188, %dma_start3A_189] : memref<2x64x128xf32, #tpu.memory_space<vmem>> -> memref<1x64x128xf32, #tpu.memory_space<vmem>>
      %dma_start3A_191 = tpu.memref_squeeze %dma_start3A_190 : memref<1x64x128xf32, #tpu.memory_space<vmem>> -> memref<64x128xf32, #tpu.memory_space<vmem>>
      tpu.enqueue_dma source(%dma_start3A_191 : memref<64x128xf32, #tpu.memory_space<vmem>>) target(%dma_start3A_187 : memref<64x128xf32, #tpu.memory_space<vmem_shared>>) target_semaphore(%run_scoped3A_180 : memref<!tpu.dma_semaphore, #tpu.memory_space<semaphore_mem>>)
      %dma_wait3A = arith.constant 0 : i32
      %dma_wait3A_192 = arith.constant 0 : i32
      %dma_wait3A_193 = tpu.memref_slice %arg13[%run_scoped3A_26, %dma_wait3A, %dma_wait3A_192] : memref<2x64x128xf32, #tpu.memory_space<vmem>> -> memref<1x64x128xf32, #tpu.memory_space<vmem>>
      %dma_wait3A_194 = tpu.memref_squeeze %dma_wait3A_193 : memref<1x64x128xf32, #tpu.memory_space<vmem>> -> memref<64x128xf32, #tpu.memory_space<vmem>>
      %dma_wait3A_195 = arith.constant 0 : i32
      %dma_wait3A_196 = tpu.memref_slice %arg14[%add3A_25, %dma_wait3A_195] : memref<10240x128xf32, #tpu.memory_space<vmem_shared>> -> memref<64x128xf32, #tpu.memory_space<vmem_shared>>
      %dma_wait3A_197 = arith.constant 0 : i32
      %dma_wait3A_198 = tpu.memref_slice %arg14[%add3A_25, %dma_wait3A_197] : memref<10240x128xf32, #tpu.memory_space<vmem_shared>> -> memref<64x128xf32, #tpu.memory_space<vmem_shared>>
      %dma_wait3A_199 = arith.constant 0 : i32
      %dma_wait3A_200 = arith.constant 0 : i32
      %dma_wait3A_201 = tpu.memref_slice %arg13[%run_scoped3A_26, %dma_wait3A_199, %dma_wait3A_200] : memref<2x64x128xf32, #tpu.memory_space<vmem>> -> memref<1x64x128xf32, #tpu.memory_space<vmem>>
      %dma_wait3A_202 = tpu.memref_squeeze %dma_wait3A_201 : memref<1x64x128xf32, #tpu.memory_space<vmem>> -> memref<64x128xf32, #tpu.memory_space<vmem>>
      tpu.wait_dma2 semaphore(%run_scoped3A_180 : memref<!tpu.dma_semaphore, #tpu.memory_space<semaphore_mem>>) src(%dma_wait3A_202 : memref<64x128xf32, #tpu.memory_space<vmem>>) dst(%dma_wait3A_198 : memref<64x128xf32, #tpu.memory_space<vmem_shared>>)
      tpu.yield
    }) : () -> ()
    %mul3A_27 = arith.constant 640 : i32
    %mul3A_28 = arith.muli %arg1, %mul3A_27 : i32
    %add3A_29 = arith.constant 0 : i32
    %add3A_30 = arith.addi %mul3A_28, %add3A_29 : i32
    "tpu.region"() ({
      %run_scoped3A_180 = tpu.sem_alloc : memref<!tpu.dma_semaphore, #tpu.memory_space<semaphore_mem>>
      %dma_start3A = tpu.memref_slice %arg15[%add3A_30] : memref<10240xf32, #tpu.memory_space<vmem_shared>> -> memref<64xf32, #tpu.memory_space<vmem_shared>>
      %dma_start3A_181 = tpu.memref_slice %arg15[%add3A_30] : memref<10240xf32, #tpu.memory_space<vmem_shared>> -> memref<64xf32, #tpu.memory_space<vmem_shared>>
      tpu.enqueue_dma source(%arg12 : memref<64xf32, #tpu.memory_space<vmem>>) target(%dma_start3A_181 : memref<64xf32, #tpu.memory_space<vmem_shared>>) target_semaphore(%run_scoped3A_180 : memref<!tpu.dma_semaphore, #tpu.memory_space<semaphore_mem>>)
      %dma_wait3A = tpu.memref_slice %arg15[%add3A_30] : memref<10240xf32, #tpu.memory_space<vmem_shared>> -> memref<64xf32, #tpu.memory_space<vmem_shared>>
      %dma_wait3A_182 = tpu.memref_slice %arg15[%add3A_30] : memref<10240xf32, #tpu.memory_space<vmem_shared>> -> memref<64xf32, #tpu.memory_space<vmem_shared>>
      tpu.wait_dma2 semaphore(%run_scoped3A_180 : memref<!tpu.dma_semaphore, #tpu.memory_space<semaphore_mem>>) src(%arg12 : memref<64xf32, #tpu.memory_space<vmem>>) dst(%dma_wait3A_182 : memref<64xf32, #tpu.memory_space<vmem_shared>>)
      tpu.yield
    }) : () -> ()
    %mul3A_31 = arith.constant 640 : i32
    %mul3A_32 = arith.muli %arg1, %mul3A_31 : i32
    %add3A_33 = arith.constant 64 : i32
    %add3A_34 = arith.addi %mul3A_32, %add3A_33 : i32
    %run_scoped3A_35 = arith.constant 0 : i32
    "tpu.region"() ({
      %run_scoped3A_180 = tpu.sem_alloc : memref<!tpu.dma_semaphore, #tpu.memory_space<semaphore_mem>>
      %dma_start3A = arith.constant 0 : i32
      %dma_start3A_181 = arith.constant 0 : i32
      %dma_start3A_182 = tpu.memref_slice %arg13[%run_scoped3A_35, %dma_start3A, %dma_start3A_181] : memref<2x64x128xf32, #tpu.memory_space<vmem>> -> memref<1x64x128xf32, #tpu.memory_space<vmem>>
      %dma_start3A_183 = tpu.memref_squeeze %dma_start3A_182 : memref<1x64x128xf32, #tpu.memory_space<vmem>> -> memref<64x128xf32, #tpu.memory_space<vmem>>
      %dma_start3A_184 = arith.constant 0 : i32
      %dma_start3A_185 = tpu.memref_slice %arg14[%add3A_34, %dma_start3A_184] : memref<10240x128xf32, #tpu.memory_space<vmem_shared>> -> memref<64x128xf32, #tpu.memory_space<vmem_shared>>
      %dma_start3A_186 = arith.constant 0 : i32
      %dma_start3A_187 = tpu.memref_slice %arg14[%add3A_34, %dma_start3A_186] : memref<10240x128xf32, #tpu.memory_space<vmem_shared>> -> memref<64x128xf32, #tpu.memory_space<vmem_shared>>
      %dma_start3A_188 = arith.constant 0 : i32
      %dma_start3A_189 = arith.constant 0 : i32
      %dma_start3A_190 = tpu.memref_slice %arg13[%run_scoped3A_35, %dma_start3A_188, %dma_start3A_189] : memref<2x64x128xf32, #tpu.memory_space<vmem>> -> memref<1x64x128xf32, #tpu.memory_space<vmem>>
      %dma_start3A_191 = tpu.memref_squeeze %dma_start3A_190 : memref<1x64x128xf32, #tpu.memory_space<vmem>> -> memref<64x128xf32, #tpu.memory_space<vmem>>
      tpu.enqueue_dma source(%dma_start3A_191 : memref<64x128xf32, #tpu.memory_space<vmem>>) target(%dma_start3A_187 : memref<64x128xf32, #tpu.memory_space<vmem_shared>>) target_semaphore(%run_scoped3A_180 : memref<!tpu.dma_semaphore, #tpu.memory_space<semaphore_mem>>)
      %dma_wait3A = arith.constant 0 : i32
      %dma_wait3A_192 = arith.constant 0 : i32
      %dma_wait3A_193 = tpu.memref_slice %arg13[%run_scoped3A_35, %dma_wait3A, %dma_wait3A_192] : memref<2x64x128xf32, #tpu.memory_space<vmem>> -> memref<1x64x128xf32, #tpu.memory_space<vmem>>
      %dma_wait3A_194 = tpu.memref_squeeze %dma_wait3A_193 : memref<1x64x128xf32, #tpu.memory_space<vmem>> -> memref<64x128xf32, #tpu.memory_space<vmem>>
      %dma_wait3A_195 = arith.constant 0 : i32
      %dma_wait3A_196 = tpu.memref_slice %arg14[%add3A_34, %dma_wait3A_195] : memref<10240x128xf32, #tpu.memory_space<vmem_shared>> -> memref<64x128xf32, #tpu.memory_space<vmem_shared>>
      %dma_wait3A_197 = arith.constant 0 : i32
      %dma_wait3A_198 = tpu.memref_slice %arg14[%add3A_34, %dma_wait3A_197] : memref<10240x128xf32, #tpu.memory_space<vmem_shared>> -> memref<64x128xf32, #tpu.memory_space<vmem_shared>>
      %dma_wait3A_199 = arith.constant 0 : i32
      %dma_wait3A_200 = arith.constant 0 : i32
      %dma_wait3A_201 = tpu.memref_slice %arg13[%run_scoped3A_35, %dma_wait3A_199, %dma_wait3A_200] : memref<2x64x128xf32, #tpu.memory_space<vmem>> -> memref<1x64x128xf32, #tpu.memory_space<vmem>>
      %dma_wait3A_202 = tpu.memref_squeeze %dma_wait3A_201 : memref<1x64x128xf32, #tpu.memory_space<vmem>> -> memref<64x128xf32, #tpu.memory_space<vmem>>
      tpu.wait_dma2 semaphore(%run_scoped3A_180 : memref<!tpu.dma_semaphore, #tpu.memory_space<semaphore_mem>>) src(%dma_wait3A_202 : memref<64x128xf32, #tpu.memory_space<vmem>>) dst(%dma_wait3A_198 : memref<64x128xf32, #tpu.memory_space<vmem_shared>>)
      tpu.yield
    }) : () -> ()
    %mul3A_36 = arith.constant 640 : i32
    %mul3A_37 = arith.muli %arg1, %mul3A_36 : i32
    %add3A_38 = arith.constant 64 : i32
    %add3A_39 = arith.addi %mul3A_37, %add3A_38 : i32
    "tpu.region"() ({
      %run_scoped3A_180 = tpu.sem_alloc : memref<!tpu.dma_semaphore, #tpu.memory_space<semaphore_mem>>
      %dma_start3A = tpu.memref_slice %arg15[%add3A_39] : memref<10240xf32, #tpu.memory_space<vmem_shared>> -> memref<64xf32, #tpu.memory_space<vmem_shared>>
      %dma_start3A_181 = tpu.memref_slice %arg15[%add3A_39] : memref<10240xf32, #tpu.memory_space<vmem_shared>> -> memref<64xf32, #tpu.memory_space<vmem_shared>>
      tpu.enqueue_dma source(%arg12 : memref<64xf32, #tpu.memory_space<vmem>>) target(%dma_start3A_181 : memref<64xf32, #tpu.memory_space<vmem_shared>>) target_semaphore(%run_scoped3A_180 : memref<!tpu.dma_semaphore, #tpu.memory_space<semaphore_mem>>)
      %dma_wait3A = tpu.memref_slice %arg15[%add3A_39] : memref<10240xf32, #tpu.memory_space<vmem_shared>> -> memref<64xf32, #tpu.memory_space<vmem_shared>>
      %dma_wait3A_182 = tpu.memref_slice %arg15[%add3A_39] : memref<10240xf32, #tpu.memory_space<vmem_shared>> -> memref<64xf32, #tpu.memory_space<vmem_shared>>
      tpu.wait_dma2 semaphore(%run_scoped3A_180 : memref<!tpu.dma_semaphore, #tpu.memory_space<semaphore_mem>>) src(%arg12 : memref<64xf32, #tpu.memory_space<vmem>>) dst(%dma_wait3A_182 : memref<64xf32, #tpu.memory_space<vmem_shared>>)
      tpu.yield
    }) : () -> ()
    %mul3A_40 = arith.constant 640 : i32
    %mul3A_41 = arith.muli %arg1, %mul3A_40 : i32
    %add3A_42 = arith.constant 128 : i32
    %add3A_43 = arith.addi %mul3A_41, %add3A_42 : i32
    %run_scoped3A_44 = arith.constant 0 : i32
    "tpu.region"() ({
      %run_scoped3A_180 = tpu.sem_alloc : memref<!tpu.dma_semaphore, #tpu.memory_space<semaphore_mem>>
      %dma_start3A = arith.constant 0 : i32
      %dma_start3A_181 = arith.constant 0 : i32
      %dma_start3A_182 = tpu.memref_slice %arg13[%run_scoped3A_44, %dma_start3A, %dma_start3A_181] : memref<2x64x128xf32, #tpu.memory_space<vmem>> -> memref<1x64x128xf32, #tpu.memory_space<vmem>>
      %dma_start3A_183 = tpu.memref_squeeze %dma_start3A_182 : memref<1x64x128xf32, #tpu.memory_space<vmem>> -> memref<64x128xf32, #tpu.memory_space<vmem>>
      %dma_start3A_184 = arith.constant 0 : i32
      %dma_start3A_185 = tpu.memref_slice %arg14[%add3A_43, %dma_start3A_184] : memref<10240x128xf32, #tpu.memory_space<vmem_shared>> -> memref<64x128xf32, #tpu.memory_space<vmem_shared>>
      %dma_start3A_186 = arith.constant 0 : i32
      %dma_start3A_187 = tpu.memref_slice %arg14[%add3A_43, %dma_start3A_186] : memref<10240x128xf32, #tpu.memory_space<vmem_shared>> -> memref<64x128xf32, #tpu.memory_space<vmem_shared>>
      %dma_start3A_188 = arith.constant 0 : i32
      %dma_start3A_189 = arith.constant 0 : i32
      %dma_start3A_190 = tpu.memref_slice %arg13[%run_scoped3A_44, %dma_start3A_188, %dma_start3A_189] : memref<2x64x128xf32, #tpu.memory_space<vmem>> -> memref<1x64x128xf32, #tpu.memory_space<vmem>>
      %dma_start3A_191 = tpu.memref_squeeze %dma_start3A_190 : memref<1x64x128xf32, #tpu.memory_space<vmem>> -> memref<64x128xf32, #tpu.memory_space<vmem>>
      tpu.enqueue_dma source(%dma_start3A_191 : memref<64x128xf32, #tpu.memory_space<vmem>>) target(%dma_start3A_187 : memref<64x128xf32, #tpu.memory_space<vmem_shared>>) target_semaphore(%run_scoped3A_180 : memref<!tpu.dma_semaphore, #tpu.memory_space<semaphore_mem>>)
      %dma_wait3A = arith.constant 0 : i32
      %dma_wait3A_192 = arith.constant 0 : i32
      %dma_wait3A_193 = tpu.memref_slice %arg13[%run_scoped3A_44, %dma_wait3A, %dma_wait3A_192] : memref<2x64x128xf32, #tpu.memory_space<vmem>> -> memref<1x64x128xf32, #tpu.memory_space<vmem>>
      %dma_wait3A_194 = tpu.memref_squeeze %dma_wait3A_193 : memref<1x64x128xf32, #tpu.memory_space<vmem>> -> memref<64x128xf32, #tpu.memory_space<vmem>>
      %dma_wait3A_195 = arith.constant 0 : i32
      %dma_wait3A_196 = tpu.memref_slice %arg14[%add3A_43, %dma_wait3A_195] : memref<10240x128xf32, #tpu.memory_space<vmem_shared>> -> memref<64x128xf32, #tpu.memory_space<vmem_shared>>
      %dma_wait3A_197 = arith.constant 0 : i32
      %dma_wait3A_198 = tpu.memref_slice %arg14[%add3A_43, %dma_wait3A_197] : memref<10240x128xf32, #tpu.memory_space<vmem_shared>> -> memref<64x128xf32, #tpu.memory_space<vmem_shared>>
      %dma_wait3A_199 = arith.constant 0 : i32
      %dma_wait3A_200 = arith.constant 0 : i32
      %dma_wait3A_201 = tpu.memref_slice %arg13[%run_scoped3A_44, %dma_wait3A_199, %dma_wait3A_200] : memref<2x64x128xf32, #tpu.memory_space<vmem>> -> memref<1x64x128xf32, #tpu.memory_space<vmem>>
      %dma_wait3A_202 = tpu.memref_squeeze %dma_wait3A_201 : memref<1x64x128xf32, #tpu.memory_space<vmem>> -> memref<64x128xf32, #tpu.memory_space<vmem>>
      tpu.wait_dma2 semaphore(%run_scoped3A_180 : memref<!tpu.dma_semaphore, #tpu.memory_space<semaphore_mem>>) src(%dma_wait3A_202 : memref<64x128xf32, #tpu.memory_space<vmem>>) dst(%dma_wait3A_198 : memref<64x128xf32, #tpu.memory_space<vmem_shared>>)
      tpu.yield
    }) : () -> ()
    %mul3A_45 = arith.constant 640 : i32
    %mul3A_46 = arith.muli %arg1, %mul3A_45 : i32
    %add3A_47 = arith.constant 128 : i32
    %add3A_48 = arith.addi %mul3A_46, %add3A_47 : i32
    "tpu.region"() ({
      %run_scoped3A_180 = tpu.sem_alloc : memref<!tpu.dma_semaphore, #tpu.memory_space<semaphore_mem>>
      %dma_start3A = tpu.memref_slice %arg15[%add3A_48] : memref<10240xf32, #tpu.memory_space<vmem_shared>> -> memref<64xf32, #tpu.memory_space<vmem_shared>>
      %dma_start3A_181 = tpu.memref_slice %arg15[%add3A_48] : memref<10240xf32, #tpu.memory_space<vmem_shared>> -> memref<64xf32, #tpu.memory_space<vmem_shared>>
      tpu.enqueue_dma source(%arg12 : memref<64xf32, #tpu.memory_space<vmem>>) target(%dma_start3A_181 : memref<64xf32, #tpu.memory_space<vmem_shared>>) target_semaphore(%run_scoped3A_180 : memref<!tpu.dma_semaphore, #tpu.memory_space<semaphore_mem>>)
      %dma_wait3A = tpu.memref_slice %arg15[%add3A_48] : memref<10240xf32, #tpu.memory_space<vmem_shared>> -> memref<64xf32, #tpu.memory_space<vmem_shared>>
      %dma_wait3A_182 = tpu.memref_slice %arg15[%add3A_48] : memref<10240xf32, #tpu.memory_space<vmem_shared>> -> memref<64xf32, #tpu.memory_space<vmem_shared>>
      tpu.wait_dma2 semaphore(%run_scoped3A_180 : memref<!tpu.dma_semaphore, #tpu.memory_space<semaphore_mem>>) src(%arg12 : memref<64xf32, #tpu.memory_space<vmem>>) dst(%dma_wait3A_182 : memref<64xf32, #tpu.memory_space<vmem_shared>>)
      tpu.yield
    }) : () -> ()
    %mul3A_49 = arith.constant 640 : i32
    %mul3A_50 = arith.muli %arg1, %mul3A_49 : i32
    %add3A_51 = arith.constant 192 : i32
    %add3A_52 = arith.addi %mul3A_50, %add3A_51 : i32
    %run_scoped3A_53 = arith.constant 0 : i32
    "tpu.region"() ({
      %run_scoped3A_180 = tpu.sem_alloc : memref<!tpu.dma_semaphore, #tpu.memory_space<semaphore_mem>>
      %dma_start3A = arith.constant 0 : i32
      %dma_start3A_181 = arith.constant 0 : i32
      %dma_start3A_182 = tpu.memref_slice %arg13[%run_scoped3A_53, %dma_start3A, %dma_start3A_181] : memref<2x64x128xf32, #tpu.memory_space<vmem>> -> memref<1x64x128xf32, #tpu.memory_space<vmem>>
      %dma_start3A_183 = tpu.memref_squeeze %dma_start3A_182 : memref<1x64x128xf32, #tpu.memory_space<vmem>> -> memref<64x128xf32, #tpu.memory_space<vmem>>
      %dma_start3A_184 = arith.constant 0 : i32
      %dma_start3A_185 = tpu.memref_slice %arg14[%add3A_52, %dma_start3A_184] : memref<10240x128xf32, #tpu.memory_space<vmem_shared>> -> memref<64x128xf32, #tpu.memory_space<vmem_shared>>
      %dma_start3A_186 = arith.constant 0 : i32
      %dma_start3A_187 = tpu.memref_slice %arg14[%add3A_52, %dma_start3A_186] : memref<10240x128xf32, #tpu.memory_space<vmem_shared>> -> memref<64x128xf32, #tpu.memory_space<vmem_shared>>
      %dma_start3A_188 = arith.constant 0 : i32
      %dma_start3A_189 = arith.constant 0 : i32
      %dma_start3A_190 = tpu.memref_slice %arg13[%run_scoped3A_53, %dma_start3A_188, %dma_start3A_189] : memref<2x64x128xf32, #tpu.memory_space<vmem>> -> memref<1x64x128xf32, #tpu.memory_space<vmem>>
      %dma_start3A_191 = tpu.memref_squeeze %dma_start3A_190 : memref<1x64x128xf32, #tpu.memory_space<vmem>> -> memref<64x128xf32, #tpu.memory_space<vmem>>
      tpu.enqueue_dma source(%dma_start3A_191 : memref<64x128xf32, #tpu.memory_space<vmem>>) target(%dma_start3A_187 : memref<64x128xf32, #tpu.memory_space<vmem_shared>>) target_semaphore(%run_scoped3A_180 : memref<!tpu.dma_semaphore, #tpu.memory_space<semaphore_mem>>)
      %dma_wait3A = arith.constant 0 : i32
      %dma_wait3A_192 = arith.constant 0 : i32
      %dma_wait3A_193 = tpu.memref_slice %arg13[%run_scoped3A_53, %dma_wait3A, %dma_wait3A_192] : memref<2x64x128xf32, #tpu.memory_space<vmem>> -> memref<1x64x128xf32, #tpu.memory_space<vmem>>
      %dma_wait3A_194 = tpu.memref_squeeze %dma_wait3A_193 : memref<1x64x128xf32, #tpu.memory_space<vmem>> -> memref<64x128xf32, #tpu.memory_space<vmem>>
      %dma_wait3A_195 = arith.constant 0 : i32
      %dma_wait3A_196 = tpu.memref_slice %arg14[%add3A_52, %dma_wait3A_195] : memref<10240x128xf32, #tpu.memory_space<vmem_shared>> -> memref<64x128xf32, #tpu.memory_space<vmem_shared>>
      %dma_wait3A_197 = arith.constant 0 : i32
      %dma_wait3A_198 = tpu.memref_slice %arg14[%add3A_52, %dma_wait3A_197] : memref<10240x128xf32, #tpu.memory_space<vmem_shared>> -> memref<64x128xf32, #tpu.memory_space<vmem_shared>>
      %dma_wait3A_199 = arith.constant 0 : i32
      %dma_wait3A_200 = arith.constant 0 : i32
      %dma_wait3A_201 = tpu.memref_slice %arg13[%run_scoped3A_53, %dma_wait3A_199, %dma_wait3A_200] : memref<2x64x128xf32, #tpu.memory_space<vmem>> -> memref<1x64x128xf32, #tpu.memory_space<vmem>>
      %dma_wait3A_202 = tpu.memref_squeeze %dma_wait3A_201 : memref<1x64x128xf32, #tpu.memory_space<vmem>> -> memref<64x128xf32, #tpu.memory_space<vmem>>
      tpu.wait_dma2 semaphore(%run_scoped3A_180 : memref<!tpu.dma_semaphore, #tpu.memory_space<semaphore_mem>>) src(%dma_wait3A_202 : memref<64x128xf32, #tpu.memory_space<vmem>>) dst(%dma_wait3A_198 : memref<64x128xf32, #tpu.memory_space<vmem_shared>>)
      tpu.yield
    }) : () -> ()
    %mul3A_54 = arith.constant 640 : i32
    %mul3A_55 = arith.muli %arg1, %mul3A_54 : i32
    %add3A_56 = arith.constant 192 : i32
    %add3A_57 = arith.addi %mul3A_55, %add3A_56 : i32
    "tpu.region"() ({
      %run_scoped3A_180 = tpu.sem_alloc : memref<!tpu.dma_semaphore, #tpu.memory_space<semaphore_mem>>
      %dma_start3A = tpu.memref_slice %arg15[%add3A_57] : memref<10240xf32, #tpu.memory_space<vmem_shared>> -> memref<64xf32, #tpu.memory_space<vmem_shared>>
      %dma_start3A_181 = tpu.memref_slice %arg15[%add3A_57] : memref<10240xf32, #tpu.memory_space<vmem_shared>> -> memref<64xf32, #tpu.memory_space<vmem_shared>>
      tpu.enqueue_dma source(%arg12 : memref<64xf32, #tpu.memory_space<vmem>>) target(%dma_start3A_181 : memref<64xf32, #tpu.memory_space<vmem_shared>>) target_semaphore(%run_scoped3A_180 : memref<!tpu.dma_semaphore, #tpu.memory_space<semaphore_mem>>)
      %dma_wait3A = tpu.memref_slice %arg15[%add3A_57] : memref<10240xf32, #tpu.memory_space<vmem_shared>> -> memref<64xf32, #tpu.memory_space<vmem_shared>>
      %dma_wait3A_182 = tpu.memref_slice %arg15[%add3A_57] : memref<10240xf32, #tpu.memory_space<vmem_shared>> -> memref<64xf32, #tpu.memory_space<vmem_shared>>
      tpu.wait_dma2 semaphore(%run_scoped3A_180 : memref<!tpu.dma_semaphore, #tpu.memory_space<semaphore_mem>>) src(%arg12 : memref<64xf32, #tpu.memory_space<vmem>>) dst(%dma_wait3A_182 : memref<64xf32, #tpu.memory_space<vmem_shared>>)
      tpu.yield
    }) : () -> ()
    %mul3A_58 = arith.constant 640 : i32
    %mul3A_59 = arith.muli %arg1, %mul3A_58 : i32
    %add3A_60 = arith.constant 256 : i32
    %add3A_61 = arith.addi %mul3A_59, %add3A_60 : i32
    %run_scoped3A_62 = arith.constant 0 : i32
    "tpu.region"() ({
      %run_scoped3A_180 = tpu.sem_alloc : memref<!tpu.dma_semaphore, #tpu.memory_space<semaphore_mem>>
      %dma_start3A = arith.constant 0 : i32
      %dma_start3A_181 = arith.constant 0 : i32
      %dma_start3A_182 = tpu.memref_slice %arg13[%run_scoped3A_62, %dma_start3A, %dma_start3A_181] : memref<2x64x128xf32, #tpu.memory_space<vmem>> -> memref<1x64x128xf32, #tpu.memory_space<vmem>>
      %dma_start3A_183 = tpu.memref_squeeze %dma_start3A_182 : memref<1x64x128xf32, #tpu.memory_space<vmem>> -> memref<64x128xf32, #tpu.memory_space<vmem>>
      %dma_start3A_184 = arith.constant 0 : i32
      %dma_start3A_185 = tpu.memref_slice %arg14[%add3A_61, %dma_start3A_184] : memref<10240x128xf32, #tpu.memory_space<vmem_shared>> -> memref<64x128xf32, #tpu.memory_space<vmem_shared>>
      %dma_start3A_186 = arith.constant 0 : i32
      %dma_start3A_187 = tpu.memref_slice %arg14[%add3A_61, %dma_start3A_186] : memref<10240x128xf32, #tpu.memory_space<vmem_shared>> -> memref<64x128xf32, #tpu.memory_space<vmem_shared>>
      %dma_start3A_188 = arith.constant 0 : i32
      %dma_start3A_189 = arith.constant 0 : i32
      %dma_start3A_190 = tpu.memref_slice %arg13[%run_scoped3A_62, %dma_start3A_188, %dma_start3A_189] : memref<2x64x128xf32, #tpu.memory_space<vmem>> -> memref<1x64x128xf32, #tpu.memory_space<vmem>>
      %dma_start3A_191 = tpu.memref_squeeze %dma_start3A_190 : memref<1x64x128xf32, #tpu.memory_space<vmem>> -> memref<64x128xf32, #tpu.memory_space<vmem>>
      tpu.enqueue_dma source(%dma_start3A_191 : memref<64x128xf32, #tpu.memory_space<vmem>>) target(%dma_start3A_187 : memref<64x128xf32, #tpu.memory_space<vmem_shared>>) target_semaphore(%run_scoped3A_180 : memref<!tpu.dma_semaphore, #tpu.memory_space<semaphore_mem>>)
      %dma_wait3A = arith.constant 0 : i32
      %dma_wait3A_192 = arith.constant 0 : i32
      %dma_wait3A_193 = tpu.memref_slice %arg13[%run_scoped3A_62, %dma_wait3A, %dma_wait3A_192] : memref<2x64x128xf32, #tpu.memory_space<vmem>> -> memref<1x64x128xf32, #tpu.memory_space<vmem>>
      %dma_wait3A_194 = tpu.memref_squeeze %dma_wait3A_193 : memref<1x64x128xf32, #tpu.memory_space<vmem>> -> memref<64x128xf32, #tpu.memory_space<vmem>>
      %dma_wait3A_195 = arith.constant 0 : i32
      %dma_wait3A_196 = tpu.memref_slice %arg14[%add3A_61, %dma_wait3A_195] : memref<10240x128xf32, #tpu.memory_space<vmem_shared>> -> memref<64x128xf32, #tpu.memory_space<vmem_shared>>
      %dma_wait3A_197 = arith.constant 0 : i32
      %dma_wait3A_198 = tpu.memref_slice %arg14[%add3A_61, %dma_wait3A_197] : memref<10240x128xf32, #tpu.memory_space<vmem_shared>> -> memref<64x128xf32, #tpu.memory_space<vmem_shared>>
      %dma_wait3A_199 = arith.constant 0 : i32
      %dma_wait3A_200 = arith.constant 0 : i32
      %dma_wait3A_201 = tpu.memref_slice %arg13[%run_scoped3A_62, %dma_wait3A_199, %dma_wait3A_200] : memref<2x64x128xf32, #tpu.memory_space<vmem>> -> memref<1x64x128xf32, #tpu.memory_space<vmem>>
      %dma_wait3A_202 = tpu.memref_squeeze %dma_wait3A_201 : memref<1x64x128xf32, #tpu.memory_space<vmem>> -> memref<64x128xf32, #tpu.memory_space<vmem>>
      tpu.wait_dma2 semaphore(%run_scoped3A_180 : memref<!tpu.dma_semaphore, #tpu.memory_space<semaphore_mem>>) src(%dma_wait3A_202 : memref<64x128xf32, #tpu.memory_space<vmem>>) dst(%dma_wait3A_198 : memref<64x128xf32, #tpu.memory_space<vmem_shared>>)
      tpu.yield
    }) : () -> ()
    %mul3A_63 = arith.constant 640 : i32
    %mul3A_64 = arith.muli %arg1, %mul3A_63 : i32
    %add3A_65 = arith.constant 256 : i32
    %add3A_66 = arith.addi %mul3A_64, %add3A_65 : i32
    "tpu.region"() ({
      %run_scoped3A_180 = tpu.sem_alloc : memref<!tpu.dma_semaphore, #tpu.memory_space<semaphore_mem>>
      %dma_start3A = tpu.memref_slice %arg15[%add3A_66] : memref<10240xf32, #tpu.memory_space<vmem_shared>> -> memref<64xf32, #tpu.memory_space<vmem_shared>>
      %dma_start3A_181 = tpu.memref_slice %arg15[%add3A_66] : memref<10240xf32, #tpu.memory_space<vmem_shared>> -> memref<64xf32, #tpu.memory_space<vmem_shared>>
      tpu.enqueue_dma source(%arg12 : memref<64xf32, #tpu.memory_space<vmem>>) target(%dma_start3A_181 : memref<64xf32, #tpu.memory_space<vmem_shared>>) target_semaphore(%run_scoped3A_180 : memref<!tpu.dma_semaphore, #tpu.memory_space<semaphore_mem>>)
      %dma_wait3A = tpu.memref_slice %arg15[%add3A_66] : memref<10240xf32, #tpu.memory_space<vmem_shared>> -> memref<64xf32, #tpu.memory_space<vmem_shared>>
      %dma_wait3A_182 = tpu.memref_slice %arg15[%add3A_66] : memref<10240xf32, #tpu.memory_space<vmem_shared>> -> memref<64xf32, #tpu.memory_space<vmem_shared>>
      tpu.wait_dma2 semaphore(%run_scoped3A_180 : memref<!tpu.dma_semaphore, #tpu.memory_space<semaphore_mem>>) src(%arg12 : memref<64xf32, #tpu.memory_space<vmem>>) dst(%dma_wait3A_182 : memref<64xf32, #tpu.memory_space<vmem_shared>>)
      tpu.yield
    }) : () -> ()
    %mul3A_67 = arith.constant 640 : i32
    %mul3A_68 = arith.muli %arg1, %mul3A_67 : i32
    %add3A_69 = arith.constant 320 : i32
    %add3A_70 = arith.addi %mul3A_68, %add3A_69 : i32
    %run_scoped3A_71 = arith.constant 0 : i32
    "tpu.region"() ({
      %run_scoped3A_180 = tpu.sem_alloc : memref<!tpu.dma_semaphore, #tpu.memory_space<semaphore_mem>>
      %dma_start3A = arith.constant 0 : i32
      %dma_start3A_181 = arith.constant 0 : i32
      %dma_start3A_182 = tpu.memref_slice %arg13[%run_scoped3A_71, %dma_start3A, %dma_start3A_181] : memref<2x64x128xf32, #tpu.memory_space<vmem>> -> memref<1x64x128xf32, #tpu.memory_space<vmem>>
      %dma_start3A_183 = tpu.memref_squeeze %dma_start3A_182 : memref<1x64x128xf32, #tpu.memory_space<vmem>> -> memref<64x128xf32, #tpu.memory_space<vmem>>
      %dma_start3A_184 = arith.constant 0 : i32
      %dma_start3A_185 = tpu.memref_slice %arg14[%add3A_70, %dma_start3A_184] : memref<10240x128xf32, #tpu.memory_space<vmem_shared>> -> memref<64x128xf32, #tpu.memory_space<vmem_shared>>
      %dma_start3A_186 = arith.constant 0 : i32
      %dma_start3A_187 = tpu.memref_slice %arg14[%add3A_70, %dma_start3A_186] : memref<10240x128xf32, #tpu.memory_space<vmem_shared>> -> memref<64x128xf32, #tpu.memory_space<vmem_shared>>
      %dma_start3A_188 = arith.constant 0 : i32
      %dma_start3A_189 = arith.constant 0 : i32
      %dma_start3A_190 = tpu.memref_slice %arg13[%run_scoped3A_71, %dma_start3A_188, %dma_start3A_189] : memref<2x64x128xf32, #tpu.memory_space<vmem>> -> memref<1x64x128xf32, #tpu.memory_space<vmem>>
      %dma_start3A_191 = tpu.memref_squeeze %dma_start3A_190 : memref<1x64x128xf32, #tpu.memory_space<vmem>> -> memref<64x128xf32, #tpu.memory_space<vmem>>
      tpu.enqueue_dma source(%dma_start3A_191 : memref<64x128xf32, #tpu.memory_space<vmem>>) target(%dma_start3A_187 : memref<64x128xf32, #tpu.memory_space<vmem_shared>>) target_semaphore(%run_scoped3A_180 : memref<!tpu.dma_semaphore, #tpu.memory_space<semaphore_mem>>)
      %dma_wait3A = arith.constant 0 : i32
      %dma_wait3A_192 = arith.constant 0 : i32
      %dma_wait3A_193 = tpu.memref_slice %arg13[%run_scoped3A_71, %dma_wait3A, %dma_wait3A_192] : memref<2x64x128xf32, #tpu.memory_space<vmem>> -> memref<1x64x128xf32, #tpu.memory_space<vmem>>
      %dma_wait3A_194 = tpu.memref_squeeze %dma_wait3A_193 : memref<1x64x128xf32, #tpu.memory_space<vmem>> -> memref<64x128xf32, #tpu.memory_space<vmem>>
      %dma_wait3A_195 = arith.constant 0 : i32
      %dma_wait3A_196 = tpu.memref_slice %arg14[%add3A_70, %dma_wait3A_195] : memref<10240x128xf32, #tpu.memory_space<vmem_shared>> -> memref<64x128xf32, #tpu.memory_space<vmem_shared>>
      %dma_wait3A_197 = arith.constant 0 : i32
      %dma_wait3A_198 = tpu.memref_slice %arg14[%add3A_70, %dma_wait3A_197] : memref<10240x128xf32, #tpu.memory_space<vmem_shared>> -> memref<64x128xf32, #tpu.memory_space<vmem_shared>>
      %dma_wait3A_199 = arith.constant 0 : i32
      %dma_wait3A_200 = arith.constant 0 : i32
      %dma_wait3A_201 = tpu.memref_slice %arg13[%run_scoped3A_71, %dma_wait3A_199, %dma_wait3A_200] : memref<2x64x128xf32, #tpu.memory_space<vmem>> -> memref<1x64x128xf32, #tpu.memory_space<vmem>>
      %dma_wait3A_202 = tpu.memref_squeeze %dma_wait3A_201 : memref<1x64x128xf32, #tpu.memory_space<vmem>> -> memref<64x128xf32, #tpu.memory_space<vmem>>
      tpu.wait_dma2 semaphore(%run_scoped3A_180 : memref<!tpu.dma_semaphore, #tpu.memory_space<semaphore_mem>>) src(%dma_wait3A_202 : memref<64x128xf32, #tpu.memory_space<vmem>>) dst(%dma_wait3A_198 : memref<64x128xf32, #tpu.memory_space<vmem_shared>>)
      tpu.yield
    }) : () -> ()
    %mul3A_72 = arith.constant 640 : i32
    %mul3A_73 = arith.muli %arg1, %mul3A_72 : i32
    %add3A_74 = arith.constant 320 : i32
    %add3A_75 = arith.addi %mul3A_73, %add3A_74 : i32
    "tpu.region"() ({
      %run_scoped3A_180 = tpu.sem_alloc : memref<!tpu.dma_semaphore, #tpu.memory_space<semaphore_mem>>
      %dma_start3A = tpu.memref_slice %arg15[%add3A_75] : memref<10240xf32, #tpu.memory_space<vmem_shared>> -> memref<64xf32, #tpu.memory_space<vmem_shared>>
      %dma_start3A_181 = tpu.memref_slice %arg15[%add3A_75] : memref<10240xf32, #tpu.memory_space<vmem_shared>> -> memref<64xf32, #tpu.memory_space<vmem_shared>>
      tpu.enqueue_dma source(%arg12 : memref<64xf32, #tpu.memory_space<vmem>>) target(%dma_start3A_181 : memref<64xf32, #tpu.memory_space<vmem_shared>>) target_semaphore(%run_scoped3A_180 : memref<!tpu.dma_semaphore, #tpu.memory_space<semaphore_mem>>)
      %dma_wait3A = tpu.memref_slice %arg15[%add3A_75] : memref<10240xf32, #tpu.memory_space<vmem_shared>> -> memref<64xf32, #tpu.memory_space<vmem_shared>>
      %dma_wait3A_182 = tpu.memref_slice %arg15[%add3A_75] : memref<10240xf32, #tpu.memory_space<vmem_shared>> -> memref<64xf32, #tpu.memory_space<vmem_shared>>
      tpu.wait_dma2 semaphore(%run_scoped3A_180 : memref<!tpu.dma_semaphore, #tpu.memory_space<semaphore_mem>>) src(%arg12 : memref<64xf32, #tpu.memory_space<vmem>>) dst(%dma_wait3A_182 : memref<64xf32, #tpu.memory_space<vmem_shared>>)
      tpu.yield
    }) : () -> ()
    %mul3A_76 = arith.constant 640 : i32
    %mul3A_77 = arith.muli %arg1, %mul3A_76 : i32
    %add3A_78 = arith.constant 384 : i32
    %add3A_79 = arith.addi %mul3A_77, %add3A_78 : i32
    %run_scoped3A_80 = arith.constant 0 : i32
    "tpu.region"() ({
      %run_scoped3A_180 = tpu.sem_alloc : memref<!tpu.dma_semaphore, #tpu.memory_space<semaphore_mem>>
      %dma_start3A = arith.constant 0 : i32
      %dma_start3A_181 = arith.constant 0 : i32
      %dma_start3A_182 = tpu.memref_slice %arg13[%run_scoped3A_80, %dma_start3A, %dma_start3A_181] : memref<2x64x128xf32, #tpu.memory_space<vmem>> -> memref<1x64x128xf32, #tpu.memory_space<vmem>>
      %dma_start3A_183 = tpu.memref_squeeze %dma_start3A_182 : memref<1x64x128xf32, #tpu.memory_space<vmem>> -> memref<64x128xf32, #tpu.memory_space<vmem>>
      %dma_start3A_184 = arith.constant 0 : i32
      %dma_start3A_185 = tpu.memref_slice %arg14[%add3A_79, %dma_start3A_184] : memref<10240x128xf32, #tpu.memory_space<vmem_shared>> -> memref<64x128xf32, #tpu.memory_space<vmem_shared>>
      %dma_start3A_186 = arith.constant 0 : i32
      %dma_start3A_187 = tpu.memref_slice %arg14[%add3A_79, %dma_start3A_186] : memref<10240x128xf32, #tpu.memory_space<vmem_shared>> -> memref<64x128xf32, #tpu.memory_space<vmem_shared>>
      %dma_start3A_188 = arith.constant 0 : i32
      %dma_start3A_189 = arith.constant 0 : i32
      %dma_start3A_190 = tpu.memref_slice %arg13[%run_scoped3A_80, %dma_start3A_188, %dma_start3A_189] : memref<2x64x128xf32, #tpu.memory_space<vmem>> -> memref<1x64x128xf32, #tpu.memory_space<vmem>>
      %dma_start3A_191 = tpu.memref_squeeze %dma_start3A_190 : memref<1x64x128xf32, #tpu.memory_space<vmem>> -> memref<64x128xf32, #tpu.memory_space<vmem>>
      tpu.enqueue_dma source(%dma_start3A_191 : memref<64x128xf32, #tpu.memory_space<vmem>>) target(%dma_start3A_187 : memref<64x128xf32, #tpu.memory_space<vmem_shared>>) target_semaphore(%run_scoped3A_180 : memref<!tpu.dma_semaphore, #tpu.memory_space<semaphore_mem>>)
      %dma_wait3A = arith.constant 0 : i32
      %dma_wait3A_192 = arith.constant 0 : i32
      %dma_wait3A_193 = tpu.memref_slice %arg13[%run_scoped3A_80, %dma_wait3A, %dma_wait3A_192] : memref<2x64x128xf32, #tpu.memory_space<vmem>> -> memref<1x64x128xf32, #tpu.memory_space<vmem>>
      %dma_wait3A_194 = tpu.memref_squeeze %dma_wait3A_193 : memref<1x64x128xf32, #tpu.memory_space<vmem>> -> memref<64x128xf32, #tpu.memory_space<vmem>>
      %dma_wait3A_195 = arith.constant 0 : i32
      %dma_wait3A_196 = tpu.memref_slice %arg14[%add3A_79, %dma_wait3A_195] : memref<10240x128xf32, #tpu.memory_space<vmem_shared>> -> memref<64x128xf32, #tpu.memory_space<vmem_shared>>
      %dma_wait3A_197 = arith.constant 0 : i32
      %dma_wait3A_198 = tpu.memref_slice %arg14[%add3A_79, %dma_wait3A_197] : memref<10240x128xf32, #tpu.memory_space<vmem_shared>> -> memref<64x128xf32, #tpu.memory_space<vmem_shared>>
      %dma_wait3A_199 = arith.constant 0 : i32
      %dma_wait3A_200 = arith.constant 0 : i32
      %dma_wait3A_201 = tpu.memref_slice %arg13[%run_scoped3A_80, %dma_wait3A_199, %dma_wait3A_200] : memref<2x64x128xf32, #tpu.memory_space<vmem>> -> memref<1x64x128xf32, #tpu.memory_space<vmem>>
      %dma_wait3A_202 = tpu.memref_squeeze %dma_wait3A_201 : memref<1x64x128xf32, #tpu.memory_space<vmem>> -> memref<64x128xf32, #tpu.memory_space<vmem>>
      tpu.wait_dma2 semaphore(%run_scoped3A_180 : memref<!tpu.dma_semaphore, #tpu.memory_space<semaphore_mem>>) src(%dma_wait3A_202 : memref<64x128xf32, #tpu.memory_space<vmem>>) dst(%dma_wait3A_198 : memref<64x128xf32, #tpu.memory_space<vmem_shared>>)
      tpu.yield
    }) : () -> ()
    %mul3A_81 = arith.constant 640 : i32
    %mul3A_82 = arith.muli %arg1, %mul3A_81 : i32
    %add3A_83 = arith.constant 384 : i32
    %add3A_84 = arith.addi %mul3A_82, %add3A_83 : i32
    "tpu.region"() ({
      %run_scoped3A_180 = tpu.sem_alloc : memref<!tpu.dma_semaphore, #tpu.memory_space<semaphore_mem>>
      %dma_start3A = tpu.memref_slice %arg15[%add3A_84] : memref<10240xf32, #tpu.memory_space<vmem_shared>> -> memref<64xf32, #tpu.memory_space<vmem_shared>>
      %dma_start3A_181 = tpu.memref_slice %arg15[%add3A_84] : memref<10240xf32, #tpu.memory_space<vmem_shared>> -> memref<64xf32, #tpu.memory_space<vmem_shared>>
      tpu.enqueue_dma source(%arg12 : memref<64xf32, #tpu.memory_space<vmem>>) target(%dma_start3A_181 : memref<64xf32, #tpu.memory_space<vmem_shared>>) target_semaphore(%run_scoped3A_180 : memref<!tpu.dma_semaphore, #tpu.memory_space<semaphore_mem>>)
      %dma_wait3A = tpu.memref_slice %arg15[%add3A_84] : memref<10240xf32, #tpu.memory_space<vmem_shared>> -> memref<64xf32, #tpu.memory_space<vmem_shared>>
      %dma_wait3A_182 = tpu.memref_slice %arg15[%add3A_84] : memref<10240xf32, #tpu.memory_space<vmem_shared>> -> memref<64xf32, #tpu.memory_space<vmem_shared>>
      tpu.wait_dma2 semaphore(%run_scoped3A_180 : memref<!tpu.dma_semaphore, #tpu.memory_space<semaphore_mem>>) src(%arg12 : memref<64xf32, #tpu.memory_space<vmem>>) dst(%dma_wait3A_182 : memref<64xf32, #tpu.memory_space<vmem_shared>>)
      tpu.yield
    }) : () -> ()
    %mul3A_85 = arith.constant 640 : i32
    %mul3A_86 = arith.muli %arg1, %mul3A_85 : i32
    %add3A_87 = arith.constant 448 : i32
    %add3A_88 = arith.addi %mul3A_86, %add3A_87 : i32
    %run_scoped3A_89 = arith.constant 0 : i32
    "tpu.region"() ({
      %run_scoped3A_180 = tpu.sem_alloc : memref<!tpu.dma_semaphore, #tpu.memory_space<semaphore_mem>>
      %dma_start3A = arith.constant 0 : i32
      %dma_start3A_181 = arith.constant 0 : i32
      %dma_start3A_182 = tpu.memref_slice %arg13[%run_scoped3A_89, %dma_start3A, %dma_start3A_181] : memref<2x64x128xf32, #tpu.memory_space<vmem>> -> memref<1x64x128xf32, #tpu.memory_space<vmem>>
      %dma_start3A_183 = tpu.memref_squeeze %dma_start3A_182 : memref<1x64x128xf32, #tpu.memory_space<vmem>> -> memref<64x128xf32, #tpu.memory_space<vmem>>
      %dma_start3A_184 = arith.constant 0 : i32
      %dma_start3A_185 = tpu.memref_slice %arg14[%add3A_88, %dma_start3A_184] : memref<10240x128xf32, #tpu.memory_space<vmem_shared>> -> memref<64x128xf32, #tpu.memory_space<vmem_shared>>
      %dma_start3A_186 = arith.constant 0 : i32
      %dma_start3A_187 = tpu.memref_slice %arg14[%add3A_88, %dma_start3A_186] : memref<10240x128xf32, #tpu.memory_space<vmem_shared>> -> memref<64x128xf32, #tpu.memory_space<vmem_shared>>
      %dma_start3A_188 = arith.constant 0 : i32
      %dma_start3A_189 = arith.constant 0 : i32
      %dma_start3A_190 = tpu.memref_slice %arg13[%run_scoped3A_89, %dma_start3A_188, %dma_start3A_189] : memref<2x64x128xf32, #tpu.memory_space<vmem>> -> memref<1x64x128xf32, #tpu.memory_space<vmem>>
      %dma_start3A_191 = tpu.memref_squeeze %dma_start3A_190 : memref<1x64x128xf32, #tpu.memory_space<vmem>> -> memref<64x128xf32, #tpu.memory_space<vmem>>
      tpu.enqueue_dma source(%dma_start3A_191 : memref<64x128xf32, #tpu.memory_space<vmem>>) target(%dma_start3A_187 : memref<64x128xf32, #tpu.memory_space<vmem_shared>>) target_semaphore(%run_scoped3A_180 : memref<!tpu.dma_semaphore, #tpu.memory_space<semaphore_mem>>)
      %dma_wait3A = arith.constant 0 : i32
      %dma_wait3A_192 = arith.constant 0 : i32
      %dma_wait3A_193 = tpu.memref_slice %arg13[%run_scoped3A_89, %dma_wait3A, %dma_wait3A_192] : memref<2x64x128xf32, #tpu.memory_space<vmem>> -> memref<1x64x128xf32, #tpu.memory_space<vmem>>
      %dma_wait3A_194 = tpu.memref_squeeze %dma_wait3A_193 : memref<1x64x128xf32, #tpu.memory_space<vmem>> -> memref<64x128xf32, #tpu.memory_space<vmem>>
      %dma_wait3A_195 = arith.constant 0 : i32
      %dma_wait3A_196 = tpu.memref_slice %arg14[%add3A_88, %dma_wait3A_195] : memref<10240x128xf32, #tpu.memory_space<vmem_shared>> -> memref<64x128xf32, #tpu.memory_space<vmem_shared>>
      %dma_wait3A_197 = arith.constant 0 : i32
      %dma_wait3A_198 = tpu.memref_slice %arg14[%add3A_88, %dma_wait3A_197] : memref<10240x128xf32, #tpu.memory_space<vmem_shared>> -> memref<64x128xf32, #tpu.memory_space<vmem_shared>>
      %dma_wait3A_199 = arith.constant 0 : i32
      %dma_wait3A_200 = arith.constant 0 : i32
      %dma_wait3A_201 = tpu.memref_slice %arg13[%run_scoped3A_89, %dma_wait3A_199, %dma_wait3A_200] : memref<2x64x128xf32, #tpu.memory_space<vmem>> -> memref<1x64x128xf32, #tpu.memory_space<vmem>>
      %dma_wait3A_202 = tpu.memref_squeeze %dma_wait3A_201 : memref<1x64x128xf32, #tpu.memory_space<vmem>> -> memref<64x128xf32, #tpu.memory_space<vmem>>
      tpu.wait_dma2 semaphore(%run_scoped3A_180 : memref<!tpu.dma_semaphore, #tpu.memory_space<semaphore_mem>>) src(%dma_wait3A_202 : memref<64x128xf32, #tpu.memory_space<vmem>>) dst(%dma_wait3A_198 : memref<64x128xf32, #tpu.memory_space<vmem_shared>>)
      tpu.yield
    }) : () -> ()
    %mul3A_90 = arith.constant 640 : i32
    %mul3A_91 = arith.muli %arg1, %mul3A_90 : i32
    %add3A_92 = arith.constant 448 : i32
    %add3A_93 = arith.addi %mul3A_91, %add3A_92 : i32
    "tpu.region"() ({
      %run_scoped3A_180 = tpu.sem_alloc : memref<!tpu.dma_semaphore, #tpu.memory_space<semaphore_mem>>
      %dma_start3A = tpu.memref_slice %arg15[%add3A_93] : memref<10240xf32, #tpu.memory_space<vmem_shared>> -> memref<64xf32, #tpu.memory_space<vmem_shared>>
      %dma_start3A_181 = tpu.memref_slice %arg15[%add3A_93] : memref<10240xf32, #tpu.memory_space<vmem_shared>> -> memref<64xf32, #tpu.memory_space<vmem_shared>>
      tpu.enqueue_dma source(%arg12 : memref<64xf32, #tpu.memory_space<vmem>>) target(%dma_start3A_181 : memref<64xf32, #tpu.memory_space<vmem_shared>>) target_semaphore(%run_scoped3A_180 : memref<!tpu.dma_semaphore, #tpu.memory_space<semaphore_mem>>)
      %dma_wait3A = tpu.memref_slice %arg15[%add3A_93] : memref<10240xf32, #tpu.memory_space<vmem_shared>> -> memref<64xf32, #tpu.memory_space<vmem_shared>>
      %dma_wait3A_182 = tpu.memref_slice %arg15[%add3A_93] : memref<10240xf32, #tpu.memory_space<vmem_shared>> -> memref<64xf32, #tpu.memory_space<vmem_shared>>
      tpu.wait_dma2 semaphore(%run_scoped3A_180 : memref<!tpu.dma_semaphore, #tpu.memory_space<semaphore_mem>>) src(%arg12 : memref<64xf32, #tpu.memory_space<vmem>>) dst(%dma_wait3A_182 : memref<64xf32, #tpu.memory_space<vmem_shared>>)
      tpu.yield
    }) : () -> ()
    %mul3A_94 = arith.constant 640 : i32
    %mul3A_95 = arith.muli %arg1, %mul3A_94 : i32
    %add3A_96 = arith.constant 512 : i32
    %add3A_97 = arith.addi %mul3A_95, %add3A_96 : i32
    %run_scoped3A_98 = arith.constant 0 : i32
    "tpu.region"() ({
      %run_scoped3A_180 = tpu.sem_alloc : memref<!tpu.dma_semaphore, #tpu.memory_space<semaphore_mem>>
      %dma_start3A = arith.constant 0 : i32
      %dma_start3A_181 = arith.constant 0 : i32
      %dma_start3A_182 = tpu.memref_slice %arg13[%run_scoped3A_98, %dma_start3A, %dma_start3A_181] : memref<2x64x128xf32, #tpu.memory_space<vmem>> -> memref<1x64x128xf32, #tpu.memory_space<vmem>>
      %dma_start3A_183 = tpu.memref_squeeze %dma_start3A_182 : memref<1x64x128xf32, #tpu.memory_space<vmem>> -> memref<64x128xf32, #tpu.memory_space<vmem>>
      %dma_start3A_184 = arith.constant 0 : i32
      %dma_start3A_185 = tpu.memref_slice %arg14[%add3A_97, %dma_start3A_184] : memref<10240x128xf32, #tpu.memory_space<vmem_shared>> -> memref<64x128xf32, #tpu.memory_space<vmem_shared>>
      %dma_start3A_186 = arith.constant 0 : i32
      %dma_start3A_187 = tpu.memref_slice %arg14[%add3A_97, %dma_start3A_186] : memref<10240x128xf32, #tpu.memory_space<vmem_shared>> -> memref<64x128xf32, #tpu.memory_space<vmem_shared>>
      %dma_start3A_188 = arith.constant 0 : i32
      %dma_start3A_189 = arith.constant 0 : i32
      %dma_start3A_190 = tpu.memref_slice %arg13[%run_scoped3A_98, %dma_start3A_188, %dma_start3A_189] : memref<2x64x128xf32, #tpu.memory_space<vmem>> -> memref<1x64x128xf32, #tpu.memory_space<vmem>>
      %dma_start3A_191 = tpu.memref_squeeze %dma_start3A_190 : memref<1x64x128xf32, #tpu.memory_space<vmem>> -> memref<64x128xf32, #tpu.memory_space<vmem>>
      tpu.enqueue_dma source(%dma_start3A_191 : memref<64x128xf32, #tpu.memory_space<vmem>>) target(%dma_start3A_187 : memref<64x128xf32, #tpu.memory_space<vmem_shared>>) target_semaphore(%run_scoped3A_180 : memref<!tpu.dma_semaphore, #tpu.memory_space<semaphore_mem>>)
      %dma_wait3A = arith.constant 0 : i32
      %dma_wait3A_192 = arith.constant 0 : i32
      %dma_wait3A_193 = tpu.memref_slice %arg13[%run_scoped3A_98, %dma_wait3A, %dma_wait3A_192] : memref<2x64x128xf32, #tpu.memory_space<vmem>> -> memref<1x64x128xf32, #tpu.memory_space<vmem>>
      %dma_wait3A_194 = tpu.memref_squeeze %dma_wait3A_193 : memref<1x64x128xf32, #tpu.memory_space<vmem>> -> memref<64x128xf32, #tpu.memory_space<vmem>>
      %dma_wait3A_195 = arith.constant 0 : i32
      %dma_wait3A_196 = tpu.memref_slice %arg14[%add3A_97, %dma_wait3A_195] : memref<10240x128xf32, #tpu.memory_space<vmem_shared>> -> memref<64x128xf32, #tpu.memory_space<vmem_shared>>
      %dma_wait3A_197 = arith.constant 0 : i32
      %dma_wait3A_198 = tpu.memref_slice %arg14[%add3A_97, %dma_wait3A_197] : memref<10240x128xf32, #tpu.memory_space<vmem_shared>> -> memref<64x128xf32, #tpu.memory_space<vmem_shared>>
      %dma_wait3A_199 = arith.constant 0 : i32
      %dma_wait3A_200 = arith.constant 0 : i32
      %dma_wait3A_201 = tpu.memref_slice %arg13[%run_scoped3A_98, %dma_wait3A_199, %dma_wait3A_200] : memref<2x64x128xf32, #tpu.memory_space<vmem>> -> memref<1x64x128xf32, #tpu.memory_space<vmem>>
      %dma_wait3A_202 = tpu.memref_squeeze %dma_wait3A_201 : memref<1x64x128xf32, #tpu.memory_space<vmem>> -> memref<64x128xf32, #tpu.memory_space<vmem>>
      tpu.wait_dma2 semaphore(%run_scoped3A_180 : memref<!tpu.dma_semaphore, #tpu.memory_space<semaphore_mem>>) src(%dma_wait3A_202 : memref<64x128xf32, #tpu.memory_space<vmem>>) dst(%dma_wait3A_198 : memref<64x128xf32, #tpu.memory_space<vmem_shared>>)
      tpu.yield
    }) : () -> ()
    %mul3A_99 = arith.constant 640 : i32
    %mul3A_100 = arith.muli %arg1, %mul3A_99 : i32
    %add3A_101 = arith.constant 512 : i32
    %add3A_102 = arith.addi %mul3A_100, %add3A_101 : i32
    "tpu.region"() ({
      %run_scoped3A_180 = tpu.sem_alloc : memref<!tpu.dma_semaphore, #tpu.memory_space<semaphore_mem>>
      %dma_start3A = tpu.memref_slice %arg15[%add3A_102] : memref<10240xf32, #tpu.memory_space<vmem_shared>> -> memref<64xf32, #tpu.memory_space<vmem_shared>>
      %dma_start3A_181 = tpu.memref_slice %arg15[%add3A_102] : memref<10240xf32, #tpu.memory_space<vmem_shared>> -> memref<64xf32, #tpu.memory_space<vmem_shared>>
      tpu.enqueue_dma source(%arg12 : memref<64xf32, #tpu.memory_space<vmem>>) target(%dma_start3A_181 : memref<64xf32, #tpu.memory_space<vmem_shared>>) target_semaphore(%run_scoped3A_180 : memref<!tpu.dma_semaphore, #tpu.memory_space<semaphore_mem>>)
      %dma_wait3A = tpu.memref_slice %arg15[%add3A_102] : memref<10240xf32, #tpu.memory_space<vmem_shared>> -> memref<64xf32, #tpu.memory_space<vmem_shared>>
      %dma_wait3A_182 = tpu.memref_slice %arg15[%add3A_102] : memref<10240xf32, #tpu.memory_space<vmem_shared>> -> memref<64xf32, #tpu.memory_space<vmem_shared>>
      tpu.wait_dma2 semaphore(%run_scoped3A_180 : memref<!tpu.dma_semaphore, #tpu.memory_space<semaphore_mem>>) src(%arg12 : memref<64xf32, #tpu.memory_space<vmem>>) dst(%dma_wait3A_182 : memref<64xf32, #tpu.memory_space<vmem_shared>>)
      tpu.yield
    }) : () -> ()
    %mul3A_103 = arith.constant 640 : i32
    %mul3A_104 = arith.muli %arg1, %mul3A_103 : i32
    %add3A_105 = arith.constant 576 : i32
    %add3A_106 = arith.addi %mul3A_104, %add3A_105 : i32
    %run_scoped3A_107 = arith.constant 0 : i32
    "tpu.region"() ({
      %run_scoped3A_180 = tpu.sem_alloc : memref<!tpu.dma_semaphore, #tpu.memory_space<semaphore_mem>>
      %dma_start3A = arith.constant 0 : i32
      %dma_start3A_181 = arith.constant 0 : i32
      %dma_start3A_182 = tpu.memref_slice %arg13[%run_scoped3A_107, %dma_start3A, %dma_start3A_181] : memref<2x64x128xf32, #tpu.memory_space<vmem>> -> memref<1x64x128xf32, #tpu.memory_space<vmem>>
      %dma_start3A_183 = tpu.memref_squeeze %dma_start3A_182 : memref<1x64x128xf32, #tpu.memory_space<vmem>> -> memref<64x128xf32, #tpu.memory_space<vmem>>
      %dma_start3A_184 = arith.constant 0 : i32
      %dma_start3A_185 = tpu.memref_slice %arg14[%add3A_106, %dma_start3A_184] : memref<10240x128xf32, #tpu.memory_space<vmem_shared>> -> memref<64x128xf32, #tpu.memory_space<vmem_shared>>
      %dma_start3A_186 = arith.constant 0 : i32
      %dma_start3A_187 = tpu.memref_slice %arg14[%add3A_106, %dma_start3A_186] : memref<10240x128xf32, #tpu.memory_space<vmem_shared>> -> memref<64x128xf32, #tpu.memory_space<vmem_shared>>
      %dma_start3A_188 = arith.constant 0 : i32
      %dma_start3A_189 = arith.constant 0 : i32
      %dma_start3A_190 = tpu.memref_slice %arg13[%run_scoped3A_107, %dma_start3A_188, %dma_start3A_189] : memref<2x64x128xf32, #tpu.memory_space<vmem>> -> memref<1x64x128xf32, #tpu.memory_space<vmem>>
      %dma_start3A_191 = tpu.memref_squeeze %dma_start3A_190 : memref<1x64x128xf32, #tpu.memory_space<vmem>> -> memref<64x128xf32, #tpu.memory_space<vmem>>
      tpu.enqueue_dma source(%dma_start3A_191 : memref<64x128xf32, #tpu.memory_space<vmem>>) target(%dma_start3A_187 : memref<64x128xf32, #tpu.memory_space<vmem_shared>>) target_semaphore(%run_scoped3A_180 : memref<!tpu.dma_semaphore, #tpu.memory_space<semaphore_mem>>)
      %dma_wait3A = arith.constant 0 : i32
      %dma_wait3A_192 = arith.constant 0 : i32
      %dma_wait3A_193 = tpu.memref_slice %arg13[%run_scoped3A_107, %dma_wait3A, %dma_wait3A_192] : memref<2x64x128xf32, #tpu.memory_space<vmem>> -> memref<1x64x128xf32, #tpu.memory_space<vmem>>
      %dma_wait3A_194 = tpu.memref_squeeze %dma_wait3A_193 : memref<1x64x128xf32, #tpu.memory_space<vmem>> -> memref<64x128xf32, #tpu.memory_space<vmem>>
      %dma_wait3A_195 = arith.constant 0 : i32
      %dma_wait3A_196 = tpu.memref_slice %arg14[%add3A_106, %dma_wait3A_195] : memref<10240x128xf32, #tpu.memory_space<vmem_shared>> -> memref<64x128xf32, #tpu.memory_space<vmem_shared>>
      %dma_wait3A_197 = arith.constant 0 : i32
      %dma_wait3A_198 = tpu.memref_slice %arg14[%add3A_106, %dma_wait3A_197] : memref<10240x128xf32, #tpu.memory_space<vmem_shared>> -> memref<64x128xf32, #tpu.memory_space<vmem_shared>>
      %dma_wait3A_199 = arith.constant 0 : i32
      %dma_wait3A_200 = arith.constant 0 : i32
      %dma_wait3A_201 = tpu.memref_slice %arg13[%run_scoped3A_107, %dma_wait3A_199, %dma_wait3A_200] : memref<2x64x128xf32, #tpu.memory_space<vmem>> -> memref<1x64x128xf32, #tpu.memory_space<vmem>>
      %dma_wait3A_202 = tpu.memref_squeeze %dma_wait3A_201 : memref<1x64x128xf32, #tpu.memory_space<vmem>> -> memref<64x128xf32, #tpu.memory_space<vmem>>
      tpu.wait_dma2 semaphore(%run_scoped3A_180 : memref<!tpu.dma_semaphore, #tpu.memory_space<semaphore_mem>>) src(%dma_wait3A_202 : memref<64x128xf32, #tpu.memory_space<vmem>>) dst(%dma_wait3A_198 : memref<64x128xf32, #tpu.memory_space<vmem_shared>>)
      tpu.yield
    }) : () -> ()
    %mul3A_108 = arith.constant 640 : i32
    %mul3A_109 = arith.muli %arg1, %mul3A_108 : i32
    %add3A_110 = arith.constant 576 : i32
    %add3A_111 = arith.addi %mul3A_109, %add3A_110 : i32
    "tpu.region"() ({
      %run_scoped3A_180 = tpu.sem_alloc : memref<!tpu.dma_semaphore, #tpu.memory_space<semaphore_mem>>
      %dma_start3A = tpu.memref_slice %arg15[%add3A_111] : memref<10240xf32, #tpu.memory_space<vmem_shared>> -> memref<64xf32, #tpu.memory_space<vmem_shared>>
      %dma_start3A_181 = tpu.memref_slice %arg15[%add3A_111] : memref<10240xf32, #tpu.memory_space<vmem_shared>> -> memref<64xf32, #tpu.memory_space<vmem_shared>>
      tpu.enqueue_dma source(%arg12 : memref<64xf32, #tpu.memory_space<vmem>>) target(%dma_start3A_181 : memref<64xf32, #tpu.memory_space<vmem_shared>>) target_semaphore(%run_scoped3A_180 : memref<!tpu.dma_semaphore, #tpu.memory_space<semaphore_mem>>)
      %dma_wait3A = tpu.memref_slice %arg15[%add3A_111] : memref<10240xf32, #tpu.memory_space<vmem_shared>> -> memref<64xf32, #tpu.memory_space<vmem_shared>>
      %dma_wait3A_182 = tpu.memref_slice %arg15[%add3A_111] : memref<10240xf32, #tpu.memory_space<vmem_shared>> -> memref<64xf32, #tpu.memory_space<vmem_shared>>
      tpu.wait_dma2 semaphore(%run_scoped3A_180 : memref<!tpu.dma_semaphore, #tpu.memory_space<semaphore_mem>>) src(%arg12 : memref<64xf32, #tpu.memory_space<vmem>>) dst(%dma_wait3A_182 : memref<64xf32, #tpu.memory_space<vmem_shared>>)
      tpu.yield
    }) : () -> ()
    %barrier3A = arith.constant 0 : index
    tpu.barrier barrier_id(%barrier3A)
    %scan3A_112 = arith.constant 0 : i32
    %scan3A_113 = arith.constant 0 : i32
    %scan3A_114 = arith.constant 160 : i32
    %scan3A_115 = arith.addi %scan3A_113, %scan3A_114 : i32
    %scan3A_116 = arith.constant 1 : i32
    %scan3A_117 = scf.for %scan3A_180 = %scan3A_113 to %scan3A_115 step %scan3A_116 iter_args(%scan3A_181 = %scan3A_112) -> (i32)  : i32 {
      %rem3A = arith.constant 2 : i32
      %rem3A_182 = arith.remsi %scan3A_180, %rem3A : i32
      "tpu.region"() ({
        %run_scoped3A_280 = tpu.sem_alloc : memref<!tpu.dma_semaphore, #tpu.memory_space<semaphore_mem>>
        %dma_start3A_281 = arith.constant 0 : i32
        %dma_start3A_282 = tpu.memref_slice %arg10[%rem3A_182, %dma_start3A_281] : memref<2x64xi32, #tpu.memory_space<vmem>> -> memref<1x64xi32, #tpu.memory_space<vmem>>
        %dma_start3A_283 = tpu.memref_squeeze %dma_start3A_282 : memref<1x64xi32, #tpu.memory_space<vmem>> -> memref<64xi32, #tpu.memory_space<vmem>>
        %dma_start3A_284 = arith.constant 0 : i32
        %dma_start3A_285 = tpu.memref_slice %arg4[%add3A, %scan3A_180, %dma_start3A_284] : memref<32x160x64xi32, #tpu.memory_space<hbm>> -> memref<1x1x64xi32, #tpu.memory_space<hbm>>
        %dma_start3A_286 = tpu.memref_squeeze %dma_start3A_285 : memref<1x1x64xi32, #tpu.memory_space<hbm>> -> memref<64xi32, #tpu.memory_space<hbm>>
        %dma_start3A_287 = arith.constant 0 : i32
        %dma_start3A_288 = tpu.memref_slice %arg10[%rem3A_182, %dma_start3A_287] : memref<2x64xi32, #tpu.memory_space<vmem>> -> memref<1x64xi32, #tpu.memory_space<vmem>>
        %dma_start3A_289 = tpu.memref_squeeze %dma_start3A_288 : memref<1x64xi32, #tpu.memory_space<vmem>> -> memref<64xi32, #tpu.memory_space<vmem>>
        %dma_start3A_290 = arith.constant 0 : i32
        %dma_start3A_291 = tpu.memref_slice %arg4[%add3A, %scan3A_180, %dma_start3A_290] : memref<32x160x64xi32, #tpu.memory_space<hbm>> -> memref<1x1x64xi32, #tpu.memory_space<hbm>>
        %dma_start3A_292 = tpu.memref_squeeze %dma_start3A_291 : memref<1x1x64xi32, #tpu.memory_space<hbm>> -> memref<64xi32, #tpu.memory_space<hbm>>
        tpu.enqueue_dma source(%dma_start3A_292 : memref<64xi32, #tpu.memory_space<hbm>>) target(%dma_start3A_289 : memref<64xi32, #tpu.memory_space<vmem>>) target_semaphore(%run_scoped3A_280 : memref<!tpu.dma_semaphore, #tpu.memory_space<semaphore_mem>>)
        %dma_wait3A_293 = arith.constant 0 : i32
        %dma_wait3A_294 = tpu.memref_slice %arg10[%rem3A_182, %dma_wait3A_293] : memref<2x64xi32, #tpu.memory_space<vmem>> -> memref<1x64xi32, #tpu.memory_space<vmem>>
        %dma_wait3A_295 = tpu.memref_squeeze %dma_wait3A_294 : memref<1x64xi32, #tpu.memory_space<vmem>> -> memref<64xi32, #tpu.memory_space<vmem>>
        %dma_wait3A_296 = arith.constant 0 : i32
        %dma_wait3A_297 = tpu.memref_slice %arg4[%add3A, %scan3A_180, %dma_wait3A_296] : memref<32x160x64xi32, #tpu.memory_space<hbm>> -> memref<1x1x64xi32, #tpu.memory_space<hbm>>
        %dma_wait3A_298 = tpu.memref_squeeze %dma_wait3A_297 : memref<1x1x64xi32, #tpu.memory_space<hbm>> -> memref<64xi32, #tpu.memory_space<hbm>>
        %dma_wait3A_299 = arith.constant 0 : i32
        %dma_wait3A_300 = tpu.memref_slice %arg10[%rem3A_182, %dma_wait3A_299] : memref<2x64xi32, #tpu.memory_space<vmem>> -> memref<1x64xi32, #tpu.memory_space<vmem>>
        %dma_wait3A_301 = tpu.memref_squeeze %dma_wait3A_300 : memref<1x64xi32, #tpu.memory_space<vmem>> -> memref<64xi32, #tpu.memory_space<vmem>>
        %dma_wait3A_302 = arith.constant 0 : i32
        %dma_wait3A_303 = tpu.memref_slice %arg4[%add3A, %scan3A_180, %dma_wait3A_302] : memref<32x160x64xi32, #tpu.memory_space<hbm>> -> memref<1x1x64xi32, #tpu.memory_space<hbm>>
        %dma_wait3A_304 = tpu.memref_squeeze %dma_wait3A_303 : memref<1x1x64xi32, #tpu.memory_space<hbm>> -> memref<64xi32, #tpu.memory_space<hbm>>
        tpu.wait_dma2 semaphore(%run_scoped3A_280 : memref<!tpu.dma_semaphore, #tpu.memory_space<semaphore_mem>>) src(%dma_wait3A_304 : memref<64xi32, #tpu.memory_space<hbm>>) dst(%dma_wait3A_301 : memref<64xi32, #tpu.memory_space<vmem>>)
        tpu.yield
      }) : () -> ()
      "tpu.region"() ({
        %run_scoped3A_280 = tpu.sem_alloc : memref<!tpu.dma_semaphore, #tpu.memory_space<semaphore_mem>>
        %dma_start3A_281 = arith.constant 0 : i32
        %dma_start3A_282 = tpu.memref_slice %arg11[%rem3A_182, %dma_start3A_281] : memref<2x64xi32, #tpu.memory_space<vmem>> -> memref<1x64xi32, #tpu.memory_space<vmem>>
        %dma_start3A_283 = tpu.memref_squeeze %dma_start3A_282 : memref<1x64xi32, #tpu.memory_space<vmem>> -> memref<64xi32, #tpu.memory_space<vmem>>
        %dma_start3A_284 = arith.constant 0 : i32
        %dma_start3A_285 = tpu.memref_slice %arg5[%add3A, %scan3A_180, %dma_start3A_284] : memref<32x160x64xi32, #tpu.memory_space<hbm>> -> memref<1x1x64xi32, #tpu.memory_space<hbm>>
        %dma_start3A_286 = tpu.memref_squeeze %dma_start3A_285 : memref<1x1x64xi32, #tpu.memory_space<hbm>> -> memref<64xi32, #tpu.memory_space<hbm>>
        %dma_start3A_287 = arith.constant 0 : i32
        %dma_start3A_288 = tpu.memref_slice %arg11[%rem3A_182, %dma_start3A_287] : memref<2x64xi32, #tpu.memory_space<vmem>> -> memref<1x64xi32, #tpu.memory_space<vmem>>
        %dma_start3A_289 = tpu.memref_squeeze %dma_start3A_288 : memref<1x64xi32, #tpu.memory_space<vmem>> -> memref<64xi32, #tpu.memory_space<vmem>>
        %dma_start3A_290 = arith.constant 0 : i32
        %dma_start3A_291 = tpu.memref_slice %arg5[%add3A, %scan3A_180, %dma_start3A_290] : memref<32x160x64xi32, #tpu.memory_space<hbm>> -> memref<1x1x64xi32, #tpu.memory_space<hbm>>
        %dma_start3A_292 = tpu.memref_squeeze %dma_start3A_291 : memref<1x1x64xi32, #tpu.memory_space<hbm>> -> memref<64xi32, #tpu.memory_space<hbm>>
        tpu.enqueue_dma source(%dma_start3A_292 : memref<64xi32, #tpu.memory_space<hbm>>) target(%dma_start3A_289 : memref<64xi32, #tpu.memory_space<vmem>>) target_semaphore(%run_scoped3A_280 : memref<!tpu.dma_semaphore, #tpu.memory_space<semaphore_mem>>)
        %dma_wait3A_293 = arith.constant 0 : i32
        %dma_wait3A_294 = tpu.memref_slice %arg11[%rem3A_182, %dma_wait3A_293] : memref<2x64xi32, #tpu.memory_space<vmem>> -> memref<1x64xi32, #tpu.memory_space<vmem>>
        %dma_wait3A_295 = tpu.memref_squeeze %dma_wait3A_294 : memref<1x64xi32, #tpu.memory_space<vmem>> -> memref<64xi32, #tpu.memory_space<vmem>>
        %dma_wait3A_296 = arith.constant 0 : i32
        %dma_wait3A_297 = tpu.memref_slice %arg5[%add3A, %scan3A_180, %dma_wait3A_296] : memref<32x160x64xi32, #tpu.memory_space<hbm>> -> memref<1x1x64xi32, #tpu.memory_space<hbm>>
        %dma_wait3A_298 = tpu.memref_squeeze %dma_wait3A_297 : memref<1x1x64xi32, #tpu.memory_space<hbm>> -> memref<64xi32, #tpu.memory_space<hbm>>
        %dma_wait3A_299 = arith.constant 0 : i32
        %dma_wait3A_300 = tpu.memref_slice %arg11[%rem3A_182, %dma_wait3A_299] : memref<2x64xi32, #tpu.memory_space<vmem>> -> memref<1x64xi32, #tpu.memory_space<vmem>>
        %dma_wait3A_301 = tpu.memref_squeeze %dma_wait3A_300 : memref<1x64xi32, #tpu.memory_space<vmem>> -> memref<64xi32, #tpu.memory_space<vmem>>
        %dma_wait3A_302 = arith.constant 0 : i32
        %dma_wait3A_303 = tpu.memref_slice %arg5[%add3A, %scan3A_180, %dma_wait3A_302] : memref<32x160x64xi32, #tpu.memory_space<hbm>> -> memref<1x1x64xi32, #tpu.memory_space<hbm>>
        %dma_wait3A_304 = tpu.memref_squeeze %dma_wait3A_303 : memref<1x1x64xi32, #tpu.memory_space<hbm>> -> memref<64xi32, #tpu.memory_space<hbm>>
        tpu.wait_dma2 semaphore(%run_scoped3A_280 : memref<!tpu.dma_semaphore, #tpu.memory_space<semaphore_mem>>) src(%dma_wait3A_304 : memref<64xi32, #tpu.memory_space<hbm>>) dst(%dma_wait3A_301 : memref<64xi32, #tpu.memory_space<vmem>>)
        tpu.yield
      }) : () -> ()
      %dma_start3A = arith.constant 0 : i32
      %dma_start3A_183 = arith.constant 0 : i32
      %dma_start3A_184 = tpu.memref_slice %arg13[%rem3A_182, %dma_start3A, %dma_start3A_183] : memref<2x64x128xf32, #tpu.memory_space<vmem>> -> memref<1x64x128xf32, #tpu.memory_space<vmem>>
      %dma_start3A_185 = tpu.memref_squeeze %dma_start3A_184 : memref<1x64x128xf32, #tpu.memory_space<vmem>> -> memref<64x128xf32, #tpu.memory_space<vmem>>
      %dma_start3A_186 = arith.constant 0 : i32
      %dma_start3A_187 = tpu.memref_slice %arg10[%rem3A_182, %dma_start3A_186] : memref<2x64xi32, #tpu.memory_space<vmem>> -> memref<1x64xi32, #tpu.memory_space<vmem>>
      %dma_start3A_188 = tpu.memref_squeeze %dma_start3A_187 : memref<1x64xi32, #tpu.memory_space<vmem>> -> memref<64xi32, #tpu.memory_space<vmem>>
      %dma_start3A_189 = arith.constant 0 : i32
      %dma_start3A_190 = arith.constant 0 : i32
      %dma_start3A_191 = tpu.memref_slice %arg2[%dma_start3A_189, %dma_start3A_190] : memref<10240x128xf32, #tpu.memory_space<hbm>> -> memref<10240x128xf32, #tpu.memory_space<hbm>>
      tpu.enqueue_indirect_dma source(%dma_start3A_191 : memref<10240x128xf32, #tpu.memory_space<hbm>>) target(%dma_start3A_185 : memref<64x128xf32, #tpu.memory_space<vmem>>) offsets(%dma_start3A_188 : memref<64xi32, #tpu.memory_space<vmem>>) semaphore(%arg16 : memref<!tpu.dma_semaphore, #tpu.memory_space<semaphore_mem>>)
      %get3A = arith.index_cast %rem3A_182 : i32 to index
      %get3A_192 = arith.constant 0 : index
      %get3A_193 = tpu.vector_load %arg10[%get3A, %get3A_192] {strides = array<i32>} : memref<2x64xi32, #tpu.memory_space<vmem>>, vector<16xi32>,
      %get3A_194 = arith.index_cast %rem3A_182 : i32 to index
      %get3A_195 = arith.constant 0 : index
      %get3A_196 = tpu.vector_load %arg11[%get3A_194, %get3A_195] {strides = array<i32>} : memref<2x64xi32, #tpu.memory_space<vmem>>, vector<16xi32>,
      %gather3A = tpu.vector_load_idx %arg8[%get3A_193] : memref<10240xf32, #tpu.memory_space<vmem>>[vector<16xi32>], vector<16xf32>,
      %gather3A_197 = tpu.vector_load_idx %arg9[%get3A_196] : memref<10240xf32, #tpu.memory_space<vmem>>[vector<16xi32>], vector<16xf32>,
      %add3A_198 = arith.addf %gather3A, %gather3A_197 : vector<16xf32>
      %ge3A = arith.constant 0.000000e+00 : f32
      %ge3A_199 = vector.broadcast %ge3A : f32 to vector<16xf32>
      %ge3A_200 = arith.cmpf oge, %add3A_198, %ge3A_199 : vector<16xf32>
      %mul3A_201 = arith.constant 2.000000e-01 : f32
      %mul3A_202 = vector.broadcast %mul3A_201 : f32 to vector<16xf32>
      %mul3A_203 = arith.mulf %add3A_198, %mul3A_202 : vector<16xf32>
      %select_n3A = arith.select %ge3A_200, %add3A_198, %mul3A_203 : vector<16xi1>, vector<16xf32>
      %exp3A = math.exp %select_n3A : vector<16xf32>
      %swap3A_204 = arith.constant 0 : index
      %swap3A_205 = tpu.vector_load %arg12[%swap3A_204] {strides = array<i32>} : memref<64xf32, #tpu.memory_space<vmem>>, vector<16xf32>,
      tpu.vector_store %arg12[%swap3A_204], %exp3A {strides = array<i32>} : memref<64xf32, #tpu.memory_space<vmem>>, vector<16xf32>,
      %get3A_206 = arith.index_cast %rem3A_182 : i32 to index
      %get3A_207 = arith.constant 16 : index
      %get3A_208 = tpu.vector_load %arg10[%get3A_206, %get3A_207] {strides = array<i32>} : memref<2x64xi32, #tpu.memory_space<vmem>>, vector<16xi32>,
      %get3A_209 = arith.index_cast %rem3A_182 : i32 to index
      %get3A_210 = arith.constant 16 : index
      %get3A_211 = tpu.vector_load %arg11[%get3A_209, %get3A_210] {strides = array<i32>} : memref<2x64xi32, #tpu.memory_space<vmem>>, vector<16xi32>,
      %gather3A_212 = tpu.vector_load_idx %arg8[%get3A_208] : memref<10240xf32, #tpu.memory_space<vmem>>[vector<16xi32>], vector<16xf32>,
      %gather3A_213 = tpu.vector_load_idx %arg9[%get3A_211] : memref<10240xf32, #tpu.memory_space<vmem>>[vector<16xi32>], vector<16xf32>,
      %add3A_214 = arith.addf %gather3A_212, %gather3A_213 : vector<16xf32>
      %ge3A_215 = arith.constant 0.000000e+00 : f32
      %ge3A_216 = vector.broadcast %ge3A_215 : f32 to vector<16xf32>
      %ge3A_217 = arith.cmpf oge, %add3A_214, %ge3A_216 : vector<16xf32>
      %mul3A_218 = arith.constant 2.000000e-01 : f32
      %mul3A_219 = vector.broadcast %mul3A_218 : f32 to vector<16xf32>
      %mul3A_220 = arith.mulf %add3A_214, %mul3A_219 : vector<16xf32>
      %select_n3A_221 = arith.select %ge3A_217, %add3A_214, %mul3A_220 : vector<16xi1>, vector<16xf32>
      %exp3A_222 = math.exp %select_n3A_221 : vector<16xf32>
      %swap3A_223 = arith.constant 16 : index
      %swap3A_224 = tpu.vector_load %arg12[%swap3A_223] {strides = array<i32>} : memref<64xf32, #tpu.memory_space<vmem>>, vector<16xf32>,
      tpu.vector_store %arg12[%swap3A_223], %exp3A_222 {strides = array<i32>} : memref<64xf32, #tpu.memory_space<vmem>>, vector<16xf32>,
      %get3A_225 = arith.index_cast %rem3A_182 : i32 to index
      %get3A_226 = arith.constant 32 : index
      %get3A_227 = tpu.vector_load %arg10[%get3A_225, %get3A_226] {strides = array<i32>} : memref<2x64xi32, #tpu.memory_space<vmem>>, vector<16xi32>,
      %get3A_228 = arith.index_cast %rem3A_182 : i32 to index
      %get3A_229 = arith.constant 32 : index
      %get3A_230 = tpu.vector_load %arg11[%get3A_228, %get3A_229] {strides = array<i32>} : memref<2x64xi32, #tpu.memory_space<vmem>>, vector<16xi32>,
      %gather3A_231 = tpu.vector_load_idx %arg8[%get3A_227] : memref<10240xf32, #tpu.memory_space<vmem>>[vector<16xi32>], vector<16xf32>,
      %gather3A_232 = tpu.vector_load_idx %arg9[%get3A_230] : memref<10240xf32, #tpu.memory_space<vmem>>[vector<16xi32>], vector<16xf32>,
      %add3A_233 = arith.addf %gather3A_231, %gather3A_232 : vector<16xf32>
      %ge3A_234 = arith.constant 0.000000e+00 : f32
      %ge3A_235 = vector.broadcast %ge3A_234 : f32 to vector<16xf32>
      %ge3A_236 = arith.cmpf oge, %add3A_233, %ge3A_235 : vector<16xf32>
      %mul3A_237 = arith.constant 2.000000e-01 : f32
      %mul3A_238 = vector.broadcast %mul3A_237 : f32 to vector<16xf32>
      %mul3A_239 = arith.mulf %add3A_233, %mul3A_238 : vector<16xf32>
      %select_n3A_240 = arith.select %ge3A_236, %add3A_233, %mul3A_239 : vector<16xi1>, vector<16xf32>
      %exp3A_241 = math.exp %select_n3A_240 : vector<16xf32>
      %swap3A_242 = arith.constant 32 : index
      %swap3A_243 = tpu.vector_load %arg12[%swap3A_242] {strides = array<i32>} : memref<64xf32, #tpu.memory_space<vmem>>, vector<16xf32>,
      tpu.vector_store %arg12[%swap3A_242], %exp3A_241 {strides = array<i32>} : memref<64xf32, #tpu.memory_space<vmem>>, vector<16xf32>,
      %get3A_244 = arith.index_cast %rem3A_182 : i32 to index
      %get3A_245 = arith.constant 48 : index
      %get3A_246 = tpu.vector_load %arg10[%get3A_244, %get3A_245] {strides = array<i32>} : memref<2x64xi32, #tpu.memory_space<vmem>>, vector<16xi32>,
      %get3A_247 = arith.index_cast %rem3A_182 : i32 to index
      %get3A_248 = arith.constant 48 : index
      %get3A_249 = tpu.vector_load %arg11[%get3A_247, %get3A_248] {strides = array<i32>} : memref<2x64xi32, #tpu.memory_space<vmem>>, vector<16xi32>,
      %gather3A_250 = tpu.vector_load_idx %arg8[%get3A_246] : memref<10240xf32, #tpu.memory_space<vmem>>[vector<16xi32>], vector<16xf32>,
      %gather3A_251 = tpu.vector_load_idx %arg9[%get3A_249] : memref<10240xf32, #tpu.memory_space<vmem>>[vector<16xi32>], vector<16xf32>,
      %add3A_252 = arith.addf %gather3A_250, %gather3A_251 : vector<16xf32>
      %ge3A_253 = arith.constant 0.000000e+00 : f32
      %ge3A_254 = vector.broadcast %ge3A_253 : f32 to vector<16xf32>
      %ge3A_255 = arith.cmpf oge, %add3A_252, %ge3A_254 : vector<16xf32>
      %mul3A_256 = arith.constant 2.000000e-01 : f32
      %mul3A_257 = vector.broadcast %mul3A_256 : f32 to vector<16xf32>
      %mul3A_258 = arith.mulf %add3A_252, %mul3A_257 : vector<16xf32>
      %select_n3A_259 = arith.select %ge3A_255, %add3A_252, %mul3A_258 : vector<16xi1>, vector<16xf32>
      %exp3A_260 = math.exp %select_n3A_259 : vector<16xf32>
      %swap3A_261 = arith.constant 48 : index
      %swap3A_262 = tpu.vector_load %arg12[%swap3A_261] {strides = array<i32>} : memref<64xf32, #tpu.memory_space<vmem>>, vector<16xf32>,
      tpu.vector_store %arg12[%swap3A_261], %exp3A_260 {strides = array<i32>} : memref<64xf32, #tpu.memory_space<vmem>>, vector<16xf32>,
      "tpu.region"() ({
        %run_scoped3A_280 = tpu.sem_alloc : memref<!tpu.dma_semaphore, #tpu.memory_space<semaphore_mem>>
        %dma_start3A_281 = arith.constant 0 : i32
        %dma_start3A_282 = tpu.memref_slice %arg11[%rem3A_182, %dma_start3A_281] : memref<2x64xi32, #tpu.memory_space<vmem>> -> memref<1x64xi32, #tpu.memory_space<vmem>>
        %dma_start3A_283 = tpu.memref_squeeze %dma_start3A_282 : memref<1x64xi32, #tpu.memory_space<vmem>> -> memref<64xi32, #tpu.memory_space<vmem>>
        %dma_start3A_284 = arith.constant 0 : i32
        %dma_start3A_285 = tpu.memref_slice %arg15[%dma_start3A_284] : memref<10240xf32, #tpu.memory_space<vmem_shared>> -> memref<10240xf32, #tpu.memory_space<vmem_shared>>
        tpu.enqueue_indirect_dma source(%arg12 : memref<64xf32, #tpu.memory_space<vmem>>) target(%dma_start3A_285 : memref<10240xf32, #tpu.memory_space<vmem_shared>>) offsets(%dma_start3A_283 : memref<64xi32, #tpu.memory_space<vmem>>) semaphore(%run_scoped3A_280 : memref<!tpu.dma_semaphore, #tpu.memory_space<semaphore_mem>>) {add = true}
        %dma_wait3A_286 = arith.constant 0 : i32
        %dma_wait3A_287 = tpu.memref_slice %arg11[%rem3A_182, %dma_wait3A_286] : memref<2x64xi32, #tpu.memory_space<vmem>> -> memref<1x64xi32, #tpu.memory_space<vmem>>
        %dma_wait3A_288 = tpu.memref_squeeze %dma_wait3A_287 : memref<1x64xi32, #tpu.memory_space<vmem>> -> memref<64xi32, #tpu.memory_space<vmem>>
        %dma_wait3A_289 = arith.constant 0 : i32
        %dma_wait3A_290 = tpu.memref_slice %arg15[%dma_wait3A_289] : memref<10240xf32, #tpu.memory_space<vmem_shared>> -> memref<10240xf32, #tpu.memory_space<vmem_shared>>
        tpu.wait_indirect_dma semaphore(%run_scoped3A_280 : memref<!tpu.dma_semaphore, #tpu.memory_space<semaphore_mem>>) src(%arg12 : memref<64xf32, #tpu.memory_space<vmem>>) dst(%dma_wait3A_290 : memref<10240xf32, #tpu.memory_space<vmem_shared>>)
        tpu.yield
      }) : () -> ()
      %dma_wait3A = arith.constant 0 : i32
      %dma_wait3A_263 = arith.constant 0 : i32
      %dma_wait3A_264 = tpu.memref_slice %arg13[%rem3A_182, %dma_wait3A, %dma_wait3A_263] : memref<2x64x128xf32, #tpu.memory_space<vmem>> -> memref<1x64x128xf32, #tpu.memory_space<vmem>>
      %dma_wait3A_265 = tpu.memref_squeeze %dma_wait3A_264 : memref<1x64x128xf32, #tpu.memory_space<vmem>> -> memref<64x128xf32, #tpu.memory_space<vmem>>
      %dma_wait3A_266 = arith.constant 0 : i32
      %dma_wait3A_267 = tpu.memref_slice %arg10[%rem3A_182, %dma_wait3A_266] : memref<2x64xi32, #tpu.memory_space<vmem>> -> memref<1x64xi32, #tpu.memory_space<vmem>>
      %dma_wait3A_268 = tpu.memref_squeeze %dma_wait3A_267 : memref<1x64xi32, #tpu.memory_space<vmem>> -> memref<64xi32, #tpu.memory_space<vmem>>
      %dma_wait3A_269 = arith.constant 0 : i32
      %dma_wait3A_270 = arith.constant 0 : i32
      %dma_wait3A_271 = tpu.memref_slice %arg2[%dma_wait3A_269, %dma_wait3A_270] : memref<10240x128xf32, #tpu.memory_space<hbm>> -> memref<10240x128xf32, #tpu.memory_space<hbm>>
      tpu.wait_indirect_dma semaphore(%arg16 : memref<!tpu.dma_semaphore, #tpu.memory_space<semaphore_mem>>) src(%dma_wait3A_271 : memref<10240x128xf32, #tpu.memory_space<hbm>>) dst(%dma_wait3A_265 : memref<64x128xf32, #tpu.memory_space<vmem>>)
      %scan3A_272 = arith.constant 0 : i32
      %scan3A_273 = arith.constant 0 : i32
      %scan3A_274 = arith.constant 64 : i32
      %scan3A_275 = arith.addi %scan3A_273, %scan3A_274 : i32
      %scan3A_276 = arith.constant 1 : i32
      %scan3A_277 = scf.for %scan3A_280 = %scan3A_273 to %scan3A_275 step %scan3A_276 iter_args(%scan3A_281 = %scan3A_272) -> (i32)  : i32 {
        %broadcast_in_dim3A_282 = vector.broadcast %scan3A_280 : i32 to vector<16xi32>
        %gather3A_283 = tpu.vector_load_idx %arg12[%broadcast_in_dim3A_282] : memref<64xf32, #tpu.memory_space<vmem>>[vector<16xi32>], vector<16xf32>,
        %get3A_284 = arith.index_cast %rem3A_182 : i32 to index
        %get3A_285 = arith.index_cast %scan3A_280 : i32 to index
        %get3A_286 = arith.constant 0 : index
        %get3A_287 = tpu.vector_load %arg13[%get3A_284, %get3A_285, %get3A_286] {strides = array<i32>} : memref<2x64x128xf32, #tpu.memory_space<vmem>>, vector<16xf32>,
        %mul3A_288 = arith.mulf %get3A_287, %gather3A_283 : vector<16xf32>
        %swap3A_289 = arith.index_cast %rem3A_182 : i32 to index
        %swap3A_290 = arith.index_cast %scan3A_280 : i32 to index
        %swap3A_291 = arith.constant 0 : index
        %swap3A_292 = tpu.vector_load %arg13[%swap3A_289, %swap3A_290, %swap3A_291] {strides = array<i32>} : memref<2x64x128xf32, #tpu.memory_space<vmem>>, vector<16xf32>,
        tpu.vector_store %arg13[%swap3A_289, %swap3A_290, %swap3A_291], %mul3A_288 {strides = array<i32>} : memref<2x64x128xf32, #tpu.memory_space<vmem>>, vector<16xf32>,
        %get3A_293 = arith.index_cast %rem3A_182 : i32 to index
        %get3A_294 = arith.index_cast %scan3A_280 : i32 to index
        %get3A_295 = arith.constant 16 : index
        %get3A_296 = tpu.vector_load %arg13[%get3A_293, %get3A_294, %get3A_295] {strides = array<i32>} : memref<2x64x128xf32, #tpu.memory_space<vmem>>, vector<16xf32>,
        %mul3A_297 = arith.mulf %get3A_296, %gather3A_283 : vector<16xf32>
        %swap3A_298 = arith.index_cast %rem3A_182 : i32 to index
        %swap3A_299 = arith.index_cast %scan3A_280 : i32 to index
        %swap3A_300 = arith.constant 16 : index
        %swap3A_301 = tpu.vector_load %arg13[%swap3A_298, %swap3A_299, %swap3A_300] {strides = array<i32>} : memref<2x64x128xf32, #tpu.memory_space<vmem>>, vector<16xf32>,
        tpu.vector_store %arg13[%swap3A_298, %swap3A_299, %swap3A_300], %mul3A_297 {strides = array<i32>} : memref<2x64x128xf32, #tpu.memory_space<vmem>>, vector<16xf32>,
        %get3A_302 = arith.index_cast %rem3A_182 : i32 to index
        %get3A_303 = arith.index_cast %scan3A_280 : i32 to index
        %get3A_304 = arith.constant 32 : index
        %get3A_305 = tpu.vector_load %arg13[%get3A_302, %get3A_303, %get3A_304] {strides = array<i32>} : memref<2x64x128xf32, #tpu.memory_space<vmem>>, vector<16xf32>,
        %mul3A_306 = arith.mulf %get3A_305, %gather3A_283 : vector<16xf32>
        %swap3A_307 = arith.index_cast %rem3A_182 : i32 to index
        %swap3A_308 = arith.index_cast %scan3A_280 : i32 to index
        %swap3A_309 = arith.constant 32 : index
        %swap3A_310 = tpu.vector_load %arg13[%swap3A_307, %swap3A_308, %swap3A_309] {strides = array<i32>} : memref<2x64x128xf32, #tpu.memory_space<vmem>>, vector<16xf32>,
        tpu.vector_store %arg13[%swap3A_307, %swap3A_308, %swap3A_309], %mul3A_306 {strides = array<i32>} : memref<2x64x128xf32, #tpu.memory_space<vmem>>, vector<16xf32>,
        %get3A_311 = arith.index_cast %rem3A_182 : i32 to index
        %get3A_312 = arith.index_cast %scan3A_280 : i32 to index
        %get3A_313 = arith.constant 48 : index
        %get3A_314 = tpu.vector_load %arg13[%get3A_311, %get3A_312, %get3A_313] {strides = array<i32>} : memref<2x64x128xf32, #tpu.memory_space<vmem>>, vector<16xf32>,
        %mul3A_315 = arith.mulf %get3A_314, %gather3A_283 : vector<16xf32>
        %swap3A_316 = arith.index_cast %rem3A_182 : i32 to index
        %swap3A_317 = arith.index_cast %scan3A_280 : i32 to index
        %swap3A_318 = arith.constant 48 : index
        %swap3A_319 = tpu.vector_load %arg13[%swap3A_316, %swap3A_317, %swap3A_318] {strides = array<i32>} : memref<2x64x128xf32, #tpu.memory_space<vmem>>, vector<16xf32>,
        tpu.vector_store %arg13[%swap3A_316, %swap3A_317, %swap3A_318], %mul3A_315 {strides = array<i32>} : memref<2x64x128xf32, #tpu.memory_space<vmem>>, vector<16xf32>,
        %get3A_320 = arith.index_cast %rem3A_182 : i32 to index
        %get3A_321 = arith.index_cast %scan3A_280 : i32 to index
        %get3A_322 = arith.constant 64 : index
        %get3A_323 = tpu.vector_load %arg13[%get3A_320, %get3A_321, %get3A_322] {strides = array<i32>} : memref<2x64x128xf32, #tpu.memory_space<vmem>>, vector<16xf32>,
        %mul3A_324 = arith.mulf %get3A_323, %gather3A_283 : vector<16xf32>
        %swap3A_325 = arith.index_cast %rem3A_182 : i32 to index
        %swap3A_326 = arith.index_cast %scan3A_280 : i32 to index
        %swap3A_327 = arith.constant 64 : index
        %swap3A_328 = tpu.vector_load %arg13[%swap3A_325, %swap3A_326, %swap3A_327] {strides = array<i32>} : memref<2x64x128xf32, #tpu.memory_space<vmem>>, vector<16xf32>,
        tpu.vector_store %arg13[%swap3A_325, %swap3A_326, %swap3A_327], %mul3A_324 {strides = array<i32>} : memref<2x64x128xf32, #tpu.memory_space<vmem>>, vector<16xf32>,
        %get3A_329 = arith.index_cast %rem3A_182 : i32 to index
        %get3A_330 = arith.index_cast %scan3A_280 : i32 to index
        %get3A_331 = arith.constant 80 : index
        %get3A_332 = tpu.vector_load %arg13[%get3A_329, %get3A_330, %get3A_331] {strides = array<i32>} : memref<2x64x128xf32, #tpu.memory_space<vmem>>, vector<16xf32>,
        %mul3A_333 = arith.mulf %get3A_332, %gather3A_283 : vector<16xf32>
        %swap3A_334 = arith.index_cast %rem3A_182 : i32 to index
        %swap3A_335 = arith.index_cast %scan3A_280 : i32 to index
        %swap3A_336 = arith.constant 80 : index
        %swap3A_337 = tpu.vector_load %arg13[%swap3A_334, %swap3A_335, %swap3A_336] {strides = array<i32>} : memref<2x64x128xf32, #tpu.memory_space<vmem>>, vector<16xf32>,
        tpu.vector_store %arg13[%swap3A_334, %swap3A_335, %swap3A_336], %mul3A_333 {strides = array<i32>} : memref<2x64x128xf32, #tpu.memory_space<vmem>>, vector<16xf32>,
        %get3A_338 = arith.index_cast %rem3A_182 : i32 to index
        %get3A_339 = arith.index_cast %scan3A_280 : i32 to index
        %get3A_340 = arith.constant 96 : index
        %get3A_341 = tpu.vector_load %arg13[%get3A_338, %get3A_339, %get3A_340] {strides = array<i32>} : memref<2x64x128xf32, #tpu.memory_space<vmem>>, vector<16xf32>,
        %mul3A_342 = arith.mulf %get3A_341, %gather3A_283 : vector<16xf32>
        %swap3A_343 = arith.index_cast %rem3A_182 : i32 to index
        %swap3A_344 = arith.index_cast %scan3A_280 : i32 to index
        %swap3A_345 = arith.constant 96 : index
        %swap3A_346 = tpu.vector_load %arg13[%swap3A_343, %swap3A_344, %swap3A_345] {strides = array<i32>} : memref<2x64x128xf32, #tpu.memory_space<vmem>>, vector<16xf32>,
        tpu.vector_store %arg13[%swap3A_343, %swap3A_344, %swap3A_345], %mul3A_342 {strides = array<i32>} : memref<2x64x128xf32, #tpu.memory_space<vmem>>, vector<16xf32>,
        %get3A_347 = arith.index_cast %rem3A_182 : i32 to index
        %get3A_348 = arith.index_cast %scan3A_280 : i32 to index
        %get3A_349 = arith.constant 112 : index
        %get3A_350 = tpu.vector_load %arg13[%get3A_347, %get3A_348, %get3A_349] {strides = array<i32>} : memref<2x64x128xf32, #tpu.memory_space<vmem>>, vector<16xf32>,
        %mul3A_351 = arith.mulf %get3A_350, %gather3A_283 : vector<16xf32>
        %swap3A_352 = arith.index_cast %rem3A_182 : i32 to index
        %swap3A_353 = arith.index_cast %scan3A_280 : i32 to index
        %swap3A_354 = arith.constant 112 : index
        %swap3A_355 = tpu.vector_load %arg13[%swap3A_352, %swap3A_353, %swap3A_354] {strides = array<i32>} : memref<2x64x128xf32, #tpu.memory_space<vmem>>, vector<16xf32>,
        tpu.vector_store %arg13[%swap3A_352, %swap3A_353, %swap3A_354], %mul3A_351 {strides = array<i32>} : memref<2x64x128xf32, #tpu.memory_space<vmem>>, vector<16xf32>,
        %scan3A_356 = arith.constant 0 : i32
        scf.yield %scan3A_356 : i32
      }
      %scan3A_278 = arith.constant 64 : i32
      "tpu.region"() ({
        %run_scoped3A_280 = tpu.sem_alloc : memref<!tpu.dma_semaphore, #tpu.memory_space<semaphore_mem>>
        %dma_start3A_281 = arith.constant 0 : i32
        %dma_start3A_282 = arith.constant 0 : i32
        %dma_start3A_283 = tpu.memref_slice %arg13[%rem3A_182, %dma_start3A_281, %dma_start3A_282] : memref<2x64x128xf32, #tpu.memory_space<vmem>> -> memref<1x64x128xf32, #tpu.memory_space<vmem>>
        %dma_start3A_284 = tpu.memref_squeeze %dma_start3A_283 : memref<1x64x128xf32, #tpu.memory_space<vmem>> -> memref<64x128xf32, #tpu.memory_space<vmem>>
        %dma_start3A_285 = arith.constant 0 : i32
        %dma_start3A_286 = tpu.memref_slice %arg11[%rem3A_182, %dma_start3A_285] : memref<2x64xi32, #tpu.memory_space<vmem>> -> memref<1x64xi32, #tpu.memory_space<vmem>>
        %dma_start3A_287 = tpu.memref_squeeze %dma_start3A_286 : memref<1x64xi32, #tpu.memory_space<vmem>> -> memref<64xi32, #tpu.memory_space<vmem>>
        %dma_start3A_288 = arith.constant 0 : i32
        %dma_start3A_289 = arith.constant 0 : i32
        %dma_start3A_290 = tpu.memref_slice %arg14[%dma_start3A_288, %dma_start3A_289] : memref<10240x128xf32, #tpu.memory_space<vmem_shared>> -> memref<10240x128xf32, #tpu.memory_space<vmem_shared>>
        tpu.enqueue_indirect_dma source(%dma_start3A_284 : memref<64x128xf32, #tpu.memory_space<vmem>>) target(%dma_start3A_290 : memref<10240x128xf32, #tpu.memory_space<vmem_shared>>) offsets(%dma_start3A_287 : memref<64xi32, #tpu.memory_space<vmem>>) semaphore(%run_scoped3A_280 : memref<!tpu.dma_semaphore, #tpu.memory_space<semaphore_mem>>) {add = true}
        %dma_wait3A_291 = arith.constant 0 : i32
        %dma_wait3A_292 = arith.constant 0 : i32
        %dma_wait3A_293 = tpu.memref_slice %arg13[%rem3A_182, %dma_wait3A_291, %dma_wait3A_292] : memref<2x64x128xf32, #tpu.memory_space<vmem>> -> memref<1x64x128xf32, #tpu.memory_space<vmem>>
        %dma_wait3A_294 = tpu.memref_squeeze %dma_wait3A_293 : memref<1x64x128xf32, #tpu.memory_space<vmem>> -> memref<64x128xf32, #tpu.memory_space<vmem>>
        %dma_wait3A_295 = arith.constant 0 : i32
        %dma_wait3A_296 = tpu.memref_slice %arg11[%rem3A_182, %dma_wait3A_295] : memref<2x64xi32, #tpu.memory_space<vmem>> -> memref<1x64xi32, #tpu.memory_space<vmem>>
        %dma_wait3A_297 = tpu.memref_squeeze %dma_wait3A_296 : memref<1x64xi32, #tpu.memory_space<vmem>> -> memref<64xi32, #tpu.memory_space<vmem>>
        %dma_wait3A_298 = arith.constant 0 : i32
        %dma_wait3A_299 = arith.constant 0 : i32
        %dma_wait3A_300 = tpu.memref_slice %arg14[%dma_wait3A_298, %dma_wait3A_299] : memref<10240x128xf32, #tpu.memory_space<vmem_shared>> -> memref<10240x128xf32, #tpu.memory_space<vmem_shared>>
        tpu.wait_indirect_dma semaphore(%run_scoped3A_280 : memref<!tpu.dma_semaphore, #tpu.memory_space<semaphore_mem>>) src(%dma_wait3A_294 : memref<64x128xf32, #tpu.memory_space<vmem>>) dst(%dma_wait3A_300 : memref<10240x128xf32, #tpu.memory_space<vmem_shared>>)
        tpu.yield
      }) : () -> ()
      %scan3A_279 = arith.constant 0 : i32
      scf.yield %scan3A_279 : i32
    }
    %scan3A_118 = arith.constant 160 : i32
    %barrier3A_119 = arith.constant 0 : index
    tpu.barrier barrier_id(%barrier3A_119)
    %mul3A_120 = arith.constant 640 : i32
    %mul3A_121 = arith.muli %arg1, %mul3A_120 : i32
    %add3A_122 = arith.constant 0 : i32
    %add3A_123 = arith.addi %mul3A_121, %add3A_122 : i32
    %run_scoped3A_124 = arith.constant 0 : i32
    "tpu.region"() ({
      %run_scoped3A_180 = tpu.sem_alloc : memref<!tpu.dma_semaphore, #tpu.memory_space<semaphore_mem>>
      %dma_start3A = arith.constant 0 : i32
      %dma_start3A_181 = arith.constant 0 : i32
      %dma_start3A_182 = tpu.memref_slice %arg13[%run_scoped3A_124, %dma_start3A, %dma_start3A_181] : memref<2x64x128xf32, #tpu.memory_space<vmem>> -> memref<1x64x128xf32, #tpu.memory_space<vmem>>
      %dma_start3A_183 = tpu.memref_squeeze %dma_start3A_182 : memref<1x64x128xf32, #tpu.memory_space<vmem>> -> memref<64x128xf32, #tpu.memory_space<vmem>>
      %dma_start3A_184 = arith.constant 0 : i32
      %dma_start3A_185 = tpu.memref_slice %arg14[%add3A_123, %dma_start3A_184] : memref<10240x128xf32, #tpu.memory_space<vmem_shared>> -> memref<64x128xf32, #tpu.memory_space<vmem_shared>>
      %dma_start3A_186 = arith.constant 0 : i32
      %dma_start3A_187 = arith.constant 0 : i32
      %dma_start3A_188 = tpu.memref_slice %arg13[%run_scoped3A_124, %dma_start3A_186, %dma_start3A_187] : memref<2x64x128xf32, #tpu.memory_space<vmem>> -> memref<1x64x128xf32, #tpu.memory_space<vmem>>
      %dma_start3A_189 = tpu.memref_squeeze %dma_start3A_188 : memref<1x64x128xf32, #tpu.memory_space<vmem>> -> memref<64x128xf32, #tpu.memory_space<vmem>>
      %dma_start3A_190 = arith.constant 0 : i32
      %dma_start3A_191 = tpu.memref_slice %arg14[%add3A_123, %dma_start3A_190] : memref<10240x128xf32, #tpu.memory_space<vmem_shared>> -> memref<64x128xf32, #tpu.memory_space<vmem_shared>>
      tpu.enqueue_dma source(%dma_start3A_191 : memref<64x128xf32, #tpu.memory_space<vmem_shared>>) target(%dma_start3A_189 : memref<64x128xf32, #tpu.memory_space<vmem>>) target_semaphore(%run_scoped3A_180 : memref<!tpu.dma_semaphore, #tpu.memory_space<semaphore_mem>>)
      %dma_wait3A = arith.constant 0 : i32
      %dma_wait3A_192 = arith.constant 0 : i32
      %dma_wait3A_193 = tpu.memref_slice %arg13[%run_scoped3A_124, %dma_wait3A, %dma_wait3A_192] : memref<2x64x128xf32, #tpu.memory_space<vmem>> -> memref<1x64x128xf32, #tpu.memory_space<vmem>>
      %dma_wait3A_194 = tpu.memref_squeeze %dma_wait3A_193 : memref<1x64x128xf32, #tpu.memory_space<vmem>> -> memref<64x128xf32, #tpu.memory_space<vmem>>
      %dma_wait3A_195 = arith.constant 0 : i32
      %dma_wait3A_196 = tpu.memref_slice %arg14[%add3A_123, %dma_wait3A_195] : memref<10240x128xf32, #tpu.memory_space<vmem_shared>> -> memref<64x128xf32, #tpu.memory_space<vmem_shared>>
      %dma_wait3A_197 = arith.constant 0 : i32
      %dma_wait3A_198 = arith.constant 0 : i32
      %dma_wait3A_199 = tpu.memref_slice %arg13[%run_scoped3A_124, %dma_wait3A_197, %dma_wait3A_198] : memref<2x64x128xf32, #tpu.memory_space<vmem>> -> memref<1x64x128xf32, #tpu.memory_space<vmem>>
      %dma_wait3A_200 = tpu.memref_squeeze %dma_wait3A_199 : memref<1x64x128xf32, #tpu.memory_space<vmem>> -> memref<64x128xf32, #tpu.memory_space<vmem>>
      %dma_wait3A_201 = arith.constant 0 : i32
      %dma_wait3A_202 = tpu.memref_slice %arg14[%add3A_123, %dma_wait3A_201] : memref<10240x128xf32, #tpu.memory_space<vmem_shared>> -> memref<64x128xf32, #tpu.memory_space<vmem_shared>>
      tpu.wait_dma2 semaphore(%run_scoped3A_180 : memref<!tpu.dma_semaphore, #tpu.memory_space<semaphore_mem>>) src(%dma_wait3A_202 : memref<64x128xf32, #tpu.memory_space<vmem_shared>>) dst(%dma_wait3A_200 : memref<64x128xf32, #tpu.memory_space<vmem>>)
      tpu.yield
    }) : () -> ()
    %run_scoped3A_125 = arith.constant 0 : i32
    "tpu.region"() ({
      %run_scoped3A_180 = tpu.sem_alloc : memref<!tpu.dma_semaphore, #tpu.memory_space<semaphore_mem>>
      %dma_start3A = arith.constant 0 : i32
      %dma_start3A_181 = arith.constant 0 : i32
      %dma_start3A_182 = tpu.memref_slice %arg13[%run_scoped3A_125, %dma_start3A, %dma_start3A_181] : memref<2x64x128xf32, #tpu.memory_space<vmem>> -> memref<1x64x128xf32, #tpu.memory_space<vmem>>
      %dma_start3A_183 = tpu.memref_squeeze %dma_start3A_182 : memref<1x64x128xf32, #tpu.memory_space<vmem>> -> memref<64x128xf32, #tpu.memory_space<vmem>>
      %dma_start3A_184 = arith.constant 0 : i32
      %dma_start3A_185 = tpu.memref_slice %arg6[%arg0, %add3A_123, %dma_start3A_184] : memref<2x10240x128xf32, #tpu.memory_space<hbm>> -> memref<1x64x128xf32, #tpu.memory_space<hbm>>
      %dma_start3A_186 = tpu.memref_squeeze %dma_start3A_185 : memref<1x64x128xf32, #tpu.memory_space<hbm>> -> memref<64x128xf32, #tpu.memory_space<hbm>>
      %dma_start3A_187 = arith.constant 0 : i32
      %dma_start3A_188 = tpu.memref_slice %arg6[%arg0, %add3A_123, %dma_start3A_187] : memref<2x10240x128xf32, #tpu.memory_space<hbm>> -> memref<1x64x128xf32, #tpu.memory_space<hbm>>
      %dma_start3A_189 = tpu.memref_squeeze %dma_start3A_188 : memref<1x64x128xf32, #tpu.memory_space<hbm>> -> memref<64x128xf32, #tpu.memory_space<hbm>>
      %dma_start3A_190 = arith.constant 0 : i32
      %dma_start3A_191 = arith.constant 0 : i32
      %dma_start3A_192 = tpu.memref_slice %arg13[%run_scoped3A_125, %dma_start3A_190, %dma_start3A_191] : memref<2x64x128xf32, #tpu.memory_space<vmem>> -> memref<1x64x128xf32, #tpu.memory_space<vmem>>
      %dma_start3A_193 = tpu.memref_squeeze %dma_start3A_192 : memref<1x64x128xf32, #tpu.memory_space<vmem>> -> memref<64x128xf32, #tpu.memory_space<vmem>>
      tpu.enqueue_dma source(%dma_start3A_193 : memref<64x128xf32, #tpu.memory_space<vmem>>) target(%dma_start3A_189 : memref<64x128xf32, #tpu.memory_space<hbm>>) target_semaphore(%run_scoped3A_180 : memref<!tpu.dma_semaphore, #tpu.memory_space<semaphore_mem>>)
      %dma_wait3A = arith.constant 0 : i32
      %dma_wait3A_194 = arith.constant 0 : i32
      %dma_wait3A_195 = tpu.memref_slice %arg13[%run_scoped3A_125, %dma_wait3A, %dma_wait3A_194] : memref<2x64x128xf32, #tpu.memory_space<vmem>> -> memref<1x64x128xf32, #tpu.memory_space<vmem>>
      %dma_wait3A_196 = tpu.memref_squeeze %dma_wait3A_195 : memref<1x64x128xf32, #tpu.memory_space<vmem>> -> memref<64x128xf32, #tpu.memory_space<vmem>>
      %dma_wait3A_197 = arith.constant 0 : i32
      %dma_wait3A_198 = tpu.memref_slice %arg6[%arg0, %add3A_123, %dma_wait3A_197] : memref<2x10240x128xf32, #tpu.memory_space<hbm>> -> memref<1x64x128xf32, #tpu.memory_space<hbm>>
      %dma_wait3A_199 = tpu.memref_squeeze %dma_wait3A_198 : memref<1x64x128xf32, #tpu.memory_space<hbm>> -> memref<64x128xf32, #tpu.memory_space<hbm>>
      %dma_wait3A_200 = arith.constant 0 : i32
      %dma_wait3A_201 = tpu.memref_slice %arg6[%arg0, %add3A_123, %dma_wait3A_200] : memref<2x10240x128xf32, #tpu.memory_space<hbm>> -> memref<1x64x128xf32, #tpu.memory_space<hbm>>
      %dma_wait3A_202 = tpu.memref_squeeze %dma_wait3A_201 : memref<1x64x128xf32, #tpu.memory_space<hbm>> -> memref<64x128xf32, #tpu.memory_space<hbm>>
      %dma_wait3A_203 = arith.constant 0 : i32
      %dma_wait3A_204 = arith.constant 0 : i32
      %dma_wait3A_205 = tpu.memref_slice %arg13[%run_scoped3A_125, %dma_wait3A_203, %dma_wait3A_204] : memref<2x64x128xf32, #tpu.memory_space<vmem>> -> memref<1x64x128xf32, #tpu.memory_space<vmem>>
      %dma_wait3A_206 = tpu.memref_squeeze %dma_wait3A_205 : memref<1x64x128xf32, #tpu.memory_space<vmem>> -> memref<64x128xf32, #tpu.memory_space<vmem>>
      tpu.wait_dma2 semaphore(%run_scoped3A_180 : memref<!tpu.dma_semaphore, #tpu.memory_space<semaphore_mem>>) src(%dma_wait3A_206 : memref<64x128xf32, #tpu.memory_space<vmem>>) dst(%dma_wait3A_202 : memref<64x128xf32, #tpu.memory_space<hbm>>)
      tpu.yield
    }) : () -> ()
    "tpu.region"() ({
      %run_scoped3A_180 = tpu.sem_alloc : memref<!tpu.dma_semaphore, #tpu.memory_space<semaphore_mem>>
      %dma_start3A = tpu.memref_slice %arg15[%add3A_123] : memref<10240xf32, #tpu.memory_space<vmem_shared>> -> memref<64xf32, #tpu.memory_space<vmem_shared>>
      %dma_start3A_181 = tpu.memref_slice %arg15[%add3A_123] : memref<10240xf32, #tpu.memory_space<vmem_shared>> -> memref<64xf32, #tpu.memory_space<vmem_shared>>
      tpu.enqueue_dma source(%dma_start3A_181 : memref<64xf32, #tpu.memory_space<vmem_shared>>) target(%arg12 : memref<64xf32, #tpu.memory_space<vmem>>) target_semaphore(%run_scoped3A_180 : memref<!tpu.dma_semaphore, #tpu.memory_space<semaphore_mem>>)
      %dma_wait3A = tpu.memref_slice %arg15[%add3A_123] : memref<10240xf32, #tpu.memory_space<vmem_shared>> -> memref<64xf32, #tpu.memory_space<vmem_shared>>
      %dma_wait3A_182 = tpu.memref_slice %arg15[%add3A_123] : memref<10240xf32, #tpu.memory_space<vmem_shared>> -> memref<64xf32, #tpu.memory_space<vmem_shared>>
      tpu.wait_dma2 semaphore(%run_scoped3A_180 : memref<!tpu.dma_semaphore, #tpu.memory_space<semaphore_mem>>) src(%dma_wait3A_182 : memref<64xf32, #tpu.memory_space<vmem_shared>>) dst(%arg12 : memref<64xf32, #tpu.memory_space<vmem>>)
      tpu.yield
    }) : () -> ()
    "tpu.region"() ({
      %run_scoped3A_180 = tpu.sem_alloc : memref<!tpu.dma_semaphore, #tpu.memory_space<semaphore_mem>>
      %dma_start3A = tpu.memref_slice %arg7[%arg0, %add3A_123] : memref<2x10240xf32, #tpu.memory_space<hbm>> -> memref<1x64xf32, #tpu.memory_space<hbm>>
      %dma_start3A_181 = tpu.memref_squeeze %dma_start3A : memref<1x64xf32, #tpu.memory_space<hbm>> -> memref<64xf32, #tpu.memory_space<hbm>>
      %dma_start3A_182 = tpu.memref_slice %arg7[%arg0, %add3A_123] : memref<2x10240xf32, #tpu.memory_space<hbm>> -> memref<1x64xf32, #tpu.memory_space<hbm>>
      %dma_start3A_183 = tpu.memref_squeeze %dma_start3A_182 : memref<1x64xf32, #tpu.memory_space<hbm>> -> memref<64xf32, #tpu.memory_space<hbm>>
      tpu.enqueue_dma source(%arg12 : memref<64xf32, #tpu.memory_space<vmem>>) target(%dma_start3A_183 : memref<64xf32, #tpu.memory_space<hbm>>) target_semaphore(%run_scoped3A_180 : memref<!tpu.dma_semaphore, #tpu.memory_space<semaphore_mem>>)
      %dma_wait3A = tpu.memref_slice %arg7[%arg0, %add3A_123] : memref<2x10240xf32, #tpu.memory_space<hbm>> -> memref<1x64xf32, #tpu.memory_space<hbm>>
      %dma_wait3A_184 = tpu.memref_squeeze %dma_wait3A : memref<1x64xf32, #tpu.memory_space<hbm>> -> memref<64xf32, #tpu.memory_space<hbm>>
      %dma_wait3A_185 = tpu.memref_slice %arg7[%arg0, %add3A_123] : memref<2x10240xf32, #tpu.memory_space<hbm>> -> memref<1x64xf32, #tpu.memory_space<hbm>>
      %dma_wait3A_186 = tpu.memref_squeeze %dma_wait3A_185 : memref<1x64xf32, #tpu.memory_space<hbm>> -> memref<64xf32, #tpu.memory_space<hbm>>
      tpu.wait_dma2 semaphore(%run_scoped3A_180 : memref<!tpu.dma_semaphore, #tpu.memory_space<semaphore_mem>>) src(%arg12 : memref<64xf32, #tpu.memory_space<vmem>>) dst(%dma_wait3A_186 : memref<64xf32, #tpu.memory_space<hbm>>)
      tpu.yield
    }) : () -> ()
    %mul3A_126 = arith.constant 640 : i32
    %mul3A_127 = arith.muli %arg1, %mul3A_126 : i32
    %add3A_128 = arith.constant 64 : i32
    %add3A_129 = arith.addi %mul3A_127, %add3A_128 : i32
    %run_scoped3A_130 = arith.constant 0 : i32
    "tpu.region"() ({
      %run_scoped3A_180 = tpu.sem_alloc : memref<!tpu.dma_semaphore, #tpu.memory_space<semaphore_mem>>
      %dma_start3A = arith.constant 0 : i32
      %dma_start3A_181 = arith.constant 0 : i32
      %dma_start3A_182 = tpu.memref_slice %arg13[%run_scoped3A_130, %dma_start3A, %dma_start3A_181] : memref<2x64x128xf32, #tpu.memory_space<vmem>> -> memref<1x64x128xf32, #tpu.memory_space<vmem>>
      %dma_start3A_183 = tpu.memref_squeeze %dma_start3A_182 : memref<1x64x128xf32, #tpu.memory_space<vmem>> -> memref<64x128xf32, #tpu.memory_space<vmem>>
      %dma_start3A_184 = arith.constant 0 : i32
      %dma_start3A_185 = tpu.memref_slice %arg14[%add3A_129, %dma_start3A_184] : memref<10240x128xf32, #tpu.memory_space<vmem_shared>> -> memref<64x128xf32, #tpu.memory_space<vmem_shared>>
      %dma_start3A_186 = arith.constant 0 : i32
      %dma_start3A_187 = arith.constant 0 : i32
      %dma_start3A_188 = tpu.memref_slice %arg13[%run_scoped3A_130, %dma_start3A_186, %dma_start3A_187] : memref<2x64x128xf32, #tpu.memory_space<vmem>> -> memref<1x64x128xf32, #tpu.memory_space<vmem>>
      %dma_start3A_189 = tpu.memref_squeeze %dma_start3A_188 : memref<1x64x128xf32, #tpu.memory_space<vmem>> -> memref<64x128xf32, #tpu.memory_space<vmem>>
      %dma_start3A_190 = arith.constant 0 : i32
      %dma_start3A_191 = tpu.memref_slice %arg14[%add3A_129, %dma_start3A_190] : memref<10240x128xf32, #tpu.memory_space<vmem_shared>> -> memref<64x128xf32, #tpu.memory_space<vmem_shared>>
      tpu.enqueue_dma source(%dma_start3A_191 : memref<64x128xf32, #tpu.memory_space<vmem_shared>>) target(%dma_start3A_189 : memref<64x128xf32, #tpu.memory_space<vmem>>) target_semaphore(%run_scoped3A_180 : memref<!tpu.dma_semaphore, #tpu.memory_space<semaphore_mem>>)
      %dma_wait3A = arith.constant 0 : i32
      %dma_wait3A_192 = arith.constant 0 : i32
      %dma_wait3A_193 = tpu.memref_slice %arg13[%run_scoped3A_130, %dma_wait3A, %dma_wait3A_192] : memref<2x64x128xf32, #tpu.memory_space<vmem>> -> memref<1x64x128xf32, #tpu.memory_space<vmem>>
      %dma_wait3A_194 = tpu.memref_squeeze %dma_wait3A_193 : memref<1x64x128xf32, #tpu.memory_space<vmem>> -> memref<64x128xf32, #tpu.memory_space<vmem>>
      %dma_wait3A_195 = arith.constant 0 : i32
      %dma_wait3A_196 = tpu.memref_slice %arg14[%add3A_129, %dma_wait3A_195] : memref<10240x128xf32, #tpu.memory_space<vmem_shared>> -> memref<64x128xf32, #tpu.memory_space<vmem_shared>>
      %dma_wait3A_197 = arith.constant 0 : i32
      %dma_wait3A_198 = arith.constant 0 : i32
      %dma_wait3A_199 = tpu.memref_slice %arg13[%run_scoped3A_130, %dma_wait3A_197, %dma_wait3A_198] : memref<2x64x128xf32, #tpu.memory_space<vmem>> -> memref<1x64x128xf32, #tpu.memory_space<vmem>>
      %dma_wait3A_200 = tpu.memref_squeeze %dma_wait3A_199 : memref<1x64x128xf32, #tpu.memory_space<vmem>> -> memref<64x128xf32, #tpu.memory_space<vmem>>
      %dma_wait3A_201 = arith.constant 0 : i32
      %dma_wait3A_202 = tpu.memref_slice %arg14[%add3A_129, %dma_wait3A_201] : memref<10240x128xf32, #tpu.memory_space<vmem_shared>> -> memref<64x128xf32, #tpu.memory_space<vmem_shared>>
      tpu.wait_dma2 semaphore(%run_scoped3A_180 : memref<!tpu.dma_semaphore, #tpu.memory_space<semaphore_mem>>) src(%dma_wait3A_202 : memref<64x128xf32, #tpu.memory_space<vmem_shared>>) dst(%dma_wait3A_200 : memref<64x128xf32, #tpu.memory_space<vmem>>)
      tpu.yield
    }) : () -> ()
    %run_scoped3A_131 = arith.constant 0 : i32
    "tpu.region"() ({
      %run_scoped3A_180 = tpu.sem_alloc : memref<!tpu.dma_semaphore, #tpu.memory_space<semaphore_mem>>
      %dma_start3A = arith.constant 0 : i32
      %dma_start3A_181 = arith.constant 0 : i32
      %dma_start3A_182 = tpu.memref_slice %arg13[%run_scoped3A_131, %dma_start3A, %dma_start3A_181] : memref<2x64x128xf32, #tpu.memory_space<vmem>> -> memref<1x64x128xf32, #tpu.memory_space<vmem>>
      %dma_start3A_183 = tpu.memref_squeeze %dma_start3A_182 : memref<1x64x128xf32, #tpu.memory_space<vmem>> -> memref<64x128xf32, #tpu.memory_space<vmem>>
      %dma_start3A_184 = arith.constant 0 : i32
      %dma_start3A_185 = tpu.memref_slice %arg6[%arg0, %add3A_129, %dma_start3A_184] : memref<2x10240x128xf32, #tpu.memory_space<hbm>> -> memref<1x64x128xf32, #tpu.memory_space<hbm>>
      %dma_start3A_186 = tpu.memref_squeeze %dma_start3A_185 : memref<1x64x128xf32, #tpu.memory_space<hbm>> -> memref<64x128xf32, #tpu.memory_space<hbm>>
      %dma_start3A_187 = arith.constant 0 : i32
      %dma_start3A_188 = tpu.memref_slice %arg6[%arg0, %add3A_129, %dma_start3A_187] : memref<2x10240x128xf32, #tpu.memory_space<hbm>> -> memref<1x64x128xf32, #tpu.memory_space<hbm>>
      %dma_start3A_189 = tpu.memref_squeeze %dma_start3A_188 : memref<1x64x128xf32, #tpu.memory_space<hbm>> -> memref<64x128xf32, #tpu.memory_space<hbm>>
      %dma_start3A_190 = arith.constant 0 : i32
      %dma_start3A_191 = arith.constant 0 : i32
      %dma_start3A_192 = tpu.memref_slice %arg13[%run_scoped3A_131, %dma_start3A_190, %dma_start3A_191] : memref<2x64x128xf32, #tpu.memory_space<vmem>> -> memref<1x64x128xf32, #tpu.memory_space<vmem>>
      %dma_start3A_193 = tpu.memref_squeeze %dma_start3A_192 : memref<1x64x128xf32, #tpu.memory_space<vmem>> -> memref<64x128xf32, #tpu.memory_space<vmem>>
      tpu.enqueue_dma source(%dma_start3A_193 : memref<64x128xf32, #tpu.memory_space<vmem>>) target(%dma_start3A_189 : memref<64x128xf32, #tpu.memory_space<hbm>>) target_semaphore(%run_scoped3A_180 : memref<!tpu.dma_semaphore, #tpu.memory_space<semaphore_mem>>)
      %dma_wait3A = arith.constant 0 : i32
      %dma_wait3A_194 = arith.constant 0 : i32
      %dma_wait3A_195 = tpu.memref_slice %arg13[%run_scoped3A_131, %dma_wait3A, %dma_wait3A_194] : memref<2x64x128xf32, #tpu.memory_space<vmem>> -> memref<1x64x128xf32, #tpu.memory_space<vmem>>
      %dma_wait3A_196 = tpu.memref_squeeze %dma_wait3A_195 : memref<1x64x128xf32, #tpu.memory_space<vmem>> -> memref<64x128xf32, #tpu.memory_space<vmem>>
      %dma_wait3A_197 = arith.constant 0 : i32
      %dma_wait3A_198 = tpu.memref_slice %arg6[%arg0, %add3A_129, %dma_wait3A_197] : memref<2x10240x128xf32, #tpu.memory_space<hbm>> -> memref<1x64x128xf32, #tpu.memory_space<hbm>>
      %dma_wait3A_199 = tpu.memref_squeeze %dma_wait3A_198 : memref<1x64x128xf32, #tpu.memory_space<hbm>> -> memref<64x128xf32, #tpu.memory_space<hbm>>
      %dma_wait3A_200 = arith.constant 0 : i32
      %dma_wait3A_201 = tpu.memref_slice %arg6[%arg0, %add3A_129, %dma_wait3A_200] : memref<2x10240x128xf32, #tpu.memory_space<hbm>> -> memref<1x64x128xf32, #tpu.memory_space<hbm>>
      %dma_wait3A_202 = tpu.memref_squeeze %dma_wait3A_201 : memref<1x64x128xf32, #tpu.memory_space<hbm>> -> memref<64x128xf32, #tpu.memory_space<hbm>>
      %dma_wait3A_203 = arith.constant 0 : i32
      %dma_wait3A_204 = arith.constant 0 : i32
      %dma_wait3A_205 = tpu.memref_slice %arg13[%run_scoped3A_131, %dma_wait3A_203, %dma_wait3A_204] : memref<2x64x128xf32, #tpu.memory_space<vmem>> -> memref<1x64x128xf32, #tpu.memory_space<vmem>>
      %dma_wait3A_206 = tpu.memref_squeeze %dma_wait3A_205 : memref<1x64x128xf32, #tpu.memory_space<vmem>> -> memref<64x128xf32, #tpu.memory_space<vmem>>
      tpu.wait_dma2 semaphore(%run_scoped3A_180 : memref<!tpu.dma_semaphore, #tpu.memory_space<semaphore_mem>>) src(%dma_wait3A_206 : memref<64x128xf32, #tpu.memory_space<vmem>>) dst(%dma_wait3A_202 : memref<64x128xf32, #tpu.memory_space<hbm>>)
      tpu.yield
    }) : () -> ()
    "tpu.region"() ({
      %run_scoped3A_180 = tpu.sem_alloc : memref<!tpu.dma_semaphore, #tpu.memory_space<semaphore_mem>>
      %dma_start3A = tpu.memref_slice %arg15[%add3A_129] : memref<10240xf32, #tpu.memory_space<vmem_shared>> -> memref<64xf32, #tpu.memory_space<vmem_shared>>
      %dma_start3A_181 = tpu.memref_slice %arg15[%add3A_129] : memref<10240xf32, #tpu.memory_space<vmem_shared>> -> memref<64xf32, #tpu.memory_space<vmem_shared>>
      tpu.enqueue_dma source(%dma_start3A_181 : memref<64xf32, #tpu.memory_space<vmem_shared>>) target(%arg12 : memref<64xf32, #tpu.memory_space<vmem>>) target_semaphore(%run_scoped3A_180 : memref<!tpu.dma_semaphore, #tpu.memory_space<semaphore_mem>>)
      %dma_wait3A = tpu.memref_slice %arg15[%add3A_129] : memref<10240xf32, #tpu.memory_space<vmem_shared>> -> memref<64xf32, #tpu.memory_space<vmem_shared>>
      %dma_wait3A_182 = tpu.memref_slice %arg15[%add3A_129] : memref<10240xf32, #tpu.memory_space<vmem_shared>> -> memref<64xf32, #tpu.memory_space<vmem_shared>>
      tpu.wait_dma2 semaphore(%run_scoped3A_180 : memref<!tpu.dma_semaphore, #tpu.memory_space<semaphore_mem>>) src(%dma_wait3A_182 : memref<64xf32, #tpu.memory_space<vmem_shared>>) dst(%arg12 : memref<64xf32, #tpu.memory_space<vmem>>)
      tpu.yield
    }) : () -> ()
    "tpu.region"() ({
      %run_scoped3A_180 = tpu.sem_alloc : memref<!tpu.dma_semaphore, #tpu.memory_space<semaphore_mem>>
      %dma_start3A = tpu.memref_slice %arg7[%arg0, %add3A_129] : memref<2x10240xf32, #tpu.memory_space<hbm>> -> memref<1x64xf32, #tpu.memory_space<hbm>>
      %dma_start3A_181 = tpu.memref_squeeze %dma_start3A : memref<1x64xf32, #tpu.memory_space<hbm>> -> memref<64xf32, #tpu.memory_space<hbm>>
      %dma_start3A_182 = tpu.memref_slice %arg7[%arg0, %add3A_129] : memref<2x10240xf32, #tpu.memory_space<hbm>> -> memref<1x64xf32, #tpu.memory_space<hbm>>
      %dma_start3A_183 = tpu.memref_squeeze %dma_start3A_182 : memref<1x64xf32, #tpu.memory_space<hbm>> -> memref<64xf32, #tpu.memory_space<hbm>>
      tpu.enqueue_dma source(%arg12 : memref<64xf32, #tpu.memory_space<vmem>>) target(%dma_start3A_183 : memref<64xf32, #tpu.memory_space<hbm>>) target_semaphore(%run_scoped3A_180 : memref<!tpu.dma_semaphore, #tpu.memory_space<semaphore_mem>>)
      %dma_wait3A = tpu.memref_slice %arg7[%arg0, %add3A_129] : memref<2x10240xf32, #tpu.memory_space<hbm>> -> memref<1x64xf32, #tpu.memory_space<hbm>>
      %dma_wait3A_184 = tpu.memref_squeeze %dma_wait3A : memref<1x64xf32, #tpu.memory_space<hbm>> -> memref<64xf32, #tpu.memory_space<hbm>>
      %dma_wait3A_185 = tpu.memref_slice %arg7[%arg0, %add3A_129] : memref<2x10240xf32, #tpu.memory_space<hbm>> -> memref<1x64xf32, #tpu.memory_space<hbm>>
      %dma_wait3A_186 = tpu.memref_squeeze %dma_wait3A_185 : memref<1x64xf32, #tpu.memory_space<hbm>> -> memref<64xf32, #tpu.memory_space<hbm>>
      tpu.wait_dma2 semaphore(%run_scoped3A_180 : memref<!tpu.dma_semaphore, #tpu.memory_space<semaphore_mem>>) src(%arg12 : memref<64xf32, #tpu.memory_space<vmem>>) dst(%dma_wait3A_186 : memref<64xf32, #tpu.memory_space<hbm>>)
      tpu.yield
    }) : () -> ()
    %mul3A_132 = arith.constant 640 : i32
    %mul3A_133 = arith.muli %arg1, %mul3A_132 : i32
    %add3A_134 = arith.constant 128 : i32
    %add3A_135 = arith.addi %mul3A_133, %add3A_134 : i32
    %run_scoped3A_136 = arith.constant 0 : i32
    "tpu.region"() ({
      %run_scoped3A_180 = tpu.sem_alloc : memref<!tpu.dma_semaphore, #tpu.memory_space<semaphore_mem>>
      %dma_start3A = arith.constant 0 : i32
      %dma_start3A_181 = arith.constant 0 : i32
      %dma_start3A_182 = tpu.memref_slice %arg13[%run_scoped3A_136, %dma_start3A, %dma_start3A_181] : memref<2x64x128xf32, #tpu.memory_space<vmem>> -> memref<1x64x128xf32, #tpu.memory_space<vmem>>
      %dma_start3A_183 = tpu.memref_squeeze %dma_start3A_182 : memref<1x64x128xf32, #tpu.memory_space<vmem>> -> memref<64x128xf32, #tpu.memory_space<vmem>>
      %dma_start3A_184 = arith.constant 0 : i32
      %dma_start3A_185 = tpu.memref_slice %arg14[%add3A_135, %dma_start3A_184] : memref<10240x128xf32, #tpu.memory_space<vmem_shared>> -> memref<64x128xf32, #tpu.memory_space<vmem_shared>>
      %dma_start3A_186 = arith.constant 0 : i32
      %dma_start3A_187 = arith.constant 0 : i32
      %dma_start3A_188 = tpu.memref_slice %arg13[%run_scoped3A_136, %dma_start3A_186, %dma_start3A_187] : memref<2x64x128xf32, #tpu.memory_space<vmem>> -> memref<1x64x128xf32, #tpu.memory_space<vmem>>
      %dma_start3A_189 = tpu.memref_squeeze %dma_start3A_188 : memref<1x64x128xf32, #tpu.memory_space<vmem>> -> memref<64x128xf32, #tpu.memory_space<vmem>>
      %dma_start3A_190 = arith.constant 0 : i32
      %dma_start3A_191 = tpu.memref_slice %arg14[%add3A_135, %dma_start3A_190] : memref<10240x128xf32, #tpu.memory_space<vmem_shared>> -> memref<64x128xf32, #tpu.memory_space<vmem_shared>>
      tpu.enqueue_dma source(%dma_start3A_191 : memref<64x128xf32, #tpu.memory_space<vmem_shared>>) target(%dma_start3A_189 : memref<64x128xf32, #tpu.memory_space<vmem>>) target_semaphore(%run_scoped3A_180 : memref<!tpu.dma_semaphore, #tpu.memory_space<semaphore_mem>>)
      %dma_wait3A = arith.constant 0 : i32
      %dma_wait3A_192 = arith.constant 0 : i32
      %dma_wait3A_193 = tpu.memref_slice %arg13[%run_scoped3A_136, %dma_wait3A, %dma_wait3A_192] : memref<2x64x128xf32, #tpu.memory_space<vmem>> -> memref<1x64x128xf32, #tpu.memory_space<vmem>>
      %dma_wait3A_194 = tpu.memref_squeeze %dma_wait3A_193 : memref<1x64x128xf32, #tpu.memory_space<vmem>> -> memref<64x128xf32, #tpu.memory_space<vmem>>
      %dma_wait3A_195 = arith.constant 0 : i32
      %dma_wait3A_196 = tpu.memref_slice %arg14[%add3A_135, %dma_wait3A_195] : memref<10240x128xf32, #tpu.memory_space<vmem_shared>> -> memref<64x128xf32, #tpu.memory_space<vmem_shared>>
      %dma_wait3A_197 = arith.constant 0 : i32
      %dma_wait3A_198 = arith.constant 0 : i32
      %dma_wait3A_199 = tpu.memref_slice %arg13[%run_scoped3A_136, %dma_wait3A_197, %dma_wait3A_198] : memref<2x64x128xf32, #tpu.memory_space<vmem>> -> memref<1x64x128xf32, #tpu.memory_space<vmem>>
      %dma_wait3A_200 = tpu.memref_squeeze %dma_wait3A_199 : memref<1x64x128xf32, #tpu.memory_space<vmem>> -> memref<64x128xf32, #tpu.memory_space<vmem>>
      %dma_wait3A_201 = arith.constant 0 : i32
      %dma_wait3A_202 = tpu.memref_slice %arg14[%add3A_135, %dma_wait3A_201] : memref<10240x128xf32, #tpu.memory_space<vmem_shared>> -> memref<64x128xf32, #tpu.memory_space<vmem_shared>>
      tpu.wait_dma2 semaphore(%run_scoped3A_180 : memref<!tpu.dma_semaphore, #tpu.memory_space<semaphore_mem>>) src(%dma_wait3A_202 : memref<64x128xf32, #tpu.memory_space<vmem_shared>>) dst(%dma_wait3A_200 : memref<64x128xf32, #tpu.memory_space<vmem>>)
      tpu.yield
    }) : () -> ()
    %run_scoped3A_137 = arith.constant 0 : i32
    "tpu.region"() ({
      %run_scoped3A_180 = tpu.sem_alloc : memref<!tpu.dma_semaphore, #tpu.memory_space<semaphore_mem>>
      %dma_start3A = arith.constant 0 : i32
      %dma_start3A_181 = arith.constant 0 : i32
      %dma_start3A_182 = tpu.memref_slice %arg13[%run_scoped3A_137, %dma_start3A, %dma_start3A_181] : memref<2x64x128xf32, #tpu.memory_space<vmem>> -> memref<1x64x128xf32, #tpu.memory_space<vmem>>
      %dma_start3A_183 = tpu.memref_squeeze %dma_start3A_182 : memref<1x64x128xf32, #tpu.memory_space<vmem>> -> memref<64x128xf32, #tpu.memory_space<vmem>>
      %dma_start3A_184 = arith.constant 0 : i32
      %dma_start3A_185 = tpu.memref_slice %arg6[%arg0, %add3A_135, %dma_start3A_184] : memref<2x10240x128xf32, #tpu.memory_space<hbm>> -> memref<1x64x128xf32, #tpu.memory_space<hbm>>
      %dma_start3A_186 = tpu.memref_squeeze %dma_start3A_185 : memref<1x64x128xf32, #tpu.memory_space<hbm>> -> memref<64x128xf32, #tpu.memory_space<hbm>>
      %dma_start3A_187 = arith.constant 0 : i32
      %dma_start3A_188 = tpu.memref_slice %arg6[%arg0, %add3A_135, %dma_start3A_187] : memref<2x10240x128xf32, #tpu.memory_space<hbm>> -> memref<1x64x128xf32, #tpu.memory_space<hbm>>
      %dma_start3A_189 = tpu.memref_squeeze %dma_start3A_188 : memref<1x64x128xf32, #tpu.memory_space<hbm>> -> memref<64x128xf32, #tpu.memory_space<hbm>>
      %dma_start3A_190 = arith.constant 0 : i32
      %dma_start3A_191 = arith.constant 0 : i32
      %dma_start3A_192 = tpu.memref_slice %arg13[%run_scoped3A_137, %dma_start3A_190, %dma_start3A_191] : memref<2x64x128xf32, #tpu.memory_space<vmem>> -> memref<1x64x128xf32, #tpu.memory_space<vmem>>
      %dma_start3A_193 = tpu.memref_squeeze %dma_start3A_192 : memref<1x64x128xf32, #tpu.memory_space<vmem>> -> memref<64x128xf32, #tpu.memory_space<vmem>>
      tpu.enqueue_dma source(%dma_start3A_193 : memref<64x128xf32, #tpu.memory_space<vmem>>) target(%dma_start3A_189 : memref<64x128xf32, #tpu.memory_space<hbm>>) target_semaphore(%run_scoped3A_180 : memref<!tpu.dma_semaphore, #tpu.memory_space<semaphore_mem>>)
      %dma_wait3A = arith.constant 0 : i32
      %dma_wait3A_194 = arith.constant 0 : i32
      %dma_wait3A_195 = tpu.memref_slice %arg13[%run_scoped3A_137, %dma_wait3A, %dma_wait3A_194] : memref<2x64x128xf32, #tpu.memory_space<vmem>> -> memref<1x64x128xf32, #tpu.memory_space<vmem>>
      %dma_wait3A_196 = tpu.memref_squeeze %dma_wait3A_195 : memref<1x64x128xf32, #tpu.memory_space<vmem>> -> memref<64x128xf32, #tpu.memory_space<vmem>>
      %dma_wait3A_197 = arith.constant 0 : i32
      %dma_wait3A_198 = tpu.memref_slice %arg6[%arg0, %add3A_135, %dma_wait3A_197] : memref<2x10240x128xf32, #tpu.memory_space<hbm>> -> memref<1x64x128xf32, #tpu.memory_space<hbm>>
      %dma_wait3A_199 = tpu.memref_squeeze %dma_wait3A_198 : memref<1x64x128xf32, #tpu.memory_space<hbm>> -> memref<64x128xf32, #tpu.memory_space<hbm>>
      %dma_wait3A_200 = arith.constant 0 : i32
      %dma_wait3A_201 = tpu.memref_slice %arg6[%arg0, %add3A_135, %dma_wait3A_200] : memref<2x10240x128xf32, #tpu.memory_space<hbm>> -> memref<1x64x128xf32, #tpu.memory_space<hbm>>
      %dma_wait3A_202 = tpu.memref_squeeze %dma_wait3A_201 : memref<1x64x128xf32, #tpu.memory_space<hbm>> -> memref<64x128xf32, #tpu.memory_space<hbm>>
      %dma_wait3A_203 = arith.constant 0 : i32
      %dma_wait3A_204 = arith.constant 0 : i32
      %dma_wait3A_205 = tpu.memref_slice %arg13[%run_scoped3A_137, %dma_wait3A_203, %dma_wait3A_204] : memref<2x64x128xf32, #tpu.memory_space<vmem>> -> memref<1x64x128xf32, #tpu.memory_space<vmem>>
      %dma_wait3A_206 = tpu.memref_squeeze %dma_wait3A_205 : memref<1x64x128xf32, #tpu.memory_space<vmem>> -> memref<64x128xf32, #tpu.memory_space<vmem>>
      tpu.wait_dma2 semaphore(%run_scoped3A_180 : memref<!tpu.dma_semaphore, #tpu.memory_space<semaphore_mem>>) src(%dma_wait3A_206 : memref<64x128xf32, #tpu.memory_space<vmem>>) dst(%dma_wait3A_202 : memref<64x128xf32, #tpu.memory_space<hbm>>)
      tpu.yield
    }) : () -> ()
    "tpu.region"() ({
      %run_scoped3A_180 = tpu.sem_alloc : memref<!tpu.dma_semaphore, #tpu.memory_space<semaphore_mem>>
      %dma_start3A = tpu.memref_slice %arg15[%add3A_135] : memref<10240xf32, #tpu.memory_space<vmem_shared>> -> memref<64xf32, #tpu.memory_space<vmem_shared>>
      %dma_start3A_181 = tpu.memref_slice %arg15[%add3A_135] : memref<10240xf32, #tpu.memory_space<vmem_shared>> -> memref<64xf32, #tpu.memory_space<vmem_shared>>
      tpu.enqueue_dma source(%dma_start3A_181 : memref<64xf32, #tpu.memory_space<vmem_shared>>) target(%arg12 : memref<64xf32, #tpu.memory_space<vmem>>) target_semaphore(%run_scoped3A_180 : memref<!tpu.dma_semaphore, #tpu.memory_space<semaphore_mem>>)
      %dma_wait3A = tpu.memref_slice %arg15[%add3A_135] : memref<10240xf32, #tpu.memory_space<vmem_shared>> -> memref<64xf32, #tpu.memory_space<vmem_shared>>
      %dma_wait3A_182 = tpu.memref_slice %arg15[%add3A_135] : memref<10240xf32, #tpu.memory_space<vmem_shared>> -> memref<64xf32, #tpu.memory_space<vmem_shared>>
      tpu.wait_dma2 semaphore(%run_scoped3A_180 : memref<!tpu.dma_semaphore, #tpu.memory_space<semaphore_mem>>) src(%dma_wait3A_182 : memref<64xf32, #tpu.memory_space<vmem_shared>>) dst(%arg12 : memref<64xf32, #tpu.memory_space<vmem>>)
      tpu.yield
    }) : () -> ()
    "tpu.region"() ({
      %run_scoped3A_180 = tpu.sem_alloc : memref<!tpu.dma_semaphore, #tpu.memory_space<semaphore_mem>>
      %dma_start3A = tpu.memref_slice %arg7[%arg0, %add3A_135] : memref<2x10240xf32, #tpu.memory_space<hbm>> -> memref<1x64xf32, #tpu.memory_space<hbm>>
      %dma_start3A_181 = tpu.memref_squeeze %dma_start3A : memref<1x64xf32, #tpu.memory_space<hbm>> -> memref<64xf32, #tpu.memory_space<hbm>>
      %dma_start3A_182 = tpu.memref_slice %arg7[%arg0, %add3A_135] : memref<2x10240xf32, #tpu.memory_space<hbm>> -> memref<1x64xf32, #tpu.memory_space<hbm>>
      %dma_start3A_183 = tpu.memref_squeeze %dma_start3A_182 : memref<1x64xf32, #tpu.memory_space<hbm>> -> memref<64xf32, #tpu.memory_space<hbm>>
      tpu.enqueue_dma source(%arg12 : memref<64xf32, #tpu.memory_space<vmem>>) target(%dma_start3A_183 : memref<64xf32, #tpu.memory_space<hbm>>) target_semaphore(%run_scoped3A_180 : memref<!tpu.dma_semaphore, #tpu.memory_space<semaphore_mem>>)
      %dma_wait3A = tpu.memref_slice %arg7[%arg0, %add3A_135] : memref<2x10240xf32, #tpu.memory_space<hbm>> -> memref<1x64xf32, #tpu.memory_space<hbm>>
      %dma_wait3A_184 = tpu.memref_squeeze %dma_wait3A : memref<1x64xf32, #tpu.memory_space<hbm>> -> memref<64xf32, #tpu.memory_space<hbm>>
      %dma_wait3A_185 = tpu.memref_slice %arg7[%arg0, %add3A_135] : memref<2x10240xf32, #tpu.memory_space<hbm>> -> memref<1x64xf32, #tpu.memory_space<hbm>>
      %dma_wait3A_186 = tpu.memref_squeeze %dma_wait3A_185 : memref<1x64xf32, #tpu.memory_space<hbm>> -> memref<64xf32, #tpu.memory_space<hbm>>
      tpu.wait_dma2 semaphore(%run_scoped3A_180 : memref<!tpu.dma_semaphore, #tpu.memory_space<semaphore_mem>>) src(%arg12 : memref<64xf32, #tpu.memory_space<vmem>>) dst(%dma_wait3A_186 : memref<64xf32, #tpu.memory_space<hbm>>)
      tpu.yield
    }) : () -> ()
    %mul3A_138 = arith.constant 640 : i32
    %mul3A_139 = arith.muli %arg1, %mul3A_138 : i32
    %add3A_140 = arith.constant 192 : i32
    %add3A_141 = arith.addi %mul3A_139, %add3A_140 : i32
    %run_scoped3A_142 = arith.constant 0 : i32
    "tpu.region"() ({
      %run_scoped3A_180 = tpu.sem_alloc : memref<!tpu.dma_semaphore, #tpu.memory_space<semaphore_mem>>
      %dma_start3A = arith.constant 0 : i32
      %dma_start3A_181 = arith.constant 0 : i32
      %dma_start3A_182 = tpu.memref_slice %arg13[%run_scoped3A_142, %dma_start3A, %dma_start3A_181] : memref<2x64x128xf32, #tpu.memory_space<vmem>> -> memref<1x64x128xf32, #tpu.memory_space<vmem>>
      %dma_start3A_183 = tpu.memref_squeeze %dma_start3A_182 : memref<1x64x128xf32, #tpu.memory_space<vmem>> -> memref<64x128xf32, #tpu.memory_space<vmem>>
      %dma_start3A_184 = arith.constant 0 : i32
      %dma_start3A_185 = tpu.memref_slice %arg14[%add3A_141, %dma_start3A_184] : memref<10240x128xf32, #tpu.memory_space<vmem_shared>> -> memref<64x128xf32, #tpu.memory_space<vmem_shared>>
      %dma_start3A_186 = arith.constant 0 : i32
      %dma_start3A_187 = arith.constant 0 : i32
      %dma_start3A_188 = tpu.memref_slice %arg13[%run_scoped3A_142, %dma_start3A_186, %dma_start3A_187] : memref<2x64x128xf32, #tpu.memory_space<vmem>> -> memref<1x64x128xf32, #tpu.memory_space<vmem>>
      %dma_start3A_189 = tpu.memref_squeeze %dma_start3A_188 : memref<1x64x128xf32, #tpu.memory_space<vmem>> -> memref<64x128xf32, #tpu.memory_space<vmem>>
      %dma_start3A_190 = arith.constant 0 : i32
      %dma_start3A_191 = tpu.memref_slice %arg14[%add3A_141, %dma_start3A_190] : memref<10240x128xf32, #tpu.memory_space<vmem_shared>> -> memref<64x128xf32, #tpu.memory_space<vmem_shared>>
      tpu.enqueue_dma source(%dma_start3A_191 : memref<64x128xf32, #tpu.memory_space<vmem_shared>>) target(%dma_start3A_189 : memref<64x128xf32, #tpu.memory_space<vmem>>) target_semaphore(%run_scoped3A_180 : memref<!tpu.dma_semaphore, #tpu.memory_space<semaphore_mem>>)
      %dma_wait3A = arith.constant 0 : i32
      %dma_wait3A_192 = arith.constant 0 : i32
      %dma_wait3A_193 = tpu.memref_slice %arg13[%run_scoped3A_142, %dma_wait3A, %dma_wait3A_192] : memref<2x64x128xf32, #tpu.memory_space<vmem>> -> memref<1x64x128xf32, #tpu.memory_space<vmem>>
      %dma_wait3A_194 = tpu.memref_squeeze %dma_wait3A_193 : memref<1x64x128xf32, #tpu.memory_space<vmem>> -> memref<64x128xf32, #tpu.memory_space<vmem>>
      %dma_wait3A_195 = arith.constant 0 : i32
      %dma_wait3A_196 = tpu.memref_slice %arg14[%add3A_141, %dma_wait3A_195] : memref<10240x128xf32, #tpu.memory_space<vmem_shared>> -> memref<64x128xf32, #tpu.memory_space<vmem_shared>>
      %dma_wait3A_197 = arith.constant 0 : i32
      %dma_wait3A_198 = arith.constant 0 : i32
      %dma_wait3A_199 = tpu.memref_slice %arg13[%run_scoped3A_142, %dma_wait3A_197, %dma_wait3A_198] : memref<2x64x128xf32, #tpu.memory_space<vmem>> -> memref<1x64x128xf32, #tpu.memory_space<vmem>>
      %dma_wait3A_200 = tpu.memref_squeeze %dma_wait3A_199 : memref<1x64x128xf32, #tpu.memory_space<vmem>> -> memref<64x128xf32, #tpu.memory_space<vmem>>
      %dma_wait3A_201 = arith.constant 0 : i32
      %dma_wait3A_202 = tpu.memref_slice %arg14[%add3A_141, %dma_wait3A_201] : memref<10240x128xf32, #tpu.memory_space<vmem_shared>> -> memref<64x128xf32, #tpu.memory_space<vmem_shared>>
      tpu.wait_dma2 semaphore(%run_scoped3A_180 : memref<!tpu.dma_semaphore, #tpu.memory_space<semaphore_mem>>) src(%dma_wait3A_202 : memref<64x128xf32, #tpu.memory_space<vmem_shared>>) dst(%dma_wait3A_200 : memref<64x128xf32, #tpu.memory_space<vmem>>)
      tpu.yield
    }) : () -> ()
    %run_scoped3A_143 = arith.constant 0 : i32
    "tpu.region"() ({
      %run_scoped3A_180 = tpu.sem_alloc : memref<!tpu.dma_semaphore, #tpu.memory_space<semaphore_mem>>
      %dma_start3A = arith.constant 0 : i32
      %dma_start3A_181 = arith.constant 0 : i32
      %dma_start3A_182 = tpu.memref_slice %arg13[%run_scoped3A_143, %dma_start3A, %dma_start3A_181] : memref<2x64x128xf32, #tpu.memory_space<vmem>> -> memref<1x64x128xf32, #tpu.memory_space<vmem>>
      %dma_start3A_183 = tpu.memref_squeeze %dma_start3A_182 : memref<1x64x128xf32, #tpu.memory_space<vmem>> -> memref<64x128xf32, #tpu.memory_space<vmem>>
      %dma_start3A_184 = arith.constant 0 : i32
      %dma_start3A_185 = tpu.memref_slice %arg6[%arg0, %add3A_141, %dma_start3A_184] : memref<2x10240x128xf32, #tpu.memory_space<hbm>> -> memref<1x64x128xf32, #tpu.memory_space<hbm>>
      %dma_start3A_186 = tpu.memref_squeeze %dma_start3A_185 : memref<1x64x128xf32, #tpu.memory_space<hbm>> -> memref<64x128xf32, #tpu.memory_space<hbm>>
      %dma_start3A_187 = arith.constant 0 : i32
      %dma_start3A_188 = tpu.memref_slice %arg6[%arg0, %add3A_141, %dma_start3A_187] : memref<2x10240x128xf32, #tpu.memory_space<hbm>> -> memref<1x64x128xf32, #tpu.memory_space<hbm>>
      %dma_start3A_189 = tpu.memref_squeeze %dma_start3A_188 : memref<1x64x128xf32, #tpu.memory_space<hbm>> -> memref<64x128xf32, #tpu.memory_space<hbm>>
      %dma_start3A_190 = arith.constant 0 : i32
      %dma_start3A_191 = arith.constant 0 : i32
      %dma_start3A_192 = tpu.memref_slice %arg13[%run_scoped3A_143, %dma_start3A_190, %dma_start3A_191] : memref<2x64x128xf32, #tpu.memory_space<vmem>> -> memref<1x64x128xf32, #tpu.memory_space<vmem>>
      %dma_start3A_193 = tpu.memref_squeeze %dma_start3A_192 : memref<1x64x128xf32, #tpu.memory_space<vmem>> -> memref<64x128xf32, #tpu.memory_space<vmem>>
      tpu.enqueue_dma source(%dma_start3A_193 : memref<64x128xf32, #tpu.memory_space<vmem>>) target(%dma_start3A_189 : memref<64x128xf32, #tpu.memory_space<hbm>>) target_semaphore(%run_scoped3A_180 : memref<!tpu.dma_semaphore, #tpu.memory_space<semaphore_mem>>)
      %dma_wait3A = arith.constant 0 : i32
      %dma_wait3A_194 = arith.constant 0 : i32
      %dma_wait3A_195 = tpu.memref_slice %arg13[%run_scoped3A_143, %dma_wait3A, %dma_wait3A_194] : memref<2x64x128xf32, #tpu.memory_space<vmem>> -> memref<1x64x128xf32, #tpu.memory_space<vmem>>
      %dma_wait3A_196 = tpu.memref_squeeze %dma_wait3A_195 : memref<1x64x128xf32, #tpu.memory_space<vmem>> -> memref<64x128xf32, #tpu.memory_space<vmem>>
      %dma_wait3A_197 = arith.constant 0 : i32
      %dma_wait3A_198 = tpu.memref_slice %arg6[%arg0, %add3A_141, %dma_wait3A_197] : memref<2x10240x128xf32, #tpu.memory_space<hbm>> -> memref<1x64x128xf32, #tpu.memory_space<hbm>>
      %dma_wait3A_199 = tpu.memref_squeeze %dma_wait3A_198 : memref<1x64x128xf32, #tpu.memory_space<hbm>> -> memref<64x128xf32, #tpu.memory_space<hbm>>
      %dma_wait3A_200 = arith.constant 0 : i32
      %dma_wait3A_201 = tpu.memref_slice %arg6[%arg0, %add3A_141, %dma_wait3A_200] : memref<2x10240x128xf32, #tpu.memory_space<hbm>> -> memref<1x64x128xf32, #tpu.memory_space<hbm>>
      %dma_wait3A_202 = tpu.memref_squeeze %dma_wait3A_201 : memref<1x64x128xf32, #tpu.memory_space<hbm>> -> memref<64x128xf32, #tpu.memory_space<hbm>>
      %dma_wait3A_203 = arith.constant 0 : i32
      %dma_wait3A_204 = arith.constant 0 : i32
      %dma_wait3A_205 = tpu.memref_slice %arg13[%run_scoped3A_143, %dma_wait3A_203, %dma_wait3A_204] : memref<2x64x128xf32, #tpu.memory_space<vmem>> -> memref<1x64x128xf32, #tpu.memory_space<vmem>>
      %dma_wait3A_206 = tpu.memref_squeeze %dma_wait3A_205 : memref<1x64x128xf32, #tpu.memory_space<vmem>> -> memref<64x128xf32, #tpu.memory_space<vmem>>
      tpu.wait_dma2 semaphore(%run_scoped3A_180 : memref<!tpu.dma_semaphore, #tpu.memory_space<semaphore_mem>>) src(%dma_wait3A_206 : memref<64x128xf32, #tpu.memory_space<vmem>>) dst(%dma_wait3A_202 : memref<64x128xf32, #tpu.memory_space<hbm>>)
      tpu.yield
    }) : () -> ()
    "tpu.region"() ({
      %run_scoped3A_180 = tpu.sem_alloc : memref<!tpu.dma_semaphore, #tpu.memory_space<semaphore_mem>>
      %dma_start3A = tpu.memref_slice %arg15[%add3A_141] : memref<10240xf32, #tpu.memory_space<vmem_shared>> -> memref<64xf32, #tpu.memory_space<vmem_shared>>
      %dma_start3A_181 = tpu.memref_slice %arg15[%add3A_141] : memref<10240xf32, #tpu.memory_space<vmem_shared>> -> memref<64xf32, #tpu.memory_space<vmem_shared>>
      tpu.enqueue_dma source(%dma_start3A_181 : memref<64xf32, #tpu.memory_space<vmem_shared>>) target(%arg12 : memref<64xf32, #tpu.memory_space<vmem>>) target_semaphore(%run_scoped3A_180 : memref<!tpu.dma_semaphore, #tpu.memory_space<semaphore_mem>>)
      %dma_wait3A = tpu.memref_slice %arg15[%add3A_141] : memref<10240xf32, #tpu.memory_space<vmem_shared>> -> memref<64xf32, #tpu.memory_space<vmem_shared>>
      %dma_wait3A_182 = tpu.memref_slice %arg15[%add3A_141] : memref<10240xf32, #tpu.memory_space<vmem_shared>> -> memref<64xf32, #tpu.memory_space<vmem_shared>>
      tpu.wait_dma2 semaphore(%run_scoped3A_180 : memref<!tpu.dma_semaphore, #tpu.memory_space<semaphore_mem>>) src(%dma_wait3A_182 : memref<64xf32, #tpu.memory_space<vmem_shared>>) dst(%arg12 : memref<64xf32, #tpu.memory_space<vmem>>)
      tpu.yield
    }) : () -> ()
    "tpu.region"() ({
      %run_scoped3A_180 = tpu.sem_alloc : memref<!tpu.dma_semaphore, #tpu.memory_space<semaphore_mem>>
      %dma_start3A = tpu.memref_slice %arg7[%arg0, %add3A_141] : memref<2x10240xf32, #tpu.memory_space<hbm>> -> memref<1x64xf32, #tpu.memory_space<hbm>>
      %dma_start3A_181 = tpu.memref_squeeze %dma_start3A : memref<1x64xf32, #tpu.memory_space<hbm>> -> memref<64xf32, #tpu.memory_space<hbm>>
      %dma_start3A_182 = tpu.memref_slice %arg7[%arg0, %add3A_141] : memref<2x10240xf32, #tpu.memory_space<hbm>> -> memref<1x64xf32, #tpu.memory_space<hbm>>
      %dma_start3A_183 = tpu.memref_squeeze %dma_start3A_182 : memref<1x64xf32, #tpu.memory_space<hbm>> -> memref<64xf32, #tpu.memory_space<hbm>>
      tpu.enqueue_dma source(%arg12 : memref<64xf32, #tpu.memory_space<vmem>>) target(%dma_start3A_183 : memref<64xf32, #tpu.memory_space<hbm>>) target_semaphore(%run_scoped3A_180 : memref<!tpu.dma_semaphore, #tpu.memory_space<semaphore_mem>>)
      %dma_wait3A = tpu.memref_slice %arg7[%arg0, %add3A_141] : memref<2x10240xf32, #tpu.memory_space<hbm>> -> memref<1x64xf32, #tpu.memory_space<hbm>>
      %dma_wait3A_184 = tpu.memref_squeeze %dma_wait3A : memref<1x64xf32, #tpu.memory_space<hbm>> -> memref<64xf32, #tpu.memory_space<hbm>>
      %dma_wait3A_185 = tpu.memref_slice %arg7[%arg0, %add3A_141] : memref<2x10240xf32, #tpu.memory_space<hbm>> -> memref<1x64xf32, #tpu.memory_space<hbm>>
      %dma_wait3A_186 = tpu.memref_squeeze %dma_wait3A_185 : memref<1x64xf32, #tpu.memory_space<hbm>> -> memref<64xf32, #tpu.memory_space<hbm>>
      tpu.wait_dma2 semaphore(%run_scoped3A_180 : memref<!tpu.dma_semaphore, #tpu.memory_space<semaphore_mem>>) src(%arg12 : memref<64xf32, #tpu.memory_space<vmem>>) dst(%dma_wait3A_186 : memref<64xf32, #tpu.memory_space<hbm>>)
      tpu.yield
    }) : () -> ()
    %mul3A_144 = arith.constant 640 : i32
    %mul3A_145 = arith.muli %arg1, %mul3A_144 : i32
    %add3A_146 = arith.constant 256 : i32
    %add3A_147 = arith.addi %mul3A_145, %add3A_146 : i32
    %run_scoped3A_148 = arith.constant 0 : i32
    "tpu.region"() ({
      %run_scoped3A_180 = tpu.sem_alloc : memref<!tpu.dma_semaphore, #tpu.memory_space<semaphore_mem>>
      %dma_start3A = arith.constant 0 : i32
      %dma_start3A_181 = arith.constant 0 : i32
      %dma_start3A_182 = tpu.memref_slice %arg13[%run_scoped3A_148, %dma_start3A, %dma_start3A_181] : memref<2x64x128xf32, #tpu.memory_space<vmem>> -> memref<1x64x128xf32, #tpu.memory_space<vmem>>
      %dma_start3A_183 = tpu.memref_squeeze %dma_start3A_182 : memref<1x64x128xf32, #tpu.memory_space<vmem>> -> memref<64x128xf32, #tpu.memory_space<vmem>>
      %dma_start3A_184 = arith.constant 0 : i32
      %dma_start3A_185 = tpu.memref_slice %arg14[%add3A_147, %dma_start3A_184] : memref<10240x128xf32, #tpu.memory_space<vmem_shared>> -> memref<64x128xf32, #tpu.memory_space<vmem_shared>>
      %dma_start3A_186 = arith.constant 0 : i32
      %dma_start3A_187 = arith.constant 0 : i32
      %dma_start3A_188 = tpu.memref_slice %arg13[%run_scoped3A_148, %dma_start3A_186, %dma_start3A_187] : memref<2x64x128xf32, #tpu.memory_space<vmem>> -> memref<1x64x128xf32, #tpu.memory_space<vmem>>
      %dma_start3A_189 = tpu.memref_squeeze %dma_start3A_188 : memref<1x64x128xf32, #tpu.memory_space<vmem>> -> memref<64x128xf32, #tpu.memory_space<vmem>>
      %dma_start3A_190 = arith.constant 0 : i32
      %dma_start3A_191 = tpu.memref_slice %arg14[%add3A_147, %dma_start3A_190] : memref<10240x128xf32, #tpu.memory_space<vmem_shared>> -> memref<64x128xf32, #tpu.memory_space<vmem_shared>>
      tpu.enqueue_dma source(%dma_start3A_191 : memref<64x128xf32, #tpu.memory_space<vmem_shared>>) target(%dma_start3A_189 : memref<64x128xf32, #tpu.memory_space<vmem>>) target_semaphore(%run_scoped3A_180 : memref<!tpu.dma_semaphore, #tpu.memory_space<semaphore_mem>>)
      %dma_wait3A = arith.constant 0 : i32
      %dma_wait3A_192 = arith.constant 0 : i32
      %dma_wait3A_193 = tpu.memref_slice %arg13[%run_scoped3A_148, %dma_wait3A, %dma_wait3A_192] : memref<2x64x128xf32, #tpu.memory_space<vmem>> -> memref<1x64x128xf32, #tpu.memory_space<vmem>>
      %dma_wait3A_194 = tpu.memref_squeeze %dma_wait3A_193 : memref<1x64x128xf32, #tpu.memory_space<vmem>> -> memref<64x128xf32, #tpu.memory_space<vmem>>
      %dma_wait3A_195 = arith.constant 0 : i32
      %dma_wait3A_196 = tpu.memref_slice %arg14[%add3A_147, %dma_wait3A_195] : memref<10240x128xf32, #tpu.memory_space<vmem_shared>> -> memref<64x128xf32, #tpu.memory_space<vmem_shared>>
      %dma_wait3A_197 = arith.constant 0 : i32
      %dma_wait3A_198 = arith.constant 0 : i32
      %dma_wait3A_199 = tpu.memref_slice %arg13[%run_scoped3A_148, %dma_wait3A_197, %dma_wait3A_198] : memref<2x64x128xf32, #tpu.memory_space<vmem>> -> memref<1x64x128xf32, #tpu.memory_space<vmem>>
      %dma_wait3A_200 = tpu.memref_squeeze %dma_wait3A_199 : memref<1x64x128xf32, #tpu.memory_space<vmem>> -> memref<64x128xf32, #tpu.memory_space<vmem>>
      %dma_wait3A_201 = arith.constant 0 : i32
      %dma_wait3A_202 = tpu.memref_slice %arg14[%add3A_147, %dma_wait3A_201] : memref<10240x128xf32, #tpu.memory_space<vmem_shared>> -> memref<64x128xf32, #tpu.memory_space<vmem_shared>>
      tpu.wait_dma2 semaphore(%run_scoped3A_180 : memref<!tpu.dma_semaphore, #tpu.memory_space<semaphore_mem>>) src(%dma_wait3A_202 : memref<64x128xf32, #tpu.memory_space<vmem_shared>>) dst(%dma_wait3A_200 : memref<64x128xf32, #tpu.memory_space<vmem>>)
      tpu.yield
    }) : () -> ()
    %run_scoped3A_149 = arith.constant 0 : i32
    "tpu.region"() ({
      %run_scoped3A_180 = tpu.sem_alloc : memref<!tpu.dma_semaphore, #tpu.memory_space<semaphore_mem>>
      %dma_start3A = arith.constant 0 : i32
      %dma_start3A_181 = arith.constant 0 : i32
      %dma_start3A_182 = tpu.memref_slice %arg13[%run_scoped3A_149, %dma_start3A, %dma_start3A_181] : memref<2x64x128xf32, #tpu.memory_space<vmem>> -> memref<1x64x128xf32, #tpu.memory_space<vmem>>
      %dma_start3A_183 = tpu.memref_squeeze %dma_start3A_182 : memref<1x64x128xf32, #tpu.memory_space<vmem>> -> memref<64x128xf32, #tpu.memory_space<vmem>>
      %dma_start3A_184 = arith.constant 0 : i32
      %dma_start3A_185 = tpu.memref_slice %arg6[%arg0, %add3A_147, %dma_start3A_184] : memref<2x10240x128xf32, #tpu.memory_space<hbm>> -> memref<1x64x128xf32, #tpu.memory_space<hbm>>
      %dma_start3A_186 = tpu.memref_squeeze %dma_start3A_185 : memref<1x64x128xf32, #tpu.memory_space<hbm>> -> memref<64x128xf32, #tpu.memory_space<hbm>>
      %dma_start3A_187 = arith.constant 0 : i32
      %dma_start3A_188 = tpu.memref_slice %arg6[%arg0, %add3A_147, %dma_start3A_187] : memref<2x10240x128xf32, #tpu.memory_space<hbm>> -> memref<1x64x128xf32, #tpu.memory_space<hbm>>
      %dma_start3A_189 = tpu.memref_squeeze %dma_start3A_188 : memref<1x64x128xf32, #tpu.memory_space<hbm>> -> memref<64x128xf32, #tpu.memory_space<hbm>>
      %dma_start3A_190 = arith.constant 0 : i32
      %dma_start3A_191 = arith.constant 0 : i32
      %dma_start3A_192 = tpu.memref_slice %arg13[%run_scoped3A_149, %dma_start3A_190, %dma_start3A_191] : memref<2x64x128xf32, #tpu.memory_space<vmem>> -> memref<1x64x128xf32, #tpu.memory_space<vmem>>
      %dma_start3A_193 = tpu.memref_squeeze %dma_start3A_192 : memref<1x64x128xf32, #tpu.memory_space<vmem>> -> memref<64x128xf32, #tpu.memory_space<vmem>>
      tpu.enqueue_dma source(%dma_start3A_193 : memref<64x128xf32, #tpu.memory_space<vmem>>) target(%dma_start3A_189 : memref<64x128xf32, #tpu.memory_space<hbm>>) target_semaphore(%run_scoped3A_180 : memref<!tpu.dma_semaphore, #tpu.memory_space<semaphore_mem>>)
      %dma_wait3A = arith.constant 0 : i32
      %dma_wait3A_194 = arith.constant 0 : i32
      %dma_wait3A_195 = tpu.memref_slice %arg13[%run_scoped3A_149, %dma_wait3A, %dma_wait3A_194] : memref<2x64x128xf32, #tpu.memory_space<vmem>> -> memref<1x64x128xf32, #tpu.memory_space<vmem>>
      %dma_wait3A_196 = tpu.memref_squeeze %dma_wait3A_195 : memref<1x64x128xf32, #tpu.memory_space<vmem>> -> memref<64x128xf32, #tpu.memory_space<vmem>>
      %dma_wait3A_197 = arith.constant 0 : i32
      %dma_wait3A_198 = tpu.memref_slice %arg6[%arg0, %add3A_147, %dma_wait3A_197] : memref<2x10240x128xf32, #tpu.memory_space<hbm>> -> memref<1x64x128xf32, #tpu.memory_space<hbm>>
      %dma_wait3A_199 = tpu.memref_squeeze %dma_wait3A_198 : memref<1x64x128xf32, #tpu.memory_space<hbm>> -> memref<64x128xf32, #tpu.memory_space<hbm>>
      %dma_wait3A_200 = arith.constant 0 : i32
      %dma_wait3A_201 = tpu.memref_slice %arg6[%arg0, %add3A_147, %dma_wait3A_200] : memref<2x10240x128xf32, #tpu.memory_space<hbm>> -> memref<1x64x128xf32, #tpu.memory_space<hbm>>
      %dma_wait3A_202 = tpu.memref_squeeze %dma_wait3A_201 : memref<1x64x128xf32, #tpu.memory_space<hbm>> -> memref<64x128xf32, #tpu.memory_space<hbm>>
      %dma_wait3A_203 = arith.constant 0 : i32
      %dma_wait3A_204 = arith.constant 0 : i32
      %dma_wait3A_205 = tpu.memref_slice %arg13[%run_scoped3A_149, %dma_wait3A_203, %dma_wait3A_204] : memref<2x64x128xf32, #tpu.memory_space<vmem>> -> memref<1x64x128xf32, #tpu.memory_space<vmem>>
      %dma_wait3A_206 = tpu.memref_squeeze %dma_wait3A_205 : memref<1x64x128xf32, #tpu.memory_space<vmem>> -> memref<64x128xf32, #tpu.memory_space<vmem>>
      tpu.wait_dma2 semaphore(%run_scoped3A_180 : memref<!tpu.dma_semaphore, #tpu.memory_space<semaphore_mem>>) src(%dma_wait3A_206 : memref<64x128xf32, #tpu.memory_space<vmem>>) dst(%dma_wait3A_202 : memref<64x128xf32, #tpu.memory_space<hbm>>)
      tpu.yield
    }) : () -> ()
    "tpu.region"() ({
      %run_scoped3A_180 = tpu.sem_alloc : memref<!tpu.dma_semaphore, #tpu.memory_space<semaphore_mem>>
      %dma_start3A = tpu.memref_slice %arg15[%add3A_147] : memref<10240xf32, #tpu.memory_space<vmem_shared>> -> memref<64xf32, #tpu.memory_space<vmem_shared>>
      %dma_start3A_181 = tpu.memref_slice %arg15[%add3A_147] : memref<10240xf32, #tpu.memory_space<vmem_shared>> -> memref<64xf32, #tpu.memory_space<vmem_shared>>
      tpu.enqueue_dma source(%dma_start3A_181 : memref<64xf32, #tpu.memory_space<vmem_shared>>) target(%arg12 : memref<64xf32, #tpu.memory_space<vmem>>) target_semaphore(%run_scoped3A_180 : memref<!tpu.dma_semaphore, #tpu.memory_space<semaphore_mem>>)
      %dma_wait3A = tpu.memref_slice %arg15[%add3A_147] : memref<10240xf32, #tpu.memory_space<vmem_shared>> -> memref<64xf32, #tpu.memory_space<vmem_shared>>
      %dma_wait3A_182 = tpu.memref_slice %arg15[%add3A_147] : memref<10240xf32, #tpu.memory_space<vmem_shared>> -> memref<64xf32, #tpu.memory_space<vmem_shared>>
      tpu.wait_dma2 semaphore(%run_scoped3A_180 : memref<!tpu.dma_semaphore, #tpu.memory_space<semaphore_mem>>) src(%dma_wait3A_182 : memref<64xf32, #tpu.memory_space<vmem_shared>>) dst(%arg12 : memref<64xf32, #tpu.memory_space<vmem>>)
      tpu.yield
    }) : () -> ()
    "tpu.region"() ({
      %run_scoped3A_180 = tpu.sem_alloc : memref<!tpu.dma_semaphore, #tpu.memory_space<semaphore_mem>>
      %dma_start3A = tpu.memref_slice %arg7[%arg0, %add3A_147] : memref<2x10240xf32, #tpu.memory_space<hbm>> -> memref<1x64xf32, #tpu.memory_space<hbm>>
      %dma_start3A_181 = tpu.memref_squeeze %dma_start3A : memref<1x64xf32, #tpu.memory_space<hbm>> -> memref<64xf32, #tpu.memory_space<hbm>>
      %dma_start3A_182 = tpu.memref_slice %arg7[%arg0, %add3A_147] : memref<2x10240xf32, #tpu.memory_space<hbm>> -> memref<1x64xf32, #tpu.memory_space<hbm>>
      %dma_start3A_183 = tpu.memref_squeeze %dma_start3A_182 : memref<1x64xf32, #tpu.memory_space<hbm>> -> memref<64xf32, #tpu.memory_space<hbm>>
      tpu.enqueue_dma source(%arg12 : memref<64xf32, #tpu.memory_space<vmem>>) target(%dma_start3A_183 : memref<64xf32, #tpu.memory_space<hbm>>) target_semaphore(%run_scoped3A_180 : memref<!tpu.dma_semaphore, #tpu.memory_space<semaphore_mem>>)
      %dma_wait3A = tpu.memref_slice %arg7[%arg0, %add3A_147] : memref<2x10240xf32, #tpu.memory_space<hbm>> -> memref<1x64xf32, #tpu.memory_space<hbm>>
      %dma_wait3A_184 = tpu.memref_squeeze %dma_wait3A : memref<1x64xf32, #tpu.memory_space<hbm>> -> memref<64xf32, #tpu.memory_space<hbm>>
      %dma_wait3A_185 = tpu.memref_slice %arg7[%arg0, %add3A_147] : memref<2x10240xf32, #tpu.memory_space<hbm>> -> memref<1x64xf32, #tpu.memory_space<hbm>>
      %dma_wait3A_186 = tpu.memref_squeeze %dma_wait3A_185 : memref<1x64xf32, #tpu.memory_space<hbm>> -> memref<64xf32, #tpu.memory_space<hbm>>
      tpu.wait_dma2 semaphore(%run_scoped3A_180 : memref<!tpu.dma_semaphore, #tpu.memory_space<semaphore_mem>>) src(%arg12 : memref<64xf32, #tpu.memory_space<vmem>>) dst(%dma_wait3A_186 : memref<64xf32, #tpu.memory_space<hbm>>)
      tpu.yield
    }) : () -> ()
    %mul3A_150 = arith.constant 640 : i32
    %mul3A_151 = arith.muli %arg1, %mul3A_150 : i32
    %add3A_152 = arith.constant 320 : i32
    %add3A_153 = arith.addi %mul3A_151, %add3A_152 : i32
    %run_scoped3A_154 = arith.constant 0 : i32
    "tpu.region"() ({
      %run_scoped3A_180 = tpu.sem_alloc : memref<!tpu.dma_semaphore, #tpu.memory_space<semaphore_mem>>
      %dma_start3A = arith.constant 0 : i32
      %dma_start3A_181 = arith.constant 0 : i32
      %dma_start3A_182 = tpu.memref_slice %arg13[%run_scoped3A_154, %dma_start3A, %dma_start3A_181] : memref<2x64x128xf32, #tpu.memory_space<vmem>> -> memref<1x64x128xf32, #tpu.memory_space<vmem>>
      %dma_start3A_183 = tpu.memref_squeeze %dma_start3A_182 : memref<1x64x128xf32, #tpu.memory_space<vmem>> -> memref<64x128xf32, #tpu.memory_space<vmem>>
      %dma_start3A_184 = arith.constant 0 : i32
      %dma_start3A_185 = tpu.memref_slice %arg14[%add3A_153, %dma_start3A_184] : memref<10240x128xf32, #tpu.memory_space<vmem_shared>> -> memref<64x128xf32, #tpu.memory_space<vmem_shared>>
      %dma_start3A_186 = arith.constant 0 : i32
      %dma_start3A_187 = arith.constant 0 : i32
      %dma_start3A_188 = tpu.memref_slice %arg13[%run_scoped3A_154, %dma_start3A_186, %dma_start3A_187] : memref<2x64x128xf32, #tpu.memory_space<vmem>> -> memref<1x64x128xf32, #tpu.memory_space<vmem>>
      %dma_start3A_189 = tpu.memref_squeeze %dma_start3A_188 : memref<1x64x128xf32, #tpu.memory_space<vmem>> -> memref<64x128xf32, #tpu.memory_space<vmem>>
      %dma_start3A_190 = arith.constant 0 : i32
      %dma_start3A_191 = tpu.memref_slice %arg14[%add3A_153, %dma_start3A_190] : memref<10240x128xf32, #tpu.memory_space<vmem_shared>> -> memref<64x128xf32, #tpu.memory_space<vmem_shared>>
      tpu.enqueue_dma source(%dma_start3A_191 : memref<64x128xf32, #tpu.memory_space<vmem_shared>>) target(%dma_start3A_189 : memref<64x128xf32, #tpu.memory_space<vmem>>) target_semaphore(%run_scoped3A_180 : memref<!tpu.dma_semaphore, #tpu.memory_space<semaphore_mem>>)
      %dma_wait3A = arith.constant 0 : i32
      %dma_wait3A_192 = arith.constant 0 : i32
      %dma_wait3A_193 = tpu.memref_slice %arg13[%run_scoped3A_154, %dma_wait3A, %dma_wait3A_192] : memref<2x64x128xf32, #tpu.memory_space<vmem>> -> memref<1x64x128xf32, #tpu.memory_space<vmem>>
      %dma_wait3A_194 = tpu.memref_squeeze %dma_wait3A_193 : memref<1x64x128xf32, #tpu.memory_space<vmem>> -> memref<64x128xf32, #tpu.memory_space<vmem>>
      %dma_wait3A_195 = arith.constant 0 : i32
      %dma_wait3A_196 = tpu.memref_slice %arg14[%add3A_153, %dma_wait3A_195] : memref<10240x128xf32, #tpu.memory_space<vmem_shared>> -> memref<64x128xf32, #tpu.memory_space<vmem_shared>>
      %dma_wait3A_197 = arith.constant 0 : i32
      %dma_wait3A_198 = arith.constant 0 : i32
      %dma_wait3A_199 = tpu.memref_slice %arg13[%run_scoped3A_154, %dma_wait3A_197, %dma_wait3A_198] : memref<2x64x128xf32, #tpu.memory_space<vmem>> -> memref<1x64x128xf32, #tpu.memory_space<vmem>>
      %dma_wait3A_200 = tpu.memref_squeeze %dma_wait3A_199 : memref<1x64x128xf32, #tpu.memory_space<vmem>> -> memref<64x128xf32, #tpu.memory_space<vmem>>
      %dma_wait3A_201 = arith.constant 0 : i32
      %dma_wait3A_202 = tpu.memref_slice %arg14[%add3A_153, %dma_wait3A_201] : memref<10240x128xf32, #tpu.memory_space<vmem_shared>> -> memref<64x128xf32, #tpu.memory_space<vmem_shared>>
      tpu.wait_dma2 semaphore(%run_scoped3A_180 : memref<!tpu.dma_semaphore, #tpu.memory_space<semaphore_mem>>) src(%dma_wait3A_202 : memref<64x128xf32, #tpu.memory_space<vmem_shared>>) dst(%dma_wait3A_200 : memref<64x128xf32, #tpu.memory_space<vmem>>)
      tpu.yield
    }) : () -> ()
    %run_scoped3A_155 = arith.constant 0 : i32
    "tpu.region"() ({
      %run_scoped3A_180 = tpu.sem_alloc : memref<!tpu.dma_semaphore, #tpu.memory_space<semaphore_mem>>
      %dma_start3A = arith.constant 0 : i32
      %dma_start3A_181 = arith.constant 0 : i32
      %dma_start3A_182 = tpu.memref_slice %arg13[%run_scoped3A_155, %dma_start3A, %dma_start3A_181] : memref<2x64x128xf32, #tpu.memory_space<vmem>> -> memref<1x64x128xf32, #tpu.memory_space<vmem>>
      %dma_start3A_183 = tpu.memref_squeeze %dma_start3A_182 : memref<1x64x128xf32, #tpu.memory_space<vmem>> -> memref<64x128xf32, #tpu.memory_space<vmem>>
      %dma_start3A_184 = arith.constant 0 : i32
      %dma_start3A_185 = tpu.memref_slice %arg6[%arg0, %add3A_153, %dma_start3A_184] : memref<2x10240x128xf32, #tpu.memory_space<hbm>> -> memref<1x64x128xf32, #tpu.memory_space<hbm>>
      %dma_start3A_186 = tpu.memref_squeeze %dma_start3A_185 : memref<1x64x128xf32, #tpu.memory_space<hbm>> -> memref<64x128xf32, #tpu.memory_space<hbm>>
      %dma_start3A_187 = arith.constant 0 : i32
      %dma_start3A_188 = tpu.memref_slice %arg6[%arg0, %add3A_153, %dma_start3A_187] : memref<2x10240x128xf32, #tpu.memory_space<hbm>> -> memref<1x64x128xf32, #tpu.memory_space<hbm>>
      %dma_start3A_189 = tpu.memref_squeeze %dma_start3A_188 : memref<1x64x128xf32, #tpu.memory_space<hbm>> -> memref<64x128xf32, #tpu.memory_space<hbm>>
      %dma_start3A_190 = arith.constant 0 : i32
      %dma_start3A_191 = arith.constant 0 : i32
      %dma_start3A_192 = tpu.memref_slice %arg13[%run_scoped3A_155, %dma_start3A_190, %dma_start3A_191] : memref<2x64x128xf32, #tpu.memory_space<vmem>> -> memref<1x64x128xf32, #tpu.memory_space<vmem>>
      %dma_start3A_193 = tpu.memref_squeeze %dma_start3A_192 : memref<1x64x128xf32, #tpu.memory_space<vmem>> -> memref<64x128xf32, #tpu.memory_space<vmem>>
      tpu.enqueue_dma source(%dma_start3A_193 : memref<64x128xf32, #tpu.memory_space<vmem>>) target(%dma_start3A_189 : memref<64x128xf32, #tpu.memory_space<hbm>>) target_semaphore(%run_scoped3A_180 : memref<!tpu.dma_semaphore, #tpu.memory_space<semaphore_mem>>)
      %dma_wait3A = arith.constant 0 : i32
      %dma_wait3A_194 = arith.constant 0 : i32
      %dma_wait3A_195 = tpu.memref_slice %arg13[%run_scoped3A_155, %dma_wait3A, %dma_wait3A_194] : memref<2x64x128xf32, #tpu.memory_space<vmem>> -> memref<1x64x128xf32, #tpu.memory_space<vmem>>
      %dma_wait3A_196 = tpu.memref_squeeze %dma_wait3A_195 : memref<1x64x128xf32, #tpu.memory_space<vmem>> -> memref<64x128xf32, #tpu.memory_space<vmem>>
      %dma_wait3A_197 = arith.constant 0 : i32
      %dma_wait3A_198 = tpu.memref_slice %arg6[%arg0, %add3A_153, %dma_wait3A_197] : memref<2x10240x128xf32, #tpu.memory_space<hbm>> -> memref<1x64x128xf32, #tpu.memory_space<hbm>>
      %dma_wait3A_199 = tpu.memref_squeeze %dma_wait3A_198 : memref<1x64x128xf32, #tpu.memory_space<hbm>> -> memref<64x128xf32, #tpu.memory_space<hbm>>
      %dma_wait3A_200 = arith.constant 0 : i32
      %dma_wait3A_201 = tpu.memref_slice %arg6[%arg0, %add3A_153, %dma_wait3A_200] : memref<2x10240x128xf32, #tpu.memory_space<hbm>> -> memref<1x64x128xf32, #tpu.memory_space<hbm>>
      %dma_wait3A_202 = tpu.memref_squeeze %dma_wait3A_201 : memref<1x64x128xf32, #tpu.memory_space<hbm>> -> memref<64x128xf32, #tpu.memory_space<hbm>>
      %dma_wait3A_203 = arith.constant 0 : i32
      %dma_wait3A_204 = arith.constant 0 : i32
      %dma_wait3A_205 = tpu.memref_slice %arg13[%run_scoped3A_155, %dma_wait3A_203, %dma_wait3A_204] : memref<2x64x128xf32, #tpu.memory_space<vmem>> -> memref<1x64x128xf32, #tpu.memory_space<vmem>>
      %dma_wait3A_206 = tpu.memref_squeeze %dma_wait3A_205 : memref<1x64x128xf32, #tpu.memory_space<vmem>> -> memref<64x128xf32, #tpu.memory_space<vmem>>
      tpu.wait_dma2 semaphore(%run_scoped3A_180 : memref<!tpu.dma_semaphore, #tpu.memory_space<semaphore_mem>>) src(%dma_wait3A_206 : memref<64x128xf32, #tpu.memory_space<vmem>>) dst(%dma_wait3A_202 : memref<64x128xf32, #tpu.memory_space<hbm>>)
      tpu.yield
    }) : () -> ()
    "tpu.region"() ({
      %run_scoped3A_180 = tpu.sem_alloc : memref<!tpu.dma_semaphore, #tpu.memory_space<semaphore_mem>>
      %dma_start3A = tpu.memref_slice %arg15[%add3A_153] : memref<10240xf32, #tpu.memory_space<vmem_shared>> -> memref<64xf32, #tpu.memory_space<vmem_shared>>
      %dma_start3A_181 = tpu.memref_slice %arg15[%add3A_153] : memref<10240xf32, #tpu.memory_space<vmem_shared>> -> memref<64xf32, #tpu.memory_space<vmem_shared>>
      tpu.enqueue_dma source(%dma_start3A_181 : memref<64xf32, #tpu.memory_space<vmem_shared>>) target(%arg12 : memref<64xf32, #tpu.memory_space<vmem>>) target_semaphore(%run_scoped3A_180 : memref<!tpu.dma_semaphore, #tpu.memory_space<semaphore_mem>>)
      %dma_wait3A = tpu.memref_slice %arg15[%add3A_153] : memref<10240xf32, #tpu.memory_space<vmem_shared>> -> memref<64xf32, #tpu.memory_space<vmem_shared>>
      %dma_wait3A_182 = tpu.memref_slice %arg15[%add3A_153] : memref<10240xf32, #tpu.memory_space<vmem_shared>> -> memref<64xf32, #tpu.memory_space<vmem_shared>>
      tpu.wait_dma2 semaphore(%run_scoped3A_180 : memref<!tpu.dma_semaphore, #tpu.memory_space<semaphore_mem>>) src(%dma_wait3A_182 : memref<64xf32, #tpu.memory_space<vmem_shared>>) dst(%arg12 : memref<64xf32, #tpu.memory_space<vmem>>)
      tpu.yield
    }) : () -> ()
    "tpu.region"() ({
      %run_scoped3A_180 = tpu.sem_alloc : memref<!tpu.dma_semaphore, #tpu.memory_space<semaphore_mem>>
      %dma_start3A = tpu.memref_slice %arg7[%arg0, %add3A_153] : memref<2x10240xf32, #tpu.memory_space<hbm>> -> memref<1x64xf32, #tpu.memory_space<hbm>>
      %dma_start3A_181 = tpu.memref_squeeze %dma_start3A : memref<1x64xf32, #tpu.memory_space<hbm>> -> memref<64xf32, #tpu.memory_space<hbm>>
      %dma_start3A_182 = tpu.memref_slice %arg7[%arg0, %add3A_153] : memref<2x10240xf32, #tpu.memory_space<hbm>> -> memref<1x64xf32, #tpu.memory_space<hbm>>
      %dma_start3A_183 = tpu.memref_squeeze %dma_start3A_182 : memref<1x64xf32, #tpu.memory_space<hbm>> -> memref<64xf32, #tpu.memory_space<hbm>>
      tpu.enqueue_dma source(%arg12 : memref<64xf32, #tpu.memory_space<vmem>>) target(%dma_start3A_183 : memref<64xf32, #tpu.memory_space<hbm>>) target_semaphore(%run_scoped3A_180 : memref<!tpu.dma_semaphore, #tpu.memory_space<semaphore_mem>>)
      %dma_wait3A = tpu.memref_slice %arg7[%arg0, %add3A_153] : memref<2x10240xf32, #tpu.memory_space<hbm>> -> memref<1x64xf32, #tpu.memory_space<hbm>>
      %dma_wait3A_184 = tpu.memref_squeeze %dma_wait3A : memref<1x64xf32, #tpu.memory_space<hbm>> -> memref<64xf32, #tpu.memory_space<hbm>>
      %dma_wait3A_185 = tpu.memref_slice %arg7[%arg0, %add3A_153] : memref<2x10240xf32, #tpu.memory_space<hbm>> -> memref<1x64xf32, #tpu.memory_space<hbm>>
      %dma_wait3A_186 = tpu.memref_squeeze %dma_wait3A_185 : memref<1x64xf32, #tpu.memory_space<hbm>> -> memref<64xf32, #tpu.memory_space<hbm>>
      tpu.wait_dma2 semaphore(%run_scoped3A_180 : memref<!tpu.dma_semaphore, #tpu.memory_space<semaphore_mem>>) src(%arg12 : memref<64xf32, #tpu.memory_space<vmem>>) dst(%dma_wait3A_186 : memref<64xf32, #tpu.memory_space<hbm>>)
      tpu.yield
    }) : () -> ()
    %mul3A_156 = arith.constant 640 : i32
    %mul3A_157 = arith.muli %arg1, %mul3A_156 : i32
    %add3A_158 = arith.constant 384 : i32
    %add3A_159 = arith.addi %mul3A_157, %add3A_158 : i32
    %run_scoped3A_160 = arith.constant 0 : i32
    "tpu.region"() ({
      %run_scoped3A_180 = tpu.sem_alloc : memref<!tpu.dma_semaphore, #tpu.memory_space<semaphore_mem>>
      %dma_start3A = arith.constant 0 : i32
      %dma_start3A_181 = arith.constant 0 : i32
      %dma_start3A_182 = tpu.memref_slice %arg13[%run_scoped3A_160, %dma_start3A, %dma_start3A_181] : memref<2x64x128xf32, #tpu.memory_space<vmem>> -> memref<1x64x128xf32, #tpu.memory_space<vmem>>
      %dma_start3A_183 = tpu.memref_squeeze %dma_start3A_182 : memref<1x64x128xf32, #tpu.memory_space<vmem>> -> memref<64x128xf32, #tpu.memory_space<vmem>>
      %dma_start3A_184 = arith.constant 0 : i32
      %dma_start3A_185 = tpu.memref_slice %arg14[%add3A_159, %dma_start3A_184] : memref<10240x128xf32, #tpu.memory_space<vmem_shared>> -> memref<64x128xf32, #tpu.memory_space<vmem_shared>>
      %dma_start3A_186 = arith.constant 0 : i32
      %dma_start3A_187 = arith.constant 0 : i32
      %dma_start3A_188 = tpu.memref_slice %arg13[%run_scoped3A_160, %dma_start3A_186, %dma_start3A_187] : memref<2x64x128xf32, #tpu.memory_space<vmem>> -> memref<1x64x128xf32, #tpu.memory_space<vmem>>
      %dma_start3A_189 = tpu.memref_squeeze %dma_start3A_188 : memref<1x64x128xf32, #tpu.memory_space<vmem>> -> memref<64x128xf32, #tpu.memory_space<vmem>>
      %dma_start3A_190 = arith.constant 0 : i32
      %dma_start3A_191 = tpu.memref_slice %arg14[%add3A_159, %dma_start3A_190] : memref<10240x128xf32, #tpu.memory_space<vmem_shared>> -> memref<64x128xf32, #tpu.memory_space<vmem_shared>>
      tpu.enqueue_dma source(%dma_start3A_191 : memref<64x128xf32, #tpu.memory_space<vmem_shared>>) target(%dma_start3A_189 : memref<64x128xf32, #tpu.memory_space<vmem>>) target_semaphore(%run_scoped3A_180 : memref<!tpu.dma_semaphore, #tpu.memory_space<semaphore_mem>>)
      %dma_wait3A = arith.constant 0 : i32
      %dma_wait3A_192 = arith.constant 0 : i32
      %dma_wait3A_193 = tpu.memref_slice %arg13[%run_scoped3A_160, %dma_wait3A, %dma_wait3A_192] : memref<2x64x128xf32, #tpu.memory_space<vmem>> -> memref<1x64x128xf32, #tpu.memory_space<vmem>>
      %dma_wait3A_194 = tpu.memref_squeeze %dma_wait3A_193 : memref<1x64x128xf32, #tpu.memory_space<vmem>> -> memref<64x128xf32, #tpu.memory_space<vmem>>
      %dma_wait3A_195 = arith.constant 0 : i32
      %dma_wait3A_196 = tpu.memref_slice %arg14[%add3A_159, %dma_wait3A_195] : memref<10240x128xf32, #tpu.memory_space<vmem_shared>> -> memref<64x128xf32, #tpu.memory_space<vmem_shared>>
      %dma_wait3A_197 = arith.constant 0 : i32
      %dma_wait3A_198 = arith.constant 0 : i32
      %dma_wait3A_199 = tpu.memref_slice %arg13[%run_scoped3A_160, %dma_wait3A_197, %dma_wait3A_198] : memref<2x64x128xf32, #tpu.memory_space<vmem>> -> memref<1x64x128xf32, #tpu.memory_space<vmem>>
      %dma_wait3A_200 = tpu.memref_squeeze %dma_wait3A_199 : memref<1x64x128xf32, #tpu.memory_space<vmem>> -> memref<64x128xf32, #tpu.memory_space<vmem>>
      %dma_wait3A_201 = arith.constant 0 : i32
      %dma_wait3A_202 = tpu.memref_slice %arg14[%add3A_159, %dma_wait3A_201] : memref<10240x128xf32, #tpu.memory_space<vmem_shared>> -> memref<64x128xf32, #tpu.memory_space<vmem_shared>>
      tpu.wait_dma2 semaphore(%run_scoped3A_180 : memref<!tpu.dma_semaphore, #tpu.memory_space<semaphore_mem>>) src(%dma_wait3A_202 : memref<64x128xf32, #tpu.memory_space<vmem_shared>>) dst(%dma_wait3A_200 : memref<64x128xf32, #tpu.memory_space<vmem>>)
      tpu.yield
    }) : () -> ()
    %run_scoped3A_161 = arith.constant 0 : i32
    "tpu.region"() ({
      %run_scoped3A_180 = tpu.sem_alloc : memref<!tpu.dma_semaphore, #tpu.memory_space<semaphore_mem>>
      %dma_start3A = arith.constant 0 : i32
      %dma_start3A_181 = arith.constant 0 : i32
      %dma_start3A_182 = tpu.memref_slice %arg13[%run_scoped3A_161, %dma_start3A, %dma_start3A_181] : memref<2x64x128xf32, #tpu.memory_space<vmem>> -> memref<1x64x128xf32, #tpu.memory_space<vmem>>
      %dma_start3A_183 = tpu.memref_squeeze %dma_start3A_182 : memref<1x64x128xf32, #tpu.memory_space<vmem>> -> memref<64x128xf32, #tpu.memory_space<vmem>>
      %dma_start3A_184 = arith.constant 0 : i32
      %dma_start3A_185 = tpu.memref_slice %arg6[%arg0, %add3A_159, %dma_start3A_184] : memref<2x10240x128xf32, #tpu.memory_space<hbm>> -> memref<1x64x128xf32, #tpu.memory_space<hbm>>
      %dma_start3A_186 = tpu.memref_squeeze %dma_start3A_185 : memref<1x64x128xf32, #tpu.memory_space<hbm>> -> memref<64x128xf32, #tpu.memory_space<hbm>>
      %dma_start3A_187 = arith.constant 0 : i32
      %dma_start3A_188 = tpu.memref_slice %arg6[%arg0, %add3A_159, %dma_start3A_187] : memref<2x10240x128xf32, #tpu.memory_space<hbm>> -> memref<1x64x128xf32, #tpu.memory_space<hbm>>
      %dma_start3A_189 = tpu.memref_squeeze %dma_start3A_188 : memref<1x64x128xf32, #tpu.memory_space<hbm>> -> memref<64x128xf32, #tpu.memory_space<hbm>>
      %dma_start3A_190 = arith.constant 0 : i32
      %dma_start3A_191 = arith.constant 0 : i32
      %dma_start3A_192 = tpu.memref_slice %arg13[%run_scoped3A_161, %dma_start3A_190, %dma_start3A_191] : memref<2x64x128xf32, #tpu.memory_space<vmem>> -> memref<1x64x128xf32, #tpu.memory_space<vmem>>
      %dma_start3A_193 = tpu.memref_squeeze %dma_start3A_192 : memref<1x64x128xf32, #tpu.memory_space<vmem>> -> memref<64x128xf32, #tpu.memory_space<vmem>>
      tpu.enqueue_dma source(%dma_start3A_193 : memref<64x128xf32, #tpu.memory_space<vmem>>) target(%dma_start3A_189 : memref<64x128xf32, #tpu.memory_space<hbm>>) target_semaphore(%run_scoped3A_180 : memref<!tpu.dma_semaphore, #tpu.memory_space<semaphore_mem>>)
      %dma_wait3A = arith.constant 0 : i32
      %dma_wait3A_194 = arith.constant 0 : i32
      %dma_wait3A_195 = tpu.memref_slice %arg13[%run_scoped3A_161, %dma_wait3A, %dma_wait3A_194] : memref<2x64x128xf32, #tpu.memory_space<vmem>> -> memref<1x64x128xf32, #tpu.memory_space<vmem>>
      %dma_wait3A_196 = tpu.memref_squeeze %dma_wait3A_195 : memref<1x64x128xf32, #tpu.memory_space<vmem>> -> memref<64x128xf32, #tpu.memory_space<vmem>>
      %dma_wait3A_197 = arith.constant 0 : i32
      %dma_wait3A_198 = tpu.memref_slice %arg6[%arg0, %add3A_159, %dma_wait3A_197] : memref<2x10240x128xf32, #tpu.memory_space<hbm>> -> memref<1x64x128xf32, #tpu.memory_space<hbm>>
      %dma_wait3A_199 = tpu.memref_squeeze %dma_wait3A_198 : memref<1x64x128xf32, #tpu.memory_space<hbm>> -> memref<64x128xf32, #tpu.memory_space<hbm>>
      %dma_wait3A_200 = arith.constant 0 : i32
      %dma_wait3A_201 = tpu.memref_slice %arg6[%arg0, %add3A_159, %dma_wait3A_200] : memref<2x10240x128xf32, #tpu.memory_space<hbm>> -> memref<1x64x128xf32, #tpu.memory_space<hbm>>
      %dma_wait3A_202 = tpu.memref_squeeze %dma_wait3A_201 : memref<1x64x128xf32, #tpu.memory_space<hbm>> -> memref<64x128xf32, #tpu.memory_space<hbm>>
      %dma_wait3A_203 = arith.constant 0 : i32
      %dma_wait3A_204 = arith.constant 0 : i32
      %dma_wait3A_205 = tpu.memref_slice %arg13[%run_scoped3A_161, %dma_wait3A_203, %dma_wait3A_204] : memref<2x64x128xf32, #tpu.memory_space<vmem>> -> memref<1x64x128xf32, #tpu.memory_space<vmem>>
      %dma_wait3A_206 = tpu.memref_squeeze %dma_wait3A_205 : memref<1x64x128xf32, #tpu.memory_space<vmem>> -> memref<64x128xf32, #tpu.memory_space<vmem>>
      tpu.wait_dma2 semaphore(%run_scoped3A_180 : memref<!tpu.dma_semaphore, #tpu.memory_space<semaphore_mem>>) src(%dma_wait3A_206 : memref<64x128xf32, #tpu.memory_space<vmem>>) dst(%dma_wait3A_202 : memref<64x128xf32, #tpu.memory_space<hbm>>)
      tpu.yield
    }) : () -> ()
    "tpu.region"() ({
      %run_scoped3A_180 = tpu.sem_alloc : memref<!tpu.dma_semaphore, #tpu.memory_space<semaphore_mem>>
      %dma_start3A = tpu.memref_slice %arg15[%add3A_159] : memref<10240xf32, #tpu.memory_space<vmem_shared>> -> memref<64xf32, #tpu.memory_space<vmem_shared>>
      %dma_start3A_181 = tpu.memref_slice %arg15[%add3A_159] : memref<10240xf32, #tpu.memory_space<vmem_shared>> -> memref<64xf32, #tpu.memory_space<vmem_shared>>
      tpu.enqueue_dma source(%dma_start3A_181 : memref<64xf32, #tpu.memory_space<vmem_shared>>) target(%arg12 : memref<64xf32, #tpu.memory_space<vmem>>) target_semaphore(%run_scoped3A_180 : memref<!tpu.dma_semaphore, #tpu.memory_space<semaphore_mem>>)
      %dma_wait3A = tpu.memref_slice %arg15[%add3A_159] : memref<10240xf32, #tpu.memory_space<vmem_shared>> -> memref<64xf32, #tpu.memory_space<vmem_shared>>
      %dma_wait3A_182 = tpu.memref_slice %arg15[%add3A_159] : memref<10240xf32, #tpu.memory_space<vmem_shared>> -> memref<64xf32, #tpu.memory_space<vmem_shared>>
      tpu.wait_dma2 semaphore(%run_scoped3A_180 : memref<!tpu.dma_semaphore, #tpu.memory_space<semaphore_mem>>) src(%dma_wait3A_182 : memref<64xf32, #tpu.memory_space<vmem_shared>>) dst(%arg12 : memref<64xf32, #tpu.memory_space<vmem>>)
      tpu.yield
    }) : () -> ()
    "tpu.region"() ({
      %run_scoped3A_180 = tpu.sem_alloc : memref<!tpu.dma_semaphore, #tpu.memory_space<semaphore_mem>>
      %dma_start3A = tpu.memref_slice %arg7[%arg0, %add3A_159] : memref<2x10240xf32, #tpu.memory_space<hbm>> -> memref<1x64xf32, #tpu.memory_space<hbm>>
      %dma_start3A_181 = tpu.memref_squeeze %dma_start3A : memref<1x64xf32, #tpu.memory_space<hbm>> -> memref<64xf32, #tpu.memory_space<hbm>>
      %dma_start3A_182 = tpu.memref_slice %arg7[%arg0, %add3A_159] : memref<2x10240xf32, #tpu.memory_space<hbm>> -> memref<1x64xf32, #tpu.memory_space<hbm>>
      %dma_start3A_183 = tpu.memref_squeeze %dma_start3A_182 : memref<1x64xf32, #tpu.memory_space<hbm>> -> memref<64xf32, #tpu.memory_space<hbm>>
      tpu.enqueue_dma source(%arg12 : memref<64xf32, #tpu.memory_space<vmem>>) target(%dma_start3A_183 : memref<64xf32, #tpu.memory_space<hbm>>) target_semaphore(%run_scoped3A_180 : memref<!tpu.dma_semaphore, #tpu.memory_space<semaphore_mem>>)
      %dma_wait3A = tpu.memref_slice %arg7[%arg0, %add3A_159] : memref<2x10240xf32, #tpu.memory_space<hbm>> -> memref<1x64xf32, #tpu.memory_space<hbm>>
      %dma_wait3A_184 = tpu.memref_squeeze %dma_wait3A : memref<1x64xf32, #tpu.memory_space<hbm>> -> memref<64xf32, #tpu.memory_space<hbm>>
      %dma_wait3A_185 = tpu.memref_slice %arg7[%arg0, %add3A_159] : memref<2x10240xf32, #tpu.memory_space<hbm>> -> memref<1x64xf32, #tpu.memory_space<hbm>>
      %dma_wait3A_186 = tpu.memref_squeeze %dma_wait3A_185 : memref<1x64xf32, #tpu.memory_space<hbm>> -> memref<64xf32, #tpu.memory_space<hbm>>
      tpu.wait_dma2 semaphore(%run_scoped3A_180 : memref<!tpu.dma_semaphore, #tpu.memory_space<semaphore_mem>>) src(%arg12 : memref<64xf32, #tpu.memory_space<vmem>>) dst(%dma_wait3A_186 : memref<64xf32, #tpu.memory_space<hbm>>)
      tpu.yield
    }) : () -> ()
    %mul3A_162 = arith.constant 640 : i32
    %mul3A_163 = arith.muli %arg1, %mul3A_162 : i32
    %add3A_164 = arith.constant 448 : i32
    %add3A_165 = arith.addi %mul3A_163, %add3A_164 : i32
    %run_scoped3A_166 = arith.constant 0 : i32
    "tpu.region"() ({
      %run_scoped3A_180 = tpu.sem_alloc : memref<!tpu.dma_semaphore, #tpu.memory_space<semaphore_mem>>
      %dma_start3A = arith.constant 0 : i32
      %dma_start3A_181 = arith.constant 0 : i32
      %dma_start3A_182 = tpu.memref_slice %arg13[%run_scoped3A_166, %dma_start3A, %dma_start3A_181] : memref<2x64x128xf32, #tpu.memory_space<vmem>> -> memref<1x64x128xf32, #tpu.memory_space<vmem>>
      %dma_start3A_183 = tpu.memref_squeeze %dma_start3A_182 : memref<1x64x128xf32, #tpu.memory_space<vmem>> -> memref<64x128xf32, #tpu.memory_space<vmem>>
      %dma_start3A_184 = arith.constant 0 : i32
      %dma_start3A_185 = tpu.memref_slice %arg14[%add3A_165, %dma_start3A_184] : memref<10240x128xf32, #tpu.memory_space<vmem_shared>> -> memref<64x128xf32, #tpu.memory_space<vmem_shared>>
      %dma_start3A_186 = arith.constant 0 : i32
      %dma_start3A_187 = arith.constant 0 : i32
      %dma_start3A_188 = tpu.memref_slice %arg13[%run_scoped3A_166, %dma_start3A_186, %dma_start3A_187] : memref<2x64x128xf32, #tpu.memory_space<vmem>> -> memref<1x64x128xf32, #tpu.memory_space<vmem>>
      %dma_start3A_189 = tpu.memref_squeeze %dma_start3A_188 : memref<1x64x128xf32, #tpu.memory_space<vmem>> -> memref<64x128xf32, #tpu.memory_space<vmem>>
      %dma_start3A_190 = arith.constant 0 : i32
      %dma_start3A_191 = tpu.memref_slice %arg14[%add3A_165, %dma_start3A_190] : memref<10240x128xf32, #tpu.memory_space<vmem_shared>> -> memref<64x128xf32, #tpu.memory_space<vmem_shared>>
      tpu.enqueue_dma source(%dma_start3A_191 : memref<64x128xf32, #tpu.memory_space<vmem_shared>>) target(%dma_start3A_189 : memref<64x128xf32, #tpu.memory_space<vmem>>) target_semaphore(%run_scoped3A_180 : memref<!tpu.dma_semaphore, #tpu.memory_space<semaphore_mem>>)
      %dma_wait3A = arith.constant 0 : i32
      %dma_wait3A_192 = arith.constant 0 : i32
      %dma_wait3A_193 = tpu.memref_slice %arg13[%run_scoped3A_166, %dma_wait3A, %dma_wait3A_192] : memref<2x64x128xf32, #tpu.memory_space<vmem>> -> memref<1x64x128xf32, #tpu.memory_space<vmem>>
      %dma_wait3A_194 = tpu.memref_squeeze %dma_wait3A_193 : memref<1x64x128xf32, #tpu.memory_space<vmem>> -> memref<64x128xf32, #tpu.memory_space<vmem>>
      %dma_wait3A_195 = arith.constant 0 : i32
      %dma_wait3A_196 = tpu.memref_slice %arg14[%add3A_165, %dma_wait3A_195] : memref<10240x128xf32, #tpu.memory_space<vmem_shared>> -> memref<64x128xf32, #tpu.memory_space<vmem_shared>>
      %dma_wait3A_197 = arith.constant 0 : i32
      %dma_wait3A_198 = arith.constant 0 : i32
      %dma_wait3A_199 = tpu.memref_slice %arg13[%run_scoped3A_166, %dma_wait3A_197, %dma_wait3A_198] : memref<2x64x128xf32, #tpu.memory_space<vmem>> -> memref<1x64x128xf32, #tpu.memory_space<vmem>>
      %dma_wait3A_200 = tpu.memref_squeeze %dma_wait3A_199 : memref<1x64x128xf32, #tpu.memory_space<vmem>> -> memref<64x128xf32, #tpu.memory_space<vmem>>
      %dma_wait3A_201 = arith.constant 0 : i32
      %dma_wait3A_202 = tpu.memref_slice %arg14[%add3A_165, %dma_wait3A_201] : memref<10240x128xf32, #tpu.memory_space<vmem_shared>> -> memref<64x128xf32, #tpu.memory_space<vmem_shared>>
      tpu.wait_dma2 semaphore(%run_scoped3A_180 : memref<!tpu.dma_semaphore, #tpu.memory_space<semaphore_mem>>) src(%dma_wait3A_202 : memref<64x128xf32, #tpu.memory_space<vmem_shared>>) dst(%dma_wait3A_200 : memref<64x128xf32, #tpu.memory_space<vmem>>)
      tpu.yield
    }) : () -> ()
    %run_scoped3A_167 = arith.constant 0 : i32
    "tpu.region"() ({
      %run_scoped3A_180 = tpu.sem_alloc : memref<!tpu.dma_semaphore, #tpu.memory_space<semaphore_mem>>
      %dma_start3A = arith.constant 0 : i32
      %dma_start3A_181 = arith.constant 0 : i32
      %dma_start3A_182 = tpu.memref_slice %arg13[%run_scoped3A_167, %dma_start3A, %dma_start3A_181] : memref<2x64x128xf32, #tpu.memory_space<vmem>> -> memref<1x64x128xf32, #tpu.memory_space<vmem>>
      %dma_start3A_183 = tpu.memref_squeeze %dma_start3A_182 : memref<1x64x128xf32, #tpu.memory_space<vmem>> -> memref<64x128xf32, #tpu.memory_space<vmem>>
      %dma_start3A_184 = arith.constant 0 : i32
      %dma_start3A_185 = tpu.memref_slice %arg6[%arg0, %add3A_165, %dma_start3A_184] : memref<2x10240x128xf32, #tpu.memory_space<hbm>> -> memref<1x64x128xf32, #tpu.memory_space<hbm>>
      %dma_start3A_186 = tpu.memref_squeeze %dma_start3A_185 : memref<1x64x128xf32, #tpu.memory_space<hbm>> -> memref<64x128xf32, #tpu.memory_space<hbm>>
      %dma_start3A_187 = arith.constant 0 : i32
      %dma_start3A_188 = tpu.memref_slice %arg6[%arg0, %add3A_165, %dma_start3A_187] : memref<2x10240x128xf32, #tpu.memory_space<hbm>> -> memref<1x64x128xf32, #tpu.memory_space<hbm>>
      %dma_start3A_189 = tpu.memref_squeeze %dma_start3A_188 : memref<1x64x128xf32, #tpu.memory_space<hbm>> -> memref<64x128xf32, #tpu.memory_space<hbm>>
      %dma_start3A_190 = arith.constant 0 : i32
      %dma_start3A_191 = arith.constant 0 : i32
      %dma_start3A_192 = tpu.memref_slice %arg13[%run_scoped3A_167, %dma_start3A_190, %dma_start3A_191] : memref<2x64x128xf32, #tpu.memory_space<vmem>> -> memref<1x64x128xf32, #tpu.memory_space<vmem>>
      %dma_start3A_193 = tpu.memref_squeeze %dma_start3A_192 : memref<1x64x128xf32, #tpu.memory_space<vmem>> -> memref<64x128xf32, #tpu.memory_space<vmem>>
      tpu.enqueue_dma source(%dma_start3A_193 : memref<64x128xf32, #tpu.memory_space<vmem>>) target(%dma_start3A_189 : memref<64x128xf32, #tpu.memory_space<hbm>>) target_semaphore(%run_scoped3A_180 : memref<!tpu.dma_semaphore, #tpu.memory_space<semaphore_mem>>)
      %dma_wait3A = arith.constant 0 : i32
      %dma_wait3A_194 = arith.constant 0 : i32
      %dma_wait3A_195 = tpu.memref_slice %arg13[%run_scoped3A_167, %dma_wait3A, %dma_wait3A_194] : memref<2x64x128xf32, #tpu.memory_space<vmem>> -> memref<1x64x128xf32, #tpu.memory_space<vmem>>
      %dma_wait3A_196 = tpu.memref_squeeze %dma_wait3A_195 : memref<1x64x128xf32, #tpu.memory_space<vmem>> -> memref<64x128xf32, #tpu.memory_space<vmem>>
      %dma_wait3A_197 = arith.constant 0 : i32
      %dma_wait3A_198 = tpu.memref_slice %arg6[%arg0, %add3A_165, %dma_wait3A_197] : memref<2x10240x128xf32, #tpu.memory_space<hbm>> -> memref<1x64x128xf32, #tpu.memory_space<hbm>>
      %dma_wait3A_199 = tpu.memref_squeeze %dma_wait3A_198 : memref<1x64x128xf32, #tpu.memory_space<hbm>> -> memref<64x128xf32, #tpu.memory_space<hbm>>
      %dma_wait3A_200 = arith.constant 0 : i32
      %dma_wait3A_201 = tpu.memref_slice %arg6[%arg0, %add3A_165, %dma_wait3A_200] : memref<2x10240x128xf32, #tpu.memory_space<hbm>> -> memref<1x64x128xf32, #tpu.memory_space<hbm>>
      %dma_wait3A_202 = tpu.memref_squeeze %dma_wait3A_201 : memref<1x64x128xf32, #tpu.memory_space<hbm>> -> memref<64x128xf32, #tpu.memory_space<hbm>>
      %dma_wait3A_203 = arith.constant 0 : i32
      %dma_wait3A_204 = arith.constant 0 : i32
      %dma_wait3A_205 = tpu.memref_slice %arg13[%run_scoped3A_167, %dma_wait3A_203, %dma_wait3A_204] : memref<2x64x128xf32, #tpu.memory_space<vmem>> -> memref<1x64x128xf32, #tpu.memory_space<vmem>>
      %dma_wait3A_206 = tpu.memref_squeeze %dma_wait3A_205 : memref<1x64x128xf32, #tpu.memory_space<vmem>> -> memref<64x128xf32, #tpu.memory_space<vmem>>
      tpu.wait_dma2 semaphore(%run_scoped3A_180 : memref<!tpu.dma_semaphore, #tpu.memory_space<semaphore_mem>>) src(%dma_wait3A_206 : memref<64x128xf32, #tpu.memory_space<vmem>>) dst(%dma_wait3A_202 : memref<64x128xf32, #tpu.memory_space<hbm>>)
      tpu.yield
    }) : () -> ()
    "tpu.region"() ({
      %run_scoped3A_180 = tpu.sem_alloc : memref<!tpu.dma_semaphore, #tpu.memory_space<semaphore_mem>>
      %dma_start3A = tpu.memref_slice %arg15[%add3A_165] : memref<10240xf32, #tpu.memory_space<vmem_shared>> -> memref<64xf32, #tpu.memory_space<vmem_shared>>
      %dma_start3A_181 = tpu.memref_slice %arg15[%add3A_165] : memref<10240xf32, #tpu.memory_space<vmem_shared>> -> memref<64xf32, #tpu.memory_space<vmem_shared>>
      tpu.enqueue_dma source(%dma_start3A_181 : memref<64xf32, #tpu.memory_space<vmem_shared>>) target(%arg12 : memref<64xf32, #tpu.memory_space<vmem>>) target_semaphore(%run_scoped3A_180 : memref<!tpu.dma_semaphore, #tpu.memory_space<semaphore_mem>>)
      %dma_wait3A = tpu.memref_slice %arg15[%add3A_165] : memref<10240xf32, #tpu.memory_space<vmem_shared>> -> memref<64xf32, #tpu.memory_space<vmem_shared>>
      %dma_wait3A_182 = tpu.memref_slice %arg15[%add3A_165] : memref<10240xf32, #tpu.memory_space<vmem_shared>> -> memref<64xf32, #tpu.memory_space<vmem_shared>>
      tpu.wait_dma2 semaphore(%run_scoped3A_180 : memref<!tpu.dma_semaphore, #tpu.memory_space<semaphore_mem>>) src(%dma_wait3A_182 : memref<64xf32, #tpu.memory_space<vmem_shared>>) dst(%arg12 : memref<64xf32, #tpu.memory_space<vmem>>)
      tpu.yield
    }) : () -> ()
    "tpu.region"() ({
      %run_scoped3A_180 = tpu.sem_alloc : memref<!tpu.dma_semaphore, #tpu.memory_space<semaphore_mem>>
      %dma_start3A = tpu.memref_slice %arg7[%arg0, %add3A_165] : memref<2x10240xf32, #tpu.memory_space<hbm>> -> memref<1x64xf32, #tpu.memory_space<hbm>>
      %dma_start3A_181 = tpu.memref_squeeze %dma_start3A : memref<1x64xf32, #tpu.memory_space<hbm>> -> memref<64xf32, #tpu.memory_space<hbm>>
      %dma_start3A_182 = tpu.memref_slice %arg7[%arg0, %add3A_165] : memref<2x10240xf32, #tpu.memory_space<hbm>> -> memref<1x64xf32, #tpu.memory_space<hbm>>
      %dma_start3A_183 = tpu.memref_squeeze %dma_start3A_182 : memref<1x64xf32, #tpu.memory_space<hbm>> -> memref<64xf32, #tpu.memory_space<hbm>>
      tpu.enqueue_dma source(%arg12 : memref<64xf32, #tpu.memory_space<vmem>>) target(%dma_start3A_183 : memref<64xf32, #tpu.memory_space<hbm>>) target_semaphore(%run_scoped3A_180 : memref<!tpu.dma_semaphore, #tpu.memory_space<semaphore_mem>>)
      %dma_wait3A = tpu.memref_slice %arg7[%arg0, %add3A_165] : memref<2x10240xf32, #tpu.memory_space<hbm>> -> memref<1x64xf32, #tpu.memory_space<hbm>>
      %dma_wait3A_184 = tpu.memref_squeeze %dma_wait3A : memref<1x64xf32, #tpu.memory_space<hbm>> -> memref<64xf32, #tpu.memory_space<hbm>>
      %dma_wait3A_185 = tpu.memref_slice %arg7[%arg0, %add3A_165] : memref<2x10240xf32, #tpu.memory_space<hbm>> -> memref<1x64xf32, #tpu.memory_space<hbm>>
      %dma_wait3A_186 = tpu.memref_squeeze %dma_wait3A_185 : memref<1x64xf32, #tpu.memory_space<hbm>> -> memref<64xf32, #tpu.memory_space<hbm>>
      tpu.wait_dma2 semaphore(%run_scoped3A_180 : memref<!tpu.dma_semaphore, #tpu.memory_space<semaphore_mem>>) src(%arg12 : memref<64xf32, #tpu.memory_space<vmem>>) dst(%dma_wait3A_186 : memref<64xf32, #tpu.memory_space<hbm>>)
      tpu.yield
    }) : () -> ()
    %mul3A_168 = arith.constant 640 : i32
    %mul3A_169 = arith.muli %arg1, %mul3A_168 : i32
    %add3A_170 = arith.constant 512 : i32
    %add3A_171 = arith.addi %mul3A_169, %add3A_170 : i32
    %run_scoped3A_172 = arith.constant 0 : i32
    "tpu.region"() ({
      %run_scoped3A_180 = tpu.sem_alloc : memref<!tpu.dma_semaphore, #tpu.memory_space<semaphore_mem>>
      %dma_start3A = arith.constant 0 : i32
      %dma_start3A_181 = arith.constant 0 : i32
      %dma_start3A_182 = tpu.memref_slice %arg13[%run_scoped3A_172, %dma_start3A, %dma_start3A_181] : memref<2x64x128xf32, #tpu.memory_space<vmem>> -> memref<1x64x128xf32, #tpu.memory_space<vmem>>
      %dma_start3A_183 = tpu.memref_squeeze %dma_start3A_182 : memref<1x64x128xf32, #tpu.memory_space<vmem>> -> memref<64x128xf32, #tpu.memory_space<vmem>>
      %dma_start3A_184 = arith.constant 0 : i32
      %dma_start3A_185 = tpu.memref_slice %arg14[%add3A_171, %dma_start3A_184] : memref<10240x128xf32, #tpu.memory_space<vmem_shared>> -> memref<64x128xf32, #tpu.memory_space<vmem_shared>>
      %dma_start3A_186 = arith.constant 0 : i32
      %dma_start3A_187 = arith.constant 0 : i32
      %dma_start3A_188 = tpu.memref_slice %arg13[%run_scoped3A_172, %dma_start3A_186, %dma_start3A_187] : memref<2x64x128xf32, #tpu.memory_space<vmem>> -> memref<1x64x128xf32, #tpu.memory_space<vmem>>
      %dma_start3A_189 = tpu.memref_squeeze %dma_start3A_188 : memref<1x64x128xf32, #tpu.memory_space<vmem>> -> memref<64x128xf32, #tpu.memory_space<vmem>>
      %dma_start3A_190 = arith.constant 0 : i32
      %dma_start3A_191 = tpu.memref_slice %arg14[%add3A_171, %dma_start3A_190] : memref<10240x128xf32, #tpu.memory_space<vmem_shared>> -> memref<64x128xf32, #tpu.memory_space<vmem_shared>>
      tpu.enqueue_dma source(%dma_start3A_191 : memref<64x128xf32, #tpu.memory_space<vmem_shared>>) target(%dma_start3A_189 : memref<64x128xf32, #tpu.memory_space<vmem>>) target_semaphore(%run_scoped3A_180 : memref<!tpu.dma_semaphore, #tpu.memory_space<semaphore_mem>>)
      %dma_wait3A = arith.constant 0 : i32
      %dma_wait3A_192 = arith.constant 0 : i32
      %dma_wait3A_193 = tpu.memref_slice %arg13[%run_scoped3A_172, %dma_wait3A, %dma_wait3A_192] : memref<2x64x128xf32, #tpu.memory_space<vmem>> -> memref<1x64x128xf32, #tpu.memory_space<vmem>>
      %dma_wait3A_194 = tpu.memref_squeeze %dma_wait3A_193 : memref<1x64x128xf32, #tpu.memory_space<vmem>> -> memref<64x128xf32, #tpu.memory_space<vmem>>
      %dma_wait3A_195 = arith.constant 0 : i32
      %dma_wait3A_196 = tpu.memref_slice %arg14[%add3A_171, %dma_wait3A_195] : memref<10240x128xf32, #tpu.memory_space<vmem_shared>> -> memref<64x128xf32, #tpu.memory_space<vmem_shared>>
      %dma_wait3A_197 = arith.constant 0 : i32
      %dma_wait3A_198 = arith.constant 0 : i32
      %dma_wait3A_199 = tpu.memref_slice %arg13[%run_scoped3A_172, %dma_wait3A_197, %dma_wait3A_198] : memref<2x64x128xf32, #tpu.memory_space<vmem>> -> memref<1x64x128xf32, #tpu.memory_space<vmem>>
      %dma_wait3A_200 = tpu.memref_squeeze %dma_wait3A_199 : memref<1x64x128xf32, #tpu.memory_space<vmem>> -> memref<64x128xf32, #tpu.memory_space<vmem>>
      %dma_wait3A_201 = arith.constant 0 : i32
      %dma_wait3A_202 = tpu.memref_slice %arg14[%add3A_171, %dma_wait3A_201] : memref<10240x128xf32, #tpu.memory_space<vmem_shared>> -> memref<64x128xf32, #tpu.memory_space<vmem_shared>>
      tpu.wait_dma2 semaphore(%run_scoped3A_180 : memref<!tpu.dma_semaphore, #tpu.memory_space<semaphore_mem>>) src(%dma_wait3A_202 : memref<64x128xf32, #tpu.memory_space<vmem_shared>>) dst(%dma_wait3A_200 : memref<64x128xf32, #tpu.memory_space<vmem>>)
      tpu.yield
    }) : () -> ()
    %run_scoped3A_173 = arith.constant 0 : i32
    "tpu.region"() ({
      %run_scoped3A_180 = tpu.sem_alloc : memref<!tpu.dma_semaphore, #tpu.memory_space<semaphore_mem>>
      %dma_start3A = arith.constant 0 : i32
      %dma_start3A_181 = arith.constant 0 : i32
      %dma_start3A_182 = tpu.memref_slice %arg13[%run_scoped3A_173, %dma_start3A, %dma_start3A_181] : memref<2x64x128xf32, #tpu.memory_space<vmem>> -> memref<1x64x128xf32, #tpu.memory_space<vmem>>
      %dma_start3A_183 = tpu.memref_squeeze %dma_start3A_182 : memref<1x64x128xf32, #tpu.memory_space<vmem>> -> memref<64x128xf32, #tpu.memory_space<vmem>>
      %dma_start3A_184 = arith.constant 0 : i32
      %dma_start3A_185 = tpu.memref_slice %arg6[%arg0, %add3A_171, %dma_start3A_184] : memref<2x10240x128xf32, #tpu.memory_space<hbm>> -> memref<1x64x128xf32, #tpu.memory_space<hbm>>
      %dma_start3A_186 = tpu.memref_squeeze %dma_start3A_185 : memref<1x64x128xf32, #tpu.memory_space<hbm>> -> memref<64x128xf32, #tpu.memory_space<hbm>>
      %dma_start3A_187 = arith.constant 0 : i32
      %dma_start3A_188 = tpu.memref_slice %arg6[%arg0, %add3A_171, %dma_start3A_187] : memref<2x10240x128xf32, #tpu.memory_space<hbm>> -> memref<1x64x128xf32, #tpu.memory_space<hbm>>
      %dma_start3A_189 = tpu.memref_squeeze %dma_start3A_188 : memref<1x64x128xf32, #tpu.memory_space<hbm>> -> memref<64x128xf32, #tpu.memory_space<hbm>>
      %dma_start3A_190 = arith.constant 0 : i32
      %dma_start3A_191 = arith.constant 0 : i32
      %dma_start3A_192 = tpu.memref_slice %arg13[%run_scoped3A_173, %dma_start3A_190, %dma_start3A_191] : memref<2x64x128xf32, #tpu.memory_space<vmem>> -> memref<1x64x128xf32, #tpu.memory_space<vmem>>
      %dma_start3A_193 = tpu.memref_squeeze %dma_start3A_192 : memref<1x64x128xf32, #tpu.memory_space<vmem>> -> memref<64x128xf32, #tpu.memory_space<vmem>>
      tpu.enqueue_dma source(%dma_start3A_193 : memref<64x128xf32, #tpu.memory_space<vmem>>) target(%dma_start3A_189 : memref<64x128xf32, #tpu.memory_space<hbm>>) target_semaphore(%run_scoped3A_180 : memref<!tpu.dma_semaphore, #tpu.memory_space<semaphore_mem>>)
      %dma_wait3A = arith.constant 0 : i32
      %dma_wait3A_194 = arith.constant 0 : i32
      %dma_wait3A_195 = tpu.memref_slice %arg13[%run_scoped3A_173, %dma_wait3A, %dma_wait3A_194] : memref<2x64x128xf32, #tpu.memory_space<vmem>> -> memref<1x64x128xf32, #tpu.memory_space<vmem>>
      %dma_wait3A_196 = tpu.memref_squeeze %dma_wait3A_195 : memref<1x64x128xf32, #tpu.memory_space<vmem>> -> memref<64x128xf32, #tpu.memory_space<vmem>>
      %dma_wait3A_197 = arith.constant 0 : i32
      %dma_wait3A_198 = tpu.memref_slice %arg6[%arg0, %add3A_171, %dma_wait3A_197] : memref<2x10240x128xf32, #tpu.memory_space<hbm>> -> memref<1x64x128xf32, #tpu.memory_space<hbm>>
      %dma_wait3A_199 = tpu.memref_squeeze %dma_wait3A_198 : memref<1x64x128xf32, #tpu.memory_space<hbm>> -> memref<64x128xf32, #tpu.memory_space<hbm>>
      %dma_wait3A_200 = arith.constant 0 : i32
      %dma_wait3A_201 = tpu.memref_slice %arg6[%arg0, %add3A_171, %dma_wait3A_200] : memref<2x10240x128xf32, #tpu.memory_space<hbm>> -> memref<1x64x128xf32, #tpu.memory_space<hbm>>
      %dma_wait3A_202 = tpu.memref_squeeze %dma_wait3A_201 : memref<1x64x128xf32, #tpu.memory_space<hbm>> -> memref<64x128xf32, #tpu.memory_space<hbm>>
      %dma_wait3A_203 = arith.constant 0 : i32
      %dma_wait3A_204 = arith.constant 0 : i32
      %dma_wait3A_205 = tpu.memref_slice %arg13[%run_scoped3A_173, %dma_wait3A_203, %dma_wait3A_204] : memref<2x64x128xf32, #tpu.memory_space<vmem>> -> memref<1x64x128xf32, #tpu.memory_space<vmem>>
      %dma_wait3A_206 = tpu.memref_squeeze %dma_wait3A_205 : memref<1x64x128xf32, #tpu.memory_space<vmem>> -> memref<64x128xf32, #tpu.memory_space<vmem>>
      tpu.wait_dma2 semaphore(%run_scoped3A_180 : memref<!tpu.dma_semaphore, #tpu.memory_space<semaphore_mem>>) src(%dma_wait3A_206 : memref<64x128xf32, #tpu.memory_space<vmem>>) dst(%dma_wait3A_202 : memref<64x128xf32, #tpu.memory_space<hbm>>)
      tpu.yield
    }) : () -> ()
    "tpu.region"() ({
      %run_scoped3A_180 = tpu.sem_alloc : memref<!tpu.dma_semaphore, #tpu.memory_space<semaphore_mem>>
      %dma_start3A = tpu.memref_slice %arg15[%add3A_171] : memref<10240xf32, #tpu.memory_space<vmem_shared>> -> memref<64xf32, #tpu.memory_space<vmem_shared>>
      %dma_start3A_181 = tpu.memref_slice %arg15[%add3A_171] : memref<10240xf32, #tpu.memory_space<vmem_shared>> -> memref<64xf32, #tpu.memory_space<vmem_shared>>
      tpu.enqueue_dma source(%dma_start3A_181 : memref<64xf32, #tpu.memory_space<vmem_shared>>) target(%arg12 : memref<64xf32, #tpu.memory_space<vmem>>) target_semaphore(%run_scoped3A_180 : memref<!tpu.dma_semaphore, #tpu.memory_space<semaphore_mem>>)
      %dma_wait3A = tpu.memref_slice %arg15[%add3A_171] : memref<10240xf32, #tpu.memory_space<vmem_shared>> -> memref<64xf32, #tpu.memory_space<vmem_shared>>
      %dma_wait3A_182 = tpu.memref_slice %arg15[%add3A_171] : memref<10240xf32, #tpu.memory_space<vmem_shared>> -> memref<64xf32, #tpu.memory_space<vmem_shared>>
      tpu.wait_dma2 semaphore(%run_scoped3A_180 : memref<!tpu.dma_semaphore, #tpu.memory_space<semaphore_mem>>) src(%dma_wait3A_182 : memref<64xf32, #tpu.memory_space<vmem_shared>>) dst(%arg12 : memref<64xf32, #tpu.memory_space<vmem>>)
      tpu.yield
    }) : () -> ()
    "tpu.region"() ({
      %run_scoped3A_180 = tpu.sem_alloc : memref<!tpu.dma_semaphore, #tpu.memory_space<semaphore_mem>>
      %dma_start3A = tpu.memref_slice %arg7[%arg0, %add3A_171] : memref<2x10240xf32, #tpu.memory_space<hbm>> -> memref<1x64xf32, #tpu.memory_space<hbm>>
      %dma_start3A_181 = tpu.memref_squeeze %dma_start3A : memref<1x64xf32, #tpu.memory_space<hbm>> -> memref<64xf32, #tpu.memory_space<hbm>>
      %dma_start3A_182 = tpu.memref_slice %arg7[%arg0, %add3A_171] : memref<2x10240xf32, #tpu.memory_space<hbm>> -> memref<1x64xf32, #tpu.memory_space<hbm>>
      %dma_start3A_183 = tpu.memref_squeeze %dma_start3A_182 : memref<1x64xf32, #tpu.memory_space<hbm>> -> memref<64xf32, #tpu.memory_space<hbm>>
      tpu.enqueue_dma source(%arg12 : memref<64xf32, #tpu.memory_space<vmem>>) target(%dma_start3A_183 : memref<64xf32, #tpu.memory_space<hbm>>) target_semaphore(%run_scoped3A_180 : memref<!tpu.dma_semaphore, #tpu.memory_space<semaphore_mem>>)
      %dma_wait3A = tpu.memref_slice %arg7[%arg0, %add3A_171] : memref<2x10240xf32, #tpu.memory_space<hbm>> -> memref<1x64xf32, #tpu.memory_space<hbm>>
      %dma_wait3A_184 = tpu.memref_squeeze %dma_wait3A : memref<1x64xf32, #tpu.memory_space<hbm>> -> memref<64xf32, #tpu.memory_space<hbm>>
      %dma_wait3A_185 = tpu.memref_slice %arg7[%arg0, %add3A_171] : memref<2x10240xf32, #tpu.memory_space<hbm>> -> memref<1x64xf32, #tpu.memory_space<hbm>>
      %dma_wait3A_186 = tpu.memref_squeeze %dma_wait3A_185 : memref<1x64xf32, #tpu.memory_space<hbm>> -> memref<64xf32, #tpu.memory_space<hbm>>
      tpu.wait_dma2 semaphore(%run_scoped3A_180 : memref<!tpu.dma_semaphore, #tpu.memory_space<semaphore_mem>>) src(%arg12 : memref<64xf32, #tpu.memory_space<vmem>>) dst(%dma_wait3A_186 : memref<64xf32, #tpu.memory_space<hbm>>)
      tpu.yield
    }) : () -> ()
    %mul3A_174 = arith.constant 640 : i32
    %mul3A_175 = arith.muli %arg1, %mul3A_174 : i32
    %add3A_176 = arith.constant 576 : i32
    %add3A_177 = arith.addi %mul3A_175, %add3A_176 : i32
    %run_scoped3A_178 = arith.constant 0 : i32
    "tpu.region"() ({
      %run_scoped3A_180 = tpu.sem_alloc : memref<!tpu.dma_semaphore, #tpu.memory_space<semaphore_mem>>
      %dma_start3A = arith.constant 0 : i32
      %dma_start3A_181 = arith.constant 0 : i32
      %dma_start3A_182 = tpu.memref_slice %arg13[%run_scoped3A_178, %dma_start3A, %dma_start3A_181] : memref<2x64x128xf32, #tpu.memory_space<vmem>> -> memref<1x64x128xf32, #tpu.memory_space<vmem>>
      %dma_start3A_183 = tpu.memref_squeeze %dma_start3A_182 : memref<1x64x128xf32, #tpu.memory_space<vmem>> -> memref<64x128xf32, #tpu.memory_space<vmem>>
      %dma_start3A_184 = arith.constant 0 : i32
      %dma_start3A_185 = tpu.memref_slice %arg14[%add3A_177, %dma_start3A_184] : memref<10240x128xf32, #tpu.memory_space<vmem_shared>> -> memref<64x128xf32, #tpu.memory_space<vmem_shared>>
      %dma_start3A_186 = arith.constant 0 : i32
      %dma_start3A_187 = arith.constant 0 : i32
      %dma_start3A_188 = tpu.memref_slice %arg13[%run_scoped3A_178, %dma_start3A_186, %dma_start3A_187] : memref<2x64x128xf32, #tpu.memory_space<vmem>> -> memref<1x64x128xf32, #tpu.memory_space<vmem>>
      %dma_start3A_189 = tpu.memref_squeeze %dma_start3A_188 : memref<1x64x128xf32, #tpu.memory_space<vmem>> -> memref<64x128xf32, #tpu.memory_space<vmem>>
      %dma_start3A_190 = arith.constant 0 : i32
      %dma_start3A_191 = tpu.memref_slice %arg14[%add3A_177, %dma_start3A_190] : memref<10240x128xf32, #tpu.memory_space<vmem_shared>> -> memref<64x128xf32, #tpu.memory_space<vmem_shared>>
      tpu.enqueue_dma source(%dma_start3A_191 : memref<64x128xf32, #tpu.memory_space<vmem_shared>>) target(%dma_start3A_189 : memref<64x128xf32, #tpu.memory_space<vmem>>) target_semaphore(%run_scoped3A_180 : memref<!tpu.dma_semaphore, #tpu.memory_space<semaphore_mem>>)
      %dma_wait3A = arith.constant 0 : i32
      %dma_wait3A_192 = arith.constant 0 : i32
      %dma_wait3A_193 = tpu.memref_slice %arg13[%run_scoped3A_178, %dma_wait3A, %dma_wait3A_192] : memref<2x64x128xf32, #tpu.memory_space<vmem>> -> memref<1x64x128xf32, #tpu.memory_space<vmem>>
      %dma_wait3A_194 = tpu.memref_squeeze %dma_wait3A_193 : memref<1x64x128xf32, #tpu.memory_space<vmem>> -> memref<64x128xf32, #tpu.memory_space<vmem>>
      %dma_wait3A_195 = arith.constant 0 : i32
      %dma_wait3A_196 = tpu.memref_slice %arg14[%add3A_177, %dma_wait3A_195] : memref<10240x128xf32, #tpu.memory_space<vmem_shared>> -> memref<64x128xf32, #tpu.memory_space<vmem_shared>>
      %dma_wait3A_197 = arith.constant 0 : i32
      %dma_wait3A_198 = arith.constant 0 : i32
      %dma_wait3A_199 = tpu.memref_slice %arg13[%run_scoped3A_178, %dma_wait3A_197, %dma_wait3A_198] : memref<2x64x128xf32, #tpu.memory_space<vmem>> -> memref<1x64x128xf32, #tpu.memory_space<vmem>>
      %dma_wait3A_200 = tpu.memref_squeeze %dma_wait3A_199 : memref<1x64x128xf32, #tpu.memory_space<vmem>> -> memref<64x128xf32, #tpu.memory_space<vmem>>
      %dma_wait3A_201 = arith.constant 0 : i32
      %dma_wait3A_202 = tpu.memref_slice %arg14[%add3A_177, %dma_wait3A_201] : memref<10240x128xf32, #tpu.memory_space<vmem_shared>> -> memref<64x128xf32, #tpu.memory_space<vmem_shared>>
      tpu.wait_dma2 semaphore(%run_scoped3A_180 : memref<!tpu.dma_semaphore, #tpu.memory_space<semaphore_mem>>) src(%dma_wait3A_202 : memref<64x128xf32, #tpu.memory_space<vmem_shared>>) dst(%dma_wait3A_200 : memref<64x128xf32, #tpu.memory_space<vmem>>)
      tpu.yield
    }) : () -> ()
    %run_scoped3A_179 = arith.constant 0 : i32
    "tpu.region"() ({
      %run_scoped3A_180 = tpu.sem_alloc : memref<!tpu.dma_semaphore, #tpu.memory_space<semaphore_mem>>
      %dma_start3A = arith.constant 0 : i32
      %dma_start3A_181 = arith.constant 0 : i32
      %dma_start3A_182 = tpu.memref_slice %arg13[%run_scoped3A_179, %dma_start3A, %dma_start3A_181] : memref<2x64x128xf32, #tpu.memory_space<vmem>> -> memref<1x64x128xf32, #tpu.memory_space<vmem>>
      %dma_start3A_183 = tpu.memref_squeeze %dma_start3A_182 : memref<1x64x128xf32, #tpu.memory_space<vmem>> -> memref<64x128xf32, #tpu.memory_space<vmem>>
      %dma_start3A_184 = arith.constant 0 : i32
      %dma_start3A_185 = tpu.memref_slice %arg6[%arg0, %add3A_177, %dma_start3A_184] : memref<2x10240x128xf32, #tpu.memory_space<hbm>> -> memref<1x64x128xf32, #tpu.memory_space<hbm>>
      %dma_start3A_186 = tpu.memref_squeeze %dma_start3A_185 : memref<1x64x128xf32, #tpu.memory_space<hbm>> -> memref<64x128xf32, #tpu.memory_space<hbm>>
      %dma_start3A_187 = arith.constant 0 : i32
      %dma_start3A_188 = tpu.memref_slice %arg6[%arg0, %add3A_177, %dma_start3A_187] : memref<2x10240x128xf32, #tpu.memory_space<hbm>> -> memref<1x64x128xf32, #tpu.memory_space<hbm>>
      %dma_start3A_189 = tpu.memref_squeeze %dma_start3A_188 : memref<1x64x128xf32, #tpu.memory_space<hbm>> -> memref<64x128xf32, #tpu.memory_space<hbm>>
      %dma_start3A_190 = arith.constant 0 : i32
      %dma_start3A_191 = arith.constant 0 : i32
      %dma_start3A_192 = tpu.memref_slice %arg13[%run_scoped3A_179, %dma_start3A_190, %dma_start3A_191] : memref<2x64x128xf32, #tpu.memory_space<vmem>> -> memref<1x64x128xf32, #tpu.memory_space<vmem>>
      %dma_start3A_193 = tpu.memref_squeeze %dma_start3A_192 : memref<1x64x128xf32, #tpu.memory_space<vmem>> -> memref<64x128xf32, #tpu.memory_space<vmem>>
      tpu.enqueue_dma source(%dma_start3A_193 : memref<64x128xf32, #tpu.memory_space<vmem>>) target(%dma_start3A_189 : memref<64x128xf32, #tpu.memory_space<hbm>>) target_semaphore(%run_scoped3A_180 : memref<!tpu.dma_semaphore, #tpu.memory_space<semaphore_mem>>)
      %dma_wait3A = arith.constant 0 : i32
      %dma_wait3A_194 = arith.constant 0 : i32
      %dma_wait3A_195 = tpu.memref_slice %arg13[%run_scoped3A_179, %dma_wait3A, %dma_wait3A_194] : memref<2x64x128xf32, #tpu.memory_space<vmem>> -> memref<1x64x128xf32, #tpu.memory_space<vmem>>
      %dma_wait3A_196 = tpu.memref_squeeze %dma_wait3A_195 : memref<1x64x128xf32, #tpu.memory_space<vmem>> -> memref<64x128xf32, #tpu.memory_space<vmem>>
      %dma_wait3A_197 = arith.constant 0 : i32
      %dma_wait3A_198 = tpu.memref_slice %arg6[%arg0, %add3A_177, %dma_wait3A_197] : memref<2x10240x128xf32, #tpu.memory_space<hbm>> -> memref<1x64x128xf32, #tpu.memory_space<hbm>>
      %dma_wait3A_199 = tpu.memref_squeeze %dma_wait3A_198 : memref<1x64x128xf32, #tpu.memory_space<hbm>> -> memref<64x128xf32, #tpu.memory_space<hbm>>
      %dma_wait3A_200 = arith.constant 0 : i32
      %dma_wait3A_201 = tpu.memref_slice %arg6[%arg0, %add3A_177, %dma_wait3A_200] : memref<2x10240x128xf32, #tpu.memory_space<hbm>> -> memref<1x64x128xf32, #tpu.memory_space<hbm>>
      %dma_wait3A_202 = tpu.memref_squeeze %dma_wait3A_201 : memref<1x64x128xf32, #tpu.memory_space<hbm>> -> memref<64x128xf32, #tpu.memory_space<hbm>>
      %dma_wait3A_203 = arith.constant 0 : i32
      %dma_wait3A_204 = arith.constant 0 : i32
      %dma_wait3A_205 = tpu.memref_slice %arg13[%run_scoped3A_179, %dma_wait3A_203, %dma_wait3A_204] : memref<2x64x128xf32, #tpu.memory_space<vmem>> -> memref<1x64x128xf32, #tpu.memory_space<vmem>>
      %dma_wait3A_206 = tpu.memref_squeeze %dma_wait3A_205 : memref<1x64x128xf32, #tpu.memory_space<vmem>> -> memref<64x128xf32, #tpu.memory_space<vmem>>
      tpu.wait_dma2 semaphore(%run_scoped3A_180 : memref<!tpu.dma_semaphore, #tpu.memory_space<semaphore_mem>>) src(%dma_wait3A_206 : memref<64x128xf32, #tpu.memory_space<vmem>>) dst(%dma_wait3A_202 : memref<64x128xf32, #tpu.memory_space<hbm>>)
      tpu.yield
    }) : () -> ()
    "tpu.region"() ({
      %run_scoped3A_180 = tpu.sem_alloc : memref<!tpu.dma_semaphore, #tpu.memory_space<semaphore_mem>>
      %dma_start3A = tpu.memref_slice %arg15[%add3A_177] : memref<10240xf32, #tpu.memory_space<vmem_shared>> -> memref<64xf32, #tpu.memory_space<vmem_shared>>
      %dma_start3A_181 = tpu.memref_slice %arg15[%add3A_177] : memref<10240xf32, #tpu.memory_space<vmem_shared>> -> memref<64xf32, #tpu.memory_space<vmem_shared>>
      tpu.enqueue_dma source(%dma_start3A_181 : memref<64xf32, #tpu.memory_space<vmem_shared>>) target(%arg12 : memref<64xf32, #tpu.memory_space<vmem>>) target_semaphore(%run_scoped3A_180 : memref<!tpu.dma_semaphore, #tpu.memory_space<semaphore_mem>>)
      %dma_wait3A = tpu.memref_slice %arg15[%add3A_177] : memref<10240xf32, #tpu.memory_space<vmem_shared>> -> memref<64xf32, #tpu.memory_space<vmem_shared>>
      %dma_wait3A_182 = tpu.memref_slice %arg15[%add3A_177] : memref<10240xf32, #tpu.memory_space<vmem_shared>> -> memref<64xf32, #tpu.memory_space<vmem_shared>>
      tpu.wait_dma2 semaphore(%run_scoped3A_180 : memref<!tpu.dma_semaphore, #tpu.memory_space<semaphore_mem>>) src(%dma_wait3A_182 : memref<64xf32, #tpu.memory_space<vmem_shared>>) dst(%arg12 : memref<64xf32, #tpu.memory_space<vmem>>)
      tpu.yield
    }) : () -> ()
    "tpu.region"() ({
      %run_scoped3A_180 = tpu.sem_alloc : memref<!tpu.dma_semaphore, #tpu.memory_space<semaphore_mem>>
      %dma_start3A = tpu.memref_slice %arg7[%arg0, %add3A_177] : memref<2x10240xf32, #tpu.memory_space<hbm>> -> memref<1x64xf32, #tpu.memory_space<hbm>>
      %dma_start3A_181 = tpu.memref_squeeze %dma_start3A : memref<1x64xf32, #tpu.memory_space<hbm>> -> memref<64xf32, #tpu.memory_space<hbm>>
      %dma_start3A_182 = tpu.memref_slice %arg7[%arg0, %add3A_177] : memref<2x10240xf32, #tpu.memory_space<hbm>> -> memref<1x64xf32, #tpu.memory_space<hbm>>
      %dma_start3A_183 = tpu.memref_squeeze %dma_start3A_182 : memref<1x64xf32, #tpu.memory_space<hbm>> -> memref<64xf32, #tpu.memory_space<hbm>>
      tpu.enqueue_dma source(%arg12 : memref<64xf32, #tpu.memory_space<vmem>>) target(%dma_start3A_183 : memref<64xf32, #tpu.memory_space<hbm>>) target_semaphore(%run_scoped3A_180 : memref<!tpu.dma_semaphore, #tpu.memory_space<semaphore_mem>>)
      %dma_wait3A = tpu.memref_slice %arg7[%arg0, %add3A_177] : memref<2x10240xf32, #tpu.memory_space<hbm>> -> memref<1x64xf32, #tpu.memory_space<hbm>>
      %dma_wait3A_184 = tpu.memref_squeeze %dma_wait3A : memref<1x64xf32, #tpu.memory_space<hbm>> -> memref<64xf32, #tpu.memory_space<hbm>>
      %dma_wait3A_185 = tpu.memref_slice %arg7[%arg0, %add3A_177] : memref<2x10240xf32, #tpu.memory_space<hbm>> -> memref<1x64xf32, #tpu.memory_space<hbm>>
      %dma_wait3A_186 = tpu.memref_squeeze %dma_wait3A_185 : memref<1x64xf32, #tpu.memory_space<hbm>> -> memref<64xf32, #tpu.memory_space<hbm>>
      tpu.wait_dma2 semaphore(%run_scoped3A_180 : memref<!tpu.dma_semaphore, #tpu.memory_space<semaphore_mem>>) src(%arg12 : memref<64xf32, #tpu.memory_space<vmem>>) dst(%dma_wait3A_186 : memref<64xf32, #tpu.memory_space<hbm>>)
      tpu.yield
    }) : () -> ()
    return
  }
}

#map = affine_map<(d0, d1) -> (0, 0)>
#map1 = affine_map<(d0, d1) -> (0, 0, 0)>
module attributes {stable_mosaic.version = 14 : i64} {
  func.func @_sc_gat_body(%arg0: i32, %arg1: i32, %arg2: memref<10240x128xf32, #tpu.memory_space<hbm>>, %arg3: memref<2x10240xf32, #tpu.memory_space<hbm>>, %arg4: memref<32x160x64xi32, #tpu.memory_space<hbm>>, %arg5: memref<32x160x64xi32, #tpu.memory_space<hbm>>, %arg6: memref<2x10240x128xf32, #tpu.memory_space<hbm>>, %arg7: memref<2x10240xf32, #tpu.memory_space<hbm>>, %arg8: memref<10240xf32, #tpu.memory_space<vmem>>, %arg9: memref<10240xf32, #tpu.memory_space<vmem>>, %arg10: memref<2x64xi32, #tpu.memory_space<vmem>>, %arg11: memref<2x64xi32, #tpu.memory_space<vmem>>, %arg12: memref<64xf32, #tpu.memory_space<vmem>>, %arg13: memref<2x64x128xf32, #tpu.memory_space<vmem>>, %arg14: memref<10240x128xf32, #tpu.memory_space<vmem_shared>>, %arg15: memref<10240xf32, #tpu.memory_space<vmem_shared>>, %arg16: memref<!tpu.dma_semaphore, #tpu.memory_space<semaphore_mem>>) attributes {dimension_semantics = [#tpu.dimension_semantics<core_parallel>, #tpu.dimension_semantics<subcore_parallel>], iteration_bounds = array<i64: 2, 16>, scalar_prefetch = 0 : i64, scratch_operands = 9 : i64, tpu.core_type = #tpu.core_type<sc_vector_subcore>, window_params = [{transform_indices = #map}, {transform_indices = #map}, {transform_indices = #map1}, {transform_indices = #map1}, {transform_indices = #map1}, {transform_indices = #map}]} {
    %mul3A = arith.constant 16 : i32
    %mul3A_0 = arith.muli %arg0, %mul3A : i32
    %add3A = arith.addi %mul3A_0, %arg1 : i32
    %run_scoped3A = arith.constant 0 : i32
    "tpu.region"() ({
      %run_scoped3A_180 = tpu.sem_alloc : memref<!tpu.dma_semaphore, #tpu.memory_space<semaphore_mem>>
      %dma_start3A = arith.constant 0 : i32
      %dma_start3A_181 = tpu.memref_slice %arg3[%run_scoped3A, %dma_start3A] : memref<2x10240xf32, #tpu.memory_space<hbm>> -> memref<1x10240xf32, #tpu.memory_space<hbm>>
      %dma_start3A_182 = tpu.memref_squeeze %dma_start3A_181 : memref<1x10240xf32, #tpu.memory_space<hbm>> -> memref<10240xf32, #tpu.memory_space<hbm>>
      %dma_start3A_183 = arith.constant 0 : i32
      %dma_start3A_184 = tpu.memref_slice %arg3[%run_scoped3A, %dma_start3A_183] : memref<2x10240xf32, #tpu.memory_space<hbm>> -> memref<1x10240xf32, #tpu.memory_space<hbm>>
      %dma_start3A_185 = tpu.memref_squeeze %dma_start3A_184 : memref<1x10240xf32, #tpu.memory_space<hbm>> -> memref<10240xf32, #tpu.memory_space<hbm>>
      tpu.enqueue_dma source(%dma_start3A_185 : memref<10240xf32, #tpu.memory_space<hbm>>) target(%arg8 : memref<10240xf32, #tpu.memory_space<vmem>>) target_semaphore(%run_scoped3A_180 : memref<!tpu.dma_semaphore, #tpu.memory_space<semaphore_mem>>)
      %dma_wait3A = arith.constant 0 : i32
      %dma_wait3A_186 = tpu.memref_slice %arg3[%run_scoped3A, %dma_wait3A] : memref<2x10240xf32, #tpu.memory_space<hbm>> -> memref<1x10240xf32, #tpu.memory_space<hbm>>
      %dma_wait3A_187 = tpu.memref_squeeze %dma_wait3A_186 : memref<1x10240xf32, #tpu.memory_space<hbm>> -> memref<10240xf32, #tpu.memory_space<hbm>>
      %dma_wait3A_188 = arith.constant 0 : i32
      %dma_wait3A_189 = tpu.memref_slice %arg3[%run_scoped3A, %dma_wait3A_188] : memref<2x10240xf32, #tpu.memory_space<hbm>> -> memref<1x10240xf32, #tpu.memory_space<hbm>>
      %dma_wait3A_190 = tpu.memref_squeeze %dma_wait3A_189 : memref<1x10240xf32, #tpu.memory_space<hbm>> -> memref<10240xf32, #tpu.memory_space<hbm>>
      tpu.wait_dma2 semaphore(%run_scoped3A_180 : memref<!tpu.dma_semaphore, #tpu.memory_space<semaphore_mem>>) src(%dma_wait3A_190 : memref<10240xf32, #tpu.memory_space<hbm>>) dst(%arg8 : memref<10240xf32, #tpu.memory_space<vmem>>)
      tpu.yield
    }) : () -> ()
    %run_scoped3A_1 = arith.constant 1 : i32
    "tpu.region"() ({
      %run_scoped3A_180 = tpu.sem_alloc : memref<!tpu.dma_semaphore, #tpu.memory_space<semaphore_mem>>
      %dma_start3A = arith.constant 0 : i32
      %dma_start3A_181 = tpu.memref_slice %arg3[%run_scoped3A_1, %dma_start3A] : memref<2x10240xf32, #tpu.memory_space<hbm>> -> memref<1x10240xf32, #tpu.memory_space<hbm>>
      %dma_start3A_182 = tpu.memref_squeeze %dma_start3A_181 : memref<1x10240xf32, #tpu.memory_space<hbm>> -> memref<10240xf32, #tpu.memory_space<hbm>>
      %dma_start3A_183 = arith.constant 0 : i32
      %dma_start3A_184 = tpu.memref_slice %arg3[%run_scoped3A_1, %dma_start3A_183] : memref<2x10240xf32, #tpu.memory_space<hbm>> -> memref<1x10240xf32, #tpu.memory_space<hbm>>
      %dma_start3A_185 = tpu.memref_squeeze %dma_start3A_184 : memref<1x10240xf32, #tpu.memory_space<hbm>> -> memref<10240xf32, #tpu.memory_space<hbm>>
      tpu.enqueue_dma source(%dma_start3A_185 : memref<10240xf32, #tpu.memory_space<hbm>>) target(%arg9 : memref<10240xf32, #tpu.memory_space<vmem>>) target_semaphore(%run_scoped3A_180 : memref<!tpu.dma_semaphore, #tpu.memory_space<semaphore_mem>>)
      %dma_wait3A = arith.constant 0 : i32
      %dma_wait3A_186 = tpu.memref_slice %arg3[%run_scoped3A_1, %dma_wait3A] : memref<2x10240xf32, #tpu.memory_space<hbm>> -> memref<1x10240xf32, #tpu.memory_space<hbm>>
      %dma_wait3A_187 = tpu.memref_squeeze %dma_wait3A_186 : memref<1x10240xf32, #tpu.memory_space<hbm>> -> memref<10240xf32, #tpu.memory_space<hbm>>
      %dma_wait3A_188 = arith.constant 0 : i32
      %dma_wait3A_189 = tpu.memref_slice %arg3[%run_scoped3A_1, %dma_wait3A_188] : memref<2x10240xf32, #tpu.memory_space<hbm>> -> memref<1x10240xf32, #tpu.memory_space<hbm>>
      %dma_wait3A_190 = tpu.memref_squeeze %dma_wait3A_189 : memref<1x10240xf32, #tpu.memory_space<hbm>> -> memref<10240xf32, #tpu.memory_space<hbm>>
      tpu.wait_dma2 semaphore(%run_scoped3A_180 : memref<!tpu.dma_semaphore, #tpu.memory_space<semaphore_mem>>) src(%dma_wait3A_190 : memref<10240xf32, #tpu.memory_space<hbm>>) dst(%arg9 : memref<10240xf32, #tpu.memory_space<vmem>>)
      tpu.yield
    }) : () -> ()
    %scan3A = arith.constant 0 : i32
    %scan3A_2 = arith.constant 0 : i32
    %scan3A_3 = arith.constant 64 : i32
    %scan3A_4 = arith.addi %scan3A_2, %scan3A_3 : i32
    %scan3A_5 = arith.constant 1 : i32
    %scan3A_6 = scf.for %scan3A_180 = %scan3A_2 to %scan3A_4 step %scan3A_5 iter_args(%scan3A_181 = %scan3A) -> (i32)  : i32 {
      %broadcast_in_dim3A_182 = arith.constant 0.000000e+00 : f32
      %broadcast_in_dim3A_183 = vector.broadcast %broadcast_in_dim3A_182 : f32 to vector<16xf32>
      %swap3A_184 = arith.constant 0 : i32
      %swap3A_185 = arith.index_cast %swap3A_184 : i32 to index
      %swap3A_186 = arith.index_cast %scan3A_180 : i32 to index
      %swap3A_187 = arith.constant 0 : index
      %swap3A_188 = tpu.vector_load %arg13[%swap3A_185, %swap3A_186, %swap3A_187] {strides = array<i32>} : memref<2x64x128xf32, #tpu.memory_space<vmem>>, vector<16xf32>,
      tpu.vector_store %arg13[%swap3A_185, %swap3A_186, %swap3A_187], %broadcast_in_dim3A_183 {strides = array<i32>} : memref<2x64x128xf32, #tpu.memory_space<vmem>>, vector<16xf32>,
      %broadcast_in_dim3A_189 = arith.constant 0.000000e+00 : f32
      %broadcast_in_dim3A_190 = vector.broadcast %broadcast_in_dim3A_189 : f32 to vector<16xf32>
      %swap3A_191 = arith.constant 0 : i32
      %swap3A_192 = arith.index_cast %swap3A_191 : i32 to index
      %swap3A_193 = arith.index_cast %scan3A_180 : i32 to index
      %swap3A_194 = arith.constant 16 : index
      %swap3A_195 = tpu.vector_load %arg13[%swap3A_192, %swap3A_193, %swap3A_194] {strides = array<i32>} : memref<2x64x128xf32, #tpu.memory_space<vmem>>, vector<16xf32>,
      tpu.vector_store %arg13[%swap3A_192, %swap3A_193, %swap3A_194], %broadcast_in_dim3A_190 {strides = array<i32>} : memref<2x64x128xf32, #tpu.memory_space<vmem>>, vector<16xf32>,
      %broadcast_in_dim3A_196 = arith.constant 0.000000e+00 : f32
      %broadcast_in_dim3A_197 = vector.broadcast %broadcast_in_dim3A_196 : f32 to vector<16xf32>
      %swap3A_198 = arith.constant 0 : i32
      %swap3A_199 = arith.index_cast %swap3A_198 : i32 to index
      %swap3A_200 = arith.index_cast %scan3A_180 : i32 to index
      %swap3A_201 = arith.constant 32 : index
      %swap3A_202 = tpu.vector_load %arg13[%swap3A_199, %swap3A_200, %swap3A_201] {strides = array<i32>} : memref<2x64x128xf32, #tpu.memory_space<vmem>>, vector<16xf32>,
      tpu.vector_store %arg13[%swap3A_199, %swap3A_200, %swap3A_201], %broadcast_in_dim3A_197 {strides = array<i32>} : memref<2x64x128xf32, #tpu.memory_space<vmem>>, vector<16xf32>,
      %broadcast_in_dim3A_203 = arith.constant 0.000000e+00 : f32
      %broadcast_in_dim3A_204 = vector.broadcast %broadcast_in_dim3A_203 : f32 to vector<16xf32>
      %swap3A_205 = arith.constant 0 : i32
      %swap3A_206 = arith.index_cast %swap3A_205 : i32 to index
      %swap3A_207 = arith.index_cast %scan3A_180 : i32 to index
      %swap3A_208 = arith.constant 48 : index
      %swap3A_209 = tpu.vector_load %arg13[%swap3A_206, %swap3A_207, %swap3A_208] {strides = array<i32>} : memref<2x64x128xf32, #tpu.memory_space<vmem>>, vector<16xf32>,
      tpu.vector_store %arg13[%swap3A_206, %swap3A_207, %swap3A_208], %broadcast_in_dim3A_204 {strides = array<i32>} : memref<2x64x128xf32, #tpu.memory_space<vmem>>, vector<16xf32>,
      %broadcast_in_dim3A_210 = arith.constant 0.000000e+00 : f32
      %broadcast_in_dim3A_211 = vector.broadcast %broadcast_in_dim3A_210 : f32 to vector<16xf32>
      %swap3A_212 = arith.constant 0 : i32
      %swap3A_213 = arith.index_cast %swap3A_212 : i32 to index
      %swap3A_214 = arith.index_cast %scan3A_180 : i32 to index
      %swap3A_215 = arith.constant 64 : index
      %swap3A_216 = tpu.vector_load %arg13[%swap3A_213, %swap3A_214, %swap3A_215] {strides = array<i32>} : memref<2x64x128xf32, #tpu.memory_space<vmem>>, vector<16xf32>,
      tpu.vector_store %arg13[%swap3A_213, %swap3A_214, %swap3A_215], %broadcast_in_dim3A_211 {strides = array<i32>} : memref<2x64x128xf32, #tpu.memory_space<vmem>>, vector<16xf32>,
      %broadcast_in_dim3A_217 = arith.constant 0.000000e+00 : f32
      %broadcast_in_dim3A_218 = vector.broadcast %broadcast_in_dim3A_217 : f32 to vector<16xf32>
      %swap3A_219 = arith.constant 0 : i32
      %swap3A_220 = arith.index_cast %swap3A_219 : i32 to index
      %swap3A_221 = arith.index_cast %scan3A_180 : i32 to index
      %swap3A_222 = arith.constant 80 : index
      %swap3A_223 = tpu.vector_load %arg13[%swap3A_220, %swap3A_221, %swap3A_222] {strides = array<i32>} : memref<2x64x128xf32, #tpu.memory_space<vmem>>, vector<16xf32>,
      tpu.vector_store %arg13[%swap3A_220, %swap3A_221, %swap3A_222], %broadcast_in_dim3A_218 {strides = array<i32>} : memref<2x64x128xf32, #tpu.memory_space<vmem>>, vector<16xf32>,
      %broadcast_in_dim3A_224 = arith.constant 0.000000e+00 : f32
      %broadcast_in_dim3A_225 = vector.broadcast %broadcast_in_dim3A_224 : f32 to vector<16xf32>
      %swap3A_226 = arith.constant 0 : i32
      %swap3A_227 = arith.index_cast %swap3A_226 : i32 to index
      %swap3A_228 = arith.index_cast %scan3A_180 : i32 to index
      %swap3A_229 = arith.constant 96 : index
      %swap3A_230 = tpu.vector_load %arg13[%swap3A_227, %swap3A_228, %swap3A_229] {strides = array<i32>} : memref<2x64x128xf32, #tpu.memory_space<vmem>>, vector<16xf32>,
      tpu.vector_store %arg13[%swap3A_227, %swap3A_228, %swap3A_229], %broadcast_in_dim3A_225 {strides = array<i32>} : memref<2x64x128xf32, #tpu.memory_space<vmem>>, vector<16xf32>,
      %broadcast_in_dim3A_231 = arith.constant 0.000000e+00 : f32
      %broadcast_in_dim3A_232 = vector.broadcast %broadcast_in_dim3A_231 : f32 to vector<16xf32>
      %swap3A_233 = arith.constant 0 : i32
      %swap3A_234 = arith.index_cast %swap3A_233 : i32 to index
      %swap3A_235 = arith.index_cast %scan3A_180 : i32 to index
      %swap3A_236 = arith.constant 112 : index
      %swap3A_237 = tpu.vector_load %arg13[%swap3A_234, %swap3A_235, %swap3A_236] {strides = array<i32>} : memref<2x64x128xf32, #tpu.memory_space<vmem>>, vector<16xf32>,
      tpu.vector_store %arg13[%swap3A_234, %swap3A_235, %swap3A_236], %broadcast_in_dim3A_232 {strides = array<i32>} : memref<2x64x128xf32, #tpu.memory_space<vmem>>, vector<16xf32>,
      %scan3A_238 = arith.constant 0 : i32
      scf.yield %scan3A_238 : i32
    }
    %scan3A_7 = arith.constant 64 : i32
    %broadcast_in_dim3A = arith.constant 0.000000e+00 : f32
    %broadcast_in_dim3A_8 = vector.broadcast %broadcast_in_dim3A : f32 to vector<16xf32>
    %swap3A = arith.constant 0 : index
    %swap3A_9 = tpu.vector_load %arg12[%swap3A] {strides = array<i32>} : memref<64xf32, #tpu.memory_space<vmem>>, vector<16xf32>,
    tpu.vector_store %arg12[%swap3A], %broadcast_in_dim3A_8 {strides = array<i32>} : memref<64xf32, #tpu.memory_space<vmem>>, vector<16xf32>,
    %broadcast_in_dim3A_10 = arith.constant 0.000000e+00 : f32
    %broadcast_in_dim3A_11 = vector.broadcast %broadcast_in_dim3A_10 : f32 to vector<16xf32>
    %swap3A_12 = arith.constant 16 : index
    %swap3A_13 = tpu.vector_load %arg12[%swap3A_12] {strides = array<i32>} : memref<64xf32, #tpu.memory_space<vmem>>, vector<16xf32>,
    tpu.vector_store %arg12[%swap3A_12], %broadcast_in_dim3A_11 {strides = array<i32>} : memref<64xf32, #tpu.memory_space<vmem>>, vector<16xf32>,
    %broadcast_in_dim3A_14 = arith.constant 0.000000e+00 : f32
    %broadcast_in_dim3A_15 = vector.broadcast %broadcast_in_dim3A_14 : f32 to vector<16xf32>
    %swap3A_16 = arith.constant 32 : index
    %swap3A_17 = tpu.vector_load %arg12[%swap3A_16] {strides = array<i32>} : memref<64xf32, #tpu.memory_space<vmem>>, vector<16xf32>,
    tpu.vector_store %arg12[%swap3A_16], %broadcast_in_dim3A_15 {strides = array<i32>} : memref<64xf32, #tpu.memory_space<vmem>>, vector<16xf32>,
    %broadcast_in_dim3A_18 = arith.constant 0.000000e+00 : f32
    %broadcast_in_dim3A_19 = vector.broadcast %broadcast_in_dim3A_18 : f32 to vector<16xf32>
    %swap3A_20 = arith.constant 48 : index
    %swap3A_21 = tpu.vector_load %arg12[%swap3A_20] {strides = array<i32>} : memref<64xf32, #tpu.memory_space<vmem>>, vector<16xf32>,
    tpu.vector_store %arg12[%swap3A_20], %broadcast_in_dim3A_19 {strides = array<i32>} : memref<64xf32, #tpu.memory_space<vmem>>, vector<16xf32>,
    %mul3A_22 = arith.constant 640 : i32
    %mul3A_23 = arith.muli %arg1, %mul3A_22 : i32
    %add3A_24 = arith.constant 0 : i32
    %add3A_25 = arith.addi %mul3A_23, %add3A_24 : i32
    %run_scoped3A_26 = arith.constant 0 : i32
    "tpu.region"() ({
      %run_scoped3A_180 = tpu.sem_alloc : memref<!tpu.dma_semaphore, #tpu.memory_space<semaphore_mem>>
      %dma_start3A = arith.constant 0 : i32
      %dma_start3A_181 = arith.constant 0 : i32
      %dma_start3A_182 = tpu.memref_slice %arg13[%run_scoped3A_26, %dma_start3A, %dma_start3A_181] : memref<2x64x128xf32, #tpu.memory_space<vmem>> -> memref<1x64x128xf32, #tpu.memory_space<vmem>>
      %dma_start3A_183 = tpu.memref_squeeze %dma_start3A_182 : memref<1x64x128xf32, #tpu.memory_space<vmem>> -> memref<64x128xf32, #tpu.memory_space<vmem>>
      %dma_start3A_184 = arith.constant 0 : i32
      %dma_start3A_185 = tpu.memref_slice %arg14[%add3A_25, %dma_start3A_184] : memref<10240x128xf32, #tpu.memory_space<vmem_shared>> -> memref<64x128xf32, #tpu.memory_space<vmem_shared>>
      %dma_start3A_186 = arith.constant 0 : i32
      %dma_start3A_187 = tpu.memref_slice %arg14[%add3A_25, %dma_start3A_186] : memref<10240x128xf32, #tpu.memory_space<vmem_shared>> -> memref<64x128xf32, #tpu.memory_space<vmem_shared>>
      %dma_start3A_188 = arith.constant 0 : i32
      %dma_start3A_189 = arith.constant 0 : i32
      %dma_start3A_190 = tpu.memref_slice %arg13[%run_scoped3A_26, %dma_start3A_188, %dma_start3A_189] : memref<2x64x128xf32, #tpu.memory_space<vmem>> -> memref<1x64x128xf32, #tpu.memory_space<vmem>>
      %dma_start3A_191 = tpu.memref_squeeze %dma_start3A_190 : memref<1x64x128xf32, #tpu.memory_space<vmem>> -> memref<64x128xf32, #tpu.memory_space<vmem>>
      tpu.enqueue_dma source(%dma_start3A_191 : memref<64x128xf32, #tpu.memory_space<vmem>>) target(%dma_start3A_187 : memref<64x128xf32, #tpu.memory_space<vmem_shared>>) target_semaphore(%run_scoped3A_180 : memref<!tpu.dma_semaphore, #tpu.memory_space<semaphore_mem>>)
      %dma_wait3A = arith.constant 0 : i32
      %dma_wait3A_192 = arith.constant 0 : i32
      %dma_wait3A_193 = tpu.memref_slice %arg13[%run_scoped3A_26, %dma_wait3A, %dma_wait3A_192] : memref<2x64x128xf32, #tpu.memory_space<vmem>> -> memref<1x64x128xf32, #tpu.memory_space<vmem>>
      %dma_wait3A_194 = tpu.memref_squeeze %dma_wait3A_193 : memref<1x64x128xf32, #tpu.memory_space<vmem>> -> memref<64x128xf32, #tpu.memory_space<vmem>>
      %dma_wait3A_195 = arith.constant 0 : i32
      %dma_wait3A_196 = tpu.memref_slice %arg14[%add3A_25, %dma_wait3A_195] : memref<10240x128xf32, #tpu.memory_space<vmem_shared>> -> memref<64x128xf32, #tpu.memory_space<vmem_shared>>
      %dma_wait3A_197 = arith.constant 0 : i32
      %dma_wait3A_198 = tpu.memref_slice %arg14[%add3A_25, %dma_wait3A_197] : memref<10240x128xf32, #tpu.memory_space<vmem_shared>> -> memref<64x128xf32, #tpu.memory_space<vmem_shared>>
      %dma_wait3A_199 = arith.constant 0 : i32
      %dma_wait3A_200 = arith.constant 0 : i32
      %dma_wait3A_201 = tpu.memref_slice %arg13[%run_scoped3A_26, %dma_wait3A_199, %dma_wait3A_200] : memref<2x64x128xf32, #tpu.memory_space<vmem>> -> memref<1x64x128xf32, #tpu.memory_space<vmem>>
      %dma_wait3A_202 = tpu.memref_squeeze %dma_wait3A_201 : memref<1x64x128xf32, #tpu.memory_space<vmem>> -> memref<64x128xf32, #tpu.memory_space<vmem>>
      tpu.wait_dma2 semaphore(%run_scoped3A_180 : memref<!tpu.dma_semaphore, #tpu.memory_space<semaphore_mem>>) src(%dma_wait3A_202 : memref<64x128xf32, #tpu.memory_space<vmem>>) dst(%dma_wait3A_198 : memref<64x128xf32, #tpu.memory_space<vmem_shared>>)
      tpu.yield
    }) : () -> ()
    %mul3A_27 = arith.constant 640 : i32
    %mul3A_28 = arith.muli %arg1, %mul3A_27 : i32
    %add3A_29 = arith.constant 0 : i32
    %add3A_30 = arith.addi %mul3A_28, %add3A_29 : i32
    "tpu.region"() ({
      %run_scoped3A_180 = tpu.sem_alloc : memref<!tpu.dma_semaphore, #tpu.memory_space<semaphore_mem>>
      %dma_start3A = tpu.memref_slice %arg15[%add3A_30] : memref<10240xf32, #tpu.memory_space<vmem_shared>> -> memref<64xf32, #tpu.memory_space<vmem_shared>>
      %dma_start3A_181 = tpu.memref_slice %arg15[%add3A_30] : memref<10240xf32, #tpu.memory_space<vmem_shared>> -> memref<64xf32, #tpu.memory_space<vmem_shared>>
      tpu.enqueue_dma source(%arg12 : memref<64xf32, #tpu.memory_space<vmem>>) target(%dma_start3A_181 : memref<64xf32, #tpu.memory_space<vmem_shared>>) target_semaphore(%run_scoped3A_180 : memref<!tpu.dma_semaphore, #tpu.memory_space<semaphore_mem>>)
      %dma_wait3A = tpu.memref_slice %arg15[%add3A_30] : memref<10240xf32, #tpu.memory_space<vmem_shared>> -> memref<64xf32, #tpu.memory_space<vmem_shared>>
      %dma_wait3A_182 = tpu.memref_slice %arg15[%add3A_30] : memref<10240xf32, #tpu.memory_space<vmem_shared>> -> memref<64xf32, #tpu.memory_space<vmem_shared>>
      tpu.wait_dma2 semaphore(%run_scoped3A_180 : memref<!tpu.dma_semaphore, #tpu.memory_space<semaphore_mem>>) src(%arg12 : memref<64xf32, #tpu.memory_space<vmem>>) dst(%dma_wait3A_182 : memref<64xf32, #tpu.memory_space<vmem_shared>>)
      tpu.yield
    }) : () -> ()
    %mul3A_31 = arith.constant 640 : i32
    %mul3A_32 = arith.muli %arg1, %mul3A_31 : i32
    %add3A_33 = arith.constant 64 : i32
    %add3A_34 = arith.addi %mul3A_32, %add3A_33 : i32
    %run_scoped3A_35 = arith.constant 0 : i32
    "tpu.region"() ({
      %run_scoped3A_180 = tpu.sem_alloc : memref<!tpu.dma_semaphore, #tpu.memory_space<semaphore_mem>>
      %dma_start3A = arith.constant 0 : i32
      %dma_start3A_181 = arith.constant 0 : i32
      %dma_start3A_182 = tpu.memref_slice %arg13[%run_scoped3A_35, %dma_start3A, %dma_start3A_181] : memref<2x64x128xf32, #tpu.memory_space<vmem>> -> memref<1x64x128xf32, #tpu.memory_space<vmem>>
      %dma_start3A_183 = tpu.memref_squeeze %dma_start3A_182 : memref<1x64x128xf32, #tpu.memory_space<vmem>> -> memref<64x128xf32, #tpu.memory_space<vmem>>
      %dma_start3A_184 = arith.constant 0 : i32
      %dma_start3A_185 = tpu.memref_slice %arg14[%add3A_34, %dma_start3A_184] : memref<10240x128xf32, #tpu.memory_space<vmem_shared>> -> memref<64x128xf32, #tpu.memory_space<vmem_shared>>
      %dma_start3A_186 = arith.constant 0 : i32
      %dma_start3A_187 = tpu.memref_slice %arg14[%add3A_34, %dma_start3A_186] : memref<10240x128xf32, #tpu.memory_space<vmem_shared>> -> memref<64x128xf32, #tpu.memory_space<vmem_shared>>
      %dma_start3A_188 = arith.constant 0 : i32
      %dma_start3A_189 = arith.constant 0 : i32
      %dma_start3A_190 = tpu.memref_slice %arg13[%run_scoped3A_35, %dma_start3A_188, %dma_start3A_189] : memref<2x64x128xf32, #tpu.memory_space<vmem>> -> memref<1x64x128xf32, #tpu.memory_space<vmem>>
      %dma_start3A_191 = tpu.memref_squeeze %dma_start3A_190 : memref<1x64x128xf32, #tpu.memory_space<vmem>> -> memref<64x128xf32, #tpu.memory_space<vmem>>
      tpu.enqueue_dma source(%dma_start3A_191 : memref<64x128xf32, #tpu.memory_space<vmem>>) target(%dma_start3A_187 : memref<64x128xf32, #tpu.memory_space<vmem_shared>>) target_semaphore(%run_scoped3A_180 : memref<!tpu.dma_semaphore, #tpu.memory_space<semaphore_mem>>)
      %dma_wait3A = arith.constant 0 : i32
      %dma_wait3A_192 = arith.constant 0 : i32
      %dma_wait3A_193 = tpu.memref_slice %arg13[%run_scoped3A_35, %dma_wait3A, %dma_wait3A_192] : memref<2x64x128xf32, #tpu.memory_space<vmem>> -> memref<1x64x128xf32, #tpu.memory_space<vmem>>
      %dma_wait3A_194 = tpu.memref_squeeze %dma_wait3A_193 : memref<1x64x128xf32, #tpu.memory_space<vmem>> -> memref<64x128xf32, #tpu.memory_space<vmem>>
      %dma_wait3A_195 = arith.constant 0 : i32
      %dma_wait3A_196 = tpu.memref_slice %arg14[%add3A_34, %dma_wait3A_195] : memref<10240x128xf32, #tpu.memory_space<vmem_shared>> -> memref<64x128xf32, #tpu.memory_space<vmem_shared>>
      %dma_wait3A_197 = arith.constant 0 : i32
      %dma_wait3A_198 = tpu.memref_slice %arg14[%add3A_34, %dma_wait3A_197] : memref<10240x128xf32, #tpu.memory_space<vmem_shared>> -> memref<64x128xf32, #tpu.memory_space<vmem_shared>>
      %dma_wait3A_199 = arith.constant 0 : i32
      %dma_wait3A_200 = arith.constant 0 : i32
      %dma_wait3A_201 = tpu.memref_slice %arg13[%run_scoped3A_35, %dma_wait3A_199, %dma_wait3A_200] : memref<2x64x128xf32, #tpu.memory_space<vmem>> -> memref<1x64x128xf32, #tpu.memory_space<vmem>>
      %dma_wait3A_202 = tpu.memref_squeeze %dma_wait3A_201 : memref<1x64x128xf32, #tpu.memory_space<vmem>> -> memref<64x128xf32, #tpu.memory_space<vmem>>
      tpu.wait_dma2 semaphore(%run_scoped3A_180 : memref<!tpu.dma_semaphore, #tpu.memory_space<semaphore_mem>>) src(%dma_wait3A_202 : memref<64x128xf32, #tpu.memory_space<vmem>>) dst(%dma_wait3A_198 : memref<64x128xf32, #tpu.memory_space<vmem_shared>>)
      tpu.yield
    }) : () -> ()
    %mul3A_36 = arith.constant 640 : i32
    %mul3A_37 = arith.muli %arg1, %mul3A_36 : i32
    %add3A_38 = arith.constant 64 : i32
    %add3A_39 = arith.addi %mul3A_37, %add3A_38 : i32
    "tpu.region"() ({
      %run_scoped3A_180 = tpu.sem_alloc : memref<!tpu.dma_semaphore, #tpu.memory_space<semaphore_mem>>
      %dma_start3A = tpu.memref_slice %arg15[%add3A_39] : memref<10240xf32, #tpu.memory_space<vmem_shared>> -> memref<64xf32, #tpu.memory_space<vmem_shared>>
      %dma_start3A_181 = tpu.memref_slice %arg15[%add3A_39] : memref<10240xf32, #tpu.memory_space<vmem_shared>> -> memref<64xf32, #tpu.memory_space<vmem_shared>>
      tpu.enqueue_dma source(%arg12 : memref<64xf32, #tpu.memory_space<vmem>>) target(%dma_start3A_181 : memref<64xf32, #tpu.memory_space<vmem_shared>>) target_semaphore(%run_scoped3A_180 : memref<!tpu.dma_semaphore, #tpu.memory_space<semaphore_mem>>)
      %dma_wait3A = tpu.memref_slice %arg15[%add3A_39] : memref<10240xf32, #tpu.memory_space<vmem_shared>> -> memref<64xf32, #tpu.memory_space<vmem_shared>>
      %dma_wait3A_182 = tpu.memref_slice %arg15[%add3A_39] : memref<10240xf32, #tpu.memory_space<vmem_shared>> -> memref<64xf32, #tpu.memory_space<vmem_shared>>
      tpu.wait_dma2 semaphore(%run_scoped3A_180 : memref<!tpu.dma_semaphore, #tpu.memory_space<semaphore_mem>>) src(%arg12 : memref<64xf32, #tpu.memory_space<vmem>>) dst(%dma_wait3A_182 : memref<64xf32, #tpu.memory_space<vmem_shared>>)
      tpu.yield
    }) : () -> ()
    %mul3A_40 = arith.constant 640 : i32
    %mul3A_41 = arith.muli %arg1, %mul3A_40 : i32
    %add3A_42 = arith.constant 128 : i32
    %add3A_43 = arith.addi %mul3A_41, %add3A_42 : i32
    %run_scoped3A_44 = arith.constant 0 : i32
    "tpu.region"() ({
      %run_scoped3A_180 = tpu.sem_alloc : memref<!tpu.dma_semaphore, #tpu.memory_space<semaphore_mem>>
      %dma_start3A = arith.constant 0 : i32
      %dma_start3A_181 = arith.constant 0 : i32
      %dma_start3A_182 = tpu.memref_slice %arg13[%run_scoped3A_44, %dma_start3A, %dma_start3A_181] : memref<2x64x128xf32, #tpu.memory_space<vmem>> -> memref<1x64x128xf32, #tpu.memory_space<vmem>>
      %dma_start3A_183 = tpu.memref_squeeze %dma_start3A_182 : memref<1x64x128xf32, #tpu.memory_space<vmem>> -> memref<64x128xf32, #tpu.memory_space<vmem>>
      %dma_start3A_184 = arith.constant 0 : i32
      %dma_start3A_185 = tpu.memref_slice %arg14[%add3A_43, %dma_start3A_184] : memref<10240x128xf32, #tpu.memory_space<vmem_shared>> -> memref<64x128xf32, #tpu.memory_space<vmem_shared>>
      %dma_start3A_186 = arith.constant 0 : i32
      %dma_start3A_187 = tpu.memref_slice %arg14[%add3A_43, %dma_start3A_186] : memref<10240x128xf32, #tpu.memory_space<vmem_shared>> -> memref<64x128xf32, #tpu.memory_space<vmem_shared>>
      %dma_start3A_188 = arith.constant 0 : i32
      %dma_start3A_189 = arith.constant 0 : i32
      %dma_start3A_190 = tpu.memref_slice %arg13[%run_scoped3A_44, %dma_start3A_188, %dma_start3A_189] : memref<2x64x128xf32, #tpu.memory_space<vmem>> -> memref<1x64x128xf32, #tpu.memory_space<vmem>>
      %dma_start3A_191 = tpu.memref_squeeze %dma_start3A_190 : memref<1x64x128xf32, #tpu.memory_space<vmem>> -> memref<64x128xf32, #tpu.memory_space<vmem>>
      tpu.enqueue_dma source(%dma_start3A_191 : memref<64x128xf32, #tpu.memory_space<vmem>>) target(%dma_start3A_187 : memref<64x128xf32, #tpu.memory_space<vmem_shared>>) target_semaphore(%run_scoped3A_180 : memref<!tpu.dma_semaphore, #tpu.memory_space<semaphore_mem>>)
      %dma_wait3A = arith.constant 0 : i32
      %dma_wait3A_192 = arith.constant 0 : i32
      %dma_wait3A_193 = tpu.memref_slice %arg13[%run_scoped3A_44, %dma_wait3A, %dma_wait3A_192] : memref<2x64x128xf32, #tpu.memory_space<vmem>> -> memref<1x64x128xf32, #tpu.memory_space<vmem>>
      %dma_wait3A_194 = tpu.memref_squeeze %dma_wait3A_193 : memref<1x64x128xf32, #tpu.memory_space<vmem>> -> memref<64x128xf32, #tpu.memory_space<vmem>>
      %dma_wait3A_195 = arith.constant 0 : i32
      %dma_wait3A_196 = tpu.memref_slice %arg14[%add3A_43, %dma_wait3A_195] : memref<10240x128xf32, #tpu.memory_space<vmem_shared>> -> memref<64x128xf32, #tpu.memory_space<vmem_shared>>
      %dma_wait3A_197 = arith.constant 0 : i32
      %dma_wait3A_198 = tpu.memref_slice %arg14[%add3A_43, %dma_wait3A_197] : memref<10240x128xf32, #tpu.memory_space<vmem_shared>> -> memref<64x128xf32, #tpu.memory_space<vmem_shared>>
      %dma_wait3A_199 = arith.constant 0 : i32
      %dma_wait3A_200 = arith.constant 0 : i32
      %dma_wait3A_201 = tpu.memref_slice %arg13[%run_scoped3A_44, %dma_wait3A_199, %dma_wait3A_200] : memref<2x64x128xf32, #tpu.memory_space<vmem>> -> memref<1x64x128xf32, #tpu.memory_space<vmem>>
      %dma_wait3A_202 = tpu.memref_squeeze %dma_wait3A_201 : memref<1x64x128xf32, #tpu.memory_space<vmem>> -> memref<64x128xf32, #tpu.memory_space<vmem>>
      tpu.wait_dma2 semaphore(%run_scoped3A_180 : memref<!tpu.dma_semaphore, #tpu.memory_space<semaphore_mem>>) src(%dma_wait3A_202 : memref<64x128xf32, #tpu.memory_space<vmem>>) dst(%dma_wait3A_198 : memref<64x128xf32, #tpu.memory_space<vmem_shared>>)
      tpu.yield
    }) : () -> ()
    %mul3A_45 = arith.constant 640 : i32
    %mul3A_46 = arith.muli %arg1, %mul3A_45 : i32
    %add3A_47 = arith.constant 128 : i32
    %add3A_48 = arith.addi %mul3A_46, %add3A_47 : i32
    "tpu.region"() ({
      %run_scoped3A_180 = tpu.sem_alloc : memref<!tpu.dma_semaphore, #tpu.memory_space<semaphore_mem>>
      %dma_start3A = tpu.memref_slice %arg15[%add3A_48] : memref<10240xf32, #tpu.memory_space<vmem_shared>> -> memref<64xf32, #tpu.memory_space<vmem_shared>>
      %dma_start3A_181 = tpu.memref_slice %arg15[%add3A_48] : memref<10240xf32, #tpu.memory_space<vmem_shared>> -> memref<64xf32, #tpu.memory_space<vmem_shared>>
      tpu.enqueue_dma source(%arg12 : memref<64xf32, #tpu.memory_space<vmem>>) target(%dma_start3A_181 : memref<64xf32, #tpu.memory_space<vmem_shared>>) target_semaphore(%run_scoped3A_180 : memref<!tpu.dma_semaphore, #tpu.memory_space<semaphore_mem>>)
      %dma_wait3A = tpu.memref_slice %arg15[%add3A_48] : memref<10240xf32, #tpu.memory_space<vmem_shared>> -> memref<64xf32, #tpu.memory_space<vmem_shared>>
      %dma_wait3A_182 = tpu.memref_slice %arg15[%add3A_48] : memref<10240xf32, #tpu.memory_space<vmem_shared>> -> memref<64xf32, #tpu.memory_space<vmem_shared>>
      tpu.wait_dma2 semaphore(%run_scoped3A_180 : memref<!tpu.dma_semaphore, #tpu.memory_space<semaphore_mem>>) src(%arg12 : memref<64xf32, #tpu.memory_space<vmem>>) dst(%dma_wait3A_182 : memref<64xf32, #tpu.memory_space<vmem_shared>>)
      tpu.yield
    }) : () -> ()
    %mul3A_49 = arith.constant 640 : i32
    %mul3A_50 = arith.muli %arg1, %mul3A_49 : i32
    %add3A_51 = arith.constant 192 : i32
    %add3A_52 = arith.addi %mul3A_50, %add3A_51 : i32
    %run_scoped3A_53 = arith.constant 0 : i32
    "tpu.region"() ({
      %run_scoped3A_180 = tpu.sem_alloc : memref<!tpu.dma_semaphore, #tpu.memory_space<semaphore_mem>>
      %dma_start3A = arith.constant 0 : i32
      %dma_start3A_181 = arith.constant 0 : i32
      %dma_start3A_182 = tpu.memref_slice %arg13[%run_scoped3A_53, %dma_start3A, %dma_start3A_181] : memref<2x64x128xf32, #tpu.memory_space<vmem>> -> memref<1x64x128xf32, #tpu.memory_space<vmem>>
      %dma_start3A_183 = tpu.memref_squeeze %dma_start3A_182 : memref<1x64x128xf32, #tpu.memory_space<vmem>> -> memref<64x128xf32, #tpu.memory_space<vmem>>
      %dma_start3A_184 = arith.constant 0 : i32
      %dma_start3A_185 = tpu.memref_slice %arg14[%add3A_52, %dma_start3A_184] : memref<10240x128xf32, #tpu.memory_space<vmem_shared>> -> memref<64x128xf32, #tpu.memory_space<vmem_shared>>
      %dma_start3A_186 = arith.constant 0 : i32
      %dma_start3A_187 = tpu.memref_slice %arg14[%add3A_52, %dma_start3A_186] : memref<10240x128xf32, #tpu.memory_space<vmem_shared>> -> memref<64x128xf32, #tpu.memory_space<vmem_shared>>
      %dma_start3A_188 = arith.constant 0 : i32
      %dma_start3A_189 = arith.constant 0 : i32
      %dma_start3A_190 = tpu.memref_slice %arg13[%run_scoped3A_53, %dma_start3A_188, %dma_start3A_189] : memref<2x64x128xf32, #tpu.memory_space<vmem>> -> memref<1x64x128xf32, #tpu.memory_space<vmem>>
      %dma_start3A_191 = tpu.memref_squeeze %dma_start3A_190 : memref<1x64x128xf32, #tpu.memory_space<vmem>> -> memref<64x128xf32, #tpu.memory_space<vmem>>
      tpu.enqueue_dma source(%dma_start3A_191 : memref<64x128xf32, #tpu.memory_space<vmem>>) target(%dma_start3A_187 : memref<64x128xf32, #tpu.memory_space<vmem_shared>>) target_semaphore(%run_scoped3A_180 : memref<!tpu.dma_semaphore, #tpu.memory_space<semaphore_mem>>)
      %dma_wait3A = arith.constant 0 : i32
      %dma_wait3A_192 = arith.constant 0 : i32
      %dma_wait3A_193 = tpu.memref_slice %arg13[%run_scoped3A_53, %dma_wait3A, %dma_wait3A_192] : memref<2x64x128xf32, #tpu.memory_space<vmem>> -> memref<1x64x128xf32, #tpu.memory_space<vmem>>
      %dma_wait3A_194 = tpu.memref_squeeze %dma_wait3A_193 : memref<1x64x128xf32, #tpu.memory_space<vmem>> -> memref<64x128xf32, #tpu.memory_space<vmem>>
      %dma_wait3A_195 = arith.constant 0 : i32
      %dma_wait3A_196 = tpu.memref_slice %arg14[%add3A_52, %dma_wait3A_195] : memref<10240x128xf32, #tpu.memory_space<vmem_shared>> -> memref<64x128xf32, #tpu.memory_space<vmem_shared>>
      %dma_wait3A_197 = arith.constant 0 : i32
      %dma_wait3A_198 = tpu.memref_slice %arg14[%add3A_52, %dma_wait3A_197] : memref<10240x128xf32, #tpu.memory_space<vmem_shared>> -> memref<64x128xf32, #tpu.memory_space<vmem_shared>>
      %dma_wait3A_199 = arith.constant 0 : i32
      %dma_wait3A_200 = arith.constant 0 : i32
      %dma_wait3A_201 = tpu.memref_slice %arg13[%run_scoped3A_53, %dma_wait3A_199, %dma_wait3A_200] : memref<2x64x128xf32, #tpu.memory_space<vmem>> -> memref<1x64x128xf32, #tpu.memory_space<vmem>>
      %dma_wait3A_202 = tpu.memref_squeeze %dma_wait3A_201 : memref<1x64x128xf32, #tpu.memory_space<vmem>> -> memref<64x128xf32, #tpu.memory_space<vmem>>
      tpu.wait_dma2 semaphore(%run_scoped3A_180 : memref<!tpu.dma_semaphore, #tpu.memory_space<semaphore_mem>>) src(%dma_wait3A_202 : memref<64x128xf32, #tpu.memory_space<vmem>>) dst(%dma_wait3A_198 : memref<64x128xf32, #tpu.memory_space<vmem_shared>>)
      tpu.yield
    }) : () -> ()
    %mul3A_54 = arith.constant 640 : i32
    %mul3A_55 = arith.muli %arg1, %mul3A_54 : i32
    %add3A_56 = arith.constant 192 : i32
    %add3A_57 = arith.addi %mul3A_55, %add3A_56 : i32
    "tpu.region"() ({
      %run_scoped3A_180 = tpu.sem_alloc : memref<!tpu.dma_semaphore, #tpu.memory_space<semaphore_mem>>
      %dma_start3A = tpu.memref_slice %arg15[%add3A_57] : memref<10240xf32, #tpu.memory_space<vmem_shared>> -> memref<64xf32, #tpu.memory_space<vmem_shared>>
      %dma_start3A_181 = tpu.memref_slice %arg15[%add3A_57] : memref<10240xf32, #tpu.memory_space<vmem_shared>> -> memref<64xf32, #tpu.memory_space<vmem_shared>>
      tpu.enqueue_dma source(%arg12 : memref<64xf32, #tpu.memory_space<vmem>>) target(%dma_start3A_181 : memref<64xf32, #tpu.memory_space<vmem_shared>>) target_semaphore(%run_scoped3A_180 : memref<!tpu.dma_semaphore, #tpu.memory_space<semaphore_mem>>)
      %dma_wait3A = tpu.memref_slice %arg15[%add3A_57] : memref<10240xf32, #tpu.memory_space<vmem_shared>> -> memref<64xf32, #tpu.memory_space<vmem_shared>>
      %dma_wait3A_182 = tpu.memref_slice %arg15[%add3A_57] : memref<10240xf32, #tpu.memory_space<vmem_shared>> -> memref<64xf32, #tpu.memory_space<vmem_shared>>
      tpu.wait_dma2 semaphore(%run_scoped3A_180 : memref<!tpu.dma_semaphore, #tpu.memory_space<semaphore_mem>>) src(%arg12 : memref<64xf32, #tpu.memory_space<vmem>>) dst(%dma_wait3A_182 : memref<64xf32, #tpu.memory_space<vmem_shared>>)
      tpu.yield
    }) : () -> ()
    %mul3A_58 = arith.constant 640 : i32
    %mul3A_59 = arith.muli %arg1, %mul3A_58 : i32
    %add3A_60 = arith.constant 256 : i32
    %add3A_61 = arith.addi %mul3A_59, %add3A_60 : i32
    %run_scoped3A_62 = arith.constant 0 : i32
    "tpu.region"() ({
      %run_scoped3A_180 = tpu.sem_alloc : memref<!tpu.dma_semaphore, #tpu.memory_space<semaphore_mem>>
      %dma_start3A = arith.constant 0 : i32
      %dma_start3A_181 = arith.constant 0 : i32
      %dma_start3A_182 = tpu.memref_slice %arg13[%run_scoped3A_62, %dma_start3A, %dma_start3A_181] : memref<2x64x128xf32, #tpu.memory_space<vmem>> -> memref<1x64x128xf32, #tpu.memory_space<vmem>>
      %dma_start3A_183 = tpu.memref_squeeze %dma_start3A_182 : memref<1x64x128xf32, #tpu.memory_space<vmem>> -> memref<64x128xf32, #tpu.memory_space<vmem>>
      %dma_start3A_184 = arith.constant 0 : i32
      %dma_start3A_185 = tpu.memref_slice %arg14[%add3A_61, %dma_start3A_184] : memref<10240x128xf32, #tpu.memory_space<vmem_shared>> -> memref<64x128xf32, #tpu.memory_space<vmem_shared>>
      %dma_start3A_186 = arith.constant 0 : i32
      %dma_start3A_187 = tpu.memref_slice %arg14[%add3A_61, %dma_start3A_186] : memref<10240x128xf32, #tpu.memory_space<vmem_shared>> -> memref<64x128xf32, #tpu.memory_space<vmem_shared>>
      %dma_start3A_188 = arith.constant 0 : i32
      %dma_start3A_189 = arith.constant 0 : i32
      %dma_start3A_190 = tpu.memref_slice %arg13[%run_scoped3A_62, %dma_start3A_188, %dma_start3A_189] : memref<2x64x128xf32, #tpu.memory_space<vmem>> -> memref<1x64x128xf32, #tpu.memory_space<vmem>>
      %dma_start3A_191 = tpu.memref_squeeze %dma_start3A_190 : memref<1x64x128xf32, #tpu.memory_space<vmem>> -> memref<64x128xf32, #tpu.memory_space<vmem>>
      tpu.enqueue_dma source(%dma_start3A_191 : memref<64x128xf32, #tpu.memory_space<vmem>>) target(%dma_start3A_187 : memref<64x128xf32, #tpu.memory_space<vmem_shared>>) target_semaphore(%run_scoped3A_180 : memref<!tpu.dma_semaphore, #tpu.memory_space<semaphore_mem>>)
      %dma_wait3A = arith.constant 0 : i32
      %dma_wait3A_192 = arith.constant 0 : i32
      %dma_wait3A_193 = tpu.memref_slice %arg13[%run_scoped3A_62, %dma_wait3A, %dma_wait3A_192] : memref<2x64x128xf32, #tpu.memory_space<vmem>> -> memref<1x64x128xf32, #tpu.memory_space<vmem>>
      %dma_wait3A_194 = tpu.memref_squeeze %dma_wait3A_193 : memref<1x64x128xf32, #tpu.memory_space<vmem>> -> memref<64x128xf32, #tpu.memory_space<vmem>>
      %dma_wait3A_195 = arith.constant 0 : i32
      %dma_wait3A_196 = tpu.memref_slice %arg14[%add3A_61, %dma_wait3A_195] : memref<10240x128xf32, #tpu.memory_space<vmem_shared>> -> memref<64x128xf32, #tpu.memory_space<vmem_shared>>
      %dma_wait3A_197 = arith.constant 0 : i32
      %dma_wait3A_198 = tpu.memref_slice %arg14[%add3A_61, %dma_wait3A_197] : memref<10240x128xf32, #tpu.memory_space<vmem_shared>> -> memref<64x128xf32, #tpu.memory_space<vmem_shared>>
      %dma_wait3A_199 = arith.constant 0 : i32
      %dma_wait3A_200 = arith.constant 0 : i32
      %dma_wait3A_201 = tpu.memref_slice %arg13[%run_scoped3A_62, %dma_wait3A_199, %dma_wait3A_200] : memref<2x64x128xf32, #tpu.memory_space<vmem>> -> memref<1x64x128xf32, #tpu.memory_space<vmem>>
      %dma_wait3A_202 = tpu.memref_squeeze %dma_wait3A_201 : memref<1x64x128xf32, #tpu.memory_space<vmem>> -> memref<64x128xf32, #tpu.memory_space<vmem>>
      tpu.wait_dma2 semaphore(%run_scoped3A_180 : memref<!tpu.dma_semaphore, #tpu.memory_space<semaphore_mem>>) src(%dma_wait3A_202 : memref<64x128xf32, #tpu.memory_space<vmem>>) dst(%dma_wait3A_198 : memref<64x128xf32, #tpu.memory_space<vmem_shared>>)
      tpu.yield
    }) : () -> ()
    %mul3A_63 = arith.constant 640 : i32
    %mul3A_64 = arith.muli %arg1, %mul3A_63 : i32
    %add3A_65 = arith.constant 256 : i32
    %add3A_66 = arith.addi %mul3A_64, %add3A_65 : i32
    "tpu.region"() ({
      %run_scoped3A_180 = tpu.sem_alloc : memref<!tpu.dma_semaphore, #tpu.memory_space<semaphore_mem>>
      %dma_start3A = tpu.memref_slice %arg15[%add3A_66] : memref<10240xf32, #tpu.memory_space<vmem_shared>> -> memref<64xf32, #tpu.memory_space<vmem_shared>>
      %dma_start3A_181 = tpu.memref_slice %arg15[%add3A_66] : memref<10240xf32, #tpu.memory_space<vmem_shared>> -> memref<64xf32, #tpu.memory_space<vmem_shared>>
      tpu.enqueue_dma source(%arg12 : memref<64xf32, #tpu.memory_space<vmem>>) target(%dma_start3A_181 : memref<64xf32, #tpu.memory_space<vmem_shared>>) target_semaphore(%run_scoped3A_180 : memref<!tpu.dma_semaphore, #tpu.memory_space<semaphore_mem>>)
      %dma_wait3A = tpu.memref_slice %arg15[%add3A_66] : memref<10240xf32, #tpu.memory_space<vmem_shared>> -> memref<64xf32, #tpu.memory_space<vmem_shared>>
      %dma_wait3A_182 = tpu.memref_slice %arg15[%add3A_66] : memref<10240xf32, #tpu.memory_space<vmem_shared>> -> memref<64xf32, #tpu.memory_space<vmem_shared>>
      tpu.wait_dma2 semaphore(%run_scoped3A_180 : memref<!tpu.dma_semaphore, #tpu.memory_space<semaphore_mem>>) src(%arg12 : memref<64xf32, #tpu.memory_space<vmem>>) dst(%dma_wait3A_182 : memref<64xf32, #tpu.memory_space<vmem_shared>>)
      tpu.yield
    }) : () -> ()
    %mul3A_67 = arith.constant 640 : i32
    %mul3A_68 = arith.muli %arg1, %mul3A_67 : i32
    %add3A_69 = arith.constant 320 : i32
    %add3A_70 = arith.addi %mul3A_68, %add3A_69 : i32
    %run_scoped3A_71 = arith.constant 0 : i32
    "tpu.region"() ({
      %run_scoped3A_180 = tpu.sem_alloc : memref<!tpu.dma_semaphore, #tpu.memory_space<semaphore_mem>>
      %dma_start3A = arith.constant 0 : i32
      %dma_start3A_181 = arith.constant 0 : i32
      %dma_start3A_182 = tpu.memref_slice %arg13[%run_scoped3A_71, %dma_start3A, %dma_start3A_181] : memref<2x64x128xf32, #tpu.memory_space<vmem>> -> memref<1x64x128xf32, #tpu.memory_space<vmem>>
      %dma_start3A_183 = tpu.memref_squeeze %dma_start3A_182 : memref<1x64x128xf32, #tpu.memory_space<vmem>> -> memref<64x128xf32, #tpu.memory_space<vmem>>
      %dma_start3A_184 = arith.constant 0 : i32
      %dma_start3A_185 = tpu.memref_slice %arg14[%add3A_70, %dma_start3A_184] : memref<10240x128xf32, #tpu.memory_space<vmem_shared>> -> memref<64x128xf32, #tpu.memory_space<vmem_shared>>
      %dma_start3A_186 = arith.constant 0 : i32
      %dma_start3A_187 = tpu.memref_slice %arg14[%add3A_70, %dma_start3A_186] : memref<10240x128xf32, #tpu.memory_space<vmem_shared>> -> memref<64x128xf32, #tpu.memory_space<vmem_shared>>
      %dma_start3A_188 = arith.constant 0 : i32
      %dma_start3A_189 = arith.constant 0 : i32
      %dma_start3A_190 = tpu.memref_slice %arg13[%run_scoped3A_71, %dma_start3A_188, %dma_start3A_189] : memref<2x64x128xf32, #tpu.memory_space<vmem>> -> memref<1x64x128xf32, #tpu.memory_space<vmem>>
      %dma_start3A_191 = tpu.memref_squeeze %dma_start3A_190 : memref<1x64x128xf32, #tpu.memory_space<vmem>> -> memref<64x128xf32, #tpu.memory_space<vmem>>
      tpu.enqueue_dma source(%dma_start3A_191 : memref<64x128xf32, #tpu.memory_space<vmem>>) target(%dma_start3A_187 : memref<64x128xf32, #tpu.memory_space<vmem_shared>>) target_semaphore(%run_scoped3A_180 : memref<!tpu.dma_semaphore, #tpu.memory_space<semaphore_mem>>)
      %dma_wait3A = arith.constant 0 : i32
      %dma_wait3A_192 = arith.constant 0 : i32
      %dma_wait3A_193 = tpu.memref_slice %arg13[%run_scoped3A_71, %dma_wait3A, %dma_wait3A_192] : memref<2x64x128xf32, #tpu.memory_space<vmem>> -> memref<1x64x128xf32, #tpu.memory_space<vmem>>
      %dma_wait3A_194 = tpu.memref_squeeze %dma_wait3A_193 : memref<1x64x128xf32, #tpu.memory_space<vmem>> -> memref<64x128xf32, #tpu.memory_space<vmem>>
      %dma_wait3A_195 = arith.constant 0 : i32
      %dma_wait3A_196 = tpu.memref_slice %arg14[%add3A_70, %dma_wait3A_195] : memref<10240x128xf32, #tpu.memory_space<vmem_shared>> -> memref<64x128xf32, #tpu.memory_space<vmem_shared>>
      %dma_wait3A_197 = arith.constant 0 : i32
      %dma_wait3A_198 = tpu.memref_slice %arg14[%add3A_70, %dma_wait3A_197] : memref<10240x128xf32, #tpu.memory_space<vmem_shared>> -> memref<64x128xf32, #tpu.memory_space<vmem_shared>>
      %dma_wait3A_199 = arith.constant 0 : i32
      %dma_wait3A_200 = arith.constant 0 : i32
      %dma_wait3A_201 = tpu.memref_slice %arg13[%run_scoped3A_71, %dma_wait3A_199, %dma_wait3A_200] : memref<2x64x128xf32, #tpu.memory_space<vmem>> -> memref<1x64x128xf32, #tpu.memory_space<vmem>>
      %dma_wait3A_202 = tpu.memref_squeeze %dma_wait3A_201 : memref<1x64x128xf32, #tpu.memory_space<vmem>> -> memref<64x128xf32, #tpu.memory_space<vmem>>
      tpu.wait_dma2 semaphore(%run_scoped3A_180 : memref<!tpu.dma_semaphore, #tpu.memory_space<semaphore_mem>>) src(%dma_wait3A_202 : memref<64x128xf32, #tpu.memory_space<vmem>>) dst(%dma_wait3A_198 : memref<64x128xf32, #tpu.memory_space<vmem_shared>>)
      tpu.yield
    }) : () -> ()
    %mul3A_72 = arith.constant 640 : i32
    %mul3A_73 = arith.muli %arg1, %mul3A_72 : i32
    %add3A_74 = arith.constant 320 : i32
    %add3A_75 = arith.addi %mul3A_73, %add3A_74 : i32
    "tpu.region"() ({
      %run_scoped3A_180 = tpu.sem_alloc : memref<!tpu.dma_semaphore, #tpu.memory_space<semaphore_mem>>
      %dma_start3A = tpu.memref_slice %arg15[%add3A_75] : memref<10240xf32, #tpu.memory_space<vmem_shared>> -> memref<64xf32, #tpu.memory_space<vmem_shared>>
      %dma_start3A_181 = tpu.memref_slice %arg15[%add3A_75] : memref<10240xf32, #tpu.memory_space<vmem_shared>> -> memref<64xf32, #tpu.memory_space<vmem_shared>>
      tpu.enqueue_dma source(%arg12 : memref<64xf32, #tpu.memory_space<vmem>>) target(%dma_start3A_181 : memref<64xf32, #tpu.memory_space<vmem_shared>>) target_semaphore(%run_scoped3A_180 : memref<!tpu.dma_semaphore, #tpu.memory_space<semaphore_mem>>)
      %dma_wait3A = tpu.memref_slice %arg15[%add3A_75] : memref<10240xf32, #tpu.memory_space<vmem_shared>> -> memref<64xf32, #tpu.memory_space<vmem_shared>>
      %dma_wait3A_182 = tpu.memref_slice %arg15[%add3A_75] : memref<10240xf32, #tpu.memory_space<vmem_shared>> -> memref<64xf32, #tpu.memory_space<vmem_shared>>
      tpu.wait_dma2 semaphore(%run_scoped3A_180 : memref<!tpu.dma_semaphore, #tpu.memory_space<semaphore_mem>>) src(%arg12 : memref<64xf32, #tpu.memory_space<vmem>>) dst(%dma_wait3A_182 : memref<64xf32, #tpu.memory_space<vmem_shared>>)
      tpu.yield
    }) : () -> ()
    %mul3A_76 = arith.constant 640 : i32
    %mul3A_77 = arith.muli %arg1, %mul3A_76 : i32
    %add3A_78 = arith.constant 384 : i32
    %add3A_79 = arith.addi %mul3A_77, %add3A_78 : i32
    %run_scoped3A_80 = arith.constant 0 : i32
    "tpu.region"() ({
      %run_scoped3A_180 = tpu.sem_alloc : memref<!tpu.dma_semaphore, #tpu.memory_space<semaphore_mem>>
      %dma_start3A = arith.constant 0 : i32
      %dma_start3A_181 = arith.constant 0 : i32
      %dma_start3A_182 = tpu.memref_slice %arg13[%run_scoped3A_80, %dma_start3A, %dma_start3A_181] : memref<2x64x128xf32, #tpu.memory_space<vmem>> -> memref<1x64x128xf32, #tpu.memory_space<vmem>>
      %dma_start3A_183 = tpu.memref_squeeze %dma_start3A_182 : memref<1x64x128xf32, #tpu.memory_space<vmem>> -> memref<64x128xf32, #tpu.memory_space<vmem>>
      %dma_start3A_184 = arith.constant 0 : i32
      %dma_start3A_185 = tpu.memref_slice %arg14[%add3A_79, %dma_start3A_184] : memref<10240x128xf32, #tpu.memory_space<vmem_shared>> -> memref<64x128xf32, #tpu.memory_space<vmem_shared>>
      %dma_start3A_186 = arith.constant 0 : i32
      %dma_start3A_187 = tpu.memref_slice %arg14[%add3A_79, %dma_start3A_186] : memref<10240x128xf32, #tpu.memory_space<vmem_shared>> -> memref<64x128xf32, #tpu.memory_space<vmem_shared>>
      %dma_start3A_188 = arith.constant 0 : i32
      %dma_start3A_189 = arith.constant 0 : i32
      %dma_start3A_190 = tpu.memref_slice %arg13[%run_scoped3A_80, %dma_start3A_188, %dma_start3A_189] : memref<2x64x128xf32, #tpu.memory_space<vmem>> -> memref<1x64x128xf32, #tpu.memory_space<vmem>>
      %dma_start3A_191 = tpu.memref_squeeze %dma_start3A_190 : memref<1x64x128xf32, #tpu.memory_space<vmem>> -> memref<64x128xf32, #tpu.memory_space<vmem>>
      tpu.enqueue_dma source(%dma_start3A_191 : memref<64x128xf32, #tpu.memory_space<vmem>>) target(%dma_start3A_187 : memref<64x128xf32, #tpu.memory_space<vmem_shared>>) target_semaphore(%run_scoped3A_180 : memref<!tpu.dma_semaphore, #tpu.memory_space<semaphore_mem>>)
      %dma_wait3A = arith.constant 0 : i32
      %dma_wait3A_192 = arith.constant 0 : i32
      %dma_wait3A_193 = tpu.memref_slice %arg13[%run_scoped3A_80, %dma_wait3A, %dma_wait3A_192] : memref<2x64x128xf32, #tpu.memory_space<vmem>> -> memref<1x64x128xf32, #tpu.memory_space<vmem>>
      %dma_wait3A_194 = tpu.memref_squeeze %dma_wait3A_193 : memref<1x64x128xf32, #tpu.memory_space<vmem>> -> memref<64x128xf32, #tpu.memory_space<vmem>>
      %dma_wait3A_195 = arith.constant 0 : i32
      %dma_wait3A_196 = tpu.memref_slice %arg14[%add3A_79, %dma_wait3A_195] : memref<10240x128xf32, #tpu.memory_space<vmem_shared>> -> memref<64x128xf32, #tpu.memory_space<vmem_shared>>
      %dma_wait3A_197 = arith.constant 0 : i32
      %dma_wait3A_198 = tpu.memref_slice %arg14[%add3A_79, %dma_wait3A_197] : memref<10240x128xf32, #tpu.memory_space<vmem_shared>> -> memref<64x128xf32, #tpu.memory_space<vmem_shared>>
      %dma_wait3A_199 = arith.constant 0 : i32
      %dma_wait3A_200 = arith.constant 0 : i32
      %dma_wait3A_201 = tpu.memref_slice %arg13[%run_scoped3A_80, %dma_wait3A_199, %dma_wait3A_200] : memref<2x64x128xf32, #tpu.memory_space<vmem>> -> memref<1x64x128xf32, #tpu.memory_space<vmem>>
      %dma_wait3A_202 = tpu.memref_squeeze %dma_wait3A_201 : memref<1x64x128xf32, #tpu.memory_space<vmem>> -> memref<64x128xf32, #tpu.memory_space<vmem>>
      tpu.wait_dma2 semaphore(%run_scoped3A_180 : memref<!tpu.dma_semaphore, #tpu.memory_space<semaphore_mem>>) src(%dma_wait3A_202 : memref<64x128xf32, #tpu.memory_space<vmem>>) dst(%dma_wait3A_198 : memref<64x128xf32, #tpu.memory_space<vmem_shared>>)
      tpu.yield
    }) : () -> ()
    %mul3A_81 = arith.constant 640 : i32
    %mul3A_82 = arith.muli %arg1, %mul3A_81 : i32
    %add3A_83 = arith.constant 384 : i32
    %add3A_84 = arith.addi %mul3A_82, %add3A_83 : i32
    "tpu.region"() ({
      %run_scoped3A_180 = tpu.sem_alloc : memref<!tpu.dma_semaphore, #tpu.memory_space<semaphore_mem>>
      %dma_start3A = tpu.memref_slice %arg15[%add3A_84] : memref<10240xf32, #tpu.memory_space<vmem_shared>> -> memref<64xf32, #tpu.memory_space<vmem_shared>>
      %dma_start3A_181 = tpu.memref_slice %arg15[%add3A_84] : memref<10240xf32, #tpu.memory_space<vmem_shared>> -> memref<64xf32, #tpu.memory_space<vmem_shared>>
      tpu.enqueue_dma source(%arg12 : memref<64xf32, #tpu.memory_space<vmem>>) target(%dma_start3A_181 : memref<64xf32, #tpu.memory_space<vmem_shared>>) target_semaphore(%run_scoped3A_180 : memref<!tpu.dma_semaphore, #tpu.memory_space<semaphore_mem>>)
      %dma_wait3A = tpu.memref_slice %arg15[%add3A_84] : memref<10240xf32, #tpu.memory_space<vmem_shared>> -> memref<64xf32, #tpu.memory_space<vmem_shared>>
      %dma_wait3A_182 = tpu.memref_slice %arg15[%add3A_84] : memref<10240xf32, #tpu.memory_space<vmem_shared>> -> memref<64xf32, #tpu.memory_space<vmem_shared>>
      tpu.wait_dma2 semaphore(%run_scoped3A_180 : memref<!tpu.dma_semaphore, #tpu.memory_space<semaphore_mem>>) src(%arg12 : memref<64xf32, #tpu.memory_space<vmem>>) dst(%dma_wait3A_182 : memref<64xf32, #tpu.memory_space<vmem_shared>>)
      tpu.yield
    }) : () -> ()
    %mul3A_85 = arith.constant 640 : i32
    %mul3A_86 = arith.muli %arg1, %mul3A_85 : i32
    %add3A_87 = arith.constant 448 : i32
    %add3A_88 = arith.addi %mul3A_86, %add3A_87 : i32
    %run_scoped3A_89 = arith.constant 0 : i32
    "tpu.region"() ({
      %run_scoped3A_180 = tpu.sem_alloc : memref<!tpu.dma_semaphore, #tpu.memory_space<semaphore_mem>>
      %dma_start3A = arith.constant 0 : i32
      %dma_start3A_181 = arith.constant 0 : i32
      %dma_start3A_182 = tpu.memref_slice %arg13[%run_scoped3A_89, %dma_start3A, %dma_start3A_181] : memref<2x64x128xf32, #tpu.memory_space<vmem>> -> memref<1x64x128xf32, #tpu.memory_space<vmem>>
      %dma_start3A_183 = tpu.memref_squeeze %dma_start3A_182 : memref<1x64x128xf32, #tpu.memory_space<vmem>> -> memref<64x128xf32, #tpu.memory_space<vmem>>
      %dma_start3A_184 = arith.constant 0 : i32
      %dma_start3A_185 = tpu.memref_slice %arg14[%add3A_88, %dma_start3A_184] : memref<10240x128xf32, #tpu.memory_space<vmem_shared>> -> memref<64x128xf32, #tpu.memory_space<vmem_shared>>
      %dma_start3A_186 = arith.constant 0 : i32
      %dma_start3A_187 = tpu.memref_slice %arg14[%add3A_88, %dma_start3A_186] : memref<10240x128xf32, #tpu.memory_space<vmem_shared>> -> memref<64x128xf32, #tpu.memory_space<vmem_shared>>
      %dma_start3A_188 = arith.constant 0 : i32
      %dma_start3A_189 = arith.constant 0 : i32
      %dma_start3A_190 = tpu.memref_slice %arg13[%run_scoped3A_89, %dma_start3A_188, %dma_start3A_189] : memref<2x64x128xf32, #tpu.memory_space<vmem>> -> memref<1x64x128xf32, #tpu.memory_space<vmem>>
      %dma_start3A_191 = tpu.memref_squeeze %dma_start3A_190 : memref<1x64x128xf32, #tpu.memory_space<vmem>> -> memref<64x128xf32, #tpu.memory_space<vmem>>
      tpu.enqueue_dma source(%dma_start3A_191 : memref<64x128xf32, #tpu.memory_space<vmem>>) target(%dma_start3A_187 : memref<64x128xf32, #tpu.memory_space<vmem_shared>>) target_semaphore(%run_scoped3A_180 : memref<!tpu.dma_semaphore, #tpu.memory_space<semaphore_mem>>)
      %dma_wait3A = arith.constant 0 : i32
      %dma_wait3A_192 = arith.constant 0 : i32
      %dma_wait3A_193 = tpu.memref_slice %arg13[%run_scoped3A_89, %dma_wait3A, %dma_wait3A_192] : memref<2x64x128xf32, #tpu.memory_space<vmem>> -> memref<1x64x128xf32, #tpu.memory_space<vmem>>
      %dma_wait3A_194 = tpu.memref_squeeze %dma_wait3A_193 : memref<1x64x128xf32, #tpu.memory_space<vmem>> -> memref<64x128xf32, #tpu.memory_space<vmem>>
      %dma_wait3A_195 = arith.constant 0 : i32
      %dma_wait3A_196 = tpu.memref_slice %arg14[%add3A_88, %dma_wait3A_195] : memref<10240x128xf32, #tpu.memory_space<vmem_shared>> -> memref<64x128xf32, #tpu.memory_space<vmem_shared>>
      %dma_wait3A_197 = arith.constant 0 : i32
      %dma_wait3A_198 = tpu.memref_slice %arg14[%add3A_88, %dma_wait3A_197] : memref<10240x128xf32, #tpu.memory_space<vmem_shared>> -> memref<64x128xf32, #tpu.memory_space<vmem_shared>>
      %dma_wait3A_199 = arith.constant 0 : i32
      %dma_wait3A_200 = arith.constant 0 : i32
      %dma_wait3A_201 = tpu.memref_slice %arg13[%run_scoped3A_89, %dma_wait3A_199, %dma_wait3A_200] : memref<2x64x128xf32, #tpu.memory_space<vmem>> -> memref<1x64x128xf32, #tpu.memory_space<vmem>>
      %dma_wait3A_202 = tpu.memref_squeeze %dma_wait3A_201 : memref<1x64x128xf32, #tpu.memory_space<vmem>> -> memref<64x128xf32, #tpu.memory_space<vmem>>
      tpu.wait_dma2 semaphore(%run_scoped3A_180 : memref<!tpu.dma_semaphore, #tpu.memory_space<semaphore_mem>>) src(%dma_wait3A_202 : memref<64x128xf32, #tpu.memory_space<vmem>>) dst(%dma_wait3A_198 : memref<64x128xf32, #tpu.memory_space<vmem_shared>>)
      tpu.yield
    }) : () -> ()
    %mul3A_90 = arith.constant 640 : i32
    %mul3A_91 = arith.muli %arg1, %mul3A_90 : i32
    %add3A_92 = arith.constant 448 : i32
    %add3A_93 = arith.addi %mul3A_91, %add3A_92 : i32
    "tpu.region"() ({
      %run_scoped3A_180 = tpu.sem_alloc : memref<!tpu.dma_semaphore, #tpu.memory_space<semaphore_mem>>
      %dma_start3A = tpu.memref_slice %arg15[%add3A_93] : memref<10240xf32, #tpu.memory_space<vmem_shared>> -> memref<64xf32, #tpu.memory_space<vmem_shared>>
      %dma_start3A_181 = tpu.memref_slice %arg15[%add3A_93] : memref<10240xf32, #tpu.memory_space<vmem_shared>> -> memref<64xf32, #tpu.memory_space<vmem_shared>>
      tpu.enqueue_dma source(%arg12 : memref<64xf32, #tpu.memory_space<vmem>>) target(%dma_start3A_181 : memref<64xf32, #tpu.memory_space<vmem_shared>>) target_semaphore(%run_scoped3A_180 : memref<!tpu.dma_semaphore, #tpu.memory_space<semaphore_mem>>)
      %dma_wait3A = tpu.memref_slice %arg15[%add3A_93] : memref<10240xf32, #tpu.memory_space<vmem_shared>> -> memref<64xf32, #tpu.memory_space<vmem_shared>>
      %dma_wait3A_182 = tpu.memref_slice %arg15[%add3A_93] : memref<10240xf32, #tpu.memory_space<vmem_shared>> -> memref<64xf32, #tpu.memory_space<vmem_shared>>
      tpu.wait_dma2 semaphore(%run_scoped3A_180 : memref<!tpu.dma_semaphore, #tpu.memory_space<semaphore_mem>>) src(%arg12 : memref<64xf32, #tpu.memory_space<vmem>>) dst(%dma_wait3A_182 : memref<64xf32, #tpu.memory_space<vmem_shared>>)
      tpu.yield
    }) : () -> ()
    %mul3A_94 = arith.constant 640 : i32
    %mul3A_95 = arith.muli %arg1, %mul3A_94 : i32
    %add3A_96 = arith.constant 512 : i32
    %add3A_97 = arith.addi %mul3A_95, %add3A_96 : i32
    %run_scoped3A_98 = arith.constant 0 : i32
    "tpu.region"() ({
      %run_scoped3A_180 = tpu.sem_alloc : memref<!tpu.dma_semaphore, #tpu.memory_space<semaphore_mem>>
      %dma_start3A = arith.constant 0 : i32
      %dma_start3A_181 = arith.constant 0 : i32
      %dma_start3A_182 = tpu.memref_slice %arg13[%run_scoped3A_98, %dma_start3A, %dma_start3A_181] : memref<2x64x128xf32, #tpu.memory_space<vmem>> -> memref<1x64x128xf32, #tpu.memory_space<vmem>>
      %dma_start3A_183 = tpu.memref_squeeze %dma_start3A_182 : memref<1x64x128xf32, #tpu.memory_space<vmem>> -> memref<64x128xf32, #tpu.memory_space<vmem>>
      %dma_start3A_184 = arith.constant 0 : i32
      %dma_start3A_185 = tpu.memref_slice %arg14[%add3A_97, %dma_start3A_184] : memref<10240x128xf32, #tpu.memory_space<vmem_shared>> -> memref<64x128xf32, #tpu.memory_space<vmem_shared>>
      %dma_start3A_186 = arith.constant 0 : i32
      %dma_start3A_187 = tpu.memref_slice %arg14[%add3A_97, %dma_start3A_186] : memref<10240x128xf32, #tpu.memory_space<vmem_shared>> -> memref<64x128xf32, #tpu.memory_space<vmem_shared>>
      %dma_start3A_188 = arith.constant 0 : i32
      %dma_start3A_189 = arith.constant 0 : i32
      %dma_start3A_190 = tpu.memref_slice %arg13[%run_scoped3A_98, %dma_start3A_188, %dma_start3A_189] : memref<2x64x128xf32, #tpu.memory_space<vmem>> -> memref<1x64x128xf32, #tpu.memory_space<vmem>>
      %dma_start3A_191 = tpu.memref_squeeze %dma_start3A_190 : memref<1x64x128xf32, #tpu.memory_space<vmem>> -> memref<64x128xf32, #tpu.memory_space<vmem>>
      tpu.enqueue_dma source(%dma_start3A_191 : memref<64x128xf32, #tpu.memory_space<vmem>>) target(%dma_start3A_187 : memref<64x128xf32, #tpu.memory_space<vmem_shared>>) target_semaphore(%run_scoped3A_180 : memref<!tpu.dma_semaphore, #tpu.memory_space<semaphore_mem>>)
      %dma_wait3A = arith.constant 0 : i32
      %dma_wait3A_192 = arith.constant 0 : i32
      %dma_wait3A_193 = tpu.memref_slice %arg13[%run_scoped3A_98, %dma_wait3A, %dma_wait3A_192] : memref<2x64x128xf32, #tpu.memory_space<vmem>> -> memref<1x64x128xf32, #tpu.memory_space<vmem>>
      %dma_wait3A_194 = tpu.memref_squeeze %dma_wait3A_193 : memref<1x64x128xf32, #tpu.memory_space<vmem>> -> memref<64x128xf32, #tpu.memory_space<vmem>>
      %dma_wait3A_195 = arith.constant 0 : i32
      %dma_wait3A_196 = tpu.memref_slice %arg14[%add3A_97, %dma_wait3A_195] : memref<10240x128xf32, #tpu.memory_space<vmem_shared>> -> memref<64x128xf32, #tpu.memory_space<vmem_shared>>
      %dma_wait3A_197 = arith.constant 0 : i32
      %dma_wait3A_198 = tpu.memref_slice %arg14[%add3A_97, %dma_wait3A_197] : memref<10240x128xf32, #tpu.memory_space<vmem_shared>> -> memref<64x128xf32, #tpu.memory_space<vmem_shared>>
      %dma_wait3A_199 = arith.constant 0 : i32
      %dma_wait3A_200 = arith.constant 0 : i32
      %dma_wait3A_201 = tpu.memref_slice %arg13[%run_scoped3A_98, %dma_wait3A_199, %dma_wait3A_200] : memref<2x64x128xf32, #tpu.memory_space<vmem>> -> memref<1x64x128xf32, #tpu.memory_space<vmem>>
      %dma_wait3A_202 = tpu.memref_squeeze %dma_wait3A_201 : memref<1x64x128xf32, #tpu.memory_space<vmem>> -> memref<64x128xf32, #tpu.memory_space<vmem>>
      tpu.wait_dma2 semaphore(%run_scoped3A_180 : memref<!tpu.dma_semaphore, #tpu.memory_space<semaphore_mem>>) src(%dma_wait3A_202 : memref<64x128xf32, #tpu.memory_space<vmem>>) dst(%dma_wait3A_198 : memref<64x128xf32, #tpu.memory_space<vmem_shared>>)
      tpu.yield
    }) : () -> ()
    %mul3A_99 = arith.constant 640 : i32
    %mul3A_100 = arith.muli %arg1, %mul3A_99 : i32
    %add3A_101 = arith.constant 512 : i32
    %add3A_102 = arith.addi %mul3A_100, %add3A_101 : i32
    "tpu.region"() ({
      %run_scoped3A_180 = tpu.sem_alloc : memref<!tpu.dma_semaphore, #tpu.memory_space<semaphore_mem>>
      %dma_start3A = tpu.memref_slice %arg15[%add3A_102] : memref<10240xf32, #tpu.memory_space<vmem_shared>> -> memref<64xf32, #tpu.memory_space<vmem_shared>>
      %dma_start3A_181 = tpu.memref_slice %arg15[%add3A_102] : memref<10240xf32, #tpu.memory_space<vmem_shared>> -> memref<64xf32, #tpu.memory_space<vmem_shared>>
      tpu.enqueue_dma source(%arg12 : memref<64xf32, #tpu.memory_space<vmem>>) target(%dma_start3A_181 : memref<64xf32, #tpu.memory_space<vmem_shared>>) target_semaphore(%run_scoped3A_180 : memref<!tpu.dma_semaphore, #tpu.memory_space<semaphore_mem>>)
      %dma_wait3A = tpu.memref_slice %arg15[%add3A_102] : memref<10240xf32, #tpu.memory_space<vmem_shared>> -> memref<64xf32, #tpu.memory_space<vmem_shared>>
      %dma_wait3A_182 = tpu.memref_slice %arg15[%add3A_102] : memref<10240xf32, #tpu.memory_space<vmem_shared>> -> memref<64xf32, #tpu.memory_space<vmem_shared>>
      tpu.wait_dma2 semaphore(%run_scoped3A_180 : memref<!tpu.dma_semaphore, #tpu.memory_space<semaphore_mem>>) src(%arg12 : memref<64xf32, #tpu.memory_space<vmem>>) dst(%dma_wait3A_182 : memref<64xf32, #tpu.memory_space<vmem_shared>>)
      tpu.yield
    }) : () -> ()
    %mul3A_103 = arith.constant 640 : i32
    %mul3A_104 = arith.muli %arg1, %mul3A_103 : i32
    %add3A_105 = arith.constant 576 : i32
    %add3A_106 = arith.addi %mul3A_104, %add3A_105 : i32
    %run_scoped3A_107 = arith.constant 0 : i32
    "tpu.region"() ({
      %run_scoped3A_180 = tpu.sem_alloc : memref<!tpu.dma_semaphore, #tpu.memory_space<semaphore_mem>>
      %dma_start3A = arith.constant 0 : i32
      %dma_start3A_181 = arith.constant 0 : i32
      %dma_start3A_182 = tpu.memref_slice %arg13[%run_scoped3A_107, %dma_start3A, %dma_start3A_181] : memref<2x64x128xf32, #tpu.memory_space<vmem>> -> memref<1x64x128xf32, #tpu.memory_space<vmem>>
      %dma_start3A_183 = tpu.memref_squeeze %dma_start3A_182 : memref<1x64x128xf32, #tpu.memory_space<vmem>> -> memref<64x128xf32, #tpu.memory_space<vmem>>
      %dma_start3A_184 = arith.constant 0 : i32
      %dma_start3A_185 = tpu.memref_slice %arg14[%add3A_106, %dma_start3A_184] : memref<10240x128xf32, #tpu.memory_space<vmem_shared>> -> memref<64x128xf32, #tpu.memory_space<vmem_shared>>
      %dma_start3A_186 = arith.constant 0 : i32
      %dma_start3A_187 = tpu.memref_slice %arg14[%add3A_106, %dma_start3A_186] : memref<10240x128xf32, #tpu.memory_space<vmem_shared>> -> memref<64x128xf32, #tpu.memory_space<vmem_shared>>
      %dma_start3A_188 = arith.constant 0 : i32
      %dma_start3A_189 = arith.constant 0 : i32
      %dma_start3A_190 = tpu.memref_slice %arg13[%run_scoped3A_107, %dma_start3A_188, %dma_start3A_189] : memref<2x64x128xf32, #tpu.memory_space<vmem>> -> memref<1x64x128xf32, #tpu.memory_space<vmem>>
      %dma_start3A_191 = tpu.memref_squeeze %dma_start3A_190 : memref<1x64x128xf32, #tpu.memory_space<vmem>> -> memref<64x128xf32, #tpu.memory_space<vmem>>
      tpu.enqueue_dma source(%dma_start3A_191 : memref<64x128xf32, #tpu.memory_space<vmem>>) target(%dma_start3A_187 : memref<64x128xf32, #tpu.memory_space<vmem_shared>>) target_semaphore(%run_scoped3A_180 : memref<!tpu.dma_semaphore, #tpu.memory_space<semaphore_mem>>)
      %dma_wait3A = arith.constant 0 : i32
      %dma_wait3A_192 = arith.constant 0 : i32
      %dma_wait3A_193 = tpu.memref_slice %arg13[%run_scoped3A_107, %dma_wait3A, %dma_wait3A_192] : memref<2x64x128xf32, #tpu.memory_space<vmem>> -> memref<1x64x128xf32, #tpu.memory_space<vmem>>
      %dma_wait3A_194 = tpu.memref_squeeze %dma_wait3A_193 : memref<1x64x128xf32, #tpu.memory_space<vmem>> -> memref<64x128xf32, #tpu.memory_space<vmem>>
      %dma_wait3A_195 = arith.constant 0 : i32
      %dma_wait3A_196 = tpu.memref_slice %arg14[%add3A_106, %dma_wait3A_195] : memref<10240x128xf32, #tpu.memory_space<vmem_shared>> -> memref<64x128xf32, #tpu.memory_space<vmem_shared>>
      %dma_wait3A_197 = arith.constant 0 : i32
      %dma_wait3A_198 = tpu.memref_slice %arg14[%add3A_106, %dma_wait3A_197] : memref<10240x128xf32, #tpu.memory_space<vmem_shared>> -> memref<64x128xf32, #tpu.memory_space<vmem_shared>>
      %dma_wait3A_199 = arith.constant 0 : i32
      %dma_wait3A_200 = arith.constant 0 : i32
      %dma_wait3A_201 = tpu.memref_slice %arg13[%run_scoped3A_107, %dma_wait3A_199, %dma_wait3A_200] : memref<2x64x128xf32, #tpu.memory_space<vmem>> -> memref<1x64x128xf32, #tpu.memory_space<vmem>>
      %dma_wait3A_202 = tpu.memref_squeeze %dma_wait3A_201 : memref<1x64x128xf32, #tpu.memory_space<vmem>> -> memref<64x128xf32, #tpu.memory_space<vmem>>
      tpu.wait_dma2 semaphore(%run_scoped3A_180 : memref<!tpu.dma_semaphore, #tpu.memory_space<semaphore_mem>>) src(%dma_wait3A_202 : memref<64x128xf32, #tpu.memory_space<vmem>>) dst(%dma_wait3A_198 : memref<64x128xf32, #tpu.memory_space<vmem_shared>>)
      tpu.yield
    }) : () -> ()
    %mul3A_108 = arith.constant 640 : i32
    %mul3A_109 = arith.muli %arg1, %mul3A_108 : i32
    %add3A_110 = arith.constant 576 : i32
    %add3A_111 = arith.addi %mul3A_109, %add3A_110 : i32
    "tpu.region"() ({
      %run_scoped3A_180 = tpu.sem_alloc : memref<!tpu.dma_semaphore, #tpu.memory_space<semaphore_mem>>
      %dma_start3A = tpu.memref_slice %arg15[%add3A_111] : memref<10240xf32, #tpu.memory_space<vmem_shared>> -> memref<64xf32, #tpu.memory_space<vmem_shared>>
      %dma_start3A_181 = tpu.memref_slice %arg15[%add3A_111] : memref<10240xf32, #tpu.memory_space<vmem_shared>> -> memref<64xf32, #tpu.memory_space<vmem_shared>>
      tpu.enqueue_dma source(%arg12 : memref<64xf32, #tpu.memory_space<vmem>>) target(%dma_start3A_181 : memref<64xf32, #tpu.memory_space<vmem_shared>>) target_semaphore(%run_scoped3A_180 : memref<!tpu.dma_semaphore, #tpu.memory_space<semaphore_mem>>)
      %dma_wait3A = tpu.memref_slice %arg15[%add3A_111] : memref<10240xf32, #tpu.memory_space<vmem_shared>> -> memref<64xf32, #tpu.memory_space<vmem_shared>>
      %dma_wait3A_182 = tpu.memref_slice %arg15[%add3A_111] : memref<10240xf32, #tpu.memory_space<vmem_shared>> -> memref<64xf32, #tpu.memory_space<vmem_shared>>
      tpu.wait_dma2 semaphore(%run_scoped3A_180 : memref<!tpu.dma_semaphore, #tpu.memory_space<semaphore_mem>>) src(%arg12 : memref<64xf32, #tpu.memory_space<vmem>>) dst(%dma_wait3A_182 : memref<64xf32, #tpu.memory_space<vmem_shared>>)
      tpu.yield
    }) : () -> ()
    %barrier3A = arith.constant 0 : index
    tpu.barrier barrier_id(%barrier3A)
    %scan3A_112 = arith.constant 0 : i32
    %scan3A_113 = arith.constant 0 : i32
    %scan3A_114 = arith.constant 160 : i32
    %scan3A_115 = arith.addi %scan3A_113, %scan3A_114 : i32
    %scan3A_116 = arith.constant 1 : i32
    %scan3A_117 = scf.for %scan3A_180 = %scan3A_113 to %scan3A_115 step %scan3A_116 iter_args(%scan3A_181 = %scan3A_112) -> (i32)  : i32 {
      %rem3A = arith.constant 2 : i32
      %rem3A_182 = arith.remsi %scan3A_180, %rem3A : i32
      "tpu.region"() ({
        %run_scoped3A_280 = tpu.sem_alloc : memref<!tpu.dma_semaphore, #tpu.memory_space<semaphore_mem>>
        %dma_start3A_281 = arith.constant 0 : i32
        %dma_start3A_282 = tpu.memref_slice %arg10[%rem3A_182, %dma_start3A_281] : memref<2x64xi32, #tpu.memory_space<vmem>> -> memref<1x64xi32, #tpu.memory_space<vmem>>
        %dma_start3A_283 = tpu.memref_squeeze %dma_start3A_282 : memref<1x64xi32, #tpu.memory_space<vmem>> -> memref<64xi32, #tpu.memory_space<vmem>>
        %dma_start3A_284 = arith.constant 0 : i32
        %dma_start3A_285 = tpu.memref_slice %arg4[%add3A, %scan3A_180, %dma_start3A_284] : memref<32x160x64xi32, #tpu.memory_space<hbm>> -> memref<1x1x64xi32, #tpu.memory_space<hbm>>
        %dma_start3A_286 = tpu.memref_squeeze %dma_start3A_285 : memref<1x1x64xi32, #tpu.memory_space<hbm>> -> memref<64xi32, #tpu.memory_space<hbm>>
        %dma_start3A_287 = arith.constant 0 : i32
        %dma_start3A_288 = tpu.memref_slice %arg10[%rem3A_182, %dma_start3A_287] : memref<2x64xi32, #tpu.memory_space<vmem>> -> memref<1x64xi32, #tpu.memory_space<vmem>>
        %dma_start3A_289 = tpu.memref_squeeze %dma_start3A_288 : memref<1x64xi32, #tpu.memory_space<vmem>> -> memref<64xi32, #tpu.memory_space<vmem>>
        %dma_start3A_290 = arith.constant 0 : i32
        %dma_start3A_291 = tpu.memref_slice %arg4[%add3A, %scan3A_180, %dma_start3A_290] : memref<32x160x64xi32, #tpu.memory_space<hbm>> -> memref<1x1x64xi32, #tpu.memory_space<hbm>>
        %dma_start3A_292 = tpu.memref_squeeze %dma_start3A_291 : memref<1x1x64xi32, #tpu.memory_space<hbm>> -> memref<64xi32, #tpu.memory_space<hbm>>
        tpu.enqueue_dma source(%dma_start3A_292 : memref<64xi32, #tpu.memory_space<hbm>>) target(%dma_start3A_289 : memref<64xi32, #tpu.memory_space<vmem>>) target_semaphore(%run_scoped3A_280 : memref<!tpu.dma_semaphore, #tpu.memory_space<semaphore_mem>>)
        %dma_wait3A_293 = arith.constant 0 : i32
        %dma_wait3A_294 = tpu.memref_slice %arg10[%rem3A_182, %dma_wait3A_293] : memref<2x64xi32, #tpu.memory_space<vmem>> -> memref<1x64xi32, #tpu.memory_space<vmem>>
        %dma_wait3A_295 = tpu.memref_squeeze %dma_wait3A_294 : memref<1x64xi32, #tpu.memory_space<vmem>> -> memref<64xi32, #tpu.memory_space<vmem>>
        %dma_wait3A_296 = arith.constant 0 : i32
        %dma_wait3A_297 = tpu.memref_slice %arg4[%add3A, %scan3A_180, %dma_wait3A_296] : memref<32x160x64xi32, #tpu.memory_space<hbm>> -> memref<1x1x64xi32, #tpu.memory_space<hbm>>
        %dma_wait3A_298 = tpu.memref_squeeze %dma_wait3A_297 : memref<1x1x64xi32, #tpu.memory_space<hbm>> -> memref<64xi32, #tpu.memory_space<hbm>>
        %dma_wait3A_299 = arith.constant 0 : i32
        %dma_wait3A_300 = tpu.memref_slice %arg10[%rem3A_182, %dma_wait3A_299] : memref<2x64xi32, #tpu.memory_space<vmem>> -> memref<1x64xi32, #tpu.memory_space<vmem>>
        %dma_wait3A_301 = tpu.memref_squeeze %dma_wait3A_300 : memref<1x64xi32, #tpu.memory_space<vmem>> -> memref<64xi32, #tpu.memory_space<vmem>>
        %dma_wait3A_302 = arith.constant 0 : i32
        %dma_wait3A_303 = tpu.memref_slice %arg4[%add3A, %scan3A_180, %dma_wait3A_302] : memref<32x160x64xi32, #tpu.memory_space<hbm>> -> memref<1x1x64xi32, #tpu.memory_space<hbm>>
        %dma_wait3A_304 = tpu.memref_squeeze %dma_wait3A_303 : memref<1x1x64xi32, #tpu.memory_space<hbm>> -> memref<64xi32, #tpu.memory_space<hbm>>
        tpu.wait_dma2 semaphore(%run_scoped3A_280 : memref<!tpu.dma_semaphore, #tpu.memory_space<semaphore_mem>>) src(%dma_wait3A_304 : memref<64xi32, #tpu.memory_space<hbm>>) dst(%dma_wait3A_301 : memref<64xi32, #tpu.memory_space<vmem>>)
        tpu.yield
      }) : () -> ()
      "tpu.region"() ({
        %run_scoped3A_280 = tpu.sem_alloc : memref<!tpu.dma_semaphore, #tpu.memory_space<semaphore_mem>>
        %dma_start3A_281 = arith.constant 0 : i32
        %dma_start3A_282 = tpu.memref_slice %arg11[%rem3A_182, %dma_start3A_281] : memref<2x64xi32, #tpu.memory_space<vmem>> -> memref<1x64xi32, #tpu.memory_space<vmem>>
        %dma_start3A_283 = tpu.memref_squeeze %dma_start3A_282 : memref<1x64xi32, #tpu.memory_space<vmem>> -> memref<64xi32, #tpu.memory_space<vmem>>
        %dma_start3A_284 = arith.constant 0 : i32
        %dma_start3A_285 = tpu.memref_slice %arg5[%add3A, %scan3A_180, %dma_start3A_284] : memref<32x160x64xi32, #tpu.memory_space<hbm>> -> memref<1x1x64xi32, #tpu.memory_space<hbm>>
        %dma_start3A_286 = tpu.memref_squeeze %dma_start3A_285 : memref<1x1x64xi32, #tpu.memory_space<hbm>> -> memref<64xi32, #tpu.memory_space<hbm>>
        %dma_start3A_287 = arith.constant 0 : i32
        %dma_start3A_288 = tpu.memref_slice %arg11[%rem3A_182, %dma_start3A_287] : memref<2x64xi32, #tpu.memory_space<vmem>> -> memref<1x64xi32, #tpu.memory_space<vmem>>
        %dma_start3A_289 = tpu.memref_squeeze %dma_start3A_288 : memref<1x64xi32, #tpu.memory_space<vmem>> -> memref<64xi32, #tpu.memory_space<vmem>>
        %dma_start3A_290 = arith.constant 0 : i32
        %dma_start3A_291 = tpu.memref_slice %arg5[%add3A, %scan3A_180, %dma_start3A_290] : memref<32x160x64xi32, #tpu.memory_space<hbm>> -> memref<1x1x64xi32, #tpu.memory_space<hbm>>
        %dma_start3A_292 = tpu.memref_squeeze %dma_start3A_291 : memref<1x1x64xi32, #tpu.memory_space<hbm>> -> memref<64xi32, #tpu.memory_space<hbm>>
        tpu.enqueue_dma source(%dma_start3A_292 : memref<64xi32, #tpu.memory_space<hbm>>) target(%dma_start3A_289 : memref<64xi32, #tpu.memory_space<vmem>>) target_semaphore(%run_scoped3A_280 : memref<!tpu.dma_semaphore, #tpu.memory_space<semaphore_mem>>)
        %dma_wait3A_293 = arith.constant 0 : i32
        %dma_wait3A_294 = tpu.memref_slice %arg11[%rem3A_182, %dma_wait3A_293] : memref<2x64xi32, #tpu.memory_space<vmem>> -> memref<1x64xi32, #tpu.memory_space<vmem>>
        %dma_wait3A_295 = tpu.memref_squeeze %dma_wait3A_294 : memref<1x64xi32, #tpu.memory_space<vmem>> -> memref<64xi32, #tpu.memory_space<vmem>>
        %dma_wait3A_296 = arith.constant 0 : i32
        %dma_wait3A_297 = tpu.memref_slice %arg5[%add3A, %scan3A_180, %dma_wait3A_296] : memref<32x160x64xi32, #tpu.memory_space<hbm>> -> memref<1x1x64xi32, #tpu.memory_space<hbm>>
        %dma_wait3A_298 = tpu.memref_squeeze %dma_wait3A_297 : memref<1x1x64xi32, #tpu.memory_space<hbm>> -> memref<64xi32, #tpu.memory_space<hbm>>
        %dma_wait3A_299 = arith.constant 0 : i32
        %dma_wait3A_300 = tpu.memref_slice %arg11[%rem3A_182, %dma_wait3A_299] : memref<2x64xi32, #tpu.memory_space<vmem>> -> memref<1x64xi32, #tpu.memory_space<vmem>>
        %dma_wait3A_301 = tpu.memref_squeeze %dma_wait3A_300 : memref<1x64xi32, #tpu.memory_space<vmem>> -> memref<64xi32, #tpu.memory_space<vmem>>
        %dma_wait3A_302 = arith.constant 0 : i32
        %dma_wait3A_303 = tpu.memref_slice %arg5[%add3A, %scan3A_180, %dma_wait3A_302] : memref<32x160x64xi32, #tpu.memory_space<hbm>> -> memref<1x1x64xi32, #tpu.memory_space<hbm>>
        %dma_wait3A_304 = tpu.memref_squeeze %dma_wait3A_303 : memref<1x1x64xi32, #tpu.memory_space<hbm>> -> memref<64xi32, #tpu.memory_space<hbm>>
        tpu.wait_dma2 semaphore(%run_scoped3A_280 : memref<!tpu.dma_semaphore, #tpu.memory_space<semaphore_mem>>) src(%dma_wait3A_304 : memref<64xi32, #tpu.memory_space<hbm>>) dst(%dma_wait3A_301 : memref<64xi32, #tpu.memory_space<vmem>>)
        tpu.yield
      }) : () -> ()
      %dma_start3A = arith.constant 0 : i32
      %dma_start3A_183 = arith.constant 0 : i32
      %dma_start3A_184 = tpu.memref_slice %arg13[%rem3A_182, %dma_start3A, %dma_start3A_183] : memref<2x64x128xf32, #tpu.memory_space<vmem>> -> memref<1x64x128xf32, #tpu.memory_space<vmem>>
      %dma_start3A_185 = tpu.memref_squeeze %dma_start3A_184 : memref<1x64x128xf32, #tpu.memory_space<vmem>> -> memref<64x128xf32, #tpu.memory_space<vmem>>
      %dma_start3A_186 = arith.constant 0 : i32
      %dma_start3A_187 = tpu.memref_slice %arg10[%rem3A_182, %dma_start3A_186] : memref<2x64xi32, #tpu.memory_space<vmem>> -> memref<1x64xi32, #tpu.memory_space<vmem>>
      %dma_start3A_188 = tpu.memref_squeeze %dma_start3A_187 : memref<1x64xi32, #tpu.memory_space<vmem>> -> memref<64xi32, #tpu.memory_space<vmem>>
      %dma_start3A_189 = arith.constant 0 : i32
      %dma_start3A_190 = arith.constant 0 : i32
      %dma_start3A_191 = tpu.memref_slice %arg2[%dma_start3A_189, %dma_start3A_190] : memref<10240x128xf32, #tpu.memory_space<hbm>> -> memref<10240x128xf32, #tpu.memory_space<hbm>>
      tpu.enqueue_indirect_dma source(%dma_start3A_191 : memref<10240x128xf32, #tpu.memory_space<hbm>>) target(%dma_start3A_185 : memref<64x128xf32, #tpu.memory_space<vmem>>) offsets(%dma_start3A_188 : memref<64xi32, #tpu.memory_space<vmem>>) semaphore(%arg16 : memref<!tpu.dma_semaphore, #tpu.memory_space<semaphore_mem>>)
      %get3A = arith.index_cast %rem3A_182 : i32 to index
      %get3A_192 = arith.constant 0 : index
      %get3A_193 = tpu.vector_load %arg10[%get3A, %get3A_192] {strides = array<i32>} : memref<2x64xi32, #tpu.memory_space<vmem>>, vector<16xi32>,
      %get3A_194 = arith.index_cast %rem3A_182 : i32 to index
      %get3A_195 = arith.constant 0 : index
      %get3A_196 = tpu.vector_load %arg11[%get3A_194, %get3A_195] {strides = array<i32>} : memref<2x64xi32, #tpu.memory_space<vmem>>, vector<16xi32>,
      %gather3A = tpu.vector_load_idx %arg8[%get3A_193] : memref<10240xf32, #tpu.memory_space<vmem>>[vector<16xi32>], vector<16xf32>,
      %gather3A_197 = tpu.vector_load_idx %arg9[%get3A_196] : memref<10240xf32, #tpu.memory_space<vmem>>[vector<16xi32>], vector<16xf32>,
      %add3A_198 = arith.addf %gather3A, %gather3A_197 : vector<16xf32>
      %ge3A = arith.constant 0.000000e+00 : f32
      %ge3A_199 = vector.broadcast %ge3A : f32 to vector<16xf32>
      %ge3A_200 = arith.cmpf oge, %add3A_198, %ge3A_199 : vector<16xf32>
      %mul3A_201 = arith.constant 2.000000e-01 : f32
      %mul3A_202 = vector.broadcast %mul3A_201 : f32 to vector<16xf32>
      %mul3A_203 = arith.mulf %add3A_198, %mul3A_202 : vector<16xf32>
      %select_n3A = arith.select %ge3A_200, %add3A_198, %mul3A_203 : vector<16xi1>, vector<16xf32>
      %exp3A = math.exp %select_n3A : vector<16xf32>
      %swap3A_204 = arith.constant 0 : index
      %swap3A_205 = tpu.vector_load %arg12[%swap3A_204] {strides = array<i32>} : memref<64xf32, #tpu.memory_space<vmem>>, vector<16xf32>,
      tpu.vector_store %arg12[%swap3A_204], %exp3A {strides = array<i32>} : memref<64xf32, #tpu.memory_space<vmem>>, vector<16xf32>,
      %get3A_206 = arith.index_cast %rem3A_182 : i32 to index
      %get3A_207 = arith.constant 16 : index
      %get3A_208 = tpu.vector_load %arg10[%get3A_206, %get3A_207] {strides = array<i32>} : memref<2x64xi32, #tpu.memory_space<vmem>>, vector<16xi32>,
      %get3A_209 = arith.index_cast %rem3A_182 : i32 to index
      %get3A_210 = arith.constant 16 : index
      %get3A_211 = tpu.vector_load %arg11[%get3A_209, %get3A_210] {strides = array<i32>} : memref<2x64xi32, #tpu.memory_space<vmem>>, vector<16xi32>,
      %gather3A_212 = tpu.vector_load_idx %arg8[%get3A_208] : memref<10240xf32, #tpu.memory_space<vmem>>[vector<16xi32>], vector<16xf32>,
      %gather3A_213 = tpu.vector_load_idx %arg9[%get3A_211] : memref<10240xf32, #tpu.memory_space<vmem>>[vector<16xi32>], vector<16xf32>,
      %add3A_214 = arith.addf %gather3A_212, %gather3A_213 : vector<16xf32>
      %ge3A_215 = arith.constant 0.000000e+00 : f32
      %ge3A_216 = vector.broadcast %ge3A_215 : f32 to vector<16xf32>
      %ge3A_217 = arith.cmpf oge, %add3A_214, %ge3A_216 : vector<16xf32>
      %mul3A_218 = arith.constant 2.000000e-01 : f32
      %mul3A_219 = vector.broadcast %mul3A_218 : f32 to vector<16xf32>
      %mul3A_220 = arith.mulf %add3A_214, %mul3A_219 : vector<16xf32>
      %select_n3A_221 = arith.select %ge3A_217, %add3A_214, %mul3A_220 : vector<16xi1>, vector<16xf32>
      %exp3A_222 = math.exp %select_n3A_221 : vector<16xf32>
      %swap3A_223 = arith.constant 16 : index
      %swap3A_224 = tpu.vector_load %arg12[%swap3A_223] {strides = array<i32>} : memref<64xf32, #tpu.memory_space<vmem>>, vector<16xf32>,
      tpu.vector_store %arg12[%swap3A_223], %exp3A_222 {strides = array<i32>} : memref<64xf32, #tpu.memory_space<vmem>>, vector<16xf32>,
      %get3A_225 = arith.index_cast %rem3A_182 : i32 to index
      %get3A_226 = arith.constant 32 : index
      %get3A_227 = tpu.vector_load %arg10[%get3A_225, %get3A_226] {strides = array<i32>} : memref<2x64xi32, #tpu.memory_space<vmem>>, vector<16xi32>,
      %get3A_228 = arith.index_cast %rem3A_182 : i32 to index
      %get3A_229 = arith.constant 32 : index
      %get3A_230 = tpu.vector_load %arg11[%get3A_228, %get3A_229] {strides = array<i32>} : memref<2x64xi32, #tpu.memory_space<vmem>>, vector<16xi32>,
      %gather3A_231 = tpu.vector_load_idx %arg8[%get3A_227] : memref<10240xf32, #tpu.memory_space<vmem>>[vector<16xi32>], vector<16xf32>,
      %gather3A_232 = tpu.vector_load_idx %arg9[%get3A_230] : memref<10240xf32, #tpu.memory_space<vmem>>[vector<16xi32>], vector<16xf32>,
      %add3A_233 = arith.addf %gather3A_231, %gather3A_232 : vector<16xf32>
      %ge3A_234 = arith.constant 0.000000e+00 : f32
      %ge3A_235 = vector.broadcast %ge3A_234 : f32 to vector<16xf32>
      %ge3A_236 = arith.cmpf oge, %add3A_233, %ge3A_235 : vector<16xf32>
      %mul3A_237 = arith.constant 2.000000e-01 : f32
      %mul3A_238 = vector.broadcast %mul3A_237 : f32 to vector<16xf32>
      %mul3A_239 = arith.mulf %add3A_233, %mul3A_238 : vector<16xf32>
      %select_n3A_240 = arith.select %ge3A_236, %add3A_233, %mul3A_239 : vector<16xi1>, vector<16xf32>
      %exp3A_241 = math.exp %select_n3A_240 : vector<16xf32>
      %swap3A_242 = arith.constant 32 : index
      %swap3A_243 = tpu.vector_load %arg12[%swap3A_242] {strides = array<i32>} : memref<64xf32, #tpu.memory_space<vmem>>, vector<16xf32>,
      tpu.vector_store %arg12[%swap3A_242], %exp3A_241 {strides = array<i32>} : memref<64xf32, #tpu.memory_space<vmem>>, vector<16xf32>,
      %get3A_244 = arith.index_cast %rem3A_182 : i32 to index
      %get3A_245 = arith.constant 48 : index
      %get3A_246 = tpu.vector_load %arg10[%get3A_244, %get3A_245] {strides = array<i32>} : memref<2x64xi32, #tpu.memory_space<vmem>>, vector<16xi32>,
      %get3A_247 = arith.index_cast %rem3A_182 : i32 to index
      %get3A_248 = arith.constant 48 : index
      %get3A_249 = tpu.vector_load %arg11[%get3A_247, %get3A_248] {strides = array<i32>} : memref<2x64xi32, #tpu.memory_space<vmem>>, vector<16xi32>,
      %gather3A_250 = tpu.vector_load_idx %arg8[%get3A_246] : memref<10240xf32, #tpu.memory_space<vmem>>[vector<16xi32>], vector<16xf32>,
      %gather3A_251 = tpu.vector_load_idx %arg9[%get3A_249] : memref<10240xf32, #tpu.memory_space<vmem>>[vector<16xi32>], vector<16xf32>,
      %add3A_252 = arith.addf %gather3A_250, %gather3A_251 : vector<16xf32>
      %ge3A_253 = arith.constant 0.000000e+00 : f32
      %ge3A_254 = vector.broadcast %ge3A_253 : f32 to vector<16xf32>
      %ge3A_255 = arith.cmpf oge, %add3A_252, %ge3A_254 : vector<16xf32>
      %mul3A_256 = arith.constant 2.000000e-01 : f32
      %mul3A_257 = vector.broadcast %mul3A_256 : f32 to vector<16xf32>
      %mul3A_258 = arith.mulf %add3A_252, %mul3A_257 : vector<16xf32>
      %select_n3A_259 = arith.select %ge3A_255, %add3A_252, %mul3A_258 : vector<16xi1>, vector<16xf32>
      %exp3A_260 = math.exp %select_n3A_259 : vector<16xf32>
      %swap3A_261 = arith.constant 48 : index
      %swap3A_262 = tpu.vector_load %arg12[%swap3A_261] {strides = array<i32>} : memref<64xf32, #tpu.memory_space<vmem>>, vector<16xf32>,
      tpu.vector_store %arg12[%swap3A_261], %exp3A_260 {strides = array<i32>} : memref<64xf32, #tpu.memory_space<vmem>>, vector<16xf32>,
      "tpu.region"() ({
        %run_scoped3A_280 = tpu.sem_alloc : memref<!tpu.dma_semaphore, #tpu.memory_space<semaphore_mem>>
        %dma_start3A_281 = arith.constant 0 : i32
        %dma_start3A_282 = tpu.memref_slice %arg11[%rem3A_182, %dma_start3A_281] : memref<2x64xi32, #tpu.memory_space<vmem>> -> memref<1x64xi32, #tpu.memory_space<vmem>>
        %dma_start3A_283 = tpu.memref_squeeze %dma_start3A_282 : memref<1x64xi32, #tpu.memory_space<vmem>> -> memref<64xi32, #tpu.memory_space<vmem>>
        %dma_start3A_284 = arith.constant 0 : i32
        %dma_start3A_285 = tpu.memref_slice %arg15[%dma_start3A_284] : memref<10240xf32, #tpu.memory_space<vmem_shared>> -> memref<10240xf32, #tpu.memory_space<vmem_shared>>
        tpu.enqueue_indirect_dma source(%arg12 : memref<64xf32, #tpu.memory_space<vmem>>) target(%dma_start3A_285 : memref<10240xf32, #tpu.memory_space<vmem_shared>>) offsets(%dma_start3A_283 : memref<64xi32, #tpu.memory_space<vmem>>) semaphore(%run_scoped3A_280 : memref<!tpu.dma_semaphore, #tpu.memory_space<semaphore_mem>>) {add = true}
        %dma_wait3A_286 = arith.constant 0 : i32
        %dma_wait3A_287 = tpu.memref_slice %arg11[%rem3A_182, %dma_wait3A_286] : memref<2x64xi32, #tpu.memory_space<vmem>> -> memref<1x64xi32, #tpu.memory_space<vmem>>
        %dma_wait3A_288 = tpu.memref_squeeze %dma_wait3A_287 : memref<1x64xi32, #tpu.memory_space<vmem>> -> memref<64xi32, #tpu.memory_space<vmem>>
        %dma_wait3A_289 = arith.constant 0 : i32
        %dma_wait3A_290 = tpu.memref_slice %arg15[%dma_wait3A_289] : memref<10240xf32, #tpu.memory_space<vmem_shared>> -> memref<10240xf32, #tpu.memory_space<vmem_shared>>
        tpu.wait_indirect_dma semaphore(%run_scoped3A_280 : memref<!tpu.dma_semaphore, #tpu.memory_space<semaphore_mem>>) src(%arg12 : memref<64xf32, #tpu.memory_space<vmem>>) dst(%dma_wait3A_290 : memref<10240xf32, #tpu.memory_space<vmem_shared>>)
        tpu.yield
      }) : () -> ()
      %dma_wait3A = arith.constant 0 : i32
      %dma_wait3A_263 = arith.constant 0 : i32
      %dma_wait3A_264 = tpu.memref_slice %arg13[%rem3A_182, %dma_wait3A, %dma_wait3A_263] : memref<2x64x128xf32, #tpu.memory_space<vmem>> -> memref<1x64x128xf32, #tpu.memory_space<vmem>>
      %dma_wait3A_265 = tpu.memref_squeeze %dma_wait3A_264 : memref<1x64x128xf32, #tpu.memory_space<vmem>> -> memref<64x128xf32, #tpu.memory_space<vmem>>
      %dma_wait3A_266 = arith.constant 0 : i32
      %dma_wait3A_267 = tpu.memref_slice %arg10[%rem3A_182, %dma_wait3A_266] : memref<2x64xi32, #tpu.memory_space<vmem>> -> memref<1x64xi32, #tpu.memory_space<vmem>>
      %dma_wait3A_268 = tpu.memref_squeeze %dma_wait3A_267 : memref<1x64xi32, #tpu.memory_space<vmem>> -> memref<64xi32, #tpu.memory_space<vmem>>
      %dma_wait3A_269 = arith.constant 0 : i32
      %dma_wait3A_270 = arith.constant 0 : i32
      %dma_wait3A_271 = tpu.memref_slice %arg2[%dma_wait3A_269, %dma_wait3A_270] : memref<10240x128xf32, #tpu.memory_space<hbm>> -> memref<10240x128xf32, #tpu.memory_space<hbm>>
      tpu.wait_indirect_dma semaphore(%arg16 : memref<!tpu.dma_semaphore, #tpu.memory_space<semaphore_mem>>) src(%dma_wait3A_271 : memref<10240x128xf32, #tpu.memory_space<hbm>>) dst(%dma_wait3A_265 : memref<64x128xf32, #tpu.memory_space<vmem>>)
      %scan3A_272 = arith.constant 0 : i32
      %scan3A_273 = arith.constant 0 : i32
      %scan3A_274 = arith.constant 64 : i32
      %scan3A_275 = arith.addi %scan3A_273, %scan3A_274 : i32
      %scan3A_276 = arith.constant 1 : i32
      %scan3A_277 = scf.for %scan3A_280 = %scan3A_273 to %scan3A_275 step %scan3A_276 iter_args(%scan3A_281 = %scan3A_272) -> (i32)  : i32 {
        %broadcast_in_dim3A_282 = vector.broadcast %scan3A_280 : i32 to vector<16xi32>
        %gather3A_283 = tpu.vector_load_idx %arg12[%broadcast_in_dim3A_282] : memref<64xf32, #tpu.memory_space<vmem>>[vector<16xi32>], vector<16xf32>,
        %get3A_284 = arith.index_cast %rem3A_182 : i32 to index
        %get3A_285 = arith.index_cast %scan3A_280 : i32 to index
        %get3A_286 = arith.constant 0 : index
        %get3A_287 = tpu.vector_load %arg13[%get3A_284, %get3A_285, %get3A_286] {strides = array<i32>} : memref<2x64x128xf32, #tpu.memory_space<vmem>>, vector<16xf32>,
        %mul3A_288 = arith.mulf %get3A_287, %gather3A_283 : vector<16xf32>
        %swap3A_289 = arith.index_cast %rem3A_182 : i32 to index
        %swap3A_290 = arith.index_cast %scan3A_280 : i32 to index
        %swap3A_291 = arith.constant 0 : index
        %swap3A_292 = tpu.vector_load %arg13[%swap3A_289, %swap3A_290, %swap3A_291] {strides = array<i32>} : memref<2x64x128xf32, #tpu.memory_space<vmem>>, vector<16xf32>,
        tpu.vector_store %arg13[%swap3A_289, %swap3A_290, %swap3A_291], %mul3A_288 {strides = array<i32>} : memref<2x64x128xf32, #tpu.memory_space<vmem>>, vector<16xf32>,
        %get3A_293 = arith.index_cast %rem3A_182 : i32 to index
        %get3A_294 = arith.index_cast %scan3A_280 : i32 to index
        %get3A_295 = arith.constant 16 : index
        %get3A_296 = tpu.vector_load %arg13[%get3A_293, %get3A_294, %get3A_295] {strides = array<i32>} : memref<2x64x128xf32, #tpu.memory_space<vmem>>, vector<16xf32>,
        %mul3A_297 = arith.mulf %get3A_296, %gather3A_283 : vector<16xf32>
        %swap3A_298 = arith.index_cast %rem3A_182 : i32 to index
        %swap3A_299 = arith.index_cast %scan3A_280 : i32 to index
        %swap3A_300 = arith.constant 16 : index
        %swap3A_301 = tpu.vector_load %arg13[%swap3A_298, %swap3A_299, %swap3A_300] {strides = array<i32>} : memref<2x64x128xf32, #tpu.memory_space<vmem>>, vector<16xf32>,
        tpu.vector_store %arg13[%swap3A_298, %swap3A_299, %swap3A_300], %mul3A_297 {strides = array<i32>} : memref<2x64x128xf32, #tpu.memory_space<vmem>>, vector<16xf32>,
        %get3A_302 = arith.index_cast %rem3A_182 : i32 to index
        %get3A_303 = arith.index_cast %scan3A_280 : i32 to index
        %get3A_304 = arith.constant 32 : index
        %get3A_305 = tpu.vector_load %arg13[%get3A_302, %get3A_303, %get3A_304] {strides = array<i32>} : memref<2x64x128xf32, #tpu.memory_space<vmem>>, vector<16xf32>,
        %mul3A_306 = arith.mulf %get3A_305, %gather3A_283 : vector<16xf32>
        %swap3A_307 = arith.index_cast %rem3A_182 : i32 to index
        %swap3A_308 = arith.index_cast %scan3A_280 : i32 to index
        %swap3A_309 = arith.constant 32 : index
        %swap3A_310 = tpu.vector_load %arg13[%swap3A_307, %swap3A_308, %swap3A_309] {strides = array<i32>} : memref<2x64x128xf32, #tpu.memory_space<vmem>>, vector<16xf32>,
        tpu.vector_store %arg13[%swap3A_307, %swap3A_308, %swap3A_309], %mul3A_306 {strides = array<i32>} : memref<2x64x128xf32, #tpu.memory_space<vmem>>, vector<16xf32>,
        %get3A_311 = arith.index_cast %rem3A_182 : i32 to index
        %get3A_312 = arith.index_cast %scan3A_280 : i32 to index
        %get3A_313 = arith.constant 48 : index
        %get3A_314 = tpu.vector_load %arg13[%get3A_311, %get3A_312, %get3A_313] {strides = array<i32>} : memref<2x64x128xf32, #tpu.memory_space<vmem>>, vector<16xf32>,
        %mul3A_315 = arith.mulf %get3A_314, %gather3A_283 : vector<16xf32>
        %swap3A_316 = arith.index_cast %rem3A_182 : i32 to index
        %swap3A_317 = arith.index_cast %scan3A_280 : i32 to index
        %swap3A_318 = arith.constant 48 : index
        %swap3A_319 = tpu.vector_load %arg13[%swap3A_316, %swap3A_317, %swap3A_318] {strides = array<i32>} : memref<2x64x128xf32, #tpu.memory_space<vmem>>, vector<16xf32>,
        tpu.vector_store %arg13[%swap3A_316, %swap3A_317, %swap3A_318], %mul3A_315 {strides = array<i32>} : memref<2x64x128xf32, #tpu.memory_space<vmem>>, vector<16xf32>,
        %get3A_320 = arith.index_cast %rem3A_182 : i32 to index
        %get3A_321 = arith.index_cast %scan3A_280 : i32 to index
        %get3A_322 = arith.constant 64 : index
        %get3A_323 = tpu.vector_load %arg13[%get3A_320, %get3A_321, %get3A_322] {strides = array<i32>} : memref<2x64x128xf32, #tpu.memory_space<vmem>>, vector<16xf32>,
        %mul3A_324 = arith.mulf %get3A_323, %gather3A_283 : vector<16xf32>
        %swap3A_325 = arith.index_cast %rem3A_182 : i32 to index
        %swap3A_326 = arith.index_cast %scan3A_280 : i32 to index
        %swap3A_327 = arith.constant 64 : index
        %swap3A_328 = tpu.vector_load %arg13[%swap3A_325, %swap3A_326, %swap3A_327] {strides = array<i32>} : memref<2x64x128xf32, #tpu.memory_space<vmem>>, vector<16xf32>,
        tpu.vector_store %arg13[%swap3A_325, %swap3A_326, %swap3A_327], %mul3A_324 {strides = array<i32>} : memref<2x64x128xf32, #tpu.memory_space<vmem>>, vector<16xf32>,
        %get3A_329 = arith.index_cast %rem3A_182 : i32 to index
        %get3A_330 = arith.index_cast %scan3A_280 : i32 to index
        %get3A_331 = arith.constant 80 : index
        %get3A_332 = tpu.vector_load %arg13[%get3A_329, %get3A_330, %get3A_331] {strides = array<i32>} : memref<2x64x128xf32, #tpu.memory_space<vmem>>, vector<16xf32>,
        %mul3A_333 = arith.mulf %get3A_332, %gather3A_283 : vector<16xf32>
        %swap3A_334 = arith.index_cast %rem3A_182 : i32 to index
        %swap3A_335 = arith.index_cast %scan3A_280 : i32 to index
        %swap3A_336 = arith.constant 80 : index
        %swap3A_337 = tpu.vector_load %arg13[%swap3A_334, %swap3A_335, %swap3A_336] {strides = array<i32>} : memref<2x64x128xf32, #tpu.memory_space<vmem>>, vector<16xf32>,
        tpu.vector_store %arg13[%swap3A_334, %swap3A_335, %swap3A_336], %mul3A_333 {strides = array<i32>} : memref<2x64x128xf32, #tpu.memory_space<vmem>>, vector<16xf32>,
        %get3A_338 = arith.index_cast %rem3A_182 : i32 to index
        %get3A_339 = arith.index_cast %scan3A_280 : i32 to index
        %get3A_340 = arith.constant 96 : index
        %get3A_341 = tpu.vector_load %arg13[%get3A_338, %get3A_339, %get3A_340] {strides = array<i32>} : memref<2x64x128xf32, #tpu.memory_space<vmem>>, vector<16xf32>,
        %mul3A_342 = arith.mulf %get3A_341, %gather3A_283 : vector<16xf32>
        %swap3A_343 = arith.index_cast %rem3A_182 : i32 to index
        %swap3A_344 = arith.index_cast %scan3A_280 : i32 to index
        %swap3A_345 = arith.constant 96 : index
        %swap3A_346 = tpu.vector_load %arg13[%swap3A_343, %swap3A_344, %swap3A_345] {strides = array<i32>} : memref<2x64x128xf32, #tpu.memory_space<vmem>>, vector<16xf32>,
        tpu.vector_store %arg13[%swap3A_343, %swap3A_344, %swap3A_345], %mul3A_342 {strides = array<i32>} : memref<2x64x128xf32, #tpu.memory_space<vmem>>, vector<16xf32>,
        %get3A_347 = arith.index_cast %rem3A_182 : i32 to index
        %get3A_348 = arith.index_cast %scan3A_280 : i32 to index
        %get3A_349 = arith.constant 112 : index
        %get3A_350 = tpu.vector_load %arg13[%get3A_347, %get3A_348, %get3A_349] {strides = array<i32>} : memref<2x64x128xf32, #tpu.memory_space<vmem>>, vector<16xf32>,
        %mul3A_351 = arith.mulf %get3A_350, %gather3A_283 : vector<16xf32>
        %swap3A_352 = arith.index_cast %rem3A_182 : i32 to index
        %swap3A_353 = arith.index_cast %scan3A_280 : i32 to index
        %swap3A_354 = arith.constant 112 : index
        %swap3A_355 = tpu.vector_load %arg13[%swap3A_352, %swap3A_353, %swap3A_354] {strides = array<i32>} : memref<2x64x128xf32, #tpu.memory_space<vmem>>, vector<16xf32>,
        tpu.vector_store %arg13[%swap3A_352, %swap3A_353, %swap3A_354], %mul3A_351 {strides = array<i32>} : memref<2x64x128xf32, #tpu.memory_space<vmem>>, vector<16xf32>,
        %scan3A_356 = arith.constant 0 : i32
        scf.yield %scan3A_356 : i32
      }
      %scan3A_278 = arith.constant 64 : i32
      "tpu.region"() ({
        %run_scoped3A_280 = tpu.sem_alloc : memref<!tpu.dma_semaphore, #tpu.memory_space<semaphore_mem>>
        %dma_start3A_281 = arith.constant 0 : i32
        %dma_start3A_282 = arith.constant 0 : i32
        %dma_start3A_283 = tpu.memref_slice %arg13[%rem3A_182, %dma_start3A_281, %dma_start3A_282] : memref<2x64x128xf32, #tpu.memory_space<vmem>> -> memref<1x64x128xf32, #tpu.memory_space<vmem>>
        %dma_start3A_284 = tpu.memref_squeeze %dma_start3A_283 : memref<1x64x128xf32, #tpu.memory_space<vmem>> -> memref<64x128xf32, #tpu.memory_space<vmem>>
        %dma_start3A_285 = arith.constant 0 : i32
        %dma_start3A_286 = tpu.memref_slice %arg11[%rem3A_182, %dma_start3A_285] : memref<2x64xi32, #tpu.memory_space<vmem>> -> memref<1x64xi32, #tpu.memory_space<vmem>>
        %dma_start3A_287 = tpu.memref_squeeze %dma_start3A_286 : memref<1x64xi32, #tpu.memory_space<vmem>> -> memref<64xi32, #tpu.memory_space<vmem>>
        %dma_start3A_288 = arith.constant 0 : i32
        %dma_start3A_289 = arith.constant 0 : i32
        %dma_start3A_290 = tpu.memref_slice %arg14[%dma_start3A_288, %dma_start3A_289] : memref<10240x128xf32, #tpu.memory_space<vmem_shared>> -> memref<10240x128xf32, #tpu.memory_space<vmem_shared>>
        tpu.enqueue_indirect_dma source(%dma_start3A_284 : memref<64x128xf32, #tpu.memory_space<vmem>>) target(%dma_start3A_290 : memref<10240x128xf32, #tpu.memory_space<vmem_shared>>) offsets(%dma_start3A_287 : memref<64xi32, #tpu.memory_space<vmem>>) semaphore(%run_scoped3A_280 : memref<!tpu.dma_semaphore, #tpu.memory_space<semaphore_mem>>) {add = true}
        %dma_wait3A_291 = arith.constant 0 : i32
        %dma_wait3A_292 = arith.constant 0 : i32
        %dma_wait3A_293 = tpu.memref_slice %arg13[%rem3A_182, %dma_wait3A_291, %dma_wait3A_292] : memref<2x64x128xf32, #tpu.memory_space<vmem>> -> memref<1x64x128xf32, #tpu.memory_space<vmem>>
        %dma_wait3A_294 = tpu.memref_squeeze %dma_wait3A_293 : memref<1x64x128xf32, #tpu.memory_space<vmem>> -> memref<64x128xf32, #tpu.memory_space<vmem>>
        %dma_wait3A_295 = arith.constant 0 : i32
        %dma_wait3A_296 = tpu.memref_slice %arg11[%rem3A_182, %dma_wait3A_295] : memref<2x64xi32, #tpu.memory_space<vmem>> -> memref<1x64xi32, #tpu.memory_space<vmem>>
        %dma_wait3A_297 = tpu.memref_squeeze %dma_wait3A_296 : memref<1x64xi32, #tpu.memory_space<vmem>> -> memref<64xi32, #tpu.memory_space<vmem>>
        %dma_wait3A_298 = arith.constant 0 : i32
        %dma_wait3A_299 = arith.constant 0 : i32
        %dma_wait3A_300 = tpu.memref_slice %arg14[%dma_wait3A_298, %dma_wait3A_299] : memref<10240x128xf32, #tpu.memory_space<vmem_shared>> -> memref<10240x128xf32, #tpu.memory_space<vmem_shared>>
        tpu.wait_indirect_dma semaphore(%run_scoped3A_280 : memref<!tpu.dma_semaphore, #tpu.memory_space<semaphore_mem>>) src(%dma_wait3A_294 : memref<64x128xf32, #tpu.memory_space<vmem>>) dst(%dma_wait3A_300 : memref<10240x128xf32, #tpu.memory_space<vmem_shared>>)
        tpu.yield
      }) : () -> ()
      %scan3A_279 = arith.constant 0 : i32
      scf.yield %scan3A_279 : i32
    }
    %scan3A_118 = arith.constant 160 : i32
    %barrier3A_119 = arith.constant 0 : index
    tpu.barrier barrier_id(%barrier3A_119)
    %mul3A_120 = arith.constant 640 : i32
    %mul3A_121 = arith.muli %arg1, %mul3A_120 : i32
    %add3A_122 = arith.constant 0 : i32
    %add3A_123 = arith.addi %mul3A_121, %add3A_122 : i32
    %run_scoped3A_124 = arith.constant 0 : i32
    "tpu.region"() ({
      %run_scoped3A_180 = tpu.sem_alloc : memref<!tpu.dma_semaphore, #tpu.memory_space<semaphore_mem>>
      %dma_start3A = arith.constant 0 : i32
      %dma_start3A_181 = arith.constant 0 : i32
      %dma_start3A_182 = tpu.memref_slice %arg13[%run_scoped3A_124, %dma_start3A, %dma_start3A_181] : memref<2x64x128xf32, #tpu.memory_space<vmem>> -> memref<1x64x128xf32, #tpu.memory_space<vmem>>
      %dma_start3A_183 = tpu.memref_squeeze %dma_start3A_182 : memref<1x64x128xf32, #tpu.memory_space<vmem>> -> memref<64x128xf32, #tpu.memory_space<vmem>>
      %dma_start3A_184 = arith.constant 0 : i32
      %dma_start3A_185 = tpu.memref_slice %arg14[%add3A_123, %dma_start3A_184] : memref<10240x128xf32, #tpu.memory_space<vmem_shared>> -> memref<64x128xf32, #tpu.memory_space<vmem_shared>>
      %dma_start3A_186 = arith.constant 0 : i32
      %dma_start3A_187 = arith.constant 0 : i32
      %dma_start3A_188 = tpu.memref_slice %arg13[%run_scoped3A_124, %dma_start3A_186, %dma_start3A_187] : memref<2x64x128xf32, #tpu.memory_space<vmem>> -> memref<1x64x128xf32, #tpu.memory_space<vmem>>
      %dma_start3A_189 = tpu.memref_squeeze %dma_start3A_188 : memref<1x64x128xf32, #tpu.memory_space<vmem>> -> memref<64x128xf32, #tpu.memory_space<vmem>>
      %dma_start3A_190 = arith.constant 0 : i32
      %dma_start3A_191 = tpu.memref_slice %arg14[%add3A_123, %dma_start3A_190] : memref<10240x128xf32, #tpu.memory_space<vmem_shared>> -> memref<64x128xf32, #tpu.memory_space<vmem_shared>>
      tpu.enqueue_dma source(%dma_start3A_191 : memref<64x128xf32, #tpu.memory_space<vmem_shared>>) target(%dma_start3A_189 : memref<64x128xf32, #tpu.memory_space<vmem>>) target_semaphore(%run_scoped3A_180 : memref<!tpu.dma_semaphore, #tpu.memory_space<semaphore_mem>>)
      %dma_wait3A = arith.constant 0 : i32
      %dma_wait3A_192 = arith.constant 0 : i32
      %dma_wait3A_193 = tpu.memref_slice %arg13[%run_scoped3A_124, %dma_wait3A, %dma_wait3A_192] : memref<2x64x128xf32, #tpu.memory_space<vmem>> -> memref<1x64x128xf32, #tpu.memory_space<vmem>>
      %dma_wait3A_194 = tpu.memref_squeeze %dma_wait3A_193 : memref<1x64x128xf32, #tpu.memory_space<vmem>> -> memref<64x128xf32, #tpu.memory_space<vmem>>
      %dma_wait3A_195 = arith.constant 0 : i32
      %dma_wait3A_196 = tpu.memref_slice %arg14[%add3A_123, %dma_wait3A_195] : memref<10240x128xf32, #tpu.memory_space<vmem_shared>> -> memref<64x128xf32, #tpu.memory_space<vmem_shared>>
      %dma_wait3A_197 = arith.constant 0 : i32
      %dma_wait3A_198 = arith.constant 0 : i32
      %dma_wait3A_199 = tpu.memref_slice %arg13[%run_scoped3A_124, %dma_wait3A_197, %dma_wait3A_198] : memref<2x64x128xf32, #tpu.memory_space<vmem>> -> memref<1x64x128xf32, #tpu.memory_space<vmem>>
      %dma_wait3A_200 = tpu.memref_squeeze %dma_wait3A_199 : memref<1x64x128xf32, #tpu.memory_space<vmem>> -> memref<64x128xf32, #tpu.memory_space<vmem>>
      %dma_wait3A_201 = arith.constant 0 : i32
      %dma_wait3A_202 = tpu.memref_slice %arg14[%add3A_123, %dma_wait3A_201] : memref<10240x128xf32, #tpu.memory_space<vmem_shared>> -> memref<64x128xf32, #tpu.memory_space<vmem_shared>>
      tpu.wait_dma2 semaphore(%run_scoped3A_180 : memref<!tpu.dma_semaphore, #tpu.memory_space<semaphore_mem>>) src(%dma_wait3A_202 : memref<64x128xf32, #tpu.memory_space<vmem_shared>>) dst(%dma_wait3A_200 : memref<64x128xf32, #tpu.memory_space<vmem>>)
      tpu.yield
    }) : () -> ()
    %run_scoped3A_125 = arith.constant 0 : i32
    "tpu.region"() ({
      %run_scoped3A_180 = tpu.sem_alloc : memref<!tpu.dma_semaphore, #tpu.memory_space<semaphore_mem>>
      %dma_start3A = arith.constant 0 : i32
      %dma_start3A_181 = arith.constant 0 : i32
      %dma_start3A_182 = tpu.memref_slice %arg13[%run_scoped3A_125, %dma_start3A, %dma_start3A_181] : memref<2x64x128xf32, #tpu.memory_space<vmem>> -> memref<1x64x128xf32, #tpu.memory_space<vmem>>
      %dma_start3A_183 = tpu.memref_squeeze %dma_start3A_182 : memref<1x64x128xf32, #tpu.memory_space<vmem>> -> memref<64x128xf32, #tpu.memory_space<vmem>>
      %dma_start3A_184 = arith.constant 0 : i32
      %dma_start3A_185 = tpu.memref_slice %arg6[%arg0, %add3A_123, %dma_start3A_184] : memref<2x10240x128xf32, #tpu.memory_space<hbm>> -> memref<1x64x128xf32, #tpu.memory_space<hbm>>
      %dma_start3A_186 = tpu.memref_squeeze %dma_start3A_185 : memref<1x64x128xf32, #tpu.memory_space<hbm>> -> memref<64x128xf32, #tpu.memory_space<hbm>>
      %dma_start3A_187 = arith.constant 0 : i32
      %dma_start3A_188 = tpu.memref_slice %arg6[%arg0, %add3A_123, %dma_start3A_187] : memref<2x10240x128xf32, #tpu.memory_space<hbm>> -> memref<1x64x128xf32, #tpu.memory_space<hbm>>
      %dma_start3A_189 = tpu.memref_squeeze %dma_start3A_188 : memref<1x64x128xf32, #tpu.memory_space<hbm>> -> memref<64x128xf32, #tpu.memory_space<hbm>>
      %dma_start3A_190 = arith.constant 0 : i32
      %dma_start3A_191 = arith.constant 0 : i32
      %dma_start3A_192 = tpu.memref_slice %arg13[%run_scoped3A_125, %dma_start3A_190, %dma_start3A_191] : memref<2x64x128xf32, #tpu.memory_space<vmem>> -> memref<1x64x128xf32, #tpu.memory_space<vmem>>
      %dma_start3A_193 = tpu.memref_squeeze %dma_start3A_192 : memref<1x64x128xf32, #tpu.memory_space<vmem>> -> memref<64x128xf32, #tpu.memory_space<vmem>>
      tpu.enqueue_dma source(%dma_start3A_193 : memref<64x128xf32, #tpu.memory_space<vmem>>) target(%dma_start3A_189 : memref<64x128xf32, #tpu.memory_space<hbm>>) target_semaphore(%run_scoped3A_180 : memref<!tpu.dma_semaphore, #tpu.memory_space<semaphore_mem>>)
      %dma_wait3A = arith.constant 0 : i32
      %dma_wait3A_194 = arith.constant 0 : i32
      %dma_wait3A_195 = tpu.memref_slice %arg13[%run_scoped3A_125, %dma_wait3A, %dma_wait3A_194] : memref<2x64x128xf32, #tpu.memory_space<vmem>> -> memref<1x64x128xf32, #tpu.memory_space<vmem>>
      %dma_wait3A_196 = tpu.memref_squeeze %dma_wait3A_195 : memref<1x64x128xf32, #tpu.memory_space<vmem>> -> memref<64x128xf32, #tpu.memory_space<vmem>>
      %dma_wait3A_197 = arith.constant 0 : i32
      %dma_wait3A_198 = tpu.memref_slice %arg6[%arg0, %add3A_123, %dma_wait3A_197] : memref<2x10240x128xf32, #tpu.memory_space<hbm>> -> memref<1x64x128xf32, #tpu.memory_space<hbm>>
      %dma_wait3A_199 = tpu.memref_squeeze %dma_wait3A_198 : memref<1x64x128xf32, #tpu.memory_space<hbm>> -> memref<64x128xf32, #tpu.memory_space<hbm>>
      %dma_wait3A_200 = arith.constant 0 : i32
      %dma_wait3A_201 = tpu.memref_slice %arg6[%arg0, %add3A_123, %dma_wait3A_200] : memref<2x10240x128xf32, #tpu.memory_space<hbm>> -> memref<1x64x128xf32, #tpu.memory_space<hbm>>
      %dma_wait3A_202 = tpu.memref_squeeze %dma_wait3A_201 : memref<1x64x128xf32, #tpu.memory_space<hbm>> -> memref<64x128xf32, #tpu.memory_space<hbm>>
      %dma_wait3A_203 = arith.constant 0 : i32
      %dma_wait3A_204 = arith.constant 0 : i32
      %dma_wait3A_205 = tpu.memref_slice %arg13[%run_scoped3A_125, %dma_wait3A_203, %dma_wait3A_204] : memref<2x64x128xf32, #tpu.memory_space<vmem>> -> memref<1x64x128xf32, #tpu.memory_space<vmem>>
      %dma_wait3A_206 = tpu.memref_squeeze %dma_wait3A_205 : memref<1x64x128xf32, #tpu.memory_space<vmem>> -> memref<64x128xf32, #tpu.memory_space<vmem>>
      tpu.wait_dma2 semaphore(%run_scoped3A_180 : memref<!tpu.dma_semaphore, #tpu.memory_space<semaphore_mem>>) src(%dma_wait3A_206 : memref<64x128xf32, #tpu.memory_space<vmem>>) dst(%dma_wait3A_202 : memref<64x128xf32, #tpu.memory_space<hbm>>)
      tpu.yield
    }) : () -> ()
    "tpu.region"() ({
      %run_scoped3A_180 = tpu.sem_alloc : memref<!tpu.dma_semaphore, #tpu.memory_space<semaphore_mem>>
      %dma_start3A = tpu.memref_slice %arg15[%add3A_123] : memref<10240xf32, #tpu.memory_space<vmem_shared>> -> memref<64xf32, #tpu.memory_space<vmem_shared>>
      %dma_start3A_181 = tpu.memref_slice %arg15[%add3A_123] : memref<10240xf32, #tpu.memory_space<vmem_shared>> -> memref<64xf32, #tpu.memory_space<vmem_shared>>
      tpu.enqueue_dma source(%dma_start3A_181 : memref<64xf32, #tpu.memory_space<vmem_shared>>) target(%arg12 : memref<64xf32, #tpu.memory_space<vmem>>) target_semaphore(%run_scoped3A_180 : memref<!tpu.dma_semaphore, #tpu.memory_space<semaphore_mem>>)
      %dma_wait3A = tpu.memref_slice %arg15[%add3A_123] : memref<10240xf32, #tpu.memory_space<vmem_shared>> -> memref<64xf32, #tpu.memory_space<vmem_shared>>
      %dma_wait3A_182 = tpu.memref_slice %arg15[%add3A_123] : memref<10240xf32, #tpu.memory_space<vmem_shared>> -> memref<64xf32, #tpu.memory_space<vmem_shared>>
      tpu.wait_dma2 semaphore(%run_scoped3A_180 : memref<!tpu.dma_semaphore, #tpu.memory_space<semaphore_mem>>) src(%dma_wait3A_182 : memref<64xf32, #tpu.memory_space<vmem_shared>>) dst(%arg12 : memref<64xf32, #tpu.memory_space<vmem>>)
      tpu.yield
    }) : () -> ()
    "tpu.region"() ({
      %run_scoped3A_180 = tpu.sem_alloc : memref<!tpu.dma_semaphore, #tpu.memory_space<semaphore_mem>>
      %dma_start3A = tpu.memref_slice %arg7[%arg0, %add3A_123] : memref<2x10240xf32, #tpu.memory_space<hbm>> -> memref<1x64xf32, #tpu.memory_space<hbm>>
      %dma_start3A_181 = tpu.memref_squeeze %dma_start3A : memref<1x64xf32, #tpu.memory_space<hbm>> -> memref<64xf32, #tpu.memory_space<hbm>>
      %dma_start3A_182 = tpu.memref_slice %arg7[%arg0, %add3A_123] : memref<2x10240xf32, #tpu.memory_space<hbm>> -> memref<1x64xf32, #tpu.memory_space<hbm>>
      %dma_start3A_183 = tpu.memref_squeeze %dma_start3A_182 : memref<1x64xf32, #tpu.memory_space<hbm>> -> memref<64xf32, #tpu.memory_space<hbm>>
      tpu.enqueue_dma source(%arg12 : memref<64xf32, #tpu.memory_space<vmem>>) target(%dma_start3A_183 : memref<64xf32, #tpu.memory_space<hbm>>) target_semaphore(%run_scoped3A_180 : memref<!tpu.dma_semaphore, #tpu.memory_space<semaphore_mem>>)
      %dma_wait3A = tpu.memref_slice %arg7[%arg0, %add3A_123] : memref<2x10240xf32, #tpu.memory_space<hbm>> -> memref<1x64xf32, #tpu.memory_space<hbm>>
      %dma_wait3A_184 = tpu.memref_squeeze %dma_wait3A : memref<1x64xf32, #tpu.memory_space<hbm>> -> memref<64xf32, #tpu.memory_space<hbm>>
      %dma_wait3A_185 = tpu.memref_slice %arg7[%arg0, %add3A_123] : memref<2x10240xf32, #tpu.memory_space<hbm>> -> memref<1x64xf32, #tpu.memory_space<hbm>>
      %dma_wait3A_186 = tpu.memref_squeeze %dma_wait3A_185 : memref<1x64xf32, #tpu.memory_space<hbm>> -> memref<64xf32, #tpu.memory_space<hbm>>
      tpu.wait_dma2 semaphore(%run_scoped3A_180 : memref<!tpu.dma_semaphore, #tpu.memory_space<semaphore_mem>>) src(%arg12 : memref<64xf32, #tpu.memory_space<vmem>>) dst(%dma_wait3A_186 : memref<64xf32, #tpu.memory_space<hbm>>)
      tpu.yield
    }) : () -> ()
    %mul3A_126 = arith.constant 640 : i32
    %mul3A_127 = arith.muli %arg1, %mul3A_126 : i32
    %add3A_128 = arith.constant 64 : i32
    %add3A_129 = arith.addi %mul3A_127, %add3A_128 : i32
    %run_scoped3A_130 = arith.constant 0 : i32
    "tpu.region"() ({
      %run_scoped3A_180 = tpu.sem_alloc : memref<!tpu.dma_semaphore, #tpu.memory_space<semaphore_mem>>
      %dma_start3A = arith.constant 0 : i32
      %dma_start3A_181 = arith.constant 0 : i32
      %dma_start3A_182 = tpu.memref_slice %arg13[%run_scoped3A_130, %dma_start3A, %dma_start3A_181] : memref<2x64x128xf32, #tpu.memory_space<vmem>> -> memref<1x64x128xf32, #tpu.memory_space<vmem>>
      %dma_start3A_183 = tpu.memref_squeeze %dma_start3A_182 : memref<1x64x128xf32, #tpu.memory_space<vmem>> -> memref<64x128xf32, #tpu.memory_space<vmem>>
      %dma_start3A_184 = arith.constant 0 : i32
      %dma_start3A_185 = tpu.memref_slice %arg14[%add3A_129, %dma_start3A_184] : memref<10240x128xf32, #tpu.memory_space<vmem_shared>> -> memref<64x128xf32, #tpu.memory_space<vmem_shared>>
      %dma_start3A_186 = arith.constant 0 : i32
      %dma_start3A_187 = arith.constant 0 : i32
      %dma_start3A_188 = tpu.memref_slice %arg13[%run_scoped3A_130, %dma_start3A_186, %dma_start3A_187] : memref<2x64x128xf32, #tpu.memory_space<vmem>> -> memref<1x64x128xf32, #tpu.memory_space<vmem>>
      %dma_start3A_189 = tpu.memref_squeeze %dma_start3A_188 : memref<1x64x128xf32, #tpu.memory_space<vmem>> -> memref<64x128xf32, #tpu.memory_space<vmem>>
      %dma_start3A_190 = arith.constant 0 : i32
      %dma_start3A_191 = tpu.memref_slice %arg14[%add3A_129, %dma_start3A_190] : memref<10240x128xf32, #tpu.memory_space<vmem_shared>> -> memref<64x128xf32, #tpu.memory_space<vmem_shared>>
      tpu.enqueue_dma source(%dma_start3A_191 : memref<64x128xf32, #tpu.memory_space<vmem_shared>>) target(%dma_start3A_189 : memref<64x128xf32, #tpu.memory_space<vmem>>) target_semaphore(%run_scoped3A_180 : memref<!tpu.dma_semaphore, #tpu.memory_space<semaphore_mem>>)
      %dma_wait3A = arith.constant 0 : i32
      %dma_wait3A_192 = arith.constant 0 : i32
      %dma_wait3A_193 = tpu.memref_slice %arg13[%run_scoped3A_130, %dma_wait3A, %dma_wait3A_192] : memref<2x64x128xf32, #tpu.memory_space<vmem>> -> memref<1x64x128xf32, #tpu.memory_space<vmem>>
      %dma_wait3A_194 = tpu.memref_squeeze %dma_wait3A_193 : memref<1x64x128xf32, #tpu.memory_space<vmem>> -> memref<64x128xf32, #tpu.memory_space<vmem>>
      %dma_wait3A_195 = arith.constant 0 : i32
      %dma_wait3A_196 = tpu.memref_slice %arg14[%add3A_129, %dma_wait3A_195] : memref<10240x128xf32, #tpu.memory_space<vmem_shared>> -> memref<64x128xf32, #tpu.memory_space<vmem_shared>>
      %dma_wait3A_197 = arith.constant 0 : i32
      %dma_wait3A_198 = arith.constant 0 : i32
      %dma_wait3A_199 = tpu.memref_slice %arg13[%run_scoped3A_130, %dma_wait3A_197, %dma_wait3A_198] : memref<2x64x128xf32, #tpu.memory_space<vmem>> -> memref<1x64x128xf32, #tpu.memory_space<vmem>>
      %dma_wait3A_200 = tpu.memref_squeeze %dma_wait3A_199 : memref<1x64x128xf32, #tpu.memory_space<vmem>> -> memref<64x128xf32, #tpu.memory_space<vmem>>
      %dma_wait3A_201 = arith.constant 0 : i32
      %dma_wait3A_202 = tpu.memref_slice %arg14[%add3A_129, %dma_wait3A_201] : memref<10240x128xf32, #tpu.memory_space<vmem_shared>> -> memref<64x128xf32, #tpu.memory_space<vmem_shared>>
      tpu.wait_dma2 semaphore(%run_scoped3A_180 : memref<!tpu.dma_semaphore, #tpu.memory_space<semaphore_mem>>) src(%dma_wait3A_202 : memref<64x128xf32, #tpu.memory_space<vmem_shared>>) dst(%dma_wait3A_200 : memref<64x128xf32, #tpu.memory_space<vmem>>)
      tpu.yield
    }) : () -> ()
    %run_scoped3A_131 = arith.constant 0 : i32
    "tpu.region"() ({
      %run_scoped3A_180 = tpu.sem_alloc : memref<!tpu.dma_semaphore, #tpu.memory_space<semaphore_mem>>
      %dma_start3A = arith.constant 0 : i32
      %dma_start3A_181 = arith.constant 0 : i32
      %dma_start3A_182 = tpu.memref_slice %arg13[%run_scoped3A_131, %dma_start3A, %dma_start3A_181] : memref<2x64x128xf32, #tpu.memory_space<vmem>> -> memref<1x64x128xf32, #tpu.memory_space<vmem>>
      %dma_start3A_183 = tpu.memref_squeeze %dma_start3A_182 : memref<1x64x128xf32, #tpu.memory_space<vmem>> -> memref<64x128xf32, #tpu.memory_space<vmem>>
      %dma_start3A_184 = arith.constant 0 : i32
      %dma_start3A_185 = tpu.memref_slice %arg6[%arg0, %add3A_129, %dma_start3A_184] : memref<2x10240x128xf32, #tpu.memory_space<hbm>> -> memref<1x64x128xf32, #tpu.memory_space<hbm>>
      %dma_start3A_186 = tpu.memref_squeeze %dma_start3A_185 : memref<1x64x128xf32, #tpu.memory_space<hbm>> -> memref<64x128xf32, #tpu.memory_space<hbm>>
      %dma_start3A_187 = arith.constant 0 : i32
      %dma_start3A_188 = tpu.memref_slice %arg6[%arg0, %add3A_129, %dma_start3A_187] : memref<2x10240x128xf32, #tpu.memory_space<hbm>> -> memref<1x64x128xf32, #tpu.memory_space<hbm>>
      %dma_start3A_189 = tpu.memref_squeeze %dma_start3A_188 : memref<1x64x128xf32, #tpu.memory_space<hbm>> -> memref<64x128xf32, #tpu.memory_space<hbm>>
      %dma_start3A_190 = arith.constant 0 : i32
      %dma_start3A_191 = arith.constant 0 : i32
      %dma_start3A_192 = tpu.memref_slice %arg13[%run_scoped3A_131, %dma_start3A_190, %dma_start3A_191] : memref<2x64x128xf32, #tpu.memory_space<vmem>> -> memref<1x64x128xf32, #tpu.memory_space<vmem>>
      %dma_start3A_193 = tpu.memref_squeeze %dma_start3A_192 : memref<1x64x128xf32, #tpu.memory_space<vmem>> -> memref<64x128xf32, #tpu.memory_space<vmem>>
      tpu.enqueue_dma source(%dma_start3A_193 : memref<64x128xf32, #tpu.memory_space<vmem>>) target(%dma_start3A_189 : memref<64x128xf32, #tpu.memory_space<hbm>>) target_semaphore(%run_scoped3A_180 : memref<!tpu.dma_semaphore, #tpu.memory_space<semaphore_mem>>)
      %dma_wait3A = arith.constant 0 : i32
      %dma_wait3A_194 = arith.constant 0 : i32
      %dma_wait3A_195 = tpu.memref_slice %arg13[%run_scoped3A_131, %dma_wait3A, %dma_wait3A_194] : memref<2x64x128xf32, #tpu.memory_space<vmem>> -> memref<1x64x128xf32, #tpu.memory_space<vmem>>
      %dma_wait3A_196 = tpu.memref_squeeze %dma_wait3A_195 : memref<1x64x128xf32, #tpu.memory_space<vmem>> -> memref<64x128xf32, #tpu.memory_space<vmem>>
      %dma_wait3A_197 = arith.constant 0 : i32
      %dma_wait3A_198 = tpu.memref_slice %arg6[%arg0, %add3A_129, %dma_wait3A_197] : memref<2x10240x128xf32, #tpu.memory_space<hbm>> -> memref<1x64x128xf32, #tpu.memory_space<hbm>>
      %dma_wait3A_199 = tpu.memref_squeeze %dma_wait3A_198 : memref<1x64x128xf32, #tpu.memory_space<hbm>> -> memref<64x128xf32, #tpu.memory_space<hbm>>
      %dma_wait3A_200 = arith.constant 0 : i32
      %dma_wait3A_201 = tpu.memref_slice %arg6[%arg0, %add3A_129, %dma_wait3A_200] : memref<2x10240x128xf32, #tpu.memory_space<hbm>> -> memref<1x64x128xf32, #tpu.memory_space<hbm>>
      %dma_wait3A_202 = tpu.memref_squeeze %dma_wait3A_201 : memref<1x64x128xf32, #tpu.memory_space<hbm>> -> memref<64x128xf32, #tpu.memory_space<hbm>>
      %dma_wait3A_203 = arith.constant 0 : i32
      %dma_wait3A_204 = arith.constant 0 : i32
      %dma_wait3A_205 = tpu.memref_slice %arg13[%run_scoped3A_131, %dma_wait3A_203, %dma_wait3A_204] : memref<2x64x128xf32, #tpu.memory_space<vmem>> -> memref<1x64x128xf32, #tpu.memory_space<vmem>>
      %dma_wait3A_206 = tpu.memref_squeeze %dma_wait3A_205 : memref<1x64x128xf32, #tpu.memory_space<vmem>> -> memref<64x128xf32, #tpu.memory_space<vmem>>
      tpu.wait_dma2 semaphore(%run_scoped3A_180 : memref<!tpu.dma_semaphore, #tpu.memory_space<semaphore_mem>>) src(%dma_wait3A_206 : memref<64x128xf32, #tpu.memory_space<vmem>>) dst(%dma_wait3A_202 : memref<64x128xf32, #tpu.memory_space<hbm>>)
      tpu.yield
    }) : () -> ()
    "tpu.region"() ({
      %run_scoped3A_180 = tpu.sem_alloc : memref<!tpu.dma_semaphore, #tpu.memory_space<semaphore_mem>>
      %dma_start3A = tpu.memref_slice %arg15[%add3A_129] : memref<10240xf32, #tpu.memory_space<vmem_shared>> -> memref<64xf32, #tpu.memory_space<vmem_shared>>
      %dma_start3A_181 = tpu.memref_slice %arg15[%add3A_129] : memref<10240xf32, #tpu.memory_space<vmem_shared>> -> memref<64xf32, #tpu.memory_space<vmem_shared>>
      tpu.enqueue_dma source(%dma_start3A_181 : memref<64xf32, #tpu.memory_space<vmem_shared>>) target(%arg12 : memref<64xf32, #tpu.memory_space<vmem>>) target_semaphore(%run_scoped3A_180 : memref<!tpu.dma_semaphore, #tpu.memory_space<semaphore_mem>>)
      %dma_wait3A = tpu.memref_slice %arg15[%add3A_129] : memref<10240xf32, #tpu.memory_space<vmem_shared>> -> memref<64xf32, #tpu.memory_space<vmem_shared>>
      %dma_wait3A_182 = tpu.memref_slice %arg15[%add3A_129] : memref<10240xf32, #tpu.memory_space<vmem_shared>> -> memref<64xf32, #tpu.memory_space<vmem_shared>>
      tpu.wait_dma2 semaphore(%run_scoped3A_180 : memref<!tpu.dma_semaphore, #tpu.memory_space<semaphore_mem>>) src(%dma_wait3A_182 : memref<64xf32, #tpu.memory_space<vmem_shared>>) dst(%arg12 : memref<64xf32, #tpu.memory_space<vmem>>)
      tpu.yield
    }) : () -> ()
    "tpu.region"() ({
      %run_scoped3A_180 = tpu.sem_alloc : memref<!tpu.dma_semaphore, #tpu.memory_space<semaphore_mem>>
      %dma_start3A = tpu.memref_slice %arg7[%arg0, %add3A_129] : memref<2x10240xf32, #tpu.memory_space<hbm>> -> memref<1x64xf32, #tpu.memory_space<hbm>>
      %dma_start3A_181 = tpu.memref_squeeze %dma_start3A : memref<1x64xf32, #tpu.memory_space<hbm>> -> memref<64xf32, #tpu.memory_space<hbm>>
      %dma_start3A_182 = tpu.memref_slice %arg7[%arg0, %add3A_129] : memref<2x10240xf32, #tpu.memory_space<hbm>> -> memref<1x64xf32, #tpu.memory_space<hbm>>
      %dma_start3A_183 = tpu.memref_squeeze %dma_start3A_182 : memref<1x64xf32, #tpu.memory_space<hbm>> -> memref<64xf32, #tpu.memory_space<hbm>>
      tpu.enqueue_dma source(%arg12 : memref<64xf32, #tpu.memory_space<vmem>>) target(%dma_start3A_183 : memref<64xf32, #tpu.memory_space<hbm>>) target_semaphore(%run_scoped3A_180 : memref<!tpu.dma_semaphore, #tpu.memory_space<semaphore_mem>>)
      %dma_wait3A = tpu.memref_slice %arg7[%arg0, %add3A_129] : memref<2x10240xf32, #tpu.memory_space<hbm>> -> memref<1x64xf32, #tpu.memory_space<hbm>>
      %dma_wait3A_184 = tpu.memref_squeeze %dma_wait3A : memref<1x64xf32, #tpu.memory_space<hbm>> -> memref<64xf32, #tpu.memory_space<hbm>>
      %dma_wait3A_185 = tpu.memref_slice %arg7[%arg0, %add3A_129] : memref<2x10240xf32, #tpu.memory_space<hbm>> -> memref<1x64xf32, #tpu.memory_space<hbm>>
      %dma_wait3A_186 = tpu.memref_squeeze %dma_wait3A_185 : memref<1x64xf32, #tpu.memory_space<hbm>> -> memref<64xf32, #tpu.memory_space<hbm>>
      tpu.wait_dma2 semaphore(%run_scoped3A_180 : memref<!tpu.dma_semaphore, #tpu.memory_space<semaphore_mem>>) src(%arg12 : memref<64xf32, #tpu.memory_space<vmem>>) dst(%dma_wait3A_186 : memref<64xf32, #tpu.memory_space<hbm>>)
      tpu.yield
    }) : () -> ()
    %mul3A_132 = arith.constant 640 : i32
    %mul3A_133 = arith.muli %arg1, %mul3A_132 : i32
    %add3A_134 = arith.constant 128 : i32
    %add3A_135 = arith.addi %mul3A_133, %add3A_134 : i32
    %run_scoped3A_136 = arith.constant 0 : i32
    "tpu.region"() ({
      %run_scoped3A_180 = tpu.sem_alloc : memref<!tpu.dma_semaphore, #tpu.memory_space<semaphore_mem>>
      %dma_start3A = arith.constant 0 : i32
      %dma_start3A_181 = arith.constant 0 : i32
      %dma_start3A_182 = tpu.memref_slice %arg13[%run_scoped3A_136, %dma_start3A, %dma_start3A_181] : memref<2x64x128xf32, #tpu.memory_space<vmem>> -> memref<1x64x128xf32, #tpu.memory_space<vmem>>
      %dma_start3A_183 = tpu.memref_squeeze %dma_start3A_182 : memref<1x64x128xf32, #tpu.memory_space<vmem>> -> memref<64x128xf32, #tpu.memory_space<vmem>>
      %dma_start3A_184 = arith.constant 0 : i32
      %dma_start3A_185 = tpu.memref_slice %arg14[%add3A_135, %dma_start3A_184] : memref<10240x128xf32, #tpu.memory_space<vmem_shared>> -> memref<64x128xf32, #tpu.memory_space<vmem_shared>>
      %dma_start3A_186 = arith.constant 0 : i32
      %dma_start3A_187 = arith.constant 0 : i32
      %dma_start3A_188 = tpu.memref_slice %arg13[%run_scoped3A_136, %dma_start3A_186, %dma_start3A_187] : memref<2x64x128xf32, #tpu.memory_space<vmem>> -> memref<1x64x128xf32, #tpu.memory_space<vmem>>
      %dma_start3A_189 = tpu.memref_squeeze %dma_start3A_188 : memref<1x64x128xf32, #tpu.memory_space<vmem>> -> memref<64x128xf32, #tpu.memory_space<vmem>>
      %dma_start3A_190 = arith.constant 0 : i32
      %dma_start3A_191 = tpu.memref_slice %arg14[%add3A_135, %dma_start3A_190] : memref<10240x128xf32, #tpu.memory_space<vmem_shared>> -> memref<64x128xf32, #tpu.memory_space<vmem_shared>>
      tpu.enqueue_dma source(%dma_start3A_191 : memref<64x128xf32, #tpu.memory_space<vmem_shared>>) target(%dma_start3A_189 : memref<64x128xf32, #tpu.memory_space<vmem>>) target_semaphore(%run_scoped3A_180 : memref<!tpu.dma_semaphore, #tpu.memory_space<semaphore_mem>>)
      %dma_wait3A = arith.constant 0 : i32
      %dma_wait3A_192 = arith.constant 0 : i32
      %dma_wait3A_193 = tpu.memref_slice %arg13[%run_scoped3A_136, %dma_wait3A, %dma_wait3A_192] : memref<2x64x128xf32, #tpu.memory_space<vmem>> -> memref<1x64x128xf32, #tpu.memory_space<vmem>>
      %dma_wait3A_194 = tpu.memref_squeeze %dma_wait3A_193 : memref<1x64x128xf32, #tpu.memory_space<vmem>> -> memref<64x128xf32, #tpu.memory_space<vmem>>
      %dma_wait3A_195 = arith.constant 0 : i32
      %dma_wait3A_196 = tpu.memref_slice %arg14[%add3A_135, %dma_wait3A_195] : memref<10240x128xf32, #tpu.memory_space<vmem_shared>> -> memref<64x128xf32, #tpu.memory_space<vmem_shared>>
      %dma_wait3A_197 = arith.constant 0 : i32
      %dma_wait3A_198 = arith.constant 0 : i32
      %dma_wait3A_199 = tpu.memref_slice %arg13[%run_scoped3A_136, %dma_wait3A_197, %dma_wait3A_198] : memref<2x64x128xf32, #tpu.memory_space<vmem>> -> memref<1x64x128xf32, #tpu.memory_space<vmem>>
      %dma_wait3A_200 = tpu.memref_squeeze %dma_wait3A_199 : memref<1x64x128xf32, #tpu.memory_space<vmem>> -> memref<64x128xf32, #tpu.memory_space<vmem>>
      %dma_wait3A_201 = arith.constant 0 : i32
      %dma_wait3A_202 = tpu.memref_slice %arg14[%add3A_135, %dma_wait3A_201] : memref<10240x128xf32, #tpu.memory_space<vmem_shared>> -> memref<64x128xf32, #tpu.memory_space<vmem_shared>>
      tpu.wait_dma2 semaphore(%run_scoped3A_180 : memref<!tpu.dma_semaphore, #tpu.memory_space<semaphore_mem>>) src(%dma_wait3A_202 : memref<64x128xf32, #tpu.memory_space<vmem_shared>>) dst(%dma_wait3A_200 : memref<64x128xf32, #tpu.memory_space<vmem>>)
      tpu.yield
    }) : () -> ()
    %run_scoped3A_137 = arith.constant 0 : i32
    "tpu.region"() ({
      %run_scoped3A_180 = tpu.sem_alloc : memref<!tpu.dma_semaphore, #tpu.memory_space<semaphore_mem>>
      %dma_start3A = arith.constant 0 : i32
      %dma_start3A_181 = arith.constant 0 : i32
      %dma_start3A_182 = tpu.memref_slice %arg13[%run_scoped3A_137, %dma_start3A, %dma_start3A_181] : memref<2x64x128xf32, #tpu.memory_space<vmem>> -> memref<1x64x128xf32, #tpu.memory_space<vmem>>
      %dma_start3A_183 = tpu.memref_squeeze %dma_start3A_182 : memref<1x64x128xf32, #tpu.memory_space<vmem>> -> memref<64x128xf32, #tpu.memory_space<vmem>>
      %dma_start3A_184 = arith.constant 0 : i32
      %dma_start3A_185 = tpu.memref_slice %arg6[%arg0, %add3A_135, %dma_start3A_184] : memref<2x10240x128xf32, #tpu.memory_space<hbm>> -> memref<1x64x128xf32, #tpu.memory_space<hbm>>
      %dma_start3A_186 = tpu.memref_squeeze %dma_start3A_185 : memref<1x64x128xf32, #tpu.memory_space<hbm>> -> memref<64x128xf32, #tpu.memory_space<hbm>>
      %dma_start3A_187 = arith.constant 0 : i32
      %dma_start3A_188 = tpu.memref_slice %arg6[%arg0, %add3A_135, %dma_start3A_187] : memref<2x10240x128xf32, #tpu.memory_space<hbm>> -> memref<1x64x128xf32, #tpu.memory_space<hbm>>
      %dma_start3A_189 = tpu.memref_squeeze %dma_start3A_188 : memref<1x64x128xf32, #tpu.memory_space<hbm>> -> memref<64x128xf32, #tpu.memory_space<hbm>>
      %dma_start3A_190 = arith.constant 0 : i32
      %dma_start3A_191 = arith.constant 0 : i32
      %dma_start3A_192 = tpu.memref_slice %arg13[%run_scoped3A_137, %dma_start3A_190, %dma_start3A_191] : memref<2x64x128xf32, #tpu.memory_space<vmem>> -> memref<1x64x128xf32, #tpu.memory_space<vmem>>
      %dma_start3A_193 = tpu.memref_squeeze %dma_start3A_192 : memref<1x64x128xf32, #tpu.memory_space<vmem>> -> memref<64x128xf32, #tpu.memory_space<vmem>>
      tpu.enqueue_dma source(%dma_start3A_193 : memref<64x128xf32, #tpu.memory_space<vmem>>) target(%dma_start3A_189 : memref<64x128xf32, #tpu.memory_space<hbm>>) target_semaphore(%run_scoped3A_180 : memref<!tpu.dma_semaphore, #tpu.memory_space<semaphore_mem>>)
      %dma_wait3A = arith.constant 0 : i32
      %dma_wait3A_194 = arith.constant 0 : i32
      %dma_wait3A_195 = tpu.memref_slice %arg13[%run_scoped3A_137, %dma_wait3A, %dma_wait3A_194] : memref<2x64x128xf32, #tpu.memory_space<vmem>> -> memref<1x64x128xf32, #tpu.memory_space<vmem>>
      %dma_wait3A_196 = tpu.memref_squeeze %dma_wait3A_195 : memref<1x64x128xf32, #tpu.memory_space<vmem>> -> memref<64x128xf32, #tpu.memory_space<vmem>>
      %dma_wait3A_197 = arith.constant 0 : i32
      %dma_wait3A_198 = tpu.memref_slice %arg6[%arg0, %add3A_135, %dma_wait3A_197] : memref<2x10240x128xf32, #tpu.memory_space<hbm>> -> memref<1x64x128xf32, #tpu.memory_space<hbm>>
      %dma_wait3A_199 = tpu.memref_squeeze %dma_wait3A_198 : memref<1x64x128xf32, #tpu.memory_space<hbm>> -> memref<64x128xf32, #tpu.memory_space<hbm>>
      %dma_wait3A_200 = arith.constant 0 : i32
      %dma_wait3A_201 = tpu.memref_slice %arg6[%arg0, %add3A_135, %dma_wait3A_200] : memref<2x10240x128xf32, #tpu.memory_space<hbm>> -> memref<1x64x128xf32, #tpu.memory_space<hbm>>
      %dma_wait3A_202 = tpu.memref_squeeze %dma_wait3A_201 : memref<1x64x128xf32, #tpu.memory_space<hbm>> -> memref<64x128xf32, #tpu.memory_space<hbm>>
      %dma_wait3A_203 = arith.constant 0 : i32
      %dma_wait3A_204 = arith.constant 0 : i32
      %dma_wait3A_205 = tpu.memref_slice %arg13[%run_scoped3A_137, %dma_wait3A_203, %dma_wait3A_204] : memref<2x64x128xf32, #tpu.memory_space<vmem>> -> memref<1x64x128xf32, #tpu.memory_space<vmem>>
      %dma_wait3A_206 = tpu.memref_squeeze %dma_wait3A_205 : memref<1x64x128xf32, #tpu.memory_space<vmem>> -> memref<64x128xf32, #tpu.memory_space<vmem>>
      tpu.wait_dma2 semaphore(%run_scoped3A_180 : memref<!tpu.dma_semaphore, #tpu.memory_space<semaphore_mem>>) src(%dma_wait3A_206 : memref<64x128xf32, #tpu.memory_space<vmem>>) dst(%dma_wait3A_202 : memref<64x128xf32, #tpu.memory_space<hbm>>)
      tpu.yield
    }) : () -> ()
    "tpu.region"() ({
      %run_scoped3A_180 = tpu.sem_alloc : memref<!tpu.dma_semaphore, #tpu.memory_space<semaphore_mem>>
      %dma_start3A = tpu.memref_slice %arg15[%add3A_135] : memref<10240xf32, #tpu.memory_space<vmem_shared>> -> memref<64xf32, #tpu.memory_space<vmem_shared>>
      %dma_start3A_181 = tpu.memref_slice %arg15[%add3A_135] : memref<10240xf32, #tpu.memory_space<vmem_shared>> -> memref<64xf32, #tpu.memory_space<vmem_shared>>
      tpu.enqueue_dma source(%dma_start3A_181 : memref<64xf32, #tpu.memory_space<vmem_shared>>) target(%arg12 : memref<64xf32, #tpu.memory_space<vmem>>) target_semaphore(%run_scoped3A_180 : memref<!tpu.dma_semaphore, #tpu.memory_space<semaphore_mem>>)
      %dma_wait3A = tpu.memref_slice %arg15[%add3A_135] : memref<10240xf32, #tpu.memory_space<vmem_shared>> -> memref<64xf32, #tpu.memory_space<vmem_shared>>
      %dma_wait3A_182 = tpu.memref_slice %arg15[%add3A_135] : memref<10240xf32, #tpu.memory_space<vmem_shared>> -> memref<64xf32, #tpu.memory_space<vmem_shared>>
      tpu.wait_dma2 semaphore(%run_scoped3A_180 : memref<!tpu.dma_semaphore, #tpu.memory_space<semaphore_mem>>) src(%dma_wait3A_182 : memref<64xf32, #tpu.memory_space<vmem_shared>>) dst(%arg12 : memref<64xf32, #tpu.memory_space<vmem>>)
      tpu.yield
    }) : () -> ()
    "tpu.region"() ({
      %run_scoped3A_180 = tpu.sem_alloc : memref<!tpu.dma_semaphore, #tpu.memory_space<semaphore_mem>>
      %dma_start3A = tpu.memref_slice %arg7[%arg0, %add3A_135] : memref<2x10240xf32, #tpu.memory_space<hbm>> -> memref<1x64xf32, #tpu.memory_space<hbm>>
      %dma_start3A_181 = tpu.memref_squeeze %dma_start3A : memref<1x64xf32, #tpu.memory_space<hbm>> -> memref<64xf32, #tpu.memory_space<hbm>>
      %dma_start3A_182 = tpu.memref_slice %arg7[%arg0, %add3A_135] : memref<2x10240xf32, #tpu.memory_space<hbm>> -> memref<1x64xf32, #tpu.memory_space<hbm>>
      %dma_start3A_183 = tpu.memref_squeeze %dma_start3A_182 : memref<1x64xf32, #tpu.memory_space<hbm>> -> memref<64xf32, #tpu.memory_space<hbm>>
      tpu.enqueue_dma source(%arg12 : memref<64xf32, #tpu.memory_space<vmem>>) target(%dma_start3A_183 : memref<64xf32, #tpu.memory_space<hbm>>) target_semaphore(%run_scoped3A_180 : memref<!tpu.dma_semaphore, #tpu.memory_space<semaphore_mem>>)
      %dma_wait3A = tpu.memref_slice %arg7[%arg0, %add3A_135] : memref<2x10240xf32, #tpu.memory_space<hbm>> -> memref<1x64xf32, #tpu.memory_space<hbm>>
      %dma_wait3A_184 = tpu.memref_squeeze %dma_wait3A : memref<1x64xf32, #tpu.memory_space<hbm>> -> memref<64xf32, #tpu.memory_space<hbm>>
      %dma_wait3A_185 = tpu.memref_slice %arg7[%arg0, %add3A_135] : memref<2x10240xf32, #tpu.memory_space<hbm>> -> memref<1x64xf32, #tpu.memory_space<hbm>>
      %dma_wait3A_186 = tpu.memref_squeeze %dma_wait3A_185 : memref<1x64xf32, #tpu.memory_space<hbm>> -> memref<64xf32, #tpu.memory_space<hbm>>
      tpu.wait_dma2 semaphore(%run_scoped3A_180 : memref<!tpu.dma_semaphore, #tpu.memory_space<semaphore_mem>>) src(%arg12 : memref<64xf32, #tpu.memory_space<vmem>>) dst(%dma_wait3A_186 : memref<64xf32, #tpu.memory_space<hbm>>)
      tpu.yield
    }) : () -> ()
    %mul3A_138 = arith.constant 640 : i32
    %mul3A_139 = arith.muli %arg1, %mul3A_138 : i32
    %add3A_140 = arith.constant 192 : i32
    %add3A_141 = arith.addi %mul3A_139, %add3A_140 : i32
    %run_scoped3A_142 = arith.constant 0 : i32
    "tpu.region"() ({
      %run_scoped3A_180 = tpu.sem_alloc : memref<!tpu.dma_semaphore, #tpu.memory_space<semaphore_mem>>
      %dma_start3A = arith.constant 0 : i32
      %dma_start3A_181 = arith.constant 0 : i32
      %dma_start3A_182 = tpu.memref_slice %arg13[%run_scoped3A_142, %dma_start3A, %dma_start3A_181] : memref<2x64x128xf32, #tpu.memory_space<vmem>> -> memref<1x64x128xf32, #tpu.memory_space<vmem>>
      %dma_start3A_183 = tpu.memref_squeeze %dma_start3A_182 : memref<1x64x128xf32, #tpu.memory_space<vmem>> -> memref<64x128xf32, #tpu.memory_space<vmem>>
      %dma_start3A_184 = arith.constant 0 : i32
      %dma_start3A_185 = tpu.memref_slice %arg14[%add3A_141, %dma_start3A_184] : memref<10240x128xf32, #tpu.memory_space<vmem_shared>> -> memref<64x128xf32, #tpu.memory_space<vmem_shared>>
      %dma_start3A_186 = arith.constant 0 : i32
      %dma_start3A_187 = arith.constant 0 : i32
      %dma_start3A_188 = tpu.memref_slice %arg13[%run_scoped3A_142, %dma_start3A_186, %dma_start3A_187] : memref<2x64x128xf32, #tpu.memory_space<vmem>> -> memref<1x64x128xf32, #tpu.memory_space<vmem>>
      %dma_start3A_189 = tpu.memref_squeeze %dma_start3A_188 : memref<1x64x128xf32, #tpu.memory_space<vmem>> -> memref<64x128xf32, #tpu.memory_space<vmem>>
      %dma_start3A_190 = arith.constant 0 : i32
      %dma_start3A_191 = tpu.memref_slice %arg14[%add3A_141, %dma_start3A_190] : memref<10240x128xf32, #tpu.memory_space<vmem_shared>> -> memref<64x128xf32, #tpu.memory_space<vmem_shared>>
      tpu.enqueue_dma source(%dma_start3A_191 : memref<64x128xf32, #tpu.memory_space<vmem_shared>>) target(%dma_start3A_189 : memref<64x128xf32, #tpu.memory_space<vmem>>) target_semaphore(%run_scoped3A_180 : memref<!tpu.dma_semaphore, #tpu.memory_space<semaphore_mem>>)
      %dma_wait3A = arith.constant 0 : i32
      %dma_wait3A_192 = arith.constant 0 : i32
      %dma_wait3A_193 = tpu.memref_slice %arg13[%run_scoped3A_142, %dma_wait3A, %dma_wait3A_192] : memref<2x64x128xf32, #tpu.memory_space<vmem>> -> memref<1x64x128xf32, #tpu.memory_space<vmem>>
      %dma_wait3A_194 = tpu.memref_squeeze %dma_wait3A_193 : memref<1x64x128xf32, #tpu.memory_space<vmem>> -> memref<64x128xf32, #tpu.memory_space<vmem>>
      %dma_wait3A_195 = arith.constant 0 : i32
      %dma_wait3A_196 = tpu.memref_slice %arg14[%add3A_141, %dma_wait3A_195] : memref<10240x128xf32, #tpu.memory_space<vmem_shared>> -> memref<64x128xf32, #tpu.memory_space<vmem_shared>>
      %dma_wait3A_197 = arith.constant 0 : i32
      %dma_wait3A_198 = arith.constant 0 : i32
      %dma_wait3A_199 = tpu.memref_slice %arg13[%run_scoped3A_142, %dma_wait3A_197, %dma_wait3A_198] : memref<2x64x128xf32, #tpu.memory_space<vmem>> -> memref<1x64x128xf32, #tpu.memory_space<vmem>>
      %dma_wait3A_200 = tpu.memref_squeeze %dma_wait3A_199 : memref<1x64x128xf32, #tpu.memory_space<vmem>> -> memref<64x128xf32, #tpu.memory_space<vmem>>
      %dma_wait3A_201 = arith.constant 0 : i32
      %dma_wait3A_202 = tpu.memref_slice %arg14[%add3A_141, %dma_wait3A_201] : memref<10240x128xf32, #tpu.memory_space<vmem_shared>> -> memref<64x128xf32, #tpu.memory_space<vmem_shared>>
      tpu.wait_dma2 semaphore(%run_scoped3A_180 : memref<!tpu.dma_semaphore, #tpu.memory_space<semaphore_mem>>) src(%dma_wait3A_202 : memref<64x128xf32, #tpu.memory_space<vmem_shared>>) dst(%dma_wait3A_200 : memref<64x128xf32, #tpu.memory_space<vmem>>)
      tpu.yield
    }) : () -> ()
    %run_scoped3A_143 = arith.constant 0 : i32
    "tpu.region"() ({
      %run_scoped3A_180 = tpu.sem_alloc : memref<!tpu.dma_semaphore, #tpu.memory_space<semaphore_mem>>
      %dma_start3A = arith.constant 0 : i32
      %dma_start3A_181 = arith.constant 0 : i32
      %dma_start3A_182 = tpu.memref_slice %arg13[%run_scoped3A_143, %dma_start3A, %dma_start3A_181] : memref<2x64x128xf32, #tpu.memory_space<vmem>> -> memref<1x64x128xf32, #tpu.memory_space<vmem>>
      %dma_start3A_183 = tpu.memref_squeeze %dma_start3A_182 : memref<1x64x128xf32, #tpu.memory_space<vmem>> -> memref<64x128xf32, #tpu.memory_space<vmem>>
      %dma_start3A_184 = arith.constant 0 : i32
      %dma_start3A_185 = tpu.memref_slice %arg6[%arg0, %add3A_141, %dma_start3A_184] : memref<2x10240x128xf32, #tpu.memory_space<hbm>> -> memref<1x64x128xf32, #tpu.memory_space<hbm>>
      %dma_start3A_186 = tpu.memref_squeeze %dma_start3A_185 : memref<1x64x128xf32, #tpu.memory_space<hbm>> -> memref<64x128xf32, #tpu.memory_space<hbm>>
      %dma_start3A_187 = arith.constant 0 : i32
      %dma_start3A_188 = tpu.memref_slice %arg6[%arg0, %add3A_141, %dma_start3A_187] : memref<2x10240x128xf32, #tpu.memory_space<hbm>> -> memref<1x64x128xf32, #tpu.memory_space<hbm>>
      %dma_start3A_189 = tpu.memref_squeeze %dma_start3A_188 : memref<1x64x128xf32, #tpu.memory_space<hbm>> -> memref<64x128xf32, #tpu.memory_space<hbm>>
      %dma_start3A_190 = arith.constant 0 : i32
      %dma_start3A_191 = arith.constant 0 : i32
      %dma_start3A_192 = tpu.memref_slice %arg13[%run_scoped3A_143, %dma_start3A_190, %dma_start3A_191] : memref<2x64x128xf32, #tpu.memory_space<vmem>> -> memref<1x64x128xf32, #tpu.memory_space<vmem>>
      %dma_start3A_193 = tpu.memref_squeeze %dma_start3A_192 : memref<1x64x128xf32, #tpu.memory_space<vmem>> -> memref<64x128xf32, #tpu.memory_space<vmem>>
      tpu.enqueue_dma source(%dma_start3A_193 : memref<64x128xf32, #tpu.memory_space<vmem>>) target(%dma_start3A_189 : memref<64x128xf32, #tpu.memory_space<hbm>>) target_semaphore(%run_scoped3A_180 : memref<!tpu.dma_semaphore, #tpu.memory_space<semaphore_mem>>)
      %dma_wait3A = arith.constant 0 : i32
      %dma_wait3A_194 = arith.constant 0 : i32
      %dma_wait3A_195 = tpu.memref_slice %arg13[%run_scoped3A_143, %dma_wait3A, %dma_wait3A_194] : memref<2x64x128xf32, #tpu.memory_space<vmem>> -> memref<1x64x128xf32, #tpu.memory_space<vmem>>
      %dma_wait3A_196 = tpu.memref_squeeze %dma_wait3A_195 : memref<1x64x128xf32, #tpu.memory_space<vmem>> -> memref<64x128xf32, #tpu.memory_space<vmem>>
      %dma_wait3A_197 = arith.constant 0 : i32
      %dma_wait3A_198 = tpu.memref_slice %arg6[%arg0, %add3A_141, %dma_wait3A_197] : memref<2x10240x128xf32, #tpu.memory_space<hbm>> -> memref<1x64x128xf32, #tpu.memory_space<hbm>>
      %dma_wait3A_199 = tpu.memref_squeeze %dma_wait3A_198 : memref<1x64x128xf32, #tpu.memory_space<hbm>> -> memref<64x128xf32, #tpu.memory_space<hbm>>
      %dma_wait3A_200 = arith.constant 0 : i32
      %dma_wait3A_201 = tpu.memref_slice %arg6[%arg0, %add3A_141, %dma_wait3A_200] : memref<2x10240x128xf32, #tpu.memory_space<hbm>> -> memref<1x64x128xf32, #tpu.memory_space<hbm>>
      %dma_wait3A_202 = tpu.memref_squeeze %dma_wait3A_201 : memref<1x64x128xf32, #tpu.memory_space<hbm>> -> memref<64x128xf32, #tpu.memory_space<hbm>>
      %dma_wait3A_203 = arith.constant 0 : i32
      %dma_wait3A_204 = arith.constant 0 : i32
      %dma_wait3A_205 = tpu.memref_slice %arg13[%run_scoped3A_143, %dma_wait3A_203, %dma_wait3A_204] : memref<2x64x128xf32, #tpu.memory_space<vmem>> -> memref<1x64x128xf32, #tpu.memory_space<vmem>>
      %dma_wait3A_206 = tpu.memref_squeeze %dma_wait3A_205 : memref<1x64x128xf32, #tpu.memory_space<vmem>> -> memref<64x128xf32, #tpu.memory_space<vmem>>
      tpu.wait_dma2 semaphore(%run_scoped3A_180 : memref<!tpu.dma_semaphore, #tpu.memory_space<semaphore_mem>>) src(%dma_wait3A_206 : memref<64x128xf32, #tpu.memory_space<vmem>>) dst(%dma_wait3A_202 : memref<64x128xf32, #tpu.memory_space<hbm>>)
      tpu.yield
    }) : () -> ()
    "tpu.region"() ({
      %run_scoped3A_180 = tpu.sem_alloc : memref<!tpu.dma_semaphore, #tpu.memory_space<semaphore_mem>>
      %dma_start3A = tpu.memref_slice %arg15[%add3A_141] : memref<10240xf32, #tpu.memory_space<vmem_shared>> -> memref<64xf32, #tpu.memory_space<vmem_shared>>
      %dma_start3A_181 = tpu.memref_slice %arg15[%add3A_141] : memref<10240xf32, #tpu.memory_space<vmem_shared>> -> memref<64xf32, #tpu.memory_space<vmem_shared>>
      tpu.enqueue_dma source(%dma_start3A_181 : memref<64xf32, #tpu.memory_space<vmem_shared>>) target(%arg12 : memref<64xf32, #tpu.memory_space<vmem>>) target_semaphore(%run_scoped3A_180 : memref<!tpu.dma_semaphore, #tpu.memory_space<semaphore_mem>>)
      %dma_wait3A = tpu.memref_slice %arg15[%add3A_141] : memref<10240xf32, #tpu.memory_space<vmem_shared>> -> memref<64xf32, #tpu.memory_space<vmem_shared>>
      %dma_wait3A_182 = tpu.memref_slice %arg15[%add3A_141] : memref<10240xf32, #tpu.memory_space<vmem_shared>> -> memref<64xf32, #tpu.memory_space<vmem_shared>>
      tpu.wait_dma2 semaphore(%run_scoped3A_180 : memref<!tpu.dma_semaphore, #tpu.memory_space<semaphore_mem>>) src(%dma_wait3A_182 : memref<64xf32, #tpu.memory_space<vmem_shared>>) dst(%arg12 : memref<64xf32, #tpu.memory_space<vmem>>)
      tpu.yield
    }) : () -> ()
    "tpu.region"() ({
      %run_scoped3A_180 = tpu.sem_alloc : memref<!tpu.dma_semaphore, #tpu.memory_space<semaphore_mem>>
      %dma_start3A = tpu.memref_slice %arg7[%arg0, %add3A_141] : memref<2x10240xf32, #tpu.memory_space<hbm>> -> memref<1x64xf32, #tpu.memory_space<hbm>>
      %dma_start3A_181 = tpu.memref_squeeze %dma_start3A : memref<1x64xf32, #tpu.memory_space<hbm>> -> memref<64xf32, #tpu.memory_space<hbm>>
      %dma_start3A_182 = tpu.memref_slice %arg7[%arg0, %add3A_141] : memref<2x10240xf32, #tpu.memory_space<hbm>> -> memref<1x64xf32, #tpu.memory_space<hbm>>
      %dma_start3A_183 = tpu.memref_squeeze %dma_start3A_182 : memref<1x64xf32, #tpu.memory_space<hbm>> -> memref<64xf32, #tpu.memory_space<hbm>>
      tpu.enqueue_dma source(%arg12 : memref<64xf32, #tpu.memory_space<vmem>>) target(%dma_start3A_183 : memref<64xf32, #tpu.memory_space<hbm>>) target_semaphore(%run_scoped3A_180 : memref<!tpu.dma_semaphore, #tpu.memory_space<semaphore_mem>>)
      %dma_wait3A = tpu.memref_slice %arg7[%arg0, %add3A_141] : memref<2x10240xf32, #tpu.memory_space<hbm>> -> memref<1x64xf32, #tpu.memory_space<hbm>>
      %dma_wait3A_184 = tpu.memref_squeeze %dma_wait3A : memref<1x64xf32, #tpu.memory_space<hbm>> -> memref<64xf32, #tpu.memory_space<hbm>>
      %dma_wait3A_185 = tpu.memref_slice %arg7[%arg0, %add3A_141] : memref<2x10240xf32, #tpu.memory_space<hbm>> -> memref<1x64xf32, #tpu.memory_space<hbm>>
      %dma_wait3A_186 = tpu.memref_squeeze %dma_wait3A_185 : memref<1x64xf32, #tpu.memory_space<hbm>> -> memref<64xf32, #tpu.memory_space<hbm>>
      tpu.wait_dma2 semaphore(%run_scoped3A_180 : memref<!tpu.dma_semaphore, #tpu.memory_space<semaphore_mem>>) src(%arg12 : memref<64xf32, #tpu.memory_space<vmem>>) dst(%dma_wait3A_186 : memref<64xf32, #tpu.memory_space<hbm>>)
      tpu.yield
    }) : () -> ()
    %mul3A_144 = arith.constant 640 : i32
    %mul3A_145 = arith.muli %arg1, %mul3A_144 : i32
    %add3A_146 = arith.constant 256 : i32
    %add3A_147 = arith.addi %mul3A_145, %add3A_146 : i32
    %run_scoped3A_148 = arith.constant 0 : i32
    "tpu.region"() ({
      %run_scoped3A_180 = tpu.sem_alloc : memref<!tpu.dma_semaphore, #tpu.memory_space<semaphore_mem>>
      %dma_start3A = arith.constant 0 : i32
      %dma_start3A_181 = arith.constant 0 : i32
      %dma_start3A_182 = tpu.memref_slice %arg13[%run_scoped3A_148, %dma_start3A, %dma_start3A_181] : memref<2x64x128xf32, #tpu.memory_space<vmem>> -> memref<1x64x128xf32, #tpu.memory_space<vmem>>
      %dma_start3A_183 = tpu.memref_squeeze %dma_start3A_182 : memref<1x64x128xf32, #tpu.memory_space<vmem>> -> memref<64x128xf32, #tpu.memory_space<vmem>>
      %dma_start3A_184 = arith.constant 0 : i32
      %dma_start3A_185 = tpu.memref_slice %arg14[%add3A_147, %dma_start3A_184] : memref<10240x128xf32, #tpu.memory_space<vmem_shared>> -> memref<64x128xf32, #tpu.memory_space<vmem_shared>>
      %dma_start3A_186 = arith.constant 0 : i32
      %dma_start3A_187 = arith.constant 0 : i32
      %dma_start3A_188 = tpu.memref_slice %arg13[%run_scoped3A_148, %dma_start3A_186, %dma_start3A_187] : memref<2x64x128xf32, #tpu.memory_space<vmem>> -> memref<1x64x128xf32, #tpu.memory_space<vmem>>
      %dma_start3A_189 = tpu.memref_squeeze %dma_start3A_188 : memref<1x64x128xf32, #tpu.memory_space<vmem>> -> memref<64x128xf32, #tpu.memory_space<vmem>>
      %dma_start3A_190 = arith.constant 0 : i32
      %dma_start3A_191 = tpu.memref_slice %arg14[%add3A_147, %dma_start3A_190] : memref<10240x128xf32, #tpu.memory_space<vmem_shared>> -> memref<64x128xf32, #tpu.memory_space<vmem_shared>>
      tpu.enqueue_dma source(%dma_start3A_191 : memref<64x128xf32, #tpu.memory_space<vmem_shared>>) target(%dma_start3A_189 : memref<64x128xf32, #tpu.memory_space<vmem>>) target_semaphore(%run_scoped3A_180 : memref<!tpu.dma_semaphore, #tpu.memory_space<semaphore_mem>>)
      %dma_wait3A = arith.constant 0 : i32
      %dma_wait3A_192 = arith.constant 0 : i32
      %dma_wait3A_193 = tpu.memref_slice %arg13[%run_scoped3A_148, %dma_wait3A, %dma_wait3A_192] : memref<2x64x128xf32, #tpu.memory_space<vmem>> -> memref<1x64x128xf32, #tpu.memory_space<vmem>>
      %dma_wait3A_194 = tpu.memref_squeeze %dma_wait3A_193 : memref<1x64x128xf32, #tpu.memory_space<vmem>> -> memref<64x128xf32, #tpu.memory_space<vmem>>
      %dma_wait3A_195 = arith.constant 0 : i32
      %dma_wait3A_196 = tpu.memref_slice %arg14[%add3A_147, %dma_wait3A_195] : memref<10240x128xf32, #tpu.memory_space<vmem_shared>> -> memref<64x128xf32, #tpu.memory_space<vmem_shared>>
      %dma_wait3A_197 = arith.constant 0 : i32
      %dma_wait3A_198 = arith.constant 0 : i32
      %dma_wait3A_199 = tpu.memref_slice %arg13[%run_scoped3A_148, %dma_wait3A_197, %dma_wait3A_198] : memref<2x64x128xf32, #tpu.memory_space<vmem>> -> memref<1x64x128xf32, #tpu.memory_space<vmem>>
      %dma_wait3A_200 = tpu.memref_squeeze %dma_wait3A_199 : memref<1x64x128xf32, #tpu.memory_space<vmem>> -> memref<64x128xf32, #tpu.memory_space<vmem>>
      %dma_wait3A_201 = arith.constant 0 : i32
      %dma_wait3A_202 = tpu.memref_slice %arg14[%add3A_147, %dma_wait3A_201] : memref<10240x128xf32, #tpu.memory_space<vmem_shared>> -> memref<64x128xf32, #tpu.memory_space<vmem_shared>>
      tpu.wait_dma2 semaphore(%run_scoped3A_180 : memref<!tpu.dma_semaphore, #tpu.memory_space<semaphore_mem>>) src(%dma_wait3A_202 : memref<64x128xf32, #tpu.memory_space<vmem_shared>>) dst(%dma_wait3A_200 : memref<64x128xf32, #tpu.memory_space<vmem>>)
      tpu.yield
    }) : () -> ()
    %run_scoped3A_149 = arith.constant 0 : i32
    "tpu.region"() ({
      %run_scoped3A_180 = tpu.sem_alloc : memref<!tpu.dma_semaphore, #tpu.memory_space<semaphore_mem>>
      %dma_start3A = arith.constant 0 : i32
      %dma_start3A_181 = arith.constant 0 : i32
      %dma_start3A_182 = tpu.memref_slice %arg13[%run_scoped3A_149, %dma_start3A, %dma_start3A_181] : memref<2x64x128xf32, #tpu.memory_space<vmem>> -> memref<1x64x128xf32, #tpu.memory_space<vmem>>
      %dma_start3A_183 = tpu.memref_squeeze %dma_start3A_182 : memref<1x64x128xf32, #tpu.memory_space<vmem>> -> memref<64x128xf32, #tpu.memory_space<vmem>>
      %dma_start3A_184 = arith.constant 0 : i32
      %dma_start3A_185 = tpu.memref_slice %arg6[%arg0, %add3A_147, %dma_start3A_184] : memref<2x10240x128xf32, #tpu.memory_space<hbm>> -> memref<1x64x128xf32, #tpu.memory_space<hbm>>
      %dma_start3A_186 = tpu.memref_squeeze %dma_start3A_185 : memref<1x64x128xf32, #tpu.memory_space<hbm>> -> memref<64x128xf32, #tpu.memory_space<hbm>>
      %dma_start3A_187 = arith.constant 0 : i32
      %dma_start3A_188 = tpu.memref_slice %arg6[%arg0, %add3A_147, %dma_start3A_187] : memref<2x10240x128xf32, #tpu.memory_space<hbm>> -> memref<1x64x128xf32, #tpu.memory_space<hbm>>
      %dma_start3A_189 = tpu.memref_squeeze %dma_start3A_188 : memref<1x64x128xf32, #tpu.memory_space<hbm>> -> memref<64x128xf32, #tpu.memory_space<hbm>>
      %dma_start3A_190 = arith.constant 0 : i32
      %dma_start3A_191 = arith.constant 0 : i32
      %dma_start3A_192 = tpu.memref_slice %arg13[%run_scoped3A_149, %dma_start3A_190, %dma_start3A_191] : memref<2x64x128xf32, #tpu.memory_space<vmem>> -> memref<1x64x128xf32, #tpu.memory_space<vmem>>
      %dma_start3A_193 = tpu.memref_squeeze %dma_start3A_192 : memref<1x64x128xf32, #tpu.memory_space<vmem>> -> memref<64x128xf32, #tpu.memory_space<vmem>>
      tpu.enqueue_dma source(%dma_start3A_193 : memref<64x128xf32, #tpu.memory_space<vmem>>) target(%dma_start3A_189 : memref<64x128xf32, #tpu.memory_space<hbm>>) target_semaphore(%run_scoped3A_180 : memref<!tpu.dma_semaphore, #tpu.memory_space<semaphore_mem>>)
      %dma_wait3A = arith.constant 0 : i32
      %dma_wait3A_194 = arith.constant 0 : i32
      %dma_wait3A_195 = tpu.memref_slice %arg13[%run_scoped3A_149, %dma_wait3A, %dma_wait3A_194] : memref<2x64x128xf32, #tpu.memory_space<vmem>> -> memref<1x64x128xf32, #tpu.memory_space<vmem>>
      %dma_wait3A_196 = tpu.memref_squeeze %dma_wait3A_195 : memref<1x64x128xf32, #tpu.memory_space<vmem>> -> memref<64x128xf32, #tpu.memory_space<vmem>>
      %dma_wait3A_197 = arith.constant 0 : i32
      %dma_wait3A_198 = tpu.memref_slice %arg6[%arg0, %add3A_147, %dma_wait3A_197] : memref<2x10240x128xf32, #tpu.memory_space<hbm>> -> memref<1x64x128xf32, #tpu.memory_space<hbm>>
      %dma_wait3A_199 = tpu.memref_squeeze %dma_wait3A_198 : memref<1x64x128xf32, #tpu.memory_space<hbm>> -> memref<64x128xf32, #tpu.memory_space<hbm>>
      %dma_wait3A_200 = arith.constant 0 : i32
      %dma_wait3A_201 = tpu.memref_slice %arg6[%arg0, %add3A_147, %dma_wait3A_200] : memref<2x10240x128xf32, #tpu.memory_space<hbm>> -> memref<1x64x128xf32, #tpu.memory_space<hbm>>
      %dma_wait3A_202 = tpu.memref_squeeze %dma_wait3A_201 : memref<1x64x128xf32, #tpu.memory_space<hbm>> -> memref<64x128xf32, #tpu.memory_space<hbm>>
      %dma_wait3A_203 = arith.constant 0 : i32
      %dma_wait3A_204 = arith.constant 0 : i32
      %dma_wait3A_205 = tpu.memref_slice %arg13[%run_scoped3A_149, %dma_wait3A_203, %dma_wait3A_204] : memref<2x64x128xf32, #tpu.memory_space<vmem>> -> memref<1x64x128xf32, #tpu.memory_space<vmem>>
      %dma_wait3A_206 = tpu.memref_squeeze %dma_wait3A_205 : memref<1x64x128xf32, #tpu.memory_space<vmem>> -> memref<64x128xf32, #tpu.memory_space<vmem>>
      tpu.wait_dma2 semaphore(%run_scoped3A_180 : memref<!tpu.dma_semaphore, #tpu.memory_space<semaphore_mem>>) src(%dma_wait3A_206 : memref<64x128xf32, #tpu.memory_space<vmem>>) dst(%dma_wait3A_202 : memref<64x128xf32, #tpu.memory_space<hbm>>)
      tpu.yield
    }) : () -> ()
    "tpu.region"() ({
      %run_scoped3A_180 = tpu.sem_alloc : memref<!tpu.dma_semaphore, #tpu.memory_space<semaphore_mem>>
      %dma_start3A = tpu.memref_slice %arg15[%add3A_147] : memref<10240xf32, #tpu.memory_space<vmem_shared>> -> memref<64xf32, #tpu.memory_space<vmem_shared>>
      %dma_start3A_181 = tpu.memref_slice %arg15[%add3A_147] : memref<10240xf32, #tpu.memory_space<vmem_shared>> -> memref<64xf32, #tpu.memory_space<vmem_shared>>
      tpu.enqueue_dma source(%dma_start3A_181 : memref<64xf32, #tpu.memory_space<vmem_shared>>) target(%arg12 : memref<64xf32, #tpu.memory_space<vmem>>) target_semaphore(%run_scoped3A_180 : memref<!tpu.dma_semaphore, #tpu.memory_space<semaphore_mem>>)
      %dma_wait3A = tpu.memref_slice %arg15[%add3A_147] : memref<10240xf32, #tpu.memory_space<vmem_shared>> -> memref<64xf32, #tpu.memory_space<vmem_shared>>
      %dma_wait3A_182 = tpu.memref_slice %arg15[%add3A_147] : memref<10240xf32, #tpu.memory_space<vmem_shared>> -> memref<64xf32, #tpu.memory_space<vmem_shared>>
      tpu.wait_dma2 semaphore(%run_scoped3A_180 : memref<!tpu.dma_semaphore, #tpu.memory_space<semaphore_mem>>) src(%dma_wait3A_182 : memref<64xf32, #tpu.memory_space<vmem_shared>>) dst(%arg12 : memref<64xf32, #tpu.memory_space<vmem>>)
      tpu.yield
    }) : () -> ()
    "tpu.region"() ({
      %run_scoped3A_180 = tpu.sem_alloc : memref<!tpu.dma_semaphore, #tpu.memory_space<semaphore_mem>>
      %dma_start3A = tpu.memref_slice %arg7[%arg0, %add3A_147] : memref<2x10240xf32, #tpu.memory_space<hbm>> -> memref<1x64xf32, #tpu.memory_space<hbm>>
      %dma_start3A_181 = tpu.memref_squeeze %dma_start3A : memref<1x64xf32, #tpu.memory_space<hbm>> -> memref<64xf32, #tpu.memory_space<hbm>>
      %dma_start3A_182 = tpu.memref_slice %arg7[%arg0, %add3A_147] : memref<2x10240xf32, #tpu.memory_space<hbm>> -> memref<1x64xf32, #tpu.memory_space<hbm>>
      %dma_start3A_183 = tpu.memref_squeeze %dma_start3A_182 : memref<1x64xf32, #tpu.memory_space<hbm>> -> memref<64xf32, #tpu.memory_space<hbm>>
      tpu.enqueue_dma source(%arg12 : memref<64xf32, #tpu.memory_space<vmem>>) target(%dma_start3A_183 : memref<64xf32, #tpu.memory_space<hbm>>) target_semaphore(%run_scoped3A_180 : memref<!tpu.dma_semaphore, #tpu.memory_space<semaphore_mem>>)
      %dma_wait3A = tpu.memref_slice %arg7[%arg0, %add3A_147] : memref<2x10240xf32, #tpu.memory_space<hbm>> -> memref<1x64xf32, #tpu.memory_space<hbm>>
      %dma_wait3A_184 = tpu.memref_squeeze %dma_wait3A : memref<1x64xf32, #tpu.memory_space<hbm>> -> memref<64xf32, #tpu.memory_space<hbm>>
      %dma_wait3A_185 = tpu.memref_slice %arg7[%arg0, %add3A_147] : memref<2x10240xf32, #tpu.memory_space<hbm>> -> memref<1x64xf32, #tpu.memory_space<hbm>>
      %dma_wait3A_186 = tpu.memref_squeeze %dma_wait3A_185 : memref<1x64xf32, #tpu.memory_space<hbm>> -> memref<64xf32, #tpu.memory_space<hbm>>
      tpu.wait_dma2 semaphore(%run_scoped3A_180 : memref<!tpu.dma_semaphore, #tpu.memory_space<semaphore_mem>>) src(%arg12 : memref<64xf32, #tpu.memory_space<vmem>>) dst(%dma_wait3A_186 : memref<64xf32, #tpu.memory_space<hbm>>)
      tpu.yield
    }) : () -> ()
    %mul3A_150 = arith.constant 640 : i32
    %mul3A_151 = arith.muli %arg1, %mul3A_150 : i32
    %add3A_152 = arith.constant 320 : i32
    %add3A_153 = arith.addi %mul3A_151, %add3A_152 : i32
    %run_scoped3A_154 = arith.constant 0 : i32
    "tpu.region"() ({
      %run_scoped3A_180 = tpu.sem_alloc : memref<!tpu.dma_semaphore, #tpu.memory_space<semaphore_mem>>
      %dma_start3A = arith.constant 0 : i32
      %dma_start3A_181 = arith.constant 0 : i32
      %dma_start3A_182 = tpu.memref_slice %arg13[%run_scoped3A_154, %dma_start3A, %dma_start3A_181] : memref<2x64x128xf32, #tpu.memory_space<vmem>> -> memref<1x64x128xf32, #tpu.memory_space<vmem>>
      %dma_start3A_183 = tpu.memref_squeeze %dma_start3A_182 : memref<1x64x128xf32, #tpu.memory_space<vmem>> -> memref<64x128xf32, #tpu.memory_space<vmem>>
      %dma_start3A_184 = arith.constant 0 : i32
      %dma_start3A_185 = tpu.memref_slice %arg14[%add3A_153, %dma_start3A_184] : memref<10240x128xf32, #tpu.memory_space<vmem_shared>> -> memref<64x128xf32, #tpu.memory_space<vmem_shared>>
      %dma_start3A_186 = arith.constant 0 : i32
      %dma_start3A_187 = arith.constant 0 : i32
      %dma_start3A_188 = tpu.memref_slice %arg13[%run_scoped3A_154, %dma_start3A_186, %dma_start3A_187] : memref<2x64x128xf32, #tpu.memory_space<vmem>> -> memref<1x64x128xf32, #tpu.memory_space<vmem>>
      %dma_start3A_189 = tpu.memref_squeeze %dma_start3A_188 : memref<1x64x128xf32, #tpu.memory_space<vmem>> -> memref<64x128xf32, #tpu.memory_space<vmem>>
      %dma_start3A_190 = arith.constant 0 : i32
      %dma_start3A_191 = tpu.memref_slice %arg14[%add3A_153, %dma_start3A_190] : memref<10240x128xf32, #tpu.memory_space<vmem_shared>> -> memref<64x128xf32, #tpu.memory_space<vmem_shared>>
      tpu.enqueue_dma source(%dma_start3A_191 : memref<64x128xf32, #tpu.memory_space<vmem_shared>>) target(%dma_start3A_189 : memref<64x128xf32, #tpu.memory_space<vmem>>) target_semaphore(%run_scoped3A_180 : memref<!tpu.dma_semaphore, #tpu.memory_space<semaphore_mem>>)
      %dma_wait3A = arith.constant 0 : i32
      %dma_wait3A_192 = arith.constant 0 : i32
      %dma_wait3A_193 = tpu.memref_slice %arg13[%run_scoped3A_154, %dma_wait3A, %dma_wait3A_192] : memref<2x64x128xf32, #tpu.memory_space<vmem>> -> memref<1x64x128xf32, #tpu.memory_space<vmem>>
      %dma_wait3A_194 = tpu.memref_squeeze %dma_wait3A_193 : memref<1x64x128xf32, #tpu.memory_space<vmem>> -> memref<64x128xf32, #tpu.memory_space<vmem>>
      %dma_wait3A_195 = arith.constant 0 : i32
      %dma_wait3A_196 = tpu.memref_slice %arg14[%add3A_153, %dma_wait3A_195] : memref<10240x128xf32, #tpu.memory_space<vmem_shared>> -> memref<64x128xf32, #tpu.memory_space<vmem_shared>>
      %dma_wait3A_197 = arith.constant 0 : i32
      %dma_wait3A_198 = arith.constant 0 : i32
      %dma_wait3A_199 = tpu.memref_slice %arg13[%run_scoped3A_154, %dma_wait3A_197, %dma_wait3A_198] : memref<2x64x128xf32, #tpu.memory_space<vmem>> -> memref<1x64x128xf32, #tpu.memory_space<vmem>>
      %dma_wait3A_200 = tpu.memref_squeeze %dma_wait3A_199 : memref<1x64x128xf32, #tpu.memory_space<vmem>> -> memref<64x128xf32, #tpu.memory_space<vmem>>
      %dma_wait3A_201 = arith.constant 0 : i32
      %dma_wait3A_202 = tpu.memref_slice %arg14[%add3A_153, %dma_wait3A_201] : memref<10240x128xf32, #tpu.memory_space<vmem_shared>> -> memref<64x128xf32, #tpu.memory_space<vmem_shared>>
      tpu.wait_dma2 semaphore(%run_scoped3A_180 : memref<!tpu.dma_semaphore, #tpu.memory_space<semaphore_mem>>) src(%dma_wait3A_202 : memref<64x128xf32, #tpu.memory_space<vmem_shared>>) dst(%dma_wait3A_200 : memref<64x128xf32, #tpu.memory_space<vmem>>)
      tpu.yield
    }) : () -> ()
    %run_scoped3A_155 = arith.constant 0 : i32
    "tpu.region"() ({
      %run_scoped3A_180 = tpu.sem_alloc : memref<!tpu.dma_semaphore, #tpu.memory_space<semaphore_mem>>
      %dma_start3A = arith.constant 0 : i32
      %dma_start3A_181 = arith.constant 0 : i32
      %dma_start3A_182 = tpu.memref_slice %arg13[%run_scoped3A_155, %dma_start3A, %dma_start3A_181] : memref<2x64x128xf32, #tpu.memory_space<vmem>> -> memref<1x64x128xf32, #tpu.memory_space<vmem>>
      %dma_start3A_183 = tpu.memref_squeeze %dma_start3A_182 : memref<1x64x128xf32, #tpu.memory_space<vmem>> -> memref<64x128xf32, #tpu.memory_space<vmem>>
      %dma_start3A_184 = arith.constant 0 : i32
      %dma_start3A_185 = tpu.memref_slice %arg6[%arg0, %add3A_153, %dma_start3A_184] : memref<2x10240x128xf32, #tpu.memory_space<hbm>> -> memref<1x64x128xf32, #tpu.memory_space<hbm>>
      %dma_start3A_186 = tpu.memref_squeeze %dma_start3A_185 : memref<1x64x128xf32, #tpu.memory_space<hbm>> -> memref<64x128xf32, #tpu.memory_space<hbm>>
      %dma_start3A_187 = arith.constant 0 : i32
      %dma_start3A_188 = tpu.memref_slice %arg6[%arg0, %add3A_153, %dma_start3A_187] : memref<2x10240x128xf32, #tpu.memory_space<hbm>> -> memref<1x64x128xf32, #tpu.memory_space<hbm>>
      %dma_start3A_189 = tpu.memref_squeeze %dma_start3A_188 : memref<1x64x128xf32, #tpu.memory_space<hbm>> -> memref<64x128xf32, #tpu.memory_space<hbm>>
      %dma_start3A_190 = arith.constant 0 : i32
      %dma_start3A_191 = arith.constant 0 : i32
      %dma_start3A_192 = tpu.memref_slice %arg13[%run_scoped3A_155, %dma_start3A_190, %dma_start3A_191] : memref<2x64x128xf32, #tpu.memory_space<vmem>> -> memref<1x64x128xf32, #tpu.memory_space<vmem>>
      %dma_start3A_193 = tpu.memref_squeeze %dma_start3A_192 : memref<1x64x128xf32, #tpu.memory_space<vmem>> -> memref<64x128xf32, #tpu.memory_space<vmem>>
      tpu.enqueue_dma source(%dma_start3A_193 : memref<64x128xf32, #tpu.memory_space<vmem>>) target(%dma_start3A_189 : memref<64x128xf32, #tpu.memory_space<hbm>>) target_semaphore(%run_scoped3A_180 : memref<!tpu.dma_semaphore, #tpu.memory_space<semaphore_mem>>)
      %dma_wait3A = arith.constant 0 : i32
      %dma_wait3A_194 = arith.constant 0 : i32
      %dma_wait3A_195 = tpu.memref_slice %arg13[%run_scoped3A_155, %dma_wait3A, %dma_wait3A_194] : memref<2x64x128xf32, #tpu.memory_space<vmem>> -> memref<1x64x128xf32, #tpu.memory_space<vmem>>
      %dma_wait3A_196 = tpu.memref_squeeze %dma_wait3A_195 : memref<1x64x128xf32, #tpu.memory_space<vmem>> -> memref<64x128xf32, #tpu.memory_space<vmem>>
      %dma_wait3A_197 = arith.constant 0 : i32
      %dma_wait3A_198 = tpu.memref_slice %arg6[%arg0, %add3A_153, %dma_wait3A_197] : memref<2x10240x128xf32, #tpu.memory_space<hbm>> -> memref<1x64x128xf32, #tpu.memory_space<hbm>>
      %dma_wait3A_199 = tpu.memref_squeeze %dma_wait3A_198 : memref<1x64x128xf32, #tpu.memory_space<hbm>> -> memref<64x128xf32, #tpu.memory_space<hbm>>
      %dma_wait3A_200 = arith.constant 0 : i32
      %dma_wait3A_201 = tpu.memref_slice %arg6[%arg0, %add3A_153, %dma_wait3A_200] : memref<2x10240x128xf32, #tpu.memory_space<hbm>> -> memref<1x64x128xf32, #tpu.memory_space<hbm>>
      %dma_wait3A_202 = tpu.memref_squeeze %dma_wait3A_201 : memref<1x64x128xf32, #tpu.memory_space<hbm>> -> memref<64x128xf32, #tpu.memory_space<hbm>>
      %dma_wait3A_203 = arith.constant 0 : i32
      %dma_wait3A_204 = arith.constant 0 : i32
      %dma_wait3A_205 = tpu.memref_slice %arg13[%run_scoped3A_155, %dma_wait3A_203, %dma_wait3A_204] : memref<2x64x128xf32, #tpu.memory_space<vmem>> -> memref<1x64x128xf32, #tpu.memory_space<vmem>>
      %dma_wait3A_206 = tpu.memref_squeeze %dma_wait3A_205 : memref<1x64x128xf32, #tpu.memory_space<vmem>> -> memref<64x128xf32, #tpu.memory_space<vmem>>
      tpu.wait_dma2 semaphore(%run_scoped3A_180 : memref<!tpu.dma_semaphore, #tpu.memory_space<semaphore_mem>>) src(%dma_wait3A_206 : memref<64x128xf32, #tpu.memory_space<vmem>>) dst(%dma_wait3A_202 : memref<64x128xf32, #tpu.memory_space<hbm>>)
      tpu.yield
    }) : () -> ()
    "tpu.region"() ({
      %run_scoped3A_180 = tpu.sem_alloc : memref<!tpu.dma_semaphore, #tpu.memory_space<semaphore_mem>>
      %dma_start3A = tpu.memref_slice %arg15[%add3A_153] : memref<10240xf32, #tpu.memory_space<vmem_shared>> -> memref<64xf32, #tpu.memory_space<vmem_shared>>
      %dma_start3A_181 = tpu.memref_slice %arg15[%add3A_153] : memref<10240xf32, #tpu.memory_space<vmem_shared>> -> memref<64xf32, #tpu.memory_space<vmem_shared>>
      tpu.enqueue_dma source(%dma_start3A_181 : memref<64xf32, #tpu.memory_space<vmem_shared>>) target(%arg12 : memref<64xf32, #tpu.memory_space<vmem>>) target_semaphore(%run_scoped3A_180 : memref<!tpu.dma_semaphore, #tpu.memory_space<semaphore_mem>>)
      %dma_wait3A = tpu.memref_slice %arg15[%add3A_153] : memref<10240xf32, #tpu.memory_space<vmem_shared>> -> memref<64xf32, #tpu.memory_space<vmem_shared>>
      %dma_wait3A_182 = tpu.memref_slice %arg15[%add3A_153] : memref<10240xf32, #tpu.memory_space<vmem_shared>> -> memref<64xf32, #tpu.memory_space<vmem_shared>>
      tpu.wait_dma2 semaphore(%run_scoped3A_180 : memref<!tpu.dma_semaphore, #tpu.memory_space<semaphore_mem>>) src(%dma_wait3A_182 : memref<64xf32, #tpu.memory_space<vmem_shared>>) dst(%arg12 : memref<64xf32, #tpu.memory_space<vmem>>)
      tpu.yield
    }) : () -> ()
    "tpu.region"() ({
      %run_scoped3A_180 = tpu.sem_alloc : memref<!tpu.dma_semaphore, #tpu.memory_space<semaphore_mem>>
      %dma_start3A = tpu.memref_slice %arg7[%arg0, %add3A_153] : memref<2x10240xf32, #tpu.memory_space<hbm>> -> memref<1x64xf32, #tpu.memory_space<hbm>>
      %dma_start3A_181 = tpu.memref_squeeze %dma_start3A : memref<1x64xf32, #tpu.memory_space<hbm>> -> memref<64xf32, #tpu.memory_space<hbm>>
      %dma_start3A_182 = tpu.memref_slice %arg7[%arg0, %add3A_153] : memref<2x10240xf32, #tpu.memory_space<hbm>> -> memref<1x64xf32, #tpu.memory_space<hbm>>
      %dma_start3A_183 = tpu.memref_squeeze %dma_start3A_182 : memref<1x64xf32, #tpu.memory_space<hbm>> -> memref<64xf32, #tpu.memory_space<hbm>>
      tpu.enqueue_dma source(%arg12 : memref<64xf32, #tpu.memory_space<vmem>>) target(%dma_start3A_183 : memref<64xf32, #tpu.memory_space<hbm>>) target_semaphore(%run_scoped3A_180 : memref<!tpu.dma_semaphore, #tpu.memory_space<semaphore_mem>>)
      %dma_wait3A = tpu.memref_slice %arg7[%arg0, %add3A_153] : memref<2x10240xf32, #tpu.memory_space<hbm>> -> memref<1x64xf32, #tpu.memory_space<hbm>>
      %dma_wait3A_184 = tpu.memref_squeeze %dma_wait3A : memref<1x64xf32, #tpu.memory_space<hbm>> -> memref<64xf32, #tpu.memory_space<hbm>>
      %dma_wait3A_185 = tpu.memref_slice %arg7[%arg0, %add3A_153] : memref<2x10240xf32, #tpu.memory_space<hbm>> -> memref<1x64xf32, #tpu.memory_space<hbm>>
      %dma_wait3A_186 = tpu.memref_squeeze %dma_wait3A_185 : memref<1x64xf32, #tpu.memory_space<hbm>> -> memref<64xf32, #tpu.memory_space<hbm>>
      tpu.wait_dma2 semaphore(%run_scoped3A_180 : memref<!tpu.dma_semaphore, #tpu.memory_space<semaphore_mem>>) src(%arg12 : memref<64xf32, #tpu.memory_space<vmem>>) dst(%dma_wait3A_186 : memref<64xf32, #tpu.memory_space<hbm>>)
      tpu.yield
    }) : () -> ()
    %mul3A_156 = arith.constant 640 : i32
    %mul3A_157 = arith.muli %arg1, %mul3A_156 : i32
    %add3A_158 = arith.constant 384 : i32
    %add3A_159 = arith.addi %mul3A_157, %add3A_158 : i32
    %run_scoped3A_160 = arith.constant 0 : i32
    "tpu.region"() ({
      %run_scoped3A_180 = tpu.sem_alloc : memref<!tpu.dma_semaphore, #tpu.memory_space<semaphore_mem>>
      %dma_start3A = arith.constant 0 : i32
      %dma_start3A_181 = arith.constant 0 : i32
      %dma_start3A_182 = tpu.memref_slice %arg13[%run_scoped3A_160, %dma_start3A, %dma_start3A_181] : memref<2x64x128xf32, #tpu.memory_space<vmem>> -> memref<1x64x128xf32, #tpu.memory_space<vmem>>
      %dma_start3A_183 = tpu.memref_squeeze %dma_start3A_182 : memref<1x64x128xf32, #tpu.memory_space<vmem>> -> memref<64x128xf32, #tpu.memory_space<vmem>>
      %dma_start3A_184 = arith.constant 0 : i32
      %dma_start3A_185 = tpu.memref_slice %arg14[%add3A_159, %dma_start3A_184] : memref<10240x128xf32, #tpu.memory_space<vmem_shared>> -> memref<64x128xf32, #tpu.memory_space<vmem_shared>>
      %dma_start3A_186 = arith.constant 0 : i32
      %dma_start3A_187 = arith.constant 0 : i32
      %dma_start3A_188 = tpu.memref_slice %arg13[%run_scoped3A_160, %dma_start3A_186, %dma_start3A_187] : memref<2x64x128xf32, #tpu.memory_space<vmem>> -> memref<1x64x128xf32, #tpu.memory_space<vmem>>
      %dma_start3A_189 = tpu.memref_squeeze %dma_start3A_188 : memref<1x64x128xf32, #tpu.memory_space<vmem>> -> memref<64x128xf32, #tpu.memory_space<vmem>>
      %dma_start3A_190 = arith.constant 0 : i32
      %dma_start3A_191 = tpu.memref_slice %arg14[%add3A_159, %dma_start3A_190] : memref<10240x128xf32, #tpu.memory_space<vmem_shared>> -> memref<64x128xf32, #tpu.memory_space<vmem_shared>>
      tpu.enqueue_dma source(%dma_start3A_191 : memref<64x128xf32, #tpu.memory_space<vmem_shared>>) target(%dma_start3A_189 : memref<64x128xf32, #tpu.memory_space<vmem>>) target_semaphore(%run_scoped3A_180 : memref<!tpu.dma_semaphore, #tpu.memory_space<semaphore_mem>>)
      %dma_wait3A = arith.constant 0 : i32
      %dma_wait3A_192 = arith.constant 0 : i32
      %dma_wait3A_193 = tpu.memref_slice %arg13[%run_scoped3A_160, %dma_wait3A, %dma_wait3A_192] : memref<2x64x128xf32, #tpu.memory_space<vmem>> -> memref<1x64x128xf32, #tpu.memory_space<vmem>>
      %dma_wait3A_194 = tpu.memref_squeeze %dma_wait3A_193 : memref<1x64x128xf32, #tpu.memory_space<vmem>> -> memref<64x128xf32, #tpu.memory_space<vmem>>
      %dma_wait3A_195 = arith.constant 0 : i32
      %dma_wait3A_196 = tpu.memref_slice %arg14[%add3A_159, %dma_wait3A_195] : memref<10240x128xf32, #tpu.memory_space<vmem_shared>> -> memref<64x128xf32, #tpu.memory_space<vmem_shared>>
      %dma_wait3A_197 = arith.constant 0 : i32
      %dma_wait3A_198 = arith.constant 0 : i32
      %dma_wait3A_199 = tpu.memref_slice %arg13[%run_scoped3A_160, %dma_wait3A_197, %dma_wait3A_198] : memref<2x64x128xf32, #tpu.memory_space<vmem>> -> memref<1x64x128xf32, #tpu.memory_space<vmem>>
      %dma_wait3A_200 = tpu.memref_squeeze %dma_wait3A_199 : memref<1x64x128xf32, #tpu.memory_space<vmem>> -> memref<64x128xf32, #tpu.memory_space<vmem>>
      %dma_wait3A_201 = arith.constant 0 : i32
      %dma_wait3A_202 = tpu.memref_slice %arg14[%add3A_159, %dma_wait3A_201] : memref<10240x128xf32, #tpu.memory_space<vmem_shared>> -> memref<64x128xf32, #tpu.memory_space<vmem_shared>>
      tpu.wait_dma2 semaphore(%run_scoped3A_180 : memref<!tpu.dma_semaphore, #tpu.memory_space<semaphore_mem>>) src(%dma_wait3A_202 : memref<64x128xf32, #tpu.memory_space<vmem_shared>>) dst(%dma_wait3A_200 : memref<64x128xf32, #tpu.memory_space<vmem>>)
      tpu.yield
    }) : () -> ()
    %run_scoped3A_161 = arith.constant 0 : i32
    "tpu.region"() ({
      %run_scoped3A_180 = tpu.sem_alloc : memref<!tpu.dma_semaphore, #tpu.memory_space<semaphore_mem>>
      %dma_start3A = arith.constant 0 : i32
      %dma_start3A_181 = arith.constant 0 : i32
      %dma_start3A_182 = tpu.memref_slice %arg13[%run_scoped3A_161, %dma_start3A, %dma_start3A_181] : memref<2x64x128xf32, #tpu.memory_space<vmem>> -> memref<1x64x128xf32, #tpu.memory_space<vmem>>
      %dma_start3A_183 = tpu.memref_squeeze %dma_start3A_182 : memref<1x64x128xf32, #tpu.memory_space<vmem>> -> memref<64x128xf32, #tpu.memory_space<vmem>>
      %dma_start3A_184 = arith.constant 0 : i32
      %dma_start3A_185 = tpu.memref_slice %arg6[%arg0, %add3A_159, %dma_start3A_184] : memref<2x10240x128xf32, #tpu.memory_space<hbm>> -> memref<1x64x128xf32, #tpu.memory_space<hbm>>
      %dma_start3A_186 = tpu.memref_squeeze %dma_start3A_185 : memref<1x64x128xf32, #tpu.memory_space<hbm>> -> memref<64x128xf32, #tpu.memory_space<hbm>>
      %dma_start3A_187 = arith.constant 0 : i32
      %dma_start3A_188 = tpu.memref_slice %arg6[%arg0, %add3A_159, %dma_start3A_187] : memref<2x10240x128xf32, #tpu.memory_space<hbm>> -> memref<1x64x128xf32, #tpu.memory_space<hbm>>
      %dma_start3A_189 = tpu.memref_squeeze %dma_start3A_188 : memref<1x64x128xf32, #tpu.memory_space<hbm>> -> memref<64x128xf32, #tpu.memory_space<hbm>>
      %dma_start3A_190 = arith.constant 0 : i32
      %dma_start3A_191 = arith.constant 0 : i32
      %dma_start3A_192 = tpu.memref_slice %arg13[%run_scoped3A_161, %dma_start3A_190, %dma_start3A_191] : memref<2x64x128xf32, #tpu.memory_space<vmem>> -> memref<1x64x128xf32, #tpu.memory_space<vmem>>
      %dma_start3A_193 = tpu.memref_squeeze %dma_start3A_192 : memref<1x64x128xf32, #tpu.memory_space<vmem>> -> memref<64x128xf32, #tpu.memory_space<vmem>>
      tpu.enqueue_dma source(%dma_start3A_193 : memref<64x128xf32, #tpu.memory_space<vmem>>) target(%dma_start3A_189 : memref<64x128xf32, #tpu.memory_space<hbm>>) target_semaphore(%run_scoped3A_180 : memref<!tpu.dma_semaphore, #tpu.memory_space<semaphore_mem>>)
      %dma_wait3A = arith.constant 0 : i32
      %dma_wait3A_194 = arith.constant 0 : i32
      %dma_wait3A_195 = tpu.memref_slice %arg13[%run_scoped3A_161, %dma_wait3A, %dma_wait3A_194] : memref<2x64x128xf32, #tpu.memory_space<vmem>> -> memref<1x64x128xf32, #tpu.memory_space<vmem>>
      %dma_wait3A_196 = tpu.memref_squeeze %dma_wait3A_195 : memref<1x64x128xf32, #tpu.memory_space<vmem>> -> memref<64x128xf32, #tpu.memory_space<vmem>>
      %dma_wait3A_197 = arith.constant 0 : i32
      %dma_wait3A_198 = tpu.memref_slice %arg6[%arg0, %add3A_159, %dma_wait3A_197] : memref<2x10240x128xf32, #tpu.memory_space<hbm>> -> memref<1x64x128xf32, #tpu.memory_space<hbm>>
      %dma_wait3A_199 = tpu.memref_squeeze %dma_wait3A_198 : memref<1x64x128xf32, #tpu.memory_space<hbm>> -> memref<64x128xf32, #tpu.memory_space<hbm>>
      %dma_wait3A_200 = arith.constant 0 : i32
      %dma_wait3A_201 = tpu.memref_slice %arg6[%arg0, %add3A_159, %dma_wait3A_200] : memref<2x10240x128xf32, #tpu.memory_space<hbm>> -> memref<1x64x128xf32, #tpu.memory_space<hbm>>
      %dma_wait3A_202 = tpu.memref_squeeze %dma_wait3A_201 : memref<1x64x128xf32, #tpu.memory_space<hbm>> -> memref<64x128xf32, #tpu.memory_space<hbm>>
      %dma_wait3A_203 = arith.constant 0 : i32
      %dma_wait3A_204 = arith.constant 0 : i32
      %dma_wait3A_205 = tpu.memref_slice %arg13[%run_scoped3A_161, %dma_wait3A_203, %dma_wait3A_204] : memref<2x64x128xf32, #tpu.memory_space<vmem>> -> memref<1x64x128xf32, #tpu.memory_space<vmem>>
      %dma_wait3A_206 = tpu.memref_squeeze %dma_wait3A_205 : memref<1x64x128xf32, #tpu.memory_space<vmem>> -> memref<64x128xf32, #tpu.memory_space<vmem>>
      tpu.wait_dma2 semaphore(%run_scoped3A_180 : memref<!tpu.dma_semaphore, #tpu.memory_space<semaphore_mem>>) src(%dma_wait3A_206 : memref<64x128xf32, #tpu.memory_space<vmem>>) dst(%dma_wait3A_202 : memref<64x128xf32, #tpu.memory_space<hbm>>)
      tpu.yield
    }) : () -> ()
    "tpu.region"() ({
      %run_scoped3A_180 = tpu.sem_alloc : memref<!tpu.dma_semaphore, #tpu.memory_space<semaphore_mem>>
      %dma_start3A = tpu.memref_slice %arg15[%add3A_159] : memref<10240xf32, #tpu.memory_space<vmem_shared>> -> memref<64xf32, #tpu.memory_space<vmem_shared>>
      %dma_start3A_181 = tpu.memref_slice %arg15[%add3A_159] : memref<10240xf32, #tpu.memory_space<vmem_shared>> -> memref<64xf32, #tpu.memory_space<vmem_shared>>
      tpu.enqueue_dma source(%dma_start3A_181 : memref<64xf32, #tpu.memory_space<vmem_shared>>) target(%arg12 : memref<64xf32, #tpu.memory_space<vmem>>) target_semaphore(%run_scoped3A_180 : memref<!tpu.dma_semaphore, #tpu.memory_space<semaphore_mem>>)
      %dma_wait3A = tpu.memref_slice %arg15[%add3A_159] : memref<10240xf32, #tpu.memory_space<vmem_shared>> -> memref<64xf32, #tpu.memory_space<vmem_shared>>
      %dma_wait3A_182 = tpu.memref_slice %arg15[%add3A_159] : memref<10240xf32, #tpu.memory_space<vmem_shared>> -> memref<64xf32, #tpu.memory_space<vmem_shared>>
      tpu.wait_dma2 semaphore(%run_scoped3A_180 : memref<!tpu.dma_semaphore, #tpu.memory_space<semaphore_mem>>) src(%dma_wait3A_182 : memref<64xf32, #tpu.memory_space<vmem_shared>>) dst(%arg12 : memref<64xf32, #tpu.memory_space<vmem>>)
      tpu.yield
    }) : () -> ()
    "tpu.region"() ({
      %run_scoped3A_180 = tpu.sem_alloc : memref<!tpu.dma_semaphore, #tpu.memory_space<semaphore_mem>>
      %dma_start3A = tpu.memref_slice %arg7[%arg0, %add3A_159] : memref<2x10240xf32, #tpu.memory_space<hbm>> -> memref<1x64xf32, #tpu.memory_space<hbm>>
      %dma_start3A_181 = tpu.memref_squeeze %dma_start3A : memref<1x64xf32, #tpu.memory_space<hbm>> -> memref<64xf32, #tpu.memory_space<hbm>>
      %dma_start3A_182 = tpu.memref_slice %arg7[%arg0, %add3A_159] : memref<2x10240xf32, #tpu.memory_space<hbm>> -> memref<1x64xf32, #tpu.memory_space<hbm>>
      %dma_start3A_183 = tpu.memref_squeeze %dma_start3A_182 : memref<1x64xf32, #tpu.memory_space<hbm>> -> memref<64xf32, #tpu.memory_space<hbm>>
      tpu.enqueue_dma source(%arg12 : memref<64xf32, #tpu.memory_space<vmem>>) target(%dma_start3A_183 : memref<64xf32, #tpu.memory_space<hbm>>) target_semaphore(%run_scoped3A_180 : memref<!tpu.dma_semaphore, #tpu.memory_space<semaphore_mem>>)
      %dma_wait3A = tpu.memref_slice %arg7[%arg0, %add3A_159] : memref<2x10240xf32, #tpu.memory_space<hbm>> -> memref<1x64xf32, #tpu.memory_space<hbm>>
      %dma_wait3A_184 = tpu.memref_squeeze %dma_wait3A : memref<1x64xf32, #tpu.memory_space<hbm>> -> memref<64xf32, #tpu.memory_space<hbm>>
      %dma_wait3A_185 = tpu.memref_slice %arg7[%arg0, %add3A_159] : memref<2x10240xf32, #tpu.memory_space<hbm>> -> memref<1x64xf32, #tpu.memory_space<hbm>>
      %dma_wait3A_186 = tpu.memref_squeeze %dma_wait3A_185 : memref<1x64xf32, #tpu.memory_space<hbm>> -> memref<64xf32, #tpu.memory_space<hbm>>
      tpu.wait_dma2 semaphore(%run_scoped3A_180 : memref<!tpu.dma_semaphore, #tpu.memory_space<semaphore_mem>>) src(%arg12 : memref<64xf32, #tpu.memory_space<vmem>>) dst(%dma_wait3A_186 : memref<64xf32, #tpu.memory_space<hbm>>)
      tpu.yield
    }) : () -> ()
    %mul3A_162 = arith.constant 640 : i32
    %mul3A_163 = arith.muli %arg1, %mul3A_162 : i32
    %add3A_164 = arith.constant 448 : i32
    %add3A_165 = arith.addi %mul3A_163, %add3A_164 : i32
    %run_scoped3A_166 = arith.constant 0 : i32
    "tpu.region"() ({
      %run_scoped3A_180 = tpu.sem_alloc : memref<!tpu.dma_semaphore, #tpu.memory_space<semaphore_mem>>
      %dma_start3A = arith.constant 0 : i32
      %dma_start3A_181 = arith.constant 0 : i32
      %dma_start3A_182 = tpu.memref_slice %arg13[%run_scoped3A_166, %dma_start3A, %dma_start3A_181] : memref<2x64x128xf32, #tpu.memory_space<vmem>> -> memref<1x64x128xf32, #tpu.memory_space<vmem>>
      %dma_start3A_183 = tpu.memref_squeeze %dma_start3A_182 : memref<1x64x128xf32, #tpu.memory_space<vmem>> -> memref<64x128xf32, #tpu.memory_space<vmem>>
      %dma_start3A_184 = arith.constant 0 : i32
      %dma_start3A_185 = tpu.memref_slice %arg14[%add3A_165, %dma_start3A_184] : memref<10240x128xf32, #tpu.memory_space<vmem_shared>> -> memref<64x128xf32, #tpu.memory_space<vmem_shared>>
      %dma_start3A_186 = arith.constant 0 : i32
      %dma_start3A_187 = arith.constant 0 : i32
      %dma_start3A_188 = tpu.memref_slice %arg13[%run_scoped3A_166, %dma_start3A_186, %dma_start3A_187] : memref<2x64x128xf32, #tpu.memory_space<vmem>> -> memref<1x64x128xf32, #tpu.memory_space<vmem>>
      %dma_start3A_189 = tpu.memref_squeeze %dma_start3A_188 : memref<1x64x128xf32, #tpu.memory_space<vmem>> -> memref<64x128xf32, #tpu.memory_space<vmem>>
      %dma_start3A_190 = arith.constant 0 : i32
      %dma_start3A_191 = tpu.memref_slice %arg14[%add3A_165, %dma_start3A_190] : memref<10240x128xf32, #tpu.memory_space<vmem_shared>> -> memref<64x128xf32, #tpu.memory_space<vmem_shared>>
      tpu.enqueue_dma source(%dma_start3A_191 : memref<64x128xf32, #tpu.memory_space<vmem_shared>>) target(%dma_start3A_189 : memref<64x128xf32, #tpu.memory_space<vmem>>) target_semaphore(%run_scoped3A_180 : memref<!tpu.dma_semaphore, #tpu.memory_space<semaphore_mem>>)
      %dma_wait3A = arith.constant 0 : i32
      %dma_wait3A_192 = arith.constant 0 : i32
      %dma_wait3A_193 = tpu.memref_slice %arg13[%run_scoped3A_166, %dma_wait3A, %dma_wait3A_192] : memref<2x64x128xf32, #tpu.memory_space<vmem>> -> memref<1x64x128xf32, #tpu.memory_space<vmem>>
      %dma_wait3A_194 = tpu.memref_squeeze %dma_wait3A_193 : memref<1x64x128xf32, #tpu.memory_space<vmem>> -> memref<64x128xf32, #tpu.memory_space<vmem>>
      %dma_wait3A_195 = arith.constant 0 : i32
      %dma_wait3A_196 = tpu.memref_slice %arg14[%add3A_165, %dma_wait3A_195] : memref<10240x128xf32, #tpu.memory_space<vmem_shared>> -> memref<64x128xf32, #tpu.memory_space<vmem_shared>>
      %dma_wait3A_197 = arith.constant 0 : i32
      %dma_wait3A_198 = arith.constant 0 : i32
      %dma_wait3A_199 = tpu.memref_slice %arg13[%run_scoped3A_166, %dma_wait3A_197, %dma_wait3A_198] : memref<2x64x128xf32, #tpu.memory_space<vmem>> -> memref<1x64x128xf32, #tpu.memory_space<vmem>>
      %dma_wait3A_200 = tpu.memref_squeeze %dma_wait3A_199 : memref<1x64x128xf32, #tpu.memory_space<vmem>> -> memref<64x128xf32, #tpu.memory_space<vmem>>
      %dma_wait3A_201 = arith.constant 0 : i32
      %dma_wait3A_202 = tpu.memref_slice %arg14[%add3A_165, %dma_wait3A_201] : memref<10240x128xf32, #tpu.memory_space<vmem_shared>> -> memref<64x128xf32, #tpu.memory_space<vmem_shared>>
      tpu.wait_dma2 semaphore(%run_scoped3A_180 : memref<!tpu.dma_semaphore, #tpu.memory_space<semaphore_mem>>) src(%dma_wait3A_202 : memref<64x128xf32, #tpu.memory_space<vmem_shared>>) dst(%dma_wait3A_200 : memref<64x128xf32, #tpu.memory_space<vmem>>)
      tpu.yield
    }) : () -> ()
    %run_scoped3A_167 = arith.constant 0 : i32
    "tpu.region"() ({
      %run_scoped3A_180 = tpu.sem_alloc : memref<!tpu.dma_semaphore, #tpu.memory_space<semaphore_mem>>
      %dma_start3A = arith.constant 0 : i32
      %dma_start3A_181 = arith.constant 0 : i32
      %dma_start3A_182 = tpu.memref_slice %arg13[%run_scoped3A_167, %dma_start3A, %dma_start3A_181] : memref<2x64x128xf32, #tpu.memory_space<vmem>> -> memref<1x64x128xf32, #tpu.memory_space<vmem>>
      %dma_start3A_183 = tpu.memref_squeeze %dma_start3A_182 : memref<1x64x128xf32, #tpu.memory_space<vmem>> -> memref<64x128xf32, #tpu.memory_space<vmem>>
      %dma_start3A_184 = arith.constant 0 : i32
      %dma_start3A_185 = tpu.memref_slice %arg6[%arg0, %add3A_165, %dma_start3A_184] : memref<2x10240x128xf32, #tpu.memory_space<hbm>> -> memref<1x64x128xf32, #tpu.memory_space<hbm>>
      %dma_start3A_186 = tpu.memref_squeeze %dma_start3A_185 : memref<1x64x128xf32, #tpu.memory_space<hbm>> -> memref<64x128xf32, #tpu.memory_space<hbm>>
      %dma_start3A_187 = arith.constant 0 : i32
      %dma_start3A_188 = tpu.memref_slice %arg6[%arg0, %add3A_165, %dma_start3A_187] : memref<2x10240x128xf32, #tpu.memory_space<hbm>> -> memref<1x64x128xf32, #tpu.memory_space<hbm>>
      %dma_start3A_189 = tpu.memref_squeeze %dma_start3A_188 : memref<1x64x128xf32, #tpu.memory_space<hbm>> -> memref<64x128xf32, #tpu.memory_space<hbm>>
      %dma_start3A_190 = arith.constant 0 : i32
      %dma_start3A_191 = arith.constant 0 : i32
      %dma_start3A_192 = tpu.memref_slice %arg13[%run_scoped3A_167, %dma_start3A_190, %dma_start3A_191] : memref<2x64x128xf32, #tpu.memory_space<vmem>> -> memref<1x64x128xf32, #tpu.memory_space<vmem>>
      %dma_start3A_193 = tpu.memref_squeeze %dma_start3A_192 : memref<1x64x128xf32, #tpu.memory_space<vmem>> -> memref<64x128xf32, #tpu.memory_space<vmem>>
      tpu.enqueue_dma source(%dma_start3A_193 : memref<64x128xf32, #tpu.memory_space<vmem>>) target(%dma_start3A_189 : memref<64x128xf32, #tpu.memory_space<hbm>>) target_semaphore(%run_scoped3A_180 : memref<!tpu.dma_semaphore, #tpu.memory_space<semaphore_mem>>)
      %dma_wait3A = arith.constant 0 : i32
      %dma_wait3A_194 = arith.constant 0 : i32
      %dma_wait3A_195 = tpu.memref_slice %arg13[%run_scoped3A_167, %dma_wait3A, %dma_wait3A_194] : memref<2x64x128xf32, #tpu.memory_space<vmem>> -> memref<1x64x128xf32, #tpu.memory_space<vmem>>
      %dma_wait3A_196 = tpu.memref_squeeze %dma_wait3A_195 : memref<1x64x128xf32, #tpu.memory_space<vmem>> -> memref<64x128xf32, #tpu.memory_space<vmem>>
      %dma_wait3A_197 = arith.constant 0 : i32
      %dma_wait3A_198 = tpu.memref_slice %arg6[%arg0, %add3A_165, %dma_wait3A_197] : memref<2x10240x128xf32, #tpu.memory_space<hbm>> -> memref<1x64x128xf32, #tpu.memory_space<hbm>>
      %dma_wait3A_199 = tpu.memref_squeeze %dma_wait3A_198 : memref<1x64x128xf32, #tpu.memory_space<hbm>> -> memref<64x128xf32, #tpu.memory_space<hbm>>
      %dma_wait3A_200 = arith.constant 0 : i32
      %dma_wait3A_201 = tpu.memref_slice %arg6[%arg0, %add3A_165, %dma_wait3A_200] : memref<2x10240x128xf32, #tpu.memory_space<hbm>> -> memref<1x64x128xf32, #tpu.memory_space<hbm>>
      %dma_wait3A_202 = tpu.memref_squeeze %dma_wait3A_201 : memref<1x64x128xf32, #tpu.memory_space<hbm>> -> memref<64x128xf32, #tpu.memory_space<hbm>>
      %dma_wait3A_203 = arith.constant 0 : i32
      %dma_wait3A_204 = arith.constant 0 : i32
      %dma_wait3A_205 = tpu.memref_slice %arg13[%run_scoped3A_167, %dma_wait3A_203, %dma_wait3A_204] : memref<2x64x128xf32, #tpu.memory_space<vmem>> -> memref<1x64x128xf32, #tpu.memory_space<vmem>>
      %dma_wait3A_206 = tpu.memref_squeeze %dma_wait3A_205 : memref<1x64x128xf32, #tpu.memory_space<vmem>> -> memref<64x128xf32, #tpu.memory_space<vmem>>
      tpu.wait_dma2 semaphore(%run_scoped3A_180 : memref<!tpu.dma_semaphore, #tpu.memory_space<semaphore_mem>>) src(%dma_wait3A_206 : memref<64x128xf32, #tpu.memory_space<vmem>>) dst(%dma_wait3A_202 : memref<64x128xf32, #tpu.memory_space<hbm>>)
      tpu.yield
    }) : () -> ()
    "tpu.region"() ({
      %run_scoped3A_180 = tpu.sem_alloc : memref<!tpu.dma_semaphore, #tpu.memory_space<semaphore_mem>>
      %dma_start3A = tpu.memref_slice %arg15[%add3A_165] : memref<10240xf32, #tpu.memory_space<vmem_shared>> -> memref<64xf32, #tpu.memory_space<vmem_shared>>
      %dma_start3A_181 = tpu.memref_slice %arg15[%add3A_165] : memref<10240xf32, #tpu.memory_space<vmem_shared>> -> memref<64xf32, #tpu.memory_space<vmem_shared>>
      tpu.enqueue_dma source(%dma_start3A_181 : memref<64xf32, #tpu.memory_space<vmem_shared>>) target(%arg12 : memref<64xf32, #tpu.memory_space<vmem>>) target_semaphore(%run_scoped3A_180 : memref<!tpu.dma_semaphore, #tpu.memory_space<semaphore_mem>>)
      %dma_wait3A = tpu.memref_slice %arg15[%add3A_165] : memref<10240xf32, #tpu.memory_space<vmem_shared>> -> memref<64xf32, #tpu.memory_space<vmem_shared>>
      %dma_wait3A_182 = tpu.memref_slice %arg15[%add3A_165] : memref<10240xf32, #tpu.memory_space<vmem_shared>> -> memref<64xf32, #tpu.memory_space<vmem_shared>>
      tpu.wait_dma2 semaphore(%run_scoped3A_180 : memref<!tpu.dma_semaphore, #tpu.memory_space<semaphore_mem>>) src(%dma_wait3A_182 : memref<64xf32, #tpu.memory_space<vmem_shared>>) dst(%arg12 : memref<64xf32, #tpu.memory_space<vmem>>)
      tpu.yield
    }) : () -> ()
    "tpu.region"() ({
      %run_scoped3A_180 = tpu.sem_alloc : memref<!tpu.dma_semaphore, #tpu.memory_space<semaphore_mem>>
      %dma_start3A = tpu.memref_slice %arg7[%arg0, %add3A_165] : memref<2x10240xf32, #tpu.memory_space<hbm>> -> memref<1x64xf32, #tpu.memory_space<hbm>>
      %dma_start3A_181 = tpu.memref_squeeze %dma_start3A : memref<1x64xf32, #tpu.memory_space<hbm>> -> memref<64xf32, #tpu.memory_space<hbm>>
      %dma_start3A_182 = tpu.memref_slice %arg7[%arg0, %add3A_165] : memref<2x10240xf32, #tpu.memory_space<hbm>> -> memref<1x64xf32, #tpu.memory_space<hbm>>
      %dma_start3A_183 = tpu.memref_squeeze %dma_start3A_182 : memref<1x64xf32, #tpu.memory_space<hbm>> -> memref<64xf32, #tpu.memory_space<hbm>>
      tpu.enqueue_dma source(%arg12 : memref<64xf32, #tpu.memory_space<vmem>>) target(%dma_start3A_183 : memref<64xf32, #tpu.memory_space<hbm>>) target_semaphore(%run_scoped3A_180 : memref<!tpu.dma_semaphore, #tpu.memory_space<semaphore_mem>>)
      %dma_wait3A = tpu.memref_slice %arg7[%arg0, %add3A_165] : memref<2x10240xf32, #tpu.memory_space<hbm>> -> memref<1x64xf32, #tpu.memory_space<hbm>>
      %dma_wait3A_184 = tpu.memref_squeeze %dma_wait3A : memref<1x64xf32, #tpu.memory_space<hbm>> -> memref<64xf32, #tpu.memory_space<hbm>>
      %dma_wait3A_185 = tpu.memref_slice %arg7[%arg0, %add3A_165] : memref<2x10240xf32, #tpu.memory_space<hbm>> -> memref<1x64xf32, #tpu.memory_space<hbm>>
      %dma_wait3A_186 = tpu.memref_squeeze %dma_wait3A_185 : memref<1x64xf32, #tpu.memory_space<hbm>> -> memref<64xf32, #tpu.memory_space<hbm>>
      tpu.wait_dma2 semaphore(%run_scoped3A_180 : memref<!tpu.dma_semaphore, #tpu.memory_space<semaphore_mem>>) src(%arg12 : memref<64xf32, #tpu.memory_space<vmem>>) dst(%dma_wait3A_186 : memref<64xf32, #tpu.memory_space<hbm>>)
      tpu.yield
    }) : () -> ()
    %mul3A_168 = arith.constant 640 : i32
    %mul3A_169 = arith.muli %arg1, %mul3A_168 : i32
    %add3A_170 = arith.constant 512 : i32
    %add3A_171 = arith.addi %mul3A_169, %add3A_170 : i32
    %run_scoped3A_172 = arith.constant 0 : i32
    "tpu.region"() ({
      %run_scoped3A_180 = tpu.sem_alloc : memref<!tpu.dma_semaphore, #tpu.memory_space<semaphore_mem>>
      %dma_start3A = arith.constant 0 : i32
      %dma_start3A_181 = arith.constant 0 : i32
      %dma_start3A_182 = tpu.memref_slice %arg13[%run_scoped3A_172, %dma_start3A, %dma_start3A_181] : memref<2x64x128xf32, #tpu.memory_space<vmem>> -> memref<1x64x128xf32, #tpu.memory_space<vmem>>
      %dma_start3A_183 = tpu.memref_squeeze %dma_start3A_182 : memref<1x64x128xf32, #tpu.memory_space<vmem>> -> memref<64x128xf32, #tpu.memory_space<vmem>>
      %dma_start3A_184 = arith.constant 0 : i32
      %dma_start3A_185 = tpu.memref_slice %arg14[%add3A_171, %dma_start3A_184] : memref<10240x128xf32, #tpu.memory_space<vmem_shared>> -> memref<64x128xf32, #tpu.memory_space<vmem_shared>>
      %dma_start3A_186 = arith.constant 0 : i32
      %dma_start3A_187 = arith.constant 0 : i32
      %dma_start3A_188 = tpu.memref_slice %arg13[%run_scoped3A_172, %dma_start3A_186, %dma_start3A_187] : memref<2x64x128xf32, #tpu.memory_space<vmem>> -> memref<1x64x128xf32, #tpu.memory_space<vmem>>
      %dma_start3A_189 = tpu.memref_squeeze %dma_start3A_188 : memref<1x64x128xf32, #tpu.memory_space<vmem>> -> memref<64x128xf32, #tpu.memory_space<vmem>>
      %dma_start3A_190 = arith.constant 0 : i32
      %dma_start3A_191 = tpu.memref_slice %arg14[%add3A_171, %dma_start3A_190] : memref<10240x128xf32, #tpu.memory_space<vmem_shared>> -> memref<64x128xf32, #tpu.memory_space<vmem_shared>>
      tpu.enqueue_dma source(%dma_start3A_191 : memref<64x128xf32, #tpu.memory_space<vmem_shared>>) target(%dma_start3A_189 : memref<64x128xf32, #tpu.memory_space<vmem>>) target_semaphore(%run_scoped3A_180 : memref<!tpu.dma_semaphore, #tpu.memory_space<semaphore_mem>>)
      %dma_wait3A = arith.constant 0 : i32
      %dma_wait3A_192 = arith.constant 0 : i32
      %dma_wait3A_193 = tpu.memref_slice %arg13[%run_scoped3A_172, %dma_wait3A, %dma_wait3A_192] : memref<2x64x128xf32, #tpu.memory_space<vmem>> -> memref<1x64x128xf32, #tpu.memory_space<vmem>>
      %dma_wait3A_194 = tpu.memref_squeeze %dma_wait3A_193 : memref<1x64x128xf32, #tpu.memory_space<vmem>> -> memref<64x128xf32, #tpu.memory_space<vmem>>
      %dma_wait3A_195 = arith.constant 0 : i32
      %dma_wait3A_196 = tpu.memref_slice %arg14[%add3A_171, %dma_wait3A_195] : memref<10240x128xf32, #tpu.memory_space<vmem_shared>> -> memref<64x128xf32, #tpu.memory_space<vmem_shared>>
      %dma_wait3A_197 = arith.constant 0 : i32
      %dma_wait3A_198 = arith.constant 0 : i32
      %dma_wait3A_199 = tpu.memref_slice %arg13[%run_scoped3A_172, %dma_wait3A_197, %dma_wait3A_198] : memref<2x64x128xf32, #tpu.memory_space<vmem>> -> memref<1x64x128xf32, #tpu.memory_space<vmem>>
      %dma_wait3A_200 = tpu.memref_squeeze %dma_wait3A_199 : memref<1x64x128xf32, #tpu.memory_space<vmem>> -> memref<64x128xf32, #tpu.memory_space<vmem>>
      %dma_wait3A_201 = arith.constant 0 : i32
      %dma_wait3A_202 = tpu.memref_slice %arg14[%add3A_171, %dma_wait3A_201] : memref<10240x128xf32, #tpu.memory_space<vmem_shared>> -> memref<64x128xf32, #tpu.memory_space<vmem_shared>>
      tpu.wait_dma2 semaphore(%run_scoped3A_180 : memref<!tpu.dma_semaphore, #tpu.memory_space<semaphore_mem>>) src(%dma_wait3A_202 : memref<64x128xf32, #tpu.memory_space<vmem_shared>>) dst(%dma_wait3A_200 : memref<64x128xf32, #tpu.memory_space<vmem>>)
      tpu.yield
    }) : () -> ()
    %run_scoped3A_173 = arith.constant 0 : i32
    "tpu.region"() ({
      %run_scoped3A_180 = tpu.sem_alloc : memref<!tpu.dma_semaphore, #tpu.memory_space<semaphore_mem>>
      %dma_start3A = arith.constant 0 : i32
      %dma_start3A_181 = arith.constant 0 : i32
      %dma_start3A_182 = tpu.memref_slice %arg13[%run_scoped3A_173, %dma_start3A, %dma_start3A_181] : memref<2x64x128xf32, #tpu.memory_space<vmem>> -> memref<1x64x128xf32, #tpu.memory_space<vmem>>
      %dma_start3A_183 = tpu.memref_squeeze %dma_start3A_182 : memref<1x64x128xf32, #tpu.memory_space<vmem>> -> memref<64x128xf32, #tpu.memory_space<vmem>>
      %dma_start3A_184 = arith.constant 0 : i32
      %dma_start3A_185 = tpu.memref_slice %arg6[%arg0, %add3A_171, %dma_start3A_184] : memref<2x10240x128xf32, #tpu.memory_space<hbm>> -> memref<1x64x128xf32, #tpu.memory_space<hbm>>
      %dma_start3A_186 = tpu.memref_squeeze %dma_start3A_185 : memref<1x64x128xf32, #tpu.memory_space<hbm>> -> memref<64x128xf32, #tpu.memory_space<hbm>>
      %dma_start3A_187 = arith.constant 0 : i32
      %dma_start3A_188 = tpu.memref_slice %arg6[%arg0, %add3A_171, %dma_start3A_187] : memref<2x10240x128xf32, #tpu.memory_space<hbm>> -> memref<1x64x128xf32, #tpu.memory_space<hbm>>
      %dma_start3A_189 = tpu.memref_squeeze %dma_start3A_188 : memref<1x64x128xf32, #tpu.memory_space<hbm>> -> memref<64x128xf32, #tpu.memory_space<hbm>>
      %dma_start3A_190 = arith.constant 0 : i32
      %dma_start3A_191 = arith.constant 0 : i32
      %dma_start3A_192 = tpu.memref_slice %arg13[%run_scoped3A_173, %dma_start3A_190, %dma_start3A_191] : memref<2x64x128xf32, #tpu.memory_space<vmem>> -> memref<1x64x128xf32, #tpu.memory_space<vmem>>
      %dma_start3A_193 = tpu.memref_squeeze %dma_start3A_192 : memref<1x64x128xf32, #tpu.memory_space<vmem>> -> memref<64x128xf32, #tpu.memory_space<vmem>>
      tpu.enqueue_dma source(%dma_start3A_193 : memref<64x128xf32, #tpu.memory_space<vmem>>) target(%dma_start3A_189 : memref<64x128xf32, #tpu.memory_space<hbm>>) target_semaphore(%run_scoped3A_180 : memref<!tpu.dma_semaphore, #tpu.memory_space<semaphore_mem>>)
      %dma_wait3A = arith.constant 0 : i32
      %dma_wait3A_194 = arith.constant 0 : i32
      %dma_wait3A_195 = tpu.memref_slice %arg13[%run_scoped3A_173, %dma_wait3A, %dma_wait3A_194] : memref<2x64x128xf32, #tpu.memory_space<vmem>> -> memref<1x64x128xf32, #tpu.memory_space<vmem>>
      %dma_wait3A_196 = tpu.memref_squeeze %dma_wait3A_195 : memref<1x64x128xf32, #tpu.memory_space<vmem>> -> memref<64x128xf32, #tpu.memory_space<vmem>>
      %dma_wait3A_197 = arith.constant 0 : i32
      %dma_wait3A_198 = tpu.memref_slice %arg6[%arg0, %add3A_171, %dma_wait3A_197] : memref<2x10240x128xf32, #tpu.memory_space<hbm>> -> memref<1x64x128xf32, #tpu.memory_space<hbm>>
      %dma_wait3A_199 = tpu.memref_squeeze %dma_wait3A_198 : memref<1x64x128xf32, #tpu.memory_space<hbm>> -> memref<64x128xf32, #tpu.memory_space<hbm>>
      %dma_wait3A_200 = arith.constant 0 : i32
      %dma_wait3A_201 = tpu.memref_slice %arg6[%arg0, %add3A_171, %dma_wait3A_200] : memref<2x10240x128xf32, #tpu.memory_space<hbm>> -> memref<1x64x128xf32, #tpu.memory_space<hbm>>
      %dma_wait3A_202 = tpu.memref_squeeze %dma_wait3A_201 : memref<1x64x128xf32, #tpu.memory_space<hbm>> -> memref<64x128xf32, #tpu.memory_space<hbm>>
      %dma_wait3A_203 = arith.constant 0 : i32
      %dma_wait3A_204 = arith.constant 0 : i32
      %dma_wait3A_205 = tpu.memref_slice %arg13[%run_scoped3A_173, %dma_wait3A_203, %dma_wait3A_204] : memref<2x64x128xf32, #tpu.memory_space<vmem>> -> memref<1x64x128xf32, #tpu.memory_space<vmem>>
      %dma_wait3A_206 = tpu.memref_squeeze %dma_wait3A_205 : memref<1x64x128xf32, #tpu.memory_space<vmem>> -> memref<64x128xf32, #tpu.memory_space<vmem>>
      tpu.wait_dma2 semaphore(%run_scoped3A_180 : memref<!tpu.dma_semaphore, #tpu.memory_space<semaphore_mem>>) src(%dma_wait3A_206 : memref<64x128xf32, #tpu.memory_space<vmem>>) dst(%dma_wait3A_202 : memref<64x128xf32, #tpu.memory_space<hbm>>)
      tpu.yield
    }) : () -> ()
    "tpu.region"() ({
      %run_scoped3A_180 = tpu.sem_alloc : memref<!tpu.dma_semaphore, #tpu.memory_space<semaphore_mem>>
      %dma_start3A = tpu.memref_slice %arg15[%add3A_171] : memref<10240xf32, #tpu.memory_space<vmem_shared>> -> memref<64xf32, #tpu.memory_space<vmem_shared>>
      %dma_start3A_181 = tpu.memref_slice %arg15[%add3A_171] : memref<10240xf32, #tpu.memory_space<vmem_shared>> -> memref<64xf32, #tpu.memory_space<vmem_shared>>
      tpu.enqueue_dma source(%dma_start3A_181 : memref<64xf32, #tpu.memory_space<vmem_shared>>) target(%arg12 : memref<64xf32, #tpu.memory_space<vmem>>) target_semaphore(%run_scoped3A_180 : memref<!tpu.dma_semaphore, #tpu.memory_space<semaphore_mem>>)
      %dma_wait3A = tpu.memref_slice %arg15[%add3A_171] : memref<10240xf32, #tpu.memory_space<vmem_shared>> -> memref<64xf32, #tpu.memory_space<vmem_shared>>
      %dma_wait3A_182 = tpu.memref_slice %arg15[%add3A_171] : memref<10240xf32, #tpu.memory_space<vmem_shared>> -> memref<64xf32, #tpu.memory_space<vmem_shared>>
      tpu.wait_dma2 semaphore(%run_scoped3A_180 : memref<!tpu.dma_semaphore, #tpu.memory_space<semaphore_mem>>) src(%dma_wait3A_182 : memref<64xf32, #tpu.memory_space<vmem_shared>>) dst(%arg12 : memref<64xf32, #tpu.memory_space<vmem>>)
      tpu.yield
    }) : () -> ()
    "tpu.region"() ({
      %run_scoped3A_180 = tpu.sem_alloc : memref<!tpu.dma_semaphore, #tpu.memory_space<semaphore_mem>>
      %dma_start3A = tpu.memref_slice %arg7[%arg0, %add3A_171] : memref<2x10240xf32, #tpu.memory_space<hbm>> -> memref<1x64xf32, #tpu.memory_space<hbm>>
      %dma_start3A_181 = tpu.memref_squeeze %dma_start3A : memref<1x64xf32, #tpu.memory_space<hbm>> -> memref<64xf32, #tpu.memory_space<hbm>>
      %dma_start3A_182 = tpu.memref_slice %arg7[%arg0, %add3A_171] : memref<2x10240xf32, #tpu.memory_space<hbm>> -> memref<1x64xf32, #tpu.memory_space<hbm>>
      %dma_start3A_183 = tpu.memref_squeeze %dma_start3A_182 : memref<1x64xf32, #tpu.memory_space<hbm>> -> memref<64xf32, #tpu.memory_space<hbm>>
      tpu.enqueue_dma source(%arg12 : memref<64xf32, #tpu.memory_space<vmem>>) target(%dma_start3A_183 : memref<64xf32, #tpu.memory_space<hbm>>) target_semaphore(%run_scoped3A_180 : memref<!tpu.dma_semaphore, #tpu.memory_space<semaphore_mem>>)
      %dma_wait3A = tpu.memref_slice %arg7[%arg0, %add3A_171] : memref<2x10240xf32, #tpu.memory_space<hbm>> -> memref<1x64xf32, #tpu.memory_space<hbm>>
      %dma_wait3A_184 = tpu.memref_squeeze %dma_wait3A : memref<1x64xf32, #tpu.memory_space<hbm>> -> memref<64xf32, #tpu.memory_space<hbm>>
      %dma_wait3A_185 = tpu.memref_slice %arg7[%arg0, %add3A_171] : memref<2x10240xf32, #tpu.memory_space<hbm>> -> memref<1x64xf32, #tpu.memory_space<hbm>>
      %dma_wait3A_186 = tpu.memref_squeeze %dma_wait3A_185 : memref<1x64xf32, #tpu.memory_space<hbm>> -> memref<64xf32, #tpu.memory_space<hbm>>
      tpu.wait_dma2 semaphore(%run_scoped3A_180 : memref<!tpu.dma_semaphore, #tpu.memory_space<semaphore_mem>>) src(%arg12 : memref<64xf32, #tpu.memory_space<vmem>>) dst(%dma_wait3A_186 : memref<64xf32, #tpu.memory_space<hbm>>)
      tpu.yield
    }) : () -> ()
    %mul3A_174 = arith.constant 640 : i32
    %mul3A_175 = arith.muli %arg1, %mul3A_174 : i32
    %add3A_176 = arith.constant 576 : i32
    %add3A_177 = arith.addi %mul3A_175, %add3A_176 : i32
    %run_scoped3A_178 = arith.constant 0 : i32
    "tpu.region"() ({
      %run_scoped3A_180 = tpu.sem_alloc : memref<!tpu.dma_semaphore, #tpu.memory_space<semaphore_mem>>
      %dma_start3A = arith.constant 0 : i32
      %dma_start3A_181 = arith.constant 0 : i32
      %dma_start3A_182 = tpu.memref_slice %arg13[%run_scoped3A_178, %dma_start3A, %dma_start3A_181] : memref<2x64x128xf32, #tpu.memory_space<vmem>> -> memref<1x64x128xf32, #tpu.memory_space<vmem>>
      %dma_start3A_183 = tpu.memref_squeeze %dma_start3A_182 : memref<1x64x128xf32, #tpu.memory_space<vmem>> -> memref<64x128xf32, #tpu.memory_space<vmem>>
      %dma_start3A_184 = arith.constant 0 : i32
      %dma_start3A_185 = tpu.memref_slice %arg14[%add3A_177, %dma_start3A_184] : memref<10240x128xf32, #tpu.memory_space<vmem_shared>> -> memref<64x128xf32, #tpu.memory_space<vmem_shared>>
      %dma_start3A_186 = arith.constant 0 : i32
      %dma_start3A_187 = arith.constant 0 : i32
      %dma_start3A_188 = tpu.memref_slice %arg13[%run_scoped3A_178, %dma_start3A_186, %dma_start3A_187] : memref<2x64x128xf32, #tpu.memory_space<vmem>> -> memref<1x64x128xf32, #tpu.memory_space<vmem>>
      %dma_start3A_189 = tpu.memref_squeeze %dma_start3A_188 : memref<1x64x128xf32, #tpu.memory_space<vmem>> -> memref<64x128xf32, #tpu.memory_space<vmem>>
      %dma_start3A_190 = arith.constant 0 : i32
      %dma_start3A_191 = tpu.memref_slice %arg14[%add3A_177, %dma_start3A_190] : memref<10240x128xf32, #tpu.memory_space<vmem_shared>> -> memref<64x128xf32, #tpu.memory_space<vmem_shared>>
      tpu.enqueue_dma source(%dma_start3A_191 : memref<64x128xf32, #tpu.memory_space<vmem_shared>>) target(%dma_start3A_189 : memref<64x128xf32, #tpu.memory_space<vmem>>) target_semaphore(%run_scoped3A_180 : memref<!tpu.dma_semaphore, #tpu.memory_space<semaphore_mem>>)
      %dma_wait3A = arith.constant 0 : i32
      %dma_wait3A_192 = arith.constant 0 : i32
      %dma_wait3A_193 = tpu.memref_slice %arg13[%run_scoped3A_178, %dma_wait3A, %dma_wait3A_192] : memref<2x64x128xf32, #tpu.memory_space<vmem>> -> memref<1x64x128xf32, #tpu.memory_space<vmem>>
      %dma_wait3A_194 = tpu.memref_squeeze %dma_wait3A_193 : memref<1x64x128xf32, #tpu.memory_space<vmem>> -> memref<64x128xf32, #tpu.memory_space<vmem>>
      %dma_wait3A_195 = arith.constant 0 : i32
      %dma_wait3A_196 = tpu.memref_slice %arg14[%add3A_177, %dma_wait3A_195] : memref<10240x128xf32, #tpu.memory_space<vmem_shared>> -> memref<64x128xf32, #tpu.memory_space<vmem_shared>>
      %dma_wait3A_197 = arith.constant 0 : i32
      %dma_wait3A_198 = arith.constant 0 : i32
      %dma_wait3A_199 = tpu.memref_slice %arg13[%run_scoped3A_178, %dma_wait3A_197, %dma_wait3A_198] : memref<2x64x128xf32, #tpu.memory_space<vmem>> -> memref<1x64x128xf32, #tpu.memory_space<vmem>>
      %dma_wait3A_200 = tpu.memref_squeeze %dma_wait3A_199 : memref<1x64x128xf32, #tpu.memory_space<vmem>> -> memref<64x128xf32, #tpu.memory_space<vmem>>
      %dma_wait3A_201 = arith.constant 0 : i32
      %dma_wait3A_202 = tpu.memref_slice %arg14[%add3A_177, %dma_wait3A_201] : memref<10240x128xf32, #tpu.memory_space<vmem_shared>> -> memref<64x128xf32, #tpu.memory_space<vmem_shared>>
      tpu.wait_dma2 semaphore(%run_scoped3A_180 : memref<!tpu.dma_semaphore, #tpu.memory_space<semaphore_mem>>) src(%dma_wait3A_202 : memref<64x128xf32, #tpu.memory_space<vmem_shared>>) dst(%dma_wait3A_200 : memref<64x128xf32, #tpu.memory_space<vmem>>)
      tpu.yield
    }) : () -> ()
    %run_scoped3A_179 = arith.constant 0 : i32
    "tpu.region"() ({
      %run_scoped3A_180 = tpu.sem_alloc : memref<!tpu.dma_semaphore, #tpu.memory_space<semaphore_mem>>
      %dma_start3A = arith.constant 0 : i32
      %dma_start3A_181 = arith.constant 0 : i32
      %dma_start3A_182 = tpu.memref_slice %arg13[%run_scoped3A_179, %dma_start3A, %dma_start3A_181] : memref<2x64x128xf32, #tpu.memory_space<vmem>> -> memref<1x64x128xf32, #tpu.memory_space<vmem>>
      %dma_start3A_183 = tpu.memref_squeeze %dma_start3A_182 : memref<1x64x128xf32, #tpu.memory_space<vmem>> -> memref<64x128xf32, #tpu.memory_space<vmem>>
      %dma_start3A_184 = arith.constant 0 : i32
      %dma_start3A_185 = tpu.memref_slice %arg6[%arg0, %add3A_177, %dma_start3A_184] : memref<2x10240x128xf32, #tpu.memory_space<hbm>> -> memref<1x64x128xf32, #tpu.memory_space<hbm>>
      %dma_start3A_186 = tpu.memref_squeeze %dma_start3A_185 : memref<1x64x128xf32, #tpu.memory_space<hbm>> -> memref<64x128xf32, #tpu.memory_space<hbm>>
      %dma_start3A_187 = arith.constant 0 : i32
      %dma_start3A_188 = tpu.memref_slice %arg6[%arg0, %add3A_177, %dma_start3A_187] : memref<2x10240x128xf32, #tpu.memory_space<hbm>> -> memref<1x64x128xf32, #tpu.memory_space<hbm>>
      %dma_start3A_189 = tpu.memref_squeeze %dma_start3A_188 : memref<1x64x128xf32, #tpu.memory_space<hbm>> -> memref<64x128xf32, #tpu.memory_space<hbm>>
      %dma_start3A_190 = arith.constant 0 : i32
      %dma_start3A_191 = arith.constant 0 : i32
      %dma_start3A_192 = tpu.memref_slice %arg13[%run_scoped3A_179, %dma_start3A_190, %dma_start3A_191] : memref<2x64x128xf32, #tpu.memory_space<vmem>> -> memref<1x64x128xf32, #tpu.memory_space<vmem>>
      %dma_start3A_193 = tpu.memref_squeeze %dma_start3A_192 : memref<1x64x128xf32, #tpu.memory_space<vmem>> -> memref<64x128xf32, #tpu.memory_space<vmem>>
      tpu.enqueue_dma source(%dma_start3A_193 : memref<64x128xf32, #tpu.memory_space<vmem>>) target(%dma_start3A_189 : memref<64x128xf32, #tpu.memory_space<hbm>>) target_semaphore(%run_scoped3A_180 : memref<!tpu.dma_semaphore, #tpu.memory_space<semaphore_mem>>)
      %dma_wait3A = arith.constant 0 : i32
      %dma_wait3A_194 = arith.constant 0 : i32
      %dma_wait3A_195 = tpu.memref_slice %arg13[%run_scoped3A_179, %dma_wait3A, %dma_wait3A_194] : memref<2x64x128xf32, #tpu.memory_space<vmem>> -> memref<1x64x128xf32, #tpu.memory_space<vmem>>
      %dma_wait3A_196 = tpu.memref_squeeze %dma_wait3A_195 : memref<1x64x128xf32, #tpu.memory_space<vmem>> -> memref<64x128xf32, #tpu.memory_space<vmem>>
      %dma_wait3A_197 = arith.constant 0 : i32
      %dma_wait3A_198 = tpu.memref_slice %arg6[%arg0, %add3A_177, %dma_wait3A_197] : memref<2x10240x128xf32, #tpu.memory_space<hbm>> -> memref<1x64x128xf32, #tpu.memory_space<hbm>>
      %dma_wait3A_199 = tpu.memref_squeeze %dma_wait3A_198 : memref<1x64x128xf32, #tpu.memory_space<hbm>> -> memref<64x128xf32, #tpu.memory_space<hbm>>
      %dma_wait3A_200 = arith.constant 0 : i32
      %dma_wait3A_201 = tpu.memref_slice %arg6[%arg0, %add3A_177, %dma_wait3A_200] : memref<2x10240x128xf32, #tpu.memory_space<hbm>> -> memref<1x64x128xf32, #tpu.memory_space<hbm>>
      %dma_wait3A_202 = tpu.memref_squeeze %dma_wait3A_201 : memref<1x64x128xf32, #tpu.memory_space<hbm>> -> memref<64x128xf32, #tpu.memory_space<hbm>>
      %dma_wait3A_203 = arith.constant 0 : i32
      %dma_wait3A_204 = arith.constant 0 : i32
      %dma_wait3A_205 = tpu.memref_slice %arg13[%run_scoped3A_179, %dma_wait3A_203, %dma_wait3A_204] : memref<2x64x128xf32, #tpu.memory_space<vmem>> -> memref<1x64x128xf32, #tpu.memory_space<vmem>>
      %dma_wait3A_206 = tpu.memref_squeeze %dma_wait3A_205 : memref<1x64x128xf32, #tpu.memory_space<vmem>> -> memref<64x128xf32, #tpu.memory_space<vmem>>
      tpu.wait_dma2 semaphore(%run_scoped3A_180 : memref<!tpu.dma_semaphore, #tpu.memory_space<semaphore_mem>>) src(%dma_wait3A_206 : memref<64x128xf32, #tpu.memory_space<vmem>>) dst(%dma_wait3A_202 : memref<64x128xf32, #tpu.memory_space<hbm>>)
      tpu.yield
    }) : () -> ()
    "tpu.region"() ({
      %run_scoped3A_180 = tpu.sem_alloc : memref<!tpu.dma_semaphore, #tpu.memory_space<semaphore_mem>>
      %dma_start3A = tpu.memref_slice %arg15[%add3A_177] : memref<10240xf32, #tpu.memory_space<vmem_shared>> -> memref<64xf32, #tpu.memory_space<vmem_shared>>
      %dma_start3A_181 = tpu.memref_slice %arg15[%add3A_177] : memref<10240xf32, #tpu.memory_space<vmem_shared>> -> memref<64xf32, #tpu.memory_space<vmem_shared>>
      tpu.enqueue_dma source(%dma_start3A_181 : memref<64xf32, #tpu.memory_space<vmem_shared>>) target(%arg12 : memref<64xf32, #tpu.memory_space<vmem>>) target_semaphore(%run_scoped3A_180 : memref<!tpu.dma_semaphore, #tpu.memory_space<semaphore_mem>>)
      %dma_wait3A = tpu.memref_slice %arg15[%add3A_177] : memref<10240xf32, #tpu.memory_space<vmem_shared>> -> memref<64xf32, #tpu.memory_space<vmem_shared>>
      %dma_wait3A_182 = tpu.memref_slice %arg15[%add3A_177] : memref<10240xf32, #tpu.memory_space<vmem_shared>> -> memref<64xf32, #tpu.memory_space<vmem_shared>>
      tpu.wait_dma2 semaphore(%run_scoped3A_180 : memref<!tpu.dma_semaphore, #tpu.memory_space<semaphore_mem>>) src(%dma_wait3A_182 : memref<64xf32, #tpu.memory_space<vmem_shared>>) dst(%arg12 : memref<64xf32, #tpu.memory_space<vmem>>)
      tpu.yield
    }) : () -> ()
    "tpu.region"() ({
      %run_scoped3A_180 = tpu.sem_alloc : memref<!tpu.dma_semaphore, #tpu.memory_space<semaphore_mem>>
      %dma_start3A = tpu.memref_slice %arg7[%arg0, %add3A_177] : memref<2x10240xf32, #tpu.memory_space<hbm>> -> memref<1x64xf32, #tpu.memory_space<hbm>>
      %dma_start3A_181 = tpu.memref_squeeze %dma_start3A : memref<1x64xf32, #tpu.memory_space<hbm>> -> memref<64xf32, #tpu.memory_space<hbm>>
      %dma_start3A_182 = tpu.memref_slice %arg7[%arg0, %add3A_177] : memref<2x10240xf32, #tpu.memory_space<hbm>> -> memref<1x64xf32, #tpu.memory_space<hbm>>
      %dma_start3A_183 = tpu.memref_squeeze %dma_start3A_182 : memref<1x64xf32, #tpu.memory_space<hbm>> -> memref<64xf32, #tpu.memory_space<hbm>>
      tpu.enqueue_dma source(%arg12 : memref<64xf32, #tpu.memory_space<vmem>>) target(%dma_start3A_183 : memref<64xf32, #tpu.memory_space<hbm>>) target_semaphore(%run_scoped3A_180 : memref<!tpu.dma_semaphore, #tpu.memory_space<semaphore_mem>>)
      %dma_wait3A = tpu.memref_slice %arg7[%arg0, %add3A_177] : memref<2x10240xf32, #tpu.memory_space<hbm>> -> memref<1x64xf32, #tpu.memory_space<hbm>>
      %dma_wait3A_184 = tpu.memref_squeeze %dma_wait3A : memref<1x64xf32, #tpu.memory_space<hbm>> -> memref<64xf32, #tpu.memory_space<hbm>>
      %dma_wait3A_185 = tpu.memref_slice %arg7[%arg0, %add3A_177] : memref<2x10240xf32, #tpu.memory_space<hbm>> -> memref<1x64xf32, #tpu.memory_space<hbm>>
      %dma_wait3A_186 = tpu.memref_squeeze %dma_wait3A_185 : memref<1x64xf32, #tpu.memory_space<hbm>> -> memref<64xf32, #tpu.memory_space<hbm>>
      tpu.wait_dma2 semaphore(%run_scoped3A_180 : memref<!tpu.dma_semaphore, #tpu.memory_space<semaphore_mem>>) src(%arg12 : memref<64xf32, #tpu.memory_space<vmem>>) dst(%dma_wait3A_186 : memref<64xf32, #tpu.memory_space<hbm>>)
      tpu.yield
    }) : () -> ()
    return
  }
}

module attributes {stable_mosaic.version = 14 : i64} {
  func.func @_proj_body(%arg0: i32, %arg1: memref<512x128xf32, #tpu.memory_space<vmem>>, %arg2: memref<128x128xf32, #tpu.memory_space<vmem>>, %arg3: memref<2x128xf32, #tpu.memory_space<vmem>>, %arg4: memref<512x128xf32, #tpu.memory_space<vmem>>, %arg5: memref<2x512xf32, #tpu.memory_space<vmem>>) attributes {dimension_semantics = [#tpu.dimension_semantics<arbitrary>], iteration_bounds = array<i64: 20>, scalar_prefetch = 0 : i64, scratch_operands = 0 : i64, tpu.core_type = #tpu.core_type<tc>, window_params = [{transform_indices = @transform_0, window_bounds = array<i64: 512, 128>}, {pipeline_mode = #tpu.pipeline_mode<synchronous>, transform_indices = @transform_1, window_bounds = array<i64: 128, 128>}, {pipeline_mode = #tpu.pipeline_mode<synchronous>, transform_indices = @transform_2, window_bounds = array<i64: 2, 128>}, {transform_indices = @transform_3, window_bounds = array<i64: 512, 128>}, {transform_indices = @transform_4, window_bounds = array<i64: 2, 512>}]} {
    %get3A = arith.constant 0 : index
    %get3A_0 = arith.constant 0 : index
    %get3A_1 = vector.load %arg1[%get3A, %get3A_0] : memref<512x128xf32, #tpu.memory_space<vmem>>, vector<512x128xf32>
    %get3A_2 = arith.constant 0 : index
    %get3A_3 = arith.constant 0 : index
    %get3A_4 = vector.load %arg2[%get3A_2, %get3A_3] : memref<128x128xf32, #tpu.memory_space<vmem>>, vector<128x128xf32>
    %dot_general3A = arith.constant dense<0.000000e+00> : vector<512x128xf32>
    %dot_general3A_5 = tpu.matmul %get3A_1, %get3A_4, %dot_general3A {dimension_numbers = #tpu.dot_dimension_numbers<[1], [0], [0], [1], [0, 0, 1, 1], [], []>, transpose_lhs_hint = false} : vector<512x128xf32>, vector<128x128xf32>, vector<512x128xf32> -> vector<512x128xf32>
    %swap3A = arith.constant 0 : index
    %swap3A_6 = arith.constant 0 : index
    %swap3A_7 = vector.load %arg4[%swap3A, %swap3A_6] : memref<512x128xf32, #tpu.memory_space<vmem>>, vector<512x128xf32>
    tpu.vector_store %arg4[%swap3A, %swap3A_6], %dot_general3A_5 {strides = array<i32>} : memref<512x128xf32, #tpu.memory_space<vmem>>, vector<512x128xf32>,
    %get3A_8 = arith.constant 0 : index
    %get3A_9 = arith.constant 0 : index
    %get3A_10 = vector.load %arg3[%get3A_8, %get3A_9] : memref<2x128xf32, #tpu.memory_space<vmem>>, vector<2x128xf32>
    %dot_general3A_11 = arith.constant dense<0.000000e+00> : vector<2x512xf32>
    %dot_general3A_12 = tpu.matmul %get3A_10, %dot_general3A_5, %dot_general3A_11 {dimension_numbers = #tpu.dot_dimension_numbers<[1], [1], [0], [0], [0, 0, 1, 0], [], []>, transpose_lhs_hint = false} : vector<2x128xf32>, vector<512x128xf32>, vector<2x512xf32> -> vector<2x512xf32>
    %swap3A_13 = arith.constant 0 : index
    %swap3A_14 = arith.constant 0 : index
    %swap3A_15 = vector.load %arg5[%swap3A_13, %swap3A_14] : memref<2x512xf32, #tpu.memory_space<vmem>>, vector<2x512xf32>
    tpu.vector_store %arg5[%swap3A_13, %swap3A_14], %dot_general3A_12 {strides = array<i32>} : memref<2x512xf32, #tpu.memory_space<vmem>>, vector<2x512xf32>,
    return
  }
  func.func @transform_0(%arg0: i32) -> (i32, i32) {
    %c0_i32 = arith.constant 0 : i32
    %c0_i32_0 = arith.constant 0 : i32
    return %arg0, %c0_i32 : i32, i32
  }
  func.func @transform_1(%arg0: i32) -> (i32, i32) {
    %c0_i32 = arith.constant 0 : i32
    %c0_i32_0 = arith.constant 0 : i32
    %c0_i32_1 = arith.constant 0 : i32
    return %c0_i32, %c0_i32_0 : i32, i32
  }
  func.func @transform_2(%arg0: i32) -> (i32, i32) {
    %c0_i32 = arith.constant 0 : i32
    %c0_i32_0 = arith.constant 0 : i32
    %c0_i32_1 = arith.constant 0 : i32
    return %c0_i32, %c0_i32_0 : i32, i32
  }
  func.func @transform_3(%arg0: i32) -> (i32, i32) {
    %c0_i32 = arith.constant 0 : i32
    %c0_i32_0 = arith.constant 0 : i32
    return %arg0, %c0_i32 : i32, i32
  }
  func.func @transform_4(%arg0: i32) -> (i32, i32) {
    %c0_i32 = arith.constant 0 : i32
    %c0_i32_0 = arith.constant 0 : i32
    return %c0_i32, %arg0 : i32, i32
  }
}

module attributes {stable_mosaic.version = 14 : i64} {
  func.func @_combine_body(%arg0: i32, %arg1: memref<2x512x128xf32, #tpu.memory_space<vmem>>, %arg2: memref<2x512xf32, #tpu.memory_space<vmem>>, %arg3: memref<512x128xf32, #tpu.memory_space<vmem>>, %arg4: memref<512x128xf32, #tpu.memory_space<vmem>>) attributes {dimension_semantics = [#tpu.dimension_semantics<arbitrary>], iteration_bounds = array<i64: 20>, scalar_prefetch = 0 : i64, scratch_operands = 0 : i64, tpu.core_type = #tpu.core_type<tc>, window_params = [{transform_indices = @transform_0, window_bounds = array<i64: 2, 512, 128>}, {transform_indices = @transform_1, window_bounds = array<i64: 2, 512>}, {transform_indices = @transform_2, window_bounds = array<i64: 512, 128>}, {transform_indices = @transform_3, window_bounds = array<i64: 512, 128>}]} {
    %get3A = arith.constant 0 : index
    %get3A_0 = arith.constant 0 : index
    %get3A_1 = arith.constant 0 : index
    %get3A_2 = vector.load %arg1[%get3A, %get3A_0, %get3A_1] : memref<2x512x128xf32, #tpu.memory_space<vmem>>, vector<1x512x128xf32>
    %get3A_3 = vector.shape_cast %get3A_2 : vector<1x512x128xf32> to vector<512x128xf32>
    %get3A_4 = arith.constant 1 : index
    %get3A_5 = arith.constant 0 : index
    %get3A_6 = arith.constant 0 : index
    %get3A_7 = vector.load %arg1[%get3A_4, %get3A_5, %get3A_6] : memref<2x512x128xf32, #tpu.memory_space<vmem>>, vector<1x512x128xf32>
    %get3A_8 = vector.shape_cast %get3A_7 : vector<1x512x128xf32> to vector<512x128xf32>
    %add3A = arith.addf %get3A_3, %get3A_8 : vector<512x128xf32>
    %get3A_9 = arith.constant 0 : index
    %get3A_10 = arith.constant 0 : index
    %get3A_11 = vector.load %arg2[%get3A_9, %get3A_10] : memref<2x512xf32, #tpu.memory_space<vmem>>, vector<1x512xf32>
    %get3A_12 = vector.shape_cast %get3A_11 : vector<1x512xf32> to vector<512xf32>
    %get3A_13 = arith.constant 1 : index
    %get3A_14 = arith.constant 0 : index
    %get3A_15 = vector.load %arg2[%get3A_13, %get3A_14] : memref<2x512xf32, #tpu.memory_space<vmem>>, vector<1x512xf32>
    %get3A_16 = vector.shape_cast %get3A_15 : vector<1x512xf32> to vector<512xf32>
    %add3A_17 = arith.addf %get3A_12, %get3A_16 : vector<512xf32>
    %add3A_18 = arith.constant 1.000000e-16 : f32
    %add3A_19 = vector.broadcast %add3A_18 : f32 to vector<512xf32>
    %add3A_20 = arith.addf %add3A_17, %add3A_19 : vector<512xf32>
    %broadcast_in_dim3A = vector.shape_cast %add3A_20 : vector<512xf32> to vector<512x1xf32>
    %div3A = vector.broadcast %broadcast_in_dim3A : vector<512x1xf32> to vector<512x128xf32>
    %div3A_21 = arith.divf %add3A, %div3A : vector<512x128xf32>
    %gt3A = arith.constant 0.000000e+00 : f32
    %gt3A_22 = vector.broadcast %gt3A : f32 to vector<512x128xf32>
    %gt3A_23 = arith.cmpf ogt, %div3A_21, %gt3A_22 : vector<512x128xf32>
    %exp3A = math.exp %div3A_21 : vector<512x128xf32>
    %sub3A = arith.constant 1.000000e+00 : f32
    %sub3A_24 = vector.broadcast %sub3A : f32 to vector<512x128xf32>
    %sub3A_25 = arith.subf %exp3A, %sub3A_24 : vector<512x128xf32>
    %select_n3A = arith.select %gt3A_23, %div3A_21, %sub3A_25 : vector<512x128xi1>, vector<512x128xf32>
    %mul3A = arith.constant 8.000000e-01 : f32
    %mul3A_26 = vector.broadcast %mul3A : f32 to vector<512x128xf32>
    %mul3A_27 = arith.mulf %mul3A_26, %select_n3A : vector<512x128xf32>
    %get3A_28 = arith.constant 0 : index
    %get3A_29 = arith.constant 0 : index
    %get3A_30 = vector.load %arg3[%get3A_28, %get3A_29] : memref<512x128xf32, #tpu.memory_space<vmem>>, vector<512x128xf32>
    %mul3A_31 = arith.constant 2.000000e-01 : f32
    %mul3A_32 = vector.broadcast %mul3A_31 : f32 to vector<512x128xf32>
    %mul3A_33 = arith.mulf %mul3A_32, %get3A_30 : vector<512x128xf32>
    %add3A_34 = arith.addf %mul3A_27, %mul3A_33 : vector<512x128xf32>
    %swap3A = arith.constant 0 : index
    %swap3A_35 = arith.constant 0 : index
    %swap3A_36 = vector.load %arg4[%swap3A, %swap3A_35] : memref<512x128xf32, #tpu.memory_space<vmem>>, vector<512x128xf32>
    tpu.vector_store %arg4[%swap3A, %swap3A_35], %add3A_34 {strides = array<i32>} : memref<512x128xf32, #tpu.memory_space<vmem>>, vector<512x128xf32>,
    return
  }
  func.func @transform_0(%arg0: i32) -> (i32, i32, i32) {
    %c0_i32 = arith.constant 0 : i32
    %c0_i32_0 = arith.constant 0 : i32
    %c0_i32_1 = arith.constant 0 : i32
    return %c0_i32, %arg0, %c0_i32_0 : i32, i32, i32
  }
  func.func @transform_1(%arg0: i32) -> (i32, i32) {
    %c0_i32 = arith.constant 0 : i32
    %c0_i32_0 = arith.constant 0 : i32
    return %c0_i32, %arg0 : i32, i32
  }
  func.func @transform_2(%arg0: i32) -> (i32, i32) {
    %c0_i32 = arith.constant 0 : i32
    %c0_i32_0 = arith.constant 0 : i32
    return %arg0, %c0_i32 : i32, i32
  }
  func.func @transform_3(%arg0: i32) -> (i32, i32) {
    %c0_i32 = arith.constant 0 : i32
    %c0_i32_0 = arith.constant 0 : i32
    return %arg0, %c0_i32 : i32, i32
  }
}

</mosaic_0001>

<sc_bundles>
// kernel: kernel.11.cloned.1.call-start
scs
__scs_entry_jumppad:
0x0: {  	(pc) =	sbr.rel $0x88, $3  }
0x1: {  	(tag) =	ssettag $0x0;
	lr =	simm.s32 $0x1  }
0x2: {  	[smem:$0x3F99] =	sst lr;
	_ =	strace $0xD0000000  }
0x3: {  	_ = 	snop  }
0x4: {  	_ = 	snop  }
0x5: {  	_ = 	snop  }
0x6: {  	_ = 	snop  }
0x7: {  	_ = 	snop  }
__scs_overlays_trampoline_lowered:
0x8: {  	[smem:$0x3FA8] =	sst s0  }
0x9: {  	[smem:$0x3FA9] =	sst s1  }
0xa: {  	[smem:$0x3FAA] =	sst s2  }
0xb: {  	[smem:$0x3FAB] =	sst s3  }
0xc: {  	[smem:$0x3FAC] =	sst s4  }
0xd: {  	[smem:$0x3FAD] =	sst s5  }
0xe: {  	[smem:$0x3FAE] =	sst s6  }
0xf: {  	[smem:$0x3FAF] =	sst s7  }
0x10: {  	[smem:$0x3FB0] =	sst s8  }
0x11: {  	[smem:$0x3FB1] =	sst s9;
	s0 =	simm.s32 @!p0 $0x0  }
0x12: {  	s1 =	sld [smem:$0x3F97];
	s0 =	simm.s32 @p0 $0x1  }
0x13: {  	[smem:$0x3FB2] =	sst s0;
	s0 =	simm.s32 @!p1 $0x0  }
0x14: {  	s2 =	sld [smem:$0x3F96];
	s0 =	simm.s32 @p1 $0x1  }
0x15: {  	[smem:$0x3FB3] =	sst s0;
	s0 =	simm.s32 @!p2 $0x0  }
0x16: {  	s3 =	sld [smem:$0x3FDB];
	s0 =	simm.s32 @p2 $0x1  }
0x17: {  	s4 =	simm.s32 $0x1BF5;
	[smem:$0x3FB5] =	sst s0  }
0x18: {  	s0 =	sld [smem:$0x3F98];
	_ =	swait.ge [sflag:s4], $0x0  }
0x19: {  	s7 =	sld [smem:$0x3F99]  }
0x1a: {  	s8 =	sadd.s32 $0xFFFFE003, lr  }
0x1b: {  	s9 =	sadd.s32 $0xFFFFFEF7, lr;
	s5 =	simm.s32 $0xFFFFFFFF;
	p2 =	slt.u32 s8, $0xFFFFF086  }
0x1c: {  	p1 =	slt.u32 s9, $0xF7A;
	s5 =	simm.s32 @!p2 $0x0  }
0x1d: {  	s5 =	simm.s32 @p1 $0x1;
	p0 =	seq.s32 s7, s2  }
0x1e: {  	s7 =	smul.u32 @!p0 $0xF7A, s2;
	p2 =	seq.s32 @!p0 s5, $0x0  }
0x1f: {  	s9 =	smul.u32 $0xF7A, s1;
	s8 =	simm.s32 @!p0 $0x1BF5;
	p2 =	por !p2, p0  }
0x20: {  	[sflag:s8] =	ssyncset.s32 @!p0 $0xFFFFF086;
	s6 =	sadd.s32 @!p0 s3, s7;
	s7 =	simm.s32 @!p0 $0x108  }
0x21: {  	s3 =	sadd.s32 s3, s9;
	s6 =	sadd.s32 @!p0 $0x88, s6;
	s7 =	simm.s32 @p2 $0x1082  }
0x22: {  	[simem:s7], [sflag:s8] =	dma.local @!p0 [hbm:s6], $0xF7A  }
0x23: {  	s9 =	sor.u32 $0xD0000000, s2;
	s6 =	simm.s32 $0x108;
	_ =	swait.ge @!p0 [sflag:s8], $0x0  }
0x24: {  	s3 =	sadd.s32 $0x88, s3;
	s6 =	simm.s32 @!p1 $0x1082;
	[sflag:s4] =	ssyncset.s32 $0xFFFFF086  }
0x25: {  	[simem:s6], [sflag:s4] =	dma.local [hbm:s3], $0xF7A  }
0x26: {  	[smem:$0x3F99] =	sst s1;
	(tag) =	ssettag s2;
	_ =	strace s9  }
0x27: {  	s1 =	sld [smem:$0x3FA9]  }
0x28: {  	s2 =	sld [smem:$0x3FAA]  }
0x29: {  	s4 =	sld [smem:$0x3FAC]  }
0x2a: {  	p0 =	seq.s32 s5, $0x0;
	s5 =	sld [smem:$0x3FAD]  }
0x2b: {  	s6 =	sld [smem:$0x3FAE]  }
0x2c: {  	s7 =	sld [smem:$0x3FAF]  }
0x2d: {  	s3 =	simm.s32 $0x108;
	s8 =	sld [smem:$0x3FB0]  }
0x2e: {  	s3 =	simm.s32 @!p0 $0x1082;
	s9 =	sld [smem:$0x3FB1]  }
0x2f: {  	lr =	sadd.s32 s0, s3;
	s0 =	sld [smem:$0x3FA8]  }
0x30: {  	s3 =	sld [smem:$0x3FAB]  }
0x31: {  	[smem:$0x3FB4] =	sst s10  }
0x32: {  	s10 =	sld [smem:$0x3FB2];
	_ =	sdelay $0x3  }
0x33: {  	p0 =	seq.s32 s10, $0x1;
	s10 =	sld [smem:$0x3FB4];
	_ =	sdelay $0x3  }
0x34: {  	[smem:$0x3FB4] =	sst s10  }
0x35: {  	s10 =	sld [smem:$0x3FB3];
	_ =	sdelay $0x3  }
0x36: {  	p1 =	seq.s32 s10, $0x1;
	s10 =	sld [smem:$0x3FB4];
	_ =	sdelay $0x3  }
0x37: {  	[smem:$0x3FB4] =	sst s10  }
0x38: {  	s10 =	sld [smem:$0x3FB5]  }
0x39: {  	_ = 	snop;
	(pc) =	sbr.ind lr, $3  }
0x3a: {  	_ = 	snop  }
0x3b: {  	_ = 	snop  }
0x3c: {  	p2 =	seq.s32 s10, $0x1;
	s10 =	sld [smem:$0x3FB4]  }
0x3d: {  	_ =	shalt  }
0x3e: {  	_ =	shalt  }
0x3f: {  	_ =	shalt  }
0x40: {  	_ =	shalt  }
0x41: {  	_ =	shalt  }
0x42: {  	_ =	shalt  }
0x43: {  	_ =	shalt  }
0x44: {  	_ =	shalt  }
0x45: {  	_ =	shalt  }
0x46: {  	_ =	shalt  }
0x47: {  	_ =	shalt  }
0x48: {  	_ =	shalt  }
0x49: {  	_ =	shalt  }
0x4a: {  	_ =	shalt  }
0x4b: {  	_ =	shalt  }
0x4c: {  	_ =	shalt  }
0x4d: {  	_ =	shalt  }
0x4e: {  	_ =	shalt  }
0x4f: {  	_ =	shalt  }
0x50: {  	_ =	shalt  }
0x51: {  	_ =	shalt  }
0x52: {  	_ =	shalt  }
0x53: {  	_ =	shalt  }
0x54: {  	_ =	shalt  }
0x55: {  	_ =	shalt  }
0x56: {  	_ =	shalt  }
0x57: {  	_ =	shalt  }
0x58: {  	_ =	shalt  }
0x59: {  	_ =	shalt  }
0x5a: {  	_ =	shalt  }
0x5b: {  	_ =	shalt  }
0x5c: {  	_ =	shalt  }
0x5d: {  	_ =	shalt  }
0x5e: {  	_ =	shalt  }
0x5f: {  	_ =	shalt  }
0x60: {  	_ =	shalt  }
0x61: {  	_ =	shalt  }
0x62: {  	_ =	shalt  }
0x63: {  	_ =	shalt  }
0x64: {  	_ =	shalt  }
0x65: {  	_ =	shalt  }
0x66: {  	_ =	shalt  }
0x67: {  	_ =	shalt  }
0x68: {  	_ =	shalt  }
0x69: {  	_ =	shalt  }
0x6a: {  	_ =	shalt  }
0x6b: {  	_ =	shalt  }
0x6c: {  	_ =	shalt  }
0x6d: {  	_ =	shalt  }
0x6e: {  	_ =	shalt  }
0x6f: {  	_ =	shalt  }
0x70: {  	_ =	shalt  }
0x71: {  	_ =	shalt  }
0x72: {  	_ =	shalt  }
0x73: {  	_ =	shalt  }
0x74: {  	_ =	shalt  }
0x75: {  	_ =	shalt  }
0x76: {  	_ =	shalt  }
0x77: {  	_ =	shalt  }
0x78: {  	_ =	shalt  }
0x79: {  	_ =	shalt  }
0x7a: {  	_ =	shalt  }
0x7b: {  	_ =	shalt  }
0x7c: {  	_ =	shalt  }
0x7d: {  	_ =	shalt  }
0x7e: {  	_ =	shalt  }
0x7f: {  	_ =	shalt  }
0x80: {  	_ =	shalt  }
0x81: {  	_ =	shalt  }
0x82: {  	_ =	shalt  }
0x83: {  	_ =	shalt  }
0x84: {  	_ =	shalt  }
0x85: {  	_ =	shalt  }
0x86: {  	_ =	shalt  }
0x87: {  	_ =	shalt  }
.Lfunc_end0:
.L_simem_size_0:
called_computation.1_lowered:
.L_overlay_start_0:
0x88: {  	s2 =	sld [smem:$0x3FD9]  }
0x89: {  	s3 =	sld [smem:$0x3FFE];
	_ =	sdelay $0x1  }
0x8a: {  	s1 =	srdreg.scid  }
0x8b: {  	s0 =	sand.u32 $0x1, s1  }
0x8c: {  	s17 =	sshll.u32 s0, $0xA;
	s2 =	sadd.s32 s3, s2  }
0x8d: {  	s2 =	sadd.s32 s2, s17  }
0x8e: {  	[smem:$0x3FC0] =	sst s2  }
0x8f: {  	_ = 	snop  }
0x90: {  	s2 =	sld [smem:$0x3FD0];
	(tm) =	ssettm $0x1  }
0x91: {  	s18 =	sld [smem:$0x3FFB];
	_ =	sdelay $0x3  }
0x92: {  	_ =	strace s18  }
0x93: {  	s3 =	sld [smem:$0x3FFC];
	_ =	sdelay $0x3  }
0x94: {  	_ =	strace s3  }
0x95: {  	s3 =	sld [smem:$0x3FFD];
	_ =	sdelay $0x3  }
0x96: {  	_ =	strace s3  }
0x97: {  	_ =	strace $0x8FFFFFFF  }
0x98: {  	s19 =	sld [smem:$0x3FDB];
	_ =	sdelay $0x1  }
0x99: {  	s4 =	simm.s32 $_scs_section_size  }
0x9a: {  	s5 =	simm.s32 $_size__tile_overlayer_lowered;
	s6 =	simm.s32 $_tile_overlayer_lowered  }
0x9b: {  	s22 =	simm.s32 $0x1BFF;
	s21 =	sshll.u32 s6, $0x1;
	s3 =	sadd.s32 s4, s19  }
0x9c: {  	s7 =	simm.s32 $0x0;
	s20 =	sshll.u32 s5, $0x1;
	s5 =	sadd.s32 s21, s3  }
0x9d: {  	[timem:s7], [sflag:s22] =	dma.local [hbm:s5], s20  }
0x9e: {  	_ =	swait.ge [sflag:s22], s20  }
0x9f: {  	s4 =	ssub.s32 $0x0, s20;
	[sflag:s22] =	ssyncset.done $0x0  }
0xa0: {  	[sflag:s22] =	ssyncadd.s32 s4;
	_ =	sdelay $0x1  }
0xa1: {  	s23 =	simm.s32 $0x1B8B  }
0xa2: {  	_ =	swait.ge [sflag:s23], $0x1  }
0xa3: {  	[sflag:s23] =	ssyncset.done $0x0  }
0xa4: {  	s25 =	simm.s32 $0x1B8E;
	s24 =	sld [smem:$0x3FFE];
	[sflag:s23] =	ssyncadd.s32 $0xFFFFFFFF  }
0xa5: {  	s26 =	simm.s32 $execute0_lowered;
	[smem:$0x3FD2] =	sst s25  }
0xa6: {  	s5 =	sshll.u32 s26, $0x1;
	_ =	strace $0x80000049;
	[dreg:$0x1] =	wrdreg $0xFFFFFFFF  }
0xa7: {  	s28 =	simm.s32 $_size_execute0_lowered;
	s3 =	sadd.s32 s3, s5;
	[dreg:$0x0] =	wrdreg $0x0  }
0xa8: {  	s5 =	sshll.u32 s28, $0x1;
	[dreg:$0x2] =	wrdreg s3  }
0xa9: {  	[dreg:$0x3] =	wrdreg s5  }
0xaa: {  	[dreg:$0x4] =	wrdreg $0xC0  }
0xab: {  	_ =	task [dreg:s7], $0x5FFFF  }
0xac: {  	[dreg:$0x1] =	wrdreg $0xFFFFFFFF  }
0xad: {  	[dreg:$0x0] =	wrdreg $0x60  }
0xae: {  	[dreg:$0x2] =	wrdreg s24  }
0xaf: {  	[dreg:$0x3] =	wrdreg s2  }
0xb0: {  	[dreg:$0x4] =	wrdreg $0x92800  }
0xb1: {  	[dreg:$0x5] =	wrdreg $0x1D2800  }
0xb2: {  	[dreg:$0x6] =	wrdreg $0x9  }
0xb3: {  	_ =	task.clear_ibuf [dreg:s7], $0x7FFFF;
	_ =	strace $0x90000049  }
0xb4: {  	s29 =	simm.s32 $0x9;
	_ =	strace $0x8000004B  }
0xb5: {  	_ =	swait.ge [sflag:s29], $0x1  }
0xb6: {  	[sflag:s29] =	ssyncadd.s32 $0xFFFFFFFF  }
0xb7: {  	_ =	strace $0x9000004B  }
0xb8: {  	_ =	sfence  }
0xb9: {  	s30 =	sld [smem:$0x0];
	_ =	sdelay $0x2  }
0xba: {  	s31 =	sshll.u32 s1, $0xD;
	s1 =	sshrl.u32 s1, $0x2  }
0xbb: {  	s3 =	sand.u32 $0x4000, s31;
	s1 =	sadd.s32 s1, s30  }
0xbc: {  	s0 =	sor.u32 s3, s0;
	s1 =	sshll.u32 s1, $0x11  }
0xbd: {  	s0 =	sor.u32 s1, s0  }
0xbe: {  	s0 =	sadd.s32 $0x8F2B, s0  }
0xbf: {  	[sflag:s0] =	ssyncadd.remote.s32 $0x1  }
0xc0: {  	_ =	sfence.sel $0xFFFF  }
0xc1: {  	[dreg:$0x0] =	wrdreg $0xFFFFFFFF;
	(pc) =	sbr.abs _section_cstart, $3  }
0xc2: {  	[dreg:$0x1] =	wrdreg $0xFFFFFFFF  }
0xc3: {  	_ =	task.clear_ibuf [dreg:s7], $0x2FFFF;
	_ =	strace $0x9FFFFFFF  }
0xc4: {  	(tm) =	ssettm $0x7FFFFFFF  }
0xc5: {  	_ =	shalt  }
tec
execute0_lowered:
.L_overlay_start_1:
0x0: {  	(tag) =	ssettag $0x1  }
0x1: {  	s0 =	srdreg.scid;
	s1 =	stileid.u32  }
0x2: {  	s19 =	sand.u32 $0x1, s0;
	s2 =	smul.u32 $0x280, s1  }
0x3: {  	s6 =	rddreg [dreg:$0x0];
	s15 =	smul.u32 $0x14000, s1;
	s0 =	ssub.s32 $0x2, s19  }
0x4: {  	s11 =	sadd.s32 $0x3FA00, s6;
	s21 =	smul.u32 $0x140000, s19;
	s3 =	sshrl.u32 s0, $0x1  }
0x5: {  	s25 =	sor.u32 $0x40, s2;
	s4 =	sadd.s32 $0x80, s2;
	s5 =	sadd.s32 $0xC0, s2  }
0x6: {  	s7 =	sadd.s32 $0x100, s2;
	s9 =	sadd.s32 $0x140, s2;
	s12 =	sadd.s32 $0x180, s2  }
0x7: {  	s0 =	ssub.s32 s0, s3;
	[smem:$0x7F4] =	sst s25;
	s8 =	sshll.u32 s25, $0x7  }
0x8: {  	s26 =	sshll.u32 s4, $0x7;
	s14 =	sshll.u32 s5, $0x7;
	s10 =	sshll.u32 s7, $0x7  }
0x9: {  	s13 =	sshll.u32 s9, $0x7;
	s16 =	sadd.s32 s15, s21;
	s15 =	sshll.u32 s12, $0x7  }
0xa: {  	s28 =	sshll.u32 s9, $0x1;
	s29 =	sshll.u32 s12, $0x1;
	[smem:$0x7FC] =	sst s0  }
0xb: {  	[smem:$0x7F5] =	sst s26;
	s16 =	sshrl.u32 s16, $0x3;
	s17 =	sadd.s32 s21, s8  }
0xc: {  	s22 =	sadd.s32 s21, s26;
	s25 =	sadd.s32 s21, s14;
	s3 =	sadd.s32 s21, s10  }
0xd: {  	s28 =	sand.u32 $0xFF00, s28;
	s18 =	sadd.s32 s11, s16;
	s20 =	sshrl.u32 s17, $0x3  }
0xe: {  	s24 =	sshrl.u32 s22, $0x3;
	[dreg:$0x5] =	wrdreg s18;
	s23 =	sadd.s32 s11, s20  }
0xf: {  	s0 =	sshrl.u32 s25, $0x3;
	s26 =	sadd.s32 s11, s24;
	[dreg:$0x6] =	wrdreg s23  }
0x10: {  	s17 =	sshrl.u32 s3, $0x3;
	s16 =	sadd.s32 s11, s0;
	[dreg:$0x7] =	wrdreg s26  }
0x11: {  	s18 =	sadd.s32 s21, s13;
	s20 =	sadd.s32 s11, s17;
	[dreg:$0x8] =	wrdreg s16  }
0x12: {  	s0 =	sshll.u32 s4, $0x1;
	[dreg:$0x9] =	wrdreg s20;
	s22 =	sshrl.u32 s18, $0x3  }
0x13: {  	s23 =	sadd.s32 s21, s15;
	s16 =	sadd.s32 $0x1C0, s2;
	s18 =	sadd.s32 $0x240, s2  }
0x14: {  	s24 =	sadd.s32 s11, s22;
	s17 =	sshrl.u32 s23, $0x3;
	s20 =	sshll.u32 s16, $0x7  }
0x15: {  	s30 =	sshll.u32 s16, $0x1;
	s31 =	sshll.u32 s18, $0x1;
	[dreg:$0xa] =	wrdreg s24  }
0x16: {  	s25 =	sadd.s32 s11, s17;
	s17 =	sadd.s32 $0x200, s2;
	s23 =	sadd.s32 s21, s20  }
0x17: {  	s30 =	sand.u32 $0xFF00, s30;
	s31 =	sand.u32 $0xFF00, s31;
	[dreg:$0xb] =	wrdreg s25  }
0x18: {  	s22 =	sshll.u32 s17, $0x7;
	s24 =	sshrl.u32 s23, $0x3;
	s23 =	sshll.u32 s18, $0x7  }
0x19: {  	s25 =	sadd.s32 s21, s22;
	s26 =	sadd.s32 s11, s24;
	s21 =	sadd.s32 s21, s23  }
0x1a: {  	[dreg:$0xc] =	wrdreg s26;
	s3 =	sshrl.u32 s25, $0x3;
	s21 =	sshrl.u32 s21, $0x3  }
0x1b: {  	s25 =	smul.u32 $0x500, s1;
	s1 =	sshll.u32 s5, $0x1;
	s24 =	sadd.s32 s11, s3  }
0x1c: {  	s26 =	sadd.s32 s11, s21;
	s11 =	sshll.u32 s19, $0x7;
	[dreg:$0xd] =	wrdreg s24  }
0x1d: {  	s3 =	sshll.u32 s17, $0x1;
	[dreg:$0xe] =	wrdreg s26;
	s24 =	sor.u32 s11, s25  }
0x1e: {  	s21 =	sor.u32 s11, s0;
	s25 =	sand.u32 $0xFF00, s1;
	s26 =	sshll.u32 s7, $0x1  }
0x1f: {  	s28 =	sor.u32 s11, s28;
	s29 =	sor.u32 s11, s29;
	s30 =	sor.u32 s11, s30  }
0x20: {  	s1 =	sor.u32 s11, s3;
	s31 =	sor.u32 s11, s31;
	s0 =	sadd.s32 $0x8FA00, s6  }
0x21: {  	s3 =	sshll.u32 s19, $0x4;
	s25 =	sor.u32 s11, s25;
	s26 =	sor.u32 s11, s26  }
0x22: {  	s11 =	simm.s32 $0x0;
	s21 =	sshrl.u32 s21, $0x3;
	s19 =	sshrl.u32 s24, $0x3  }
0x23: {  	s1 =	sshrl.u32 s1, $0x3;
	[smem:$0x7FF] =	sst s11;
	s21 =	sadd.s32 s0, s21  }
0x24: {  	s24 =	sshrl.u32 s26, $0x3;
	s1 =	sadd.s32 s0, s1;
	[dreg:$0xf] =	wrdreg s21  }
0x25: {  	s26 =	sshrl.u32 s29, $0x3;
	s21 =	sadd.s32 s0, s24;
	[dreg:$0x12] =	wrdreg s1  }
0x26: {  	s26 =	sadd.s32 s0, s26;
	[dreg:$0x10] =	wrdreg s21  }
0x27: {  	s0 =	sadd.s32 s0, s19;
	[dreg:$0x11] =	wrdreg s26  }
0x28: {  	s1 =	sadd.s32 $0x8FA08, s6;
	[dreg:$0x13] =	wrdreg s0  }
0x29: {  	s24 =	sshrl.u32 s25, $0x3;
	s19 =	sadd.s32 s19, s1;
	s21 =	rddreg [dreg:$0x2]  }
0x2a: {  	s0 =	sadd.s32 s24, s1;
	[dreg:$0x14] =	wrdreg s19  }
0x2b: {  	s25 =	sshrl.u32 s28, $0x3;
	[dreg:$0x15] =	wrdreg s0  }
0x2c: {  	s26 =	sshrl.u32 s30, $0x3;
	s19 =	rddreg [dreg:$0x1];
	s0 =	sadd.s32 s25, s1  }
0x2d: {  	s24 =	sadd.s32 s26, s1;
	[dreg:$0x16] =	wrdreg s0  }
0x2e: {  	s26 =	stileid.u32;
	[dreg:$0x17] =	wrdreg s24;
	s0 =	sshrl.u32 s31, $0x3  }
0x2f: {  	s24 =	rddreg [dreg:$0x3];
	s25 =	smul.u32 $0x50000, s26;
	s0 =	sadd.s32 s0, s1  }
0x30: {  	s29 =	sadd.s32 $0x3000, s6;
	[dreg:$0x18] =	wrdreg s0;
	s0 =	sor.u32 s26, s3  }
0x31: {  	s1 =	sshrl.u32 s25, $0x2;
	s26 =	sadd.s32 $0x17000, s6;
	s25 =	sadd.s32 $0x3F000, s6  }
0x32: {  	s6 =	sadd.s32 $0x3F010, s6;
	_ =	strace $0x8000004A;
	[dreg:$0x19] =	wrdreg s25  }
0x33: {  	s14 =	sadd.s32 s14, s21;
	[dreg:$0x1a] =	wrdreg s6  }
0x34: {  	[dreg:$0x1d] =	wrdreg s14  }
0x35: {  	s28 =	simm.s32 $0x5280;
	s22 =	sadd.s32 s22, s21;
	s25 =	sld [smem:$0x7F4]  }
0x36: {  	s30 =	simm.s32 $0x2;
	s8 =	sadd.s32 s8, s21;
	[smem:$0x7FB] =	sst s22  }
0x37: {  	s6 =	sadd.s32 s2, s24;
	s14 =	sadd.s32 s12, s24;
	s2 =	sld [smem:$0x7F5]  }
0x38: {  	s3 =	sadd.s32 s1, s21;
	[smem:$0x7F8] =	sst s14;
	s1 =	sadd.s32 s25, s24  }
0x39: {  	s31 =	simm.s32 $0x1;
	s25 =	sadd.s32 s10, s21;
	[dreg:$0x1b] =	wrdreg s1  }
0x3a: {  	s4 =	sadd.s32 s4, s24;
	s10 =	sadd.s32 s9, s24;
	[dreg:$0x1e] =	wrdreg s25  }
0x3b: {  	s5 =	sadd.s32 s5, s24;
	s7 =	sadd.s32 s7, s24;
	[smem:$0x7F6] =	sst s10  }
0x3c: {  	s18 =	sadd.s32 s18, s24;
	s1 =	sadd.s32 s2, s21;
	s25 =	sld [smem:$0x7FC]  }
0x3d: {  	s22 =	smul.u32 $0x5000, s0;
	s2 =	sadd.s32 s13, s21;
	[dreg:$0x1c] =	wrdreg s1  }
0x3e: {  	s13 =	sadd.s32 s15, s21;
	s15 =	sadd.s32 s20, s21;
	[dreg:$0x1f] =	wrdreg s2  }
0x3f: {  	s20 =	sadd.s32 s16, s24;
	s16 =	sadd.s32 s17, s24;
	[smem:$0x7F7] =	sst s13  }
0x40: {  	s17 =	sadd.s32 s23, s21;
	s23 =	simm.s32 $0x5200;
	[smem:$0x7F9] =	sst s15  }
0x41: {  	[smem:$0x7FA] =	sst s20;
	s20 =	simm.s32 $0x40;
	s0 =	smax.u32 s25, $0x1  }
0x42: {  	v0 =	vimm.f32 $0.0e+00;
	s25 =	simm.s32 $0x2800;
	[smem:$0x7FD] =	sst s0;
	s0 =	simm.s32 $0x0  }
.LBB2_1:
0x43: {  	s1 =	rddreg [dreg:$0x19];
	s2 =	simm.s32 $0x80;
	s9 =	simm.s32 $0x100  }
0x44: {  	[tilespmem:s11], [sflag:$0x2] =	stream.strided.gather [hbm4b:s1+s2], $0x2800, s9, s2, $0x38;
	[tilespmem:$0x1D500] =	vst v63  }
0x45: {  	_ =	swait.ge [sflag:s30], $0x2800  }
0x46: {  	[sflag:s30] =	ssyncset.done $0x0  }
0x47: {  	s15 =	rddreg [dreg:$0x1a];
	[sflag:s30] =	ssyncadd.s32 $0xFFFFD800  }
0x48: {  	[tilespmem:s25], [sflag:$0x2] =	stream.strided.gather [hbm4b:s15+s2], $0x2800, s9, s2, $0x38;
	[tilespmem:$0x1D500] =	vst v63  }
0x49: {  	_ =	swait.ge [sflag:s30], $0x2800  }
0x4a: {  	[sflag:s30] =	ssyncset.done $0x0  }
0x4b: {  	s1 =	simm.s32 $0x0;
	s2 =	simm.s32 $0x200;
	[sflag:s30] =	ssyncadd.s32 $0xFFFFD800  }
.LBB2_2:
0x4c: {  	p0 =	sne.s32 s2, $0x7E00;
	[tilespmem:s1+$0x52F0] =	vst v0  }
0x4d: {  	[tilespmem:s1+$0x5280] =	vst v0  }
0x4e: {  	[tilespmem:s1+$0x5290] =	vst v0  }
.Ltmp0:
0x4f: {  	[tilespmem:s1+$0x52A0] =	vst v0;
	(pc) =	sbr.rel @p0 .LBB2_2-.Ltmp0, $4  }
0x50: {  	[tilespmem:s1+$0x52B0] =	vst v0  }
0x51: {  	[tilespmem:s1+$0x52C0] =	vst v0  }
0x52: {  	[tilespmem:s1+$0x52D0] =	vst v0  }
0x53: {  	[tilespmem:s1+$0x52E0] =	vst v0;
	s1 =	sshra.s32 s2, $0x2;
	s2 =	sadd.s32 $0x200, s2  }
0x54: {  	[tilespmem:s1+$0x52F0] =	vst v0  }
0x55: {  	[tilespmem:s1+$0x5280] =	vst v0  }
0x56: {  	[tilespmem:s1+$0x5290] =	vst v0  }
0x57: {  	[tilespmem:s1+$0x52A0] =	vst v0  }
0x58: {  	[tilespmem:s1+$0x52B0] =	vst v0  }
0x59: {  	[tilespmem:s1+$0x52C0] =	vst v0  }
0x5a: {  	[tilespmem:s1+$0x52D0] =	vst v0  }
0x5b: {  	[tilespmem:s1+$0x52E0] =	vst v0  }
0x5c: {  	[tilespmem:$0x5200] =	vst v0  }
0x5d: {  	[tilespmem:$0x5210] =	vst v0  }
0x5e: {  	[tilespmem:$0x5220] =	vst v0  }
0x5f: {  	[tilespmem:$0x5230] =	vst v0  }
0x60: {  	[spmem:s3] =	stream.linear.scatter [tilespmem:s28], [sflag:$0x2], $0x2000, $0x38;
	[tilespmem:$0x1D500] =	vst v63  }
0x61: {  	_ =	swait.ge [sflag:s30], $0x2000  }
0x62: {  	[sflag:s30] =	ssyncset.done $0x0  }
0x63: {  	[sflag:s30] =	ssyncadd.s32 $0xFFFFE000  }
0x64: {  	[spmem:s6] =	stream.linear.scatter [tilespmem:s23], [sflag:$0x2], $0x40, $0x38;
	[tilespmem:$0x1D500] =	vst v63  }
0x65: {  	_ =	swait.ge [sflag:s30], $0x40  }
0x66: {  	[sflag:s30] =	ssyncset.done $0x0  }
0x67: {  	[sflag:s30] =	ssyncadd.s32 $0xFFFFFFC0  }
0x68: {  	[spmem:s8] =	stream.linear.scatter [tilespmem:s28], [sflag:$0x2], $0x2000, $0x38;
	[tilespmem:$0x1D500] =	vst v63  }
0x69: {  	_ =	swait.ge [sflag:s30], $0x2000  }
0x6a: {  	[sflag:s30] =	ssyncset.done $0x0  }
0x6b: {  	s12 =	smov.u32 s8;
	s8 =	rddreg [dreg:$0x1b];
	[sflag:s30] =	ssyncadd.s32 $0xFFFFE000  }
0x6c: {  	[spmem:s8] =	stream.linear.scatter [tilespmem:s23], [sflag:$0x2], $0x40, $0x38;
	[tilespmem:$0x1D500] =	vst v63  }
0x6d: {  	_ =	swait.ge [sflag:s30], $0x40  }
0x6e: {  	[sflag:s30] =	ssyncset.done $0x0  }
0x6f: {  	s13 =	rddreg [dreg:$0x1c];
	[sflag:s30] =	ssyncadd.s32 $0xFFFFFFC0  }
0x70: {  	[spmem:s13] =	stream.linear.scatter [tilespmem:s28], [sflag:$0x2], $0x2000, $0x38;
	[tilespmem:$0x1D500] =	vst v63  }
0x71: {  	_ =	swait.ge [sflag:s30], $0x2000  }
0x72: {  	[sflag:s30] =	ssyncset.done $0x0  }
0x73: {  	[sflag:s30] =	ssyncadd.s32 $0xFFFFE000  }
0x74: {  	[spmem:s4] =	stream.linear.scatter [tilespmem:s23], [sflag:$0x2], $0x40, $0x38;
	[tilespmem:$0x1D500] =	vst v63  }
0x75: {  	_ =	swait.ge [sflag:s30], $0x40  }
0x76: {  	[sflag:s30] =	ssyncset.done $0x0  }
0x77: {  	s14 =	rddreg [dreg:$0x1d];
	[sflag:s30] =	ssyncadd.s32 $0xFFFFFFC0  }
0x78: {  	[spmem:s14] =	stream.linear.scatter [tilespmem:s28], [sflag:$0x2], $0x2000, $0x38;
	[tilespmem:$0x1D500] =	vst v63  }
0x79: {  	_ =	swait.ge [sflag:s30], $0x2000  }
0x7a: {  	[sflag:s30] =	ssyncset.done $0x0  }
0x7b: {  	[sflag:s30] =	ssyncadd.s32 $0xFFFFE000  }
0x7c: {  	[spmem:s5] =	stream.linear.scatter [tilespmem:s23], [sflag:$0x2], $0x40, $0x38;
	[tilespmem:$0x1D500] =	vst v63  }
0x7d: {  	_ =	swait.ge [sflag:s30], $0x40  }
0x7e: {  	[sflag:s30] =	ssyncset.done $0x0  }
0x7f: {  	s15 =	rddreg [dreg:$0x1e];
	[sflag:s30] =	ssyncadd.s32 $0xFFFFFFC0  }
0x80: {  	[spmem:s15] =	stream.linear.scatter [tilespmem:s28], [sflag:$0x2], $0x2000, $0x38;
	[tilespmem:$0x1D500] =	vst v63  }
0x81: {  	_ =	swait.ge [sflag:s30], $0x2000  }
0x82: {  	[sflag:s30] =	ssyncset.done $0x0  }
0x83: {  	[sflag:s30] =	ssyncadd.s32 $0xFFFFE000  }
0x84: {  	[spmem:s7] =	stream.linear.scatter [tilespmem:s23], [sflag:$0x2], $0x40, $0x38;
	[tilespmem:$0x1D500] =	vst v63  }
0x85: {  	_ =	swait.ge [sflag:s30], $0x40  }
0x86: {  	[sflag:s30] =	ssyncset.done $0x0  }
0x87: {  	s2 =	rddreg [dreg:$0x1f];
	[sflag:s30] =	ssyncadd.s32 $0xFFFFFFC0  }
0x88: {  	[spmem:s2] =	stream.linear.scatter [tilespmem:s28], [sflag:$0x2], $0x2000, $0x38;
	[tilespmem:$0x1D500] =	vst v63  }
0x89: {  	_ =	swait.ge [sflag:s30], $0x2000  }
0x8a: {  	s9 =	smov.u32 s3;
	s3 =	sld [smem:$0x7F6]  }
0x8b: {  	[sflag:s30] =	ssyncset.done $0x0  }
0x8c: {  	[sflag:s30] =	ssyncadd.s32 $0xFFFFE000  }
0x8d: {  	[spmem:s3] =	stream.linear.scatter [tilespmem:s23], [sflag:$0x2], $0x40, $0x38;
	[tilespmem:$0x1D500] =	vst v63  }
0x8e: {  	_ =	swait.ge [sflag:s30], $0x40  }
0x8f: {  	s13 =	smov.u32 s4;
	s4 =	sld [smem:$0x7F7]  }
0x90: {  	[sflag:s30] =	ssyncset.done $0x0  }
0x91: {  	[sflag:s30] =	ssyncadd.s32 $0xFFFFFFC0  }
0x92: {  	[spmem:s4] =	stream.linear.scatter [tilespmem:s28], [sflag:$0x2], $0x2000, $0x38;
	[tilespmem:$0x1D500] =	vst v63  }
0x93: {  	_ =	swait.ge [sflag:s30], $0x2000  }
0x94: {  	s14 =	smov.u32 s5;
	s5 =	sld [smem:$0x7F8]  }
0x95: {  	[sflag:s30] =	ssyncset.done $0x0  }
0x96: {  	[sflag:s30] =	ssyncadd.s32 $0xFFFFE000  }
0x97: {  	[spmem:s5] =	stream.linear.scatter [tilespmem:s23], [sflag:$0x2], $0x40, $0x38;
	[tilespmem:$0x1D500] =	vst v63  }
0x98: {  	_ =	swait.ge [sflag:s30], $0x40  }
0x99: {  	s10 =	smov.u32 s6;
	s6 =	sld [smem:$0x7F9]  }
0x9a: {  	[sflag:s30] =	ssyncset.done $0x0  }
0x9b: {  	[sflag:s30] =	ssyncadd.s32 $0xFFFFFFC0  }
0x9c: {  	[spmem:s6] =	stream.linear.scatter [tilespmem:s28], [sflag:$0x2], $0x2000, $0x38;
	[tilespmem:$0x1D500] =	vst v63  }
0x9d: {  	_ =	swait.ge [sflag:s30], $0x2000  }
0x9e: {  	s15 =	smov.u32 s7;
	s7 =	sld [smem:$0x7FA]  }
0x9f: {  	[sflag:s30] =	ssyncset.done $0x0  }
0xa0: {  	[sflag:s30] =	ssyncadd.s32 $0xFFFFE000  }
0xa1: {  	[spmem:s7] =	stream.linear.scatter [tilespmem:s23], [sflag:$0x2], $0x40, $0x38;
	[tilespmem:$0x1D500] =	vst v63  }
0xa2: {  	_ =	swait.ge [sflag:s30], $0x40  }
0xa3: {  	s8 =	sld [smem:$0x7FB]  }
0xa4: {  	[sflag:s30] =	ssyncset.done $0x0  }
0xa5: {  	[sflag:s30] =	ssyncadd.s32 $0xFFFFFFC0  }
0xa6: {  	[spmem:s8] =	stream.linear.scatter [tilespmem:s28], [sflag:$0x2], $0x2000, $0x38;
	[tilespmem:$0x1D500] =	vst v63  }
0xa7: {  	_ =	swait.ge [sflag:s30], $0x2000  }
0xa8: {  	[sflag:s30] =	ssyncset.done $0x0  }
0xa9: {  	[sflag:s30] =	ssyncadd.s32 $0xFFFFE000  }
0xaa: {  	[spmem:s16] =	stream.linear.scatter [tilespmem:s23], [sflag:$0x2], $0x40, $0x38;
	[tilespmem:$0x1D500] =	vst v63  }
0xab: {  	_ =	swait.ge [sflag:s30], $0x40  }
0xac: {  	[sflag:s30] =	ssyncset.done $0x0  }
0xad: {  	[sflag:s30] =	ssyncadd.s32 $0xFFFFFFC0  }
0xae: {  	[spmem:s17] =	stream.linear.scatter [tilespmem:s28], [sflag:$0x2], $0x2000, $0x38;
	[tilespmem:$0x1D500] =	vst v63  }
0xaf: {  	_ =	swait.ge [sflag:s30], $0x2000  }
0xb0: {  	[sflag:s30] =	ssyncset.done $0x0  }
0xb1: {  	[sflag:s30] =	ssyncadd.s32 $0xFFFFE000  }
0xb2: {  	[spmem:s18] =	stream.linear.scatter [tilespmem:s23], [sflag:$0x2], $0x40, $0x38;
	[tilespmem:$0x1D500] =	vst v63  }
0xb3: {  	_ =	swait.ge [sflag:s30], $0x40  }
0xb4: {  	[sflag:s30] =	ssyncset.done $0x0  }
0xb5: {  	s1 =	simm.s32 $0x0;
	[sflag:s30] =	ssyncadd.s32 $0xFFFFFFC0  }
0xb6: {  	p0 =	por $0x0, $0x0;
	s2 =	simm.s32 $0x0;
	[bflag:$0x0] =	sbarrier.arrive $0xFFFF  }
.LBB2_4:
0xb7: {  	s3 =	sshll.u32 s2, $0x7  }
0xb8: {  	s4 =	sand.u32 $0x7C00, s3  }
0xb9: {  	s3 =	sand.u32 $0x380, s3;
	s4 =	sadd.s32 s22, s4  }
0xba: {  	s5 =	sand.u32 $0x1, s2;
	s3 =	sor.u32 s3, s4  }
0xbb: {  	s6 =	sshll.u32 s5, $0x7;
	s4 =	sshrl.u32 s3, $0x3  }
0xbc: {  	s7 =	sor.u32 $0x5000, s6;
	s3 =	sadd.s32 s19, s4  }
0xbd: {  	[tilespmem:s7], [sflag:$0x2] =	stream.linear.gather [hbm4b:s3+s1], $0x80, $0x38;
	[tilespmem:$0x1D500] =	vst v63  }
0xbe: {  	_ =	swait.ge [sflag:s30], $0x80  }
0xbf: {  	[sflag:s30] =	ssyncset.done $0x0  }
0xc0: {  	s4 =	sadd.s32 s29, s4;
	s3 =	sor.u32 $0x5100, s6;
	[sflag:s30] =	ssyncadd.s32 $0xFFFFFF80  }
0xc1: {  	[tilespmem:s3], [sflag:$0x2] =	stream.linear.gather [hbm4b:s4+s1], $0x80, $0x38;
	[tilespmem:$0x1D500] =	vst v63  }
0xc2: {  	_ =	swait.ge [sflag:s30], $0x80  }
0xc3: {  	s8 =	sshll.u32 s5, $0xD;
	[sflag:s30] =	ssyncset.done $0x0  }
0xc4: {  	s4 =	sor.u32 $0x5280, s8;
	[sflag:s30] =	ssyncadd.s32 $0xFFFFFF80  }
0xc5: {  	[tilespmem:s4], [sflag:$0x1] =	stream.indirect.gather [hbm4b:s26+s20], $0x80, s7, s20, $0xb8;
	[tilespmem:$0x1D500] =	vst v63  }
0xc6: {  	v1 =	vld [tilespmem:s6+$0x5000]  }
0xc7: {  	v2 =	vld [tilespmem:s6+$0x5100];
	_ =	sdelay $0x6  }
0xc8: {  	v1 =	vld.idx.msk [tilespmem:v1+s1+$0x0], $0xffff  }
0xc9: {  	v2 =	vld.idx.msk [tilespmem:v2+s25+$0x0], $0xffff;
	_ =	sdelay $0x4  }
0xca: {  	v1 =	vadd.f32 v2, v1;
	_ =	sdelay $0x1  }
0xcb: {  	v2 =	vmul.f32 $2.000000030e-01, v1  }
0xcc: {  	vm0 =	vge.f32 v1, $0.0e+00  }
0xcd: {  	v1 =	vsel vm0, v1, v2  }
0xce: {  	v1 =	vmul.f32 $1.442695020e+00, v1;
	_ =	sdelay $0x1  }
0xcf: {  	(erf) = vpow2.f32 v1;
	_ =	sdelay $0x8  }
0xd0: {  	v1 =	vpop (erf)  }
0xd1: {  	[tilespmem:$0x5200] =	vst v1  }
0xd2: {  	v1 =	vld [tilespmem:s6+$0x5010]  }
0xd3: {  	v2 =	vld [tilespmem:s6+$0x5110];
	_ =	sdelay $0x6  }
0xd4: {  	v1 =	vld.idx.msk [tilespmem:v1+s1+$0x0], $0xffff  }
0xd5: {  	v2 =	vld.idx.msk [tilespmem:v2+s25+$0x0], $0xffff;
	_ =	sdelay $0x4  }
0xd6: {  	v1 =	vadd.f32 v2, v1;
	_ =	sdelay $0x1  }
0xd7: {  	v2 =	vmul.f32 $2.000000030e-01, v1  }
0xd8: {  	vm13 =	vge.f32 v1, $0.0e+00  }
0xd9: {  	v1 =	vsel vm13, v1, v2  }
0xda: {  	v1 =	vmul.f32 $1.442695020e+00, v1;
	_ =	sdelay $0x1  }
0xdb: {  	(erf) = vpow2.f32 v1;
	_ =	sdelay $0x8  }
0xdc: {  	v1 =	vpop (erf)  }
0xdd: {  	[tilespmem:$0x5210] =	vst v1  }
0xde: {  	v1 =	vld [tilespmem:s6+$0x5020]  }
0xdf: {  	v2 =	vld [tilespmem:s6+$0x5120];
	_ =	sdelay $0x6  }
0xe0: {  	v1 =	vld.idx.msk [tilespmem:v1+s1+$0x0], $0xffff  }
0xe1: {  	v2 =	vld.idx.msk [tilespmem:v2+s25+$0x0], $0xffff;
	_ =	sdelay $0x4  }
0xe2: {  	v1 =	vadd.f32 v2, v1;
	_ =	sdelay $0x1  }
0xe3: {  	v2 =	vmul.f32 $2.000000030e-01, v1  }
0xe4: {  	vm14 =	vge.f32 v1, $0.0e+00  }
0xe5: {  	v1 =	vsel vm14, v1, v2  }
0xe6: {  	v1 =	vmul.f32 $1.442695020e+00, v1;
	_ =	sdelay $0x1  }
0xe7: {  	(erf) = vpow2.f32 v1;
	_ =	sdelay $0x8  }
0xe8: {  	v1 =	vpop (erf)  }
0xe9: {  	[tilespmem:$0x5220] =	vst v1  }
0xea: {  	v1 =	vld [tilespmem:s6+$0x5030]  }
0xeb: {  	v2 =	vld [tilespmem:s6+$0x5130];
	_ =	sdelay $0x6  }
0xec: {  	v1 =	vld.idx.msk [tilespmem:v1+s1+$0x0], $0xffff  }
0xed: {  	v2 =	vld.idx.msk [tilespmem:v2+s25+$0x0], $0xffff;
	_ =	sdelay $0x4  }
0xee: {  	v1 =	vadd.f32 v2, v1;
	_ =	sdelay $0x1  }
0xef: {  	v2 =	vmul.f32 $2.000000030e-01, v1  }
0xf0: {  	vm15 =	vge.f32 v1, $0.0e+00  }
0xf1: {  	v1 =	vsel vm15, v1, v2  }
0xf2: {  	v1 =	vmul.f32 $1.442695020e+00, v1;
	_ =	sdelay $0x1  }
0xf3: {  	(erf) = vpow2.f32 v1;
	_ =	sdelay $0x8  }
0xf4: {  	v1 =	vpop (erf)  }
0xf5: {  	[tilespmem:$0x5230] =	vst v1  }
0xf6: {  	[spmem:s24] =	stream.indirect.scatter.add.f32 [tilespmem:s23], [sflag:$0x2], $0x1, s3, s20, $0xb8;
	[tilespmem:$0x1D500] =	vst v63  }
0xf7: {  	_ =	swait.ge [sflag:s30], $0x40  }
0xf8: {  	[sflag:s30] =	ssyncset.done $0x0  }
0xf9: {  	s5 =	simm.s32 $0x1;
	[sflag:s30] =	ssyncadd.s32 $0xFFFFFFC0  }
0xfa: {  	s5 =	simm.s32 @!p0 $0x0;
	_ =	swait.ge [sflag:s31], $0x2000  }
0xfb: {  	s5 =	sshll.u32 s5, $0xD;
	v1 =	vmov s1;
	[sflag:s31] =	ssyncset.done $0x0  }
0xfc: {  	s7 =	sor.u32 $0x52C0, s5;
	[sflag:s31] =	ssyncadd.s32 $0xFFFFE000  }
0xfd: {  	v5 =	vld [tilespmem:s7+$0x30]  }
0xfe: {  	v8 =	vld [tilespmem:s7+$0x10]  }
0xff: {  	v6 =	vld [tilespmem:s7+$0xFFFFFFC0]  }
0x100: {  	v2 =	vld.idx.msk [tilespmem:v1+s23+$0x0], $0xffff  }
0x101: {  	v10 =	vld [tilespmem:s7+$0xFFFFFFE0]  }
0x102: {  	v1 =	vld [tilespmem:s7+$0xFFFFFFF0]  }
0x103: {  	v3 =	vld [tilespmem:s7+$0x20]  }
0x104: {  	v4 =	vld [tilespmem:s7+$0xFFFFFFD0]  }
0x105: {  	v9 =	vmul.f32 v5, v2;
	v5 =	vld [tilespmem:s7+$0x0]  }
0x106: {  	v7 =	vmul.f32 v6, v2  }
0x107: {  	s5 =	smov.u32 s7;
	s6 =	simm.s32 $0x1;
	v6 =	vmul.f32 v10, v2;
	v8 =	vmul.f32 v8, v2  }
.LBB2_5:
0x108: {  	p1 =	sne.s32 s6, $0x3F  }
0x109: {  	v4 =	vmul.f32 v4, v2;
	v3 =	vmul.f32 v3, v2;
	[tilespmem:s7+$0x30] =	vst v9;
	s5 =	sadd.s32 $0x80, s5;
	s8 =	smov.u32 s6;
	s6 =	sadd.s32 $0x1, s6  }
0x10a: {  	[tilespmem:s7+$0xFFFFFFC0] =	vst v7;
	v7 =	vmul.f32 v1, v2;
	v2 =	vmul.f32 v5, v2  }
0x10b: {  	[tilespmem:s7+$0x10] =	vst v8  }
0x10c: {  	v5 =	vmov s8;
	[tilespmem:s7+$0xFFFFFFE0] =	vst v6  }
0x10d: {  	v1 =	vld [tilespmem:s5+$0xFFFFFFF0];
	[tilespmem:s7+$0xFFFFFFF0] =	vst v7  }
0x10e: {  	v6 =	vld [tilespmem:s5+$0x30];
	[tilespmem:s7+$0x0] =	vst v2  }
0x10f: {  	v8 =	vld [tilespmem:s5+$0x10];
	[tilespmem:s7+$0x20] =	vst v3  }
0x110: {  	v7 =	vld [tilespmem:s5+$0xFFFFFFC0];
	[tilespmem:s7+$0xFFFFFFD0] =	vst v4;
	s7 =	smov.u32 s5  }
0x111: {  	v2 =	vld.idx.msk [tilespmem:v5+s23+$0x0], $0xffff  }
0x112: {  	v10 =	vld [tilespmem:s5+$0xFFFFFFE0]  }
0x113: {  	v3 =	vld [tilespmem:s5+$0x20]  }
.Ltmp1:
0x114: {  	v4 =	vld [tilespmem:s5+$0xFFFFFFD0];
	(pc) =	sbr.rel @p1 .LBB2_5-.Ltmp1, $3  }
0x115: {  	v5 =	vld [tilespmem:s5+$0x0];
	_ =	sdelay $0x1  }
0x116: {  	v7 =	vmul.f32 v7, v2;
	v9 =	vmul.f32 v6, v2  }
0x117: {  	v8 =	vmul.f32 v8, v2;
	v6 =	vmul.f32 v10, v2  }
0x118: {  	[tilespmem:s7+$0x30] =	vst v9  }
0x119: {  	[tilespmem:s7+$0xFFFFFFC0] =	vst v7  }
0x11a: {  	v1 =	vmul.f32 v1, v2;
	[tilespmem:s7+$0x10] =	vst v8  }
0x11b: {  	v3 =	vmul.f32 v3, v2;
	[tilespmem:s7+$0xFFFFFFE0] =	vst v6  }
0x11c: {  	v5 =	vmul.f32 v5, v2;
	[tilespmem:s7+$0xFFFFFFF0] =	vst v1  }
0x11d: {  	s2 =	sadd.s32 $0x1, s2;
	v1 =	vmul.f32 v4, v2;
	[tilespmem:s7+$0x20] =	vst v3  }
0x11e: {  	p1 =	sne.s32 s2, $0xA0;
	[tilespmem:s7+$0x0] =	vst v5  }
.Ltmp2:
0x11f: {  	[tilespmem:s7+$0xFFFFFFD0] =	vst v1;
	(pc) =	sbr.rel @p1 .LBB2_4-.Ltmp2, $4  }
0x120: {  	[spmem:s21] =	stream.indirect.scatter.add.f32 [tilespmem:s4], [sflag:$0x2], $0x80, s3, s20, $0xb8;
	[tilespmem:$0x1D500] =	vst v63  }
0x121: {  	_ =	swait.ge [sflag:s30], $0x2000  }
0x122: {  	[sflag:s30] =	ssyncset.done $0x0  }
0x123: {  	p0 =	por !p0, !p0;
	[sflag:s30] =	ssyncadd.s32 $0xFFFFE000  }
0x124: {  	[bflag:$0x0] =	sbarrier.arrive $0xFFFF  }
0x125: {  	[tilespmem:s28], [sflag:$0x2] =	stream.linear.gather [spmem:s9], $0x2000, $0x38;
	[tilespmem:$0x1D500] =	vst v63  }
0x126: {  	_ =	swait.ge [sflag:s30], $0x2000  }
0x127: {  	[sflag:s30] =	ssyncset.done $0x0  }
0x128: {  	s1 =	rddreg [dreg:$0x5];
	[sflag:s30] =	ssyncadd.s32 $0xFFFFE000  }
0x129: {  	[hbm4b:s1+s11] =	stream.linear.scatter [tilespmem:s28], [sflag:$0x2], $0x2000, $0x38;
	[tilespmem:$0x1D500] =	vst v63  }
0x12a: {  	_ =	swait.ge [sflag:s30], $0x2000  }
0x12b: {  	[sflag:s30] =	ssyncset.done $0x0  }
0x12c: {  	[sflag:s30] =	ssyncadd.s32 $0xFFFFE000  }
0x12d: {  	[tilespmem:s23], [sflag:$0x2] =	stream.linear.gather [spmem:s10], $0x40, $0x38;
	[tilespmem:$0x1D500] =	vst v63  }
0x12e: {  	_ =	swait.ge [sflag:s30], $0x40  }
0x12f: {  	[sflag:s30] =	ssyncset.done $0x0  }
0x130: {  	s6 =	smov.u32 s10;
	s10 =	rddreg [dreg:$0x13];
	[sflag:s30] =	ssyncadd.s32 $0xFFFFFFC0  }
0x131: {  	[hbm4b:s10+s11] =	stream.linear.scatter [tilespmem:s23], [sflag:$0x2], $0x40, $0x38;
	[tilespmem:$0x1D500] =	vst v63  }
0x132: {  	_ =	swait.ge [sflag:s30], $0x40  }
0x133: {  	[sflag:s30] =	ssyncset.done $0x0  }
0x134: {  	[sflag:s30] =	ssyncadd.s32 $0xFFFFFFC0  }
0x135: {  	[tilespmem:s28], [sflag:$0x2] =	stream.linear.gather [spmem:s12], $0x2000, $0x38;
	[tilespmem:$0x1D500] =	vst v63  }
0x136: {  	_ =	swait.ge [sflag:s30], $0x2000  }
0x137: {  	[sflag:s30] =	ssyncset.done $0x0  }
0x138: {  	s2 =	rddreg [dreg:$0x6];
	[sflag:s30] =	ssyncadd.s32 $0xFFFFE000  }
0x139: {  	[hbm4b:s2+s11] =	stream.linear.scatter [tilespmem:s28], [sflag:$0x2], $0x2000, $0x38;
	[tilespmem:$0x1D500] =	vst v63  }
0x13a: {  	_ =	swait.ge [sflag:s30], $0x2000  }
0x13b: {  	[sflag:s30] =	ssyncset.done $0x0  }
0x13c: {  	s4 =	rddreg [dreg:$0x1b];
	[sflag:s30] =	ssyncadd.s32 $0xFFFFE000  }
0x13d: {  	[tilespmem:s23], [sflag:$0x2] =	stream.linear.gather [spmem:s4], $0x40, $0x38;
	[tilespmem:$0x1D500] =	vst v63  }
0x13e: {  	_ =	swait.ge [sflag:s30], $0x40  }
0x13f: {  	[sflag:s30] =	ssyncset.done $0x0  }
0x140: {  	s5 =	rddreg [dreg:$0x14];
	[sflag:s30] =	ssyncadd.s32 $0xFFFFFFC0  }
0x141: {  	[hbm4b:s5+s11] =	stream.linear.scatter [tilespmem:s23], [sflag:$0x2], $0x40, $0x38;
	[tilespmem:$0x1D500] =	vst v63  }
0x142: {  	_ =	swait.ge [sflag:s30], $0x40  }
0x143: {  	[sflag:s30] =	ssyncset.done $0x0  }
0x144: {  	s7 =	rddreg [dreg:$0x1c];
	[sflag:s30] =	ssyncadd.s32 $0xFFFFFFC0  }
0x145: {  	[tilespmem:s28], [sflag:$0x2] =	stream.linear.gather [spmem:s7], $0x2000, $0x38;
	[tilespmem:$0x1D500] =	vst v63  }
0x146: {  	_ =	swait.ge [sflag:s30], $0x2000  }
0x147: {  	[sflag:s30] =	ssyncset.done $0x0  }
0x148: {  	s3 =	smov.u32 s9;
	s9 =	rddreg [dreg:$0x7];
	[sflag:s30] =	ssyncadd.s32 $0xFFFFE000  }
0x149: {  	[hbm4b:s9+s11] =	stream.linear.scatter [tilespmem:s28], [sflag:$0x2], $0x2000, $0x38;
	[tilespmem:$0x1D500] =	vst v63  }
0x14a: {  	_ =	swait.ge [sflag:s30], $0x2000  }
0x14b: {  	[sflag:s30] =	ssyncset.done $0x0  }
0x14c: {  	[sflag:s30] =	ssyncadd.s32 $0xFFFFE000  }
0x14d: {  	[tilespmem:s23], [sflag:$0x2] =	stream.linear.gather [spmem:s13], $0x40, $0x38;
	[tilespmem:$0x1D500] =	vst v63  }
0x14e: {  	_ =	swait.ge [sflag:s30], $0x40  }
0x14f: {  	[sflag:s30] =	ssyncset.done $0x0  }
0x150: {  	s10 =	rddreg [dreg:$0xf];
	[sflag:s30] =	ssyncadd.s32 $0xFFFFFFC0  }
0x151: {  	[hbm4b:s10+s11] =	stream.linear.scatter [tilespmem:s23], [sflag:$0x2], $0x40, $0x38;
	[tilespmem:$0x1D500] =	vst v63  }
0x152: {  	_ =	swait.ge [sflag:s30], $0x40  }
0x153: {  	[sflag:s30] =	ssyncset.done $0x0  }
0x154: {  	s8 =	smov.u32 s12;
	s12 =	rddreg [dreg:$0x1d];
	[sflag:s30] =	ssyncadd.s32 $0xFFFFFFC0  }
0x155: {  	[tilespmem:s28], [sflag:$0x2] =	stream.linear.gather [spmem:s12], $0x2000, $0x38;
	[tilespmem:$0x1D500] =	vst v63  }
0x156: {  	_ =	swait.ge [sflag:s30], $0x2000  }
0x157: {  	[sflag:s30] =	ssyncset.done $0x0  }
0x158: {  	s4 =	smov.u32 s13;
	s13 =	rddreg [dreg:$0x8];
	[sflag:s30] =	ssyncadd.s32 $0xFFFFE000  }
0x159: {  	[hbm4b:s13+s11] =	stream.linear.scatter [tilespmem:s28], [sflag:$0x2], $0x2000, $0x38;
	[tilespmem:$0x1D500] =	vst v63  }
0x15a: {  	_ =	swait.ge [sflag:s30], $0x2000  }
0x15b: {  	[sflag:s30] =	ssyncset.done $0x0  }
0x15c: {  	[sflag:s30] =	ssyncadd.s32 $0xFFFFE000  }
0x15d: {  	[tilespmem:s23], [sflag:$0x2] =	stream.linear.gather [spmem:s14], $0x40, $0x38;
	[tilespmem:$0x1D500] =	vst v63  }
0x15e: {  	_ =	swait.ge [sflag:s30], $0x40  }
0x15f: {  	[sflag:s30] =	ssyncset.done $0x0  }
0x160: {  	s2 =	rddreg [dreg:$0x15];
	[sflag:s30] =	ssyncadd.s32 $0xFFFFFFC0  }
0x161: {  	[hbm4b:s2+s11] =	stream.linear.scatter [tilespmem:s23], [sflag:$0x2], $0x40, $0x38;
	[tilespmem:$0x1D500] =	vst v63  }
0x162: {  	_ =	swait.ge [sflag:s30], $0x40  }
0x163: {  	[sflag:s30] =	ssyncset.done $0x0  }
0x164: {  	s7 =	rddreg [dreg:$0x1e];
	[sflag:s30] =	ssyncadd.s32 $0xFFFFFFC0  }
0x165: {  	[tilespmem:s28], [sflag:$0x2] =	stream.linear.gather [spmem:s7], $0x2000, $0x38;
	[tilespmem:$0x1D500] =	vst v63  }
0x166: {  	_ =	swait.ge [sflag:s30], $0x2000  }
0x167: {  	[sflag:s30] =	ssyncset.done $0x0  }
0x168: {  	s9 =	rddreg [dreg:$0x9];
	[sflag:s30] =	ssyncadd.s32 $0xFFFFE000  }
0x169: {  	[hbm4b:s9+s11] =	stream.linear.scatter [tilespmem:s28], [sflag:$0x2], $0x2000, $0x38;
	[tilespmem:$0x1D500] =	vst v63  }
0x16a: {  	_ =	swait.ge [sflag:s30], $0x2000  }
0x16b: {  	[sflag:s30] =	ssyncset.done $0x0  }
0x16c: {  	[sflag:s30] =	ssyncadd.s32 $0xFFFFE000  }
0x16d: {  	[tilespmem:s23], [sflag:$0x2] =	stream.linear.gather [spmem:s15], $0x40, $0x38;
	[tilespmem:$0x1D500] =	vst v63  }
0x16e: {  	_ =	swait.ge [sflag:s30], $0x40  }
0x16f: {  	[sflag:s30] =	ssyncset.done $0x0  }
0x170: {  	s10 =	rddreg [dreg:$0x10];
	[sflag:s30] =	ssyncadd.s32 $0xFFFFFFC0  }
0x171: {  	[hbm4b:s10+s11] =	stream.linear.scatter [tilespmem:s23], [sflag:$0x2], $0x40, $0x38;
	[tilespmem:$0x1D500] =	vst v63  }
0x172: {  	_ =	swait.ge [sflag:s30], $0x40  }
0x173: {  	[sflag:s30] =	ssyncset.done $0x0  }
0x174: {  	s12 =	rddreg [dreg:$0x1f];
	[sflag:s30] =	ssyncadd.s32 $0xFFFFFFC0  }
0x175: {  	[tilespmem:s28], [sflag:$0x2] =	stream.linear.gather [spmem:s12], $0x2000, $0x38;
	[tilespmem:$0x1D500] =	vst v63  }
0x176: {  	_ =	swait.ge [sflag:s30], $0x2000  }
0x177: {  	[sflag:s30] =	ssyncset.done $0x0  }
0x178: {  	s13 =	rddreg [dreg:$0xa];
	[sflag:s30] =	ssyncadd.s32 $0xFFFFE000  }
0x179: {  	[hbm4b:s13+s11] =	stream.linear.scatter [tilespmem:s28], [sflag:$0x2], $0x2000, $0x38;
	[tilespmem:$0x1D500] =	vst v63  }
0x17a: {  	_ =	swait.ge [sflag:s30], $0x2000  }
0x17b: {  	s5 =	smov.u32 s14;
	s14 =	sld [smem:$0x7F6]  }
0x17c: {  	[sflag:s30] =	ssyncset.done $0x0  }
0x17d: {  	[sflag:s30] =	ssyncadd.s32 $0xFFFFE000  }
0x17e: {  	[tilespmem:s23], [sflag:$0x2] =	stream.linear.gather [spmem:s14], $0x40, $0x38;
	[tilespmem:$0x1D500] =	vst v63  }
0x17f: {  	_ =	swait.ge [sflag:s30], $0x40  }
0x180: {  	[sflag:s30] =	ssyncset.done $0x0  }
0x181: {  	s7 =	smov.u32 s15;
	s15 =	rddreg [dreg:$0x16];
	[sflag:s30] =	ssyncadd.s32 $0xFFFFFFC0  }
0x182: {  	[hbm4b:s15+s11] =	stream.linear.scatter [tilespmem:s23], [sflag:$0x2], $0x40, $0x38;
	[tilespmem:$0x1D500] =	vst v63  }
0x183: {  	_ =	swait.ge [sflag:s30], $0x40  }
0x184: {  	s2 =	sld [smem:$0x7F7]  }
0x185: {  	[sflag:s30] =	ssyncset.done $0x0  }
0x186: {  	[sflag:s30] =	ssyncadd.s32 $0xFFFFFFC0  }
0x187: {  	[tilespmem:s28], [sflag:$0x2] =	stream.linear.gather [spmem:s2], $0x2000, $0x38;
	[tilespmem:$0x1D500] =	vst v63  }
0x188: {  	_ =	swait.ge [sflag:s30], $0x2000  }
0x189: {  	[sflag:s30] =	ssyncset.done $0x0  }
0x18a: {  	s9 =	rddreg [dreg:$0xb];
	[sflag:s30] =	ssyncadd.s32 $0xFFFFE000  }
0x18b: {  	[hbm4b:s9+s11] =	stream.linear.scatter [tilespmem:s28], [sflag:$0x2], $0x2000, $0x38;
	[tilespmem:$0x1D500] =	vst v63  }
0x18c: {  	_ =	swait.ge [sflag:s30], $0x2000  }
0x18d: {  	s10 =	sld [smem:$0x7F8]  }
0x18e: {  	[sflag:s30] =	ssyncset.done $0x0  }
0x18f: {  	[sflag:s30] =	ssyncadd.s32 $0xFFFFE000  }
0x190: {  	[tilespmem:s23], [sflag:$0x2] =	stream.linear.gather [spmem:s10], $0x40, $0x38;
	[tilespmem:$0x1D500] =	vst v63  }
0x191: {  	_ =	swait.ge [sflag:s30], $0x40  }
0x192: {  	[sflag:s30] =	ssyncset.done $0x0  }
0x193: {  	s12 =	rddreg [dreg:$0x11];
	[sflag:s30] =	ssyncadd.s32 $0xFFFFFFC0  }
0x194: {  	[hbm4b:s12+s11] =	stream.linear.scatter [tilespmem:s23], [sflag:$0x2], $0x40, $0x38;
	[tilespmem:$0x1D500] =	vst v63  }
0x195: {  	_ =	swait.ge [sflag:s30], $0x40  }
0x196: {  	s13 =	sld [smem:$0x7F9]  }
0x197: {  	[sflag:s30] =	ssyncset.done $0x0  }
0x198: {  	[sflag:s30] =	ssyncadd.s32 $0xFFFFFFC0  }
0x199: {  	[tilespmem:s28], [sflag:$0x2] =	stream.linear.gather [spmem:s13], $0x2000, $0x38;
	[tilespmem:$0x1D500] =	vst v63  }
0x19a: {  	_ =	swait.ge [sflag:s30], $0x2000  }
0x19b: {  	[sflag:s30] =	ssyncset.done $0x0  }
0x19c: {  	s14 =	rddreg [dreg:$0xc];
	[sflag:s30] =	ssyncadd.s32 $0xFFFFE000  }
0x19d: {  	[hbm4b:s14+s11] =	stream.linear.scatter [tilespmem:s28], [sflag:$0x2], $0x2000, $0x38;
	[tilespmem:$0x1D500] =	vst v63  }
0x19e: {  	_ =	swait.ge [sflag:s30], $0x2000  }
0x19f: {  	s15 =	sld [smem:$0x7FA]  }
0x1a0: {  	[sflag:s30] =	ssyncset.done $0x0  }
0x1a1: {  	[sflag:s30] =	ssyncadd.s32 $0xFFFFE000  }
0x1a2: {  	[tilespmem:s23], [sflag:$0x2] =	stream.linear.gather [spmem:s15], $0x40, $0x38;
	[tilespmem:$0x1D500] =	vst v63  }
0x1a3: {  	_ =	swait.ge [sflag:s30], $0x40  }
0x1a4: {  	[sflag:s30] =	ssyncset.done $0x0  }
0x1a5: {  	s2 =	rddreg [dreg:$0x17];
	[sflag:s30] =	ssyncadd.s32 $0xFFFFFFC0  }
0x1a6: {  	[hbm4b:s2+s11] =	stream.linear.scatter [tilespmem:s23], [sflag:$0x2], $0x40, $0x38;
	[tilespmem:$0x1D500] =	vst v63  }
0x1a7: {  	_ =	swait.ge [sflag:s30], $0x40  }
0x1a8: {  	s9 =	sld [smem:$0x7FB]  }
0x1a9: {  	[sflag:s30] =	ssyncset.done $0x0  }
0x1aa: {  	[sflag:s30] =	ssyncadd.s32 $0xFFFFFFC0  }
0x1ab: {  	[tilespmem:s28], [sflag:$0x2] =	stream.linear.gather [spmem:s9], $0x2000, $0x38;
	[tilespmem:$0x1D500] =	vst v63  }
0x1ac: {  	_ =	swait.ge [sflag:s30], $0x2000  }
0x1ad: {  	[sflag:s30] =	ssyncset.done $0x0  }
0x1ae: {  	s10 =	rddreg [dreg:$0xd];
	[sflag:s30] =	ssyncadd.s32 $0xFFFFE000  }
0x1af: {  	[hbm4b:s10+s11] =	stream.linear.scatter [tilespmem:s28], [sflag:$0x2], $0x2000, $0x38;
	[tilespmem:$0x1D500] =	vst v63  }
0x1b0: {  	_ =	swait.ge [sflag:s30], $0x2000  }
0x1b1: {  	[sflag:s30] =	ssyncset.done $0x0  }
0x1b2: {  	[sflag:s30] =	ssyncadd.s32 $0xFFFFE000  }
0x1b3: {  	[tilespmem:s23], [sflag:$0x2] =	stream.linear.gather [spmem:s16], $0x40, $0x38;
	[tilespmem:$0x1D500] =	vst v63  }
0x1b4: {  	_ =	swait.ge [sflag:s30], $0x40  }
0x1b5: {  	[sflag:s30] =	ssyncset.done $0x0  }
0x1b6: {  	s12 =	rddreg [dreg:$0x12];
	[sflag:s30] =	ssyncadd.s32 $0xFFFFFFC0  }
0x1b7: {  	[hbm4b:s12+s11] =	stream.linear.scatter [tilespmem:s23], [sflag:$0x2], $0x40, $0x38;
	[tilespmem:$0x1D500] =	vst v63  }
0x1b8: {  	_ =	swait.ge [sflag:s30], $0x40  }
0x1b9: {  	[sflag:s30] =	ssyncset.done $0x0  }
0x1ba: {  	[sflag:s30] =	ssyncadd.s32 $0xFFFFFFC0  }
0x1bb: {  	[tilespmem:s28], [sflag:$0x2] =	stream.linear.gather [spmem:s17], $0x2000, $0x38;
	[tilespmem:$0x1D500] =	vst v63  }
0x1bc: {  	_ =	swait.ge [sflag:s30], $0x2000  }
0x1bd: {  	[sflag:s30] =	ssyncset.done $0x0  }
0x1be: {  	s13 =	rddreg [dreg:$0xe];
	[sflag:s30] =	ssyncadd.s32 $0xFFFFE000  }
0x1bf: {  	[hbm4b:s13+s11] =	stream.linear.scatter [tilespmem:s28], [sflag:$0x2], $0x2000, $0x38;
	[tilespmem:$0x1D500] =	vst v63  }
0x1c0: {  	_ =	swait.ge [sflag:s30], $0x2000  }
0x1c1: {  	[sflag:s30] =	ssyncset.done $0x0  }
0x1c2: {  	[sflag:s30] =	ssyncadd.s32 $0xFFFFE000  }
0x1c3: {  	[tilespmem:s23], [sflag:$0x2] =	stream.linear.gather [spmem:s18], $0x40, $0x38;
	[tilespmem:$0x1D500] =	vst v63  }
0x1c4: {  	_ =	swait.ge [sflag:s30], $0x40  }
0x1c5: {  	[sflag:s30] =	ssyncset.done $0x0  }
0x1c6: {  	s14 =	rddreg [dreg:$0x18];
	[sflag:s30] =	ssyncadd.s32 $0xFFFFFFC0  }
0x1c7: {  	[hbm4b:s14+s11] =	stream.linear.scatter [tilespmem:s23], [sflag:$0x2], $0x40, $0x38;
	[tilespmem:$0x1D500] =	vst v63  }
0x1c8: {  	_ =	swait.ge [sflag:s30], $0x40  }
0x1c9: {  	s15 =	sld [smem:$0x7FD];
	_ =	sdelay $0x1  }
0x1ca: {  	s0 =	sadd.s32 $0x1, s0  }
0x1cb: {  	p0 =	sne.s32 s0, s15  }
.Ltmp3:
0x1cc: {  	_ = 	snop;
	(pc) =	sbr.rel @p0 .LBB2_1-.Ltmp3, $3  }
0x1cd: {  	_ =	sdelay $0x1  }
0x1ce: {  	[sflag:s30] =	ssyncset.done $0x0  }
0x1cf: {  	[sflag:s30] =	ssyncadd.s32 $0xFFFFFFC0  }
0x1d0: {  	_ =	sfence.sel $0x180000  }
0x1d1: {  	[bflag:$0x0] =	sbarrier.arrive $0xFFFF  }
0x1d2: {  	_ =	strace $0x9000004A  }
0x1d3: {  	s0 =	stileid.u32;
	[bflag:$0x2] =	sbarrier.arrive $0xFFFF  }
0x1d4: {  	p0 =	sne.s32 s0, $0x0;
	s0 =	rddreg [dreg:$0x4]  }
0x1d5: {  	s0 =	sadd.s32 @!p0 $0x100000, s0  }
0x1d6: {  	[sflag:s0] =	ssyncadd.tile.s32 @!p0 $0x1;
	_ =	shalt  }
.Lfunc_end2:
_tile_overlayer_lowered:
.L_overlay_start_2:
0x1d7: {  	(tag) =	ssettag $0x2  }
0x1d8: {  	s0 =	rddreg [dreg:$0x0];
	s2 =	stileid.u32  }
0x1d9: {  	s1 =	rddreg [dreg:$0x1];
	p0 =	sne.s32 s2, $0x0  }
0x1da: {  	s3 =	rddreg [dreg:$0x2];
	[bflag:$0x3] =	sbarrier.arrive $0xFFFF;
	s2 =	simm.s32 @!p0 $0x1C02  }
0x1db: {  	[timem:s3], [sflag:s2] =	dma.local @!p0 [hbm:s0], s1  }
0x1dc: {  	s0 =	simm.s32 @!p0 $0x2  }
0x1dd: {  	_ =	swait.ge @!p0 [sflag:s0], s1  }
0x1de: {  	s1 =	ssub.s32 @!p0 $0x0, s1;
	[sflag:s0] =	ssyncset.done @!p0 $0x0  }
0x1df: {  	[sflag:s0] =	ssyncadd.s32 @!p0 s1  }
0x1e0: {  	[bflag:$0x3] =	sbarrier.arrive $0xFFFF  }
0x1e1: {  	_ =	shalt  }

// kernel: kernel.8.cloned.1.call-start
scs
__scs_entry_jumppad:
0x0: {  	(pc) =	sbr.rel $0x88, $3  }
0x1: {  	(tag) =	ssettag $0x0;
	lr =	simm.s32 $0x1  }
0x2: {  	[smem:$0x3F99] =	sst lr;
	_ =	strace $0xD0000000  }
0x3: {  	_ = 	snop  }
0x4: {  	_ = 	snop  }
0x5: {  	_ = 	snop  }
0x6: {  	_ = 	snop  }
0x7: {  	_ = 	snop  }
__scs_overlays_trampoline_lowered:
0x8: {  	[smem:$0x3FA8] =	sst s0  }
0x9: {  	[smem:$0x3FA9] =	sst s1  }
0xa: {  	[smem:$0x3FAA] =	sst s2  }
0xb: {  	[smem:$0x3FAB] =	sst s3  }
0xc: {  	[smem:$0x3FAC] =	sst s4  }
0xd: {  	[smem:$0x3FAD] =	sst s5  }
0xe: {  	[smem:$0x3FAE] =	sst s6  }
0xf: {  	[smem:$0x3FAF] =	sst s7  }
0x10: {  	[smem:$0x3FB0] =	sst s8  }
0x11: {  	[smem:$0x3FB1] =	sst s9;
	s0 =	simm.s32 @!p0 $0x0  }
0x12: {  	s1 =	sld [smem:$0x3F97];
	s0 =	simm.s32 @p0 $0x1  }
0x13: {  	[smem:$0x3FB2] =	sst s0;
	s0 =	simm.s32 @!p1 $0x0  }
0x14: {  	s2 =	sld [smem:$0x3F96];
	s0 =	simm.s32 @p1 $0x1  }
0x15: {  	[smem:$0x3FB3] =	sst s0;
	s0 =	simm.s32 @!p2 $0x0  }
0x16: {  	s3 =	sld [smem:$0x3FDB];
	s0 =	simm.s32 @p2 $0x1  }
0x17: {  	s4 =	simm.s32 $0x1BF5;
	[smem:$0x3FB5] =	sst s0  }
0x18: {  	s0 =	sld [smem:$0x3F98];
	_ =	swait.ge [sflag:s4], $0x0  }
0x19: {  	s7 =	sld [smem:$0x3F99]  }
0x1a: {  	s8 =	sadd.s32 $0xFFFFE003, lr  }
0x1b: {  	s9 =	sadd.s32 $0xFFFFFEF7, lr;
	s5 =	simm.s32 $0xFFFFFFFF;
	p2 =	slt.u32 s8, $0xFFFFF086  }
0x1c: {  	p1 =	slt.u32 s9, $0xF7A;
	s5 =	simm.s32 @!p2 $0x0  }
0x1d: {  	s5 =	simm.s32 @p1 $0x1;
	p0 =	seq.s32 s7, s2  }
0x1e: {  	s7 =	smul.u32 @!p0 $0xF7A, s2;
	p2 =	seq.s32 @!p0 s5, $0x0  }
0x1f: {  	s9 =	smul.u32 $0xF7A, s1;
	s8 =	simm.s32 @!p0 $0x1BF5;
	p2 =	por !p2, p0  }
0x20: {  	[sflag:s8] =	ssyncset.s32 @!p0 $0xFFFFF086;
	s6 =	sadd.s32 @!p0 s3, s7;
	s7 =	simm.s32 @!p0 $0x108  }
0x21: {  	s3 =	sadd.s32 s3, s9;
	s6 =	sadd.s32 @!p0 $0x88, s6;
	s7 =	simm.s32 @p2 $0x1082  }
0x22: {  	[simem:s7], [sflag:s8] =	dma.local @!p0 [hbm:s6], $0xF7A  }
0x23: {  	s9 =	sor.u32 $0xD0000000, s2;
	s6 =	simm.s32 $0x108;
	_ =	swait.ge @!p0 [sflag:s8], $0x0  }
0x24: {  	s3 =	sadd.s32 $0x88, s3;
	s6 =	simm.s32 @!p1 $0x1082;
	[sflag:s4] =	ssyncset.s32 $0xFFFFF086  }
0x25: {  	[simem:s6], [sflag:s4] =	dma.local [hbm:s3], $0xF7A  }
0x26: {  	[smem:$0x3F99] =	sst s1;
	(tag) =	ssettag s2;
	_ =	strace s9  }
0x27: {  	s1 =	sld [smem:$0x3FA9]  }
0x28: {  	s2 =	sld [smem:$0x3FAA]  }
0x29: {  	s4 =	sld [smem:$0x3FAC]  }
0x2a: {  	p0 =	seq.s32 s5, $0x0;
	s5 =	sld [smem:$0x3FAD]  }
0x2b: {  	s6 =	sld [smem:$0x3FAE]  }
0x2c: {  	s7 =	sld [smem:$0x3FAF]  }
0x2d: {  	s3 =	simm.s32 $0x108;
	s8 =	sld [smem:$0x3FB0]  }
0x2e: {  	s3 =	simm.s32 @!p0 $0x1082;
	s9 =	sld [smem:$0x3FB1]  }
0x2f: {  	lr =	sadd.s32 s0, s3;
	s0 =	sld [smem:$0x3FA8]  }
0x30: {  	s3 =	sld [smem:$0x3FAB]  }
0x31: {  	[smem:$0x3FB4] =	sst s10  }
0x32: {  	s10 =	sld [smem:$0x3FB2];
	_ =	sdelay $0x3  }
0x33: {  	p0 =	seq.s32 s10, $0x1;
	s10 =	sld [smem:$0x3FB4];
	_ =	sdelay $0x3  }
0x34: {  	[smem:$0x3FB4] =	sst s10  }
0x35: {  	s10 =	sld [smem:$0x3FB3];
	_ =	sdelay $0x3  }
0x36: {  	p1 =	seq.s32 s10, $0x1;
	s10 =	sld [smem:$0x3FB4];
	_ =	sdelay $0x3  }
0x37: {  	[smem:$0x3FB4] =	sst s10  }
0x38: {  	s10 =	sld [smem:$0x3FB5]  }
0x39: {  	_ = 	snop;
	(pc) =	sbr.ind lr, $3  }
0x3a: {  	_ = 	snop  }
0x3b: {  	_ = 	snop  }
0x3c: {  	p2 =	seq.s32 s10, $0x1;
	s10 =	sld [smem:$0x3FB4]  }
0x3d: {  	_ =	shalt  }
0x3e: {  	_ =	shalt  }
0x3f: {  	_ =	shalt  }
0x40: {  	_ =	shalt  }
0x41: {  	_ =	shalt  }
0x42: {  	_ =	shalt  }
0x43: {  	_ =	shalt  }
0x44: {  	_ =	shalt  }
0x45: {  	_ =	shalt  }
0x46: {  	_ =	shalt  }
0x47: {  	_ =	shalt  }
0x48: {  	_ =	shalt  }
0x49: {  	_ =	shalt  }
0x4a: {  	_ =	shalt  }
0x4b: {  	_ =	shalt  }
0x4c: {  	_ =	shalt  }
0x4d: {  	_ =	shalt  }
0x4e: {  	_ =	shalt  }
0x4f: {  	_ =	shalt  }
0x50: {  	_ =	shalt  }
0x51: {  	_ =	shalt  }
0x52: {  	_ =	shalt  }
0x53: {  	_ =	shalt  }
0x54: {  	_ =	shalt  }
0x55: {  	_ =	shalt  }
0x56: {  	_ =	shalt  }
0x57: {  	_ =	shalt  }
0x58: {  	_ =	shalt  }
0x59: {  	_ =	shalt  }
0x5a: {  	_ =	shalt  }
0x5b: {  	_ =	shalt  }
0x5c: {  	_ =	shalt  }
0x5d: {  	_ =	shalt  }
0x5e: {  	_ =	shalt  }
0x5f: {  	_ =	shalt  }
0x60: {  	_ =	shalt  }
0x61: {  	_ =	shalt  }
0x62: {  	_ =	shalt  }
0x63: {  	_ =	shalt  }
0x64: {  	_ =	shalt  }
0x65: {  	_ =	shalt  }
0x66: {  	_ =	shalt  }
0x67: {  	_ =	shalt  }
0x68: {  	_ =	shalt  }
0x69: {  	_ =	shalt  }
0x6a: {  	_ =	shalt  }
0x6b: {  	_ =	shalt  }
0x6c: {  	_ =	shalt  }
0x6d: {  	_ =	shalt  }
0x6e: {  	_ =	shalt  }
0x6f: {  	_ =	shalt  }
0x70: {  	_ =	shalt  }
0x71: {  	_ =	shalt  }
0x72: {  	_ =	shalt  }
0x73: {  	_ =	shalt  }
0x74: {  	_ =	shalt  }
0x75: {  	_ =	shalt  }
0x76: {  	_ =	shalt  }
0x77: {  	_ =	shalt  }
0x78: {  	_ =	shalt  }
0x79: {  	_ =	shalt  }
0x7a: {  	_ =	shalt  }
0x7b: {  	_ =	shalt  }
0x7c: {  	_ =	shalt  }
0x7d: {  	_ =	shalt  }
0x7e: {  	_ =	shalt  }
0x7f: {  	_ =	shalt  }
0x80: {  	_ =	shalt  }
0x81: {  	_ =	shalt  }
0x82: {  	_ =	shalt  }
0x83: {  	_ =	shalt  }
0x84: {  	_ =	shalt  }
0x85: {  	_ =	shalt  }
0x86: {  	_ =	shalt  }
0x87: {  	_ =	shalt  }
.Lfunc_end0:
.L_simem_size_0:
called_computation_lowered:
.L_overlay_start_0:
0x88: {  	s2 =	sld [smem:$0x3FD9]  }
0x89: {  	s3 =	sld [smem:$0x3FFE];
	_ =	sdelay $0x1  }
0x8a: {  	s1 =	srdreg.scid  }
0x8b: {  	s0 =	sand.u32 $0x1, s1  }
0x8c: {  	s17 =	sshll.u32 s0, $0xA;
	s2 =	sadd.s32 s3, s2  }
0x8d: {  	s2 =	sadd.s32 s2, s17  }
0x8e: {  	[smem:$0x3FC0] =	sst s2  }
0x8f: {  	_ = 	snop  }
0x90: {  	s2 =	sld [smem:$0x3FD0];
	(tm) =	ssettm $0x1  }
0x91: {  	s18 =	sld [smem:$0x3FFB];
	_ =	sdelay $0x3  }
0x92: {  	_ =	strace s18  }
0x93: {  	s3 =	sld [smem:$0x3FFC];
	_ =	sdelay $0x3  }
0x94: {  	_ =	strace s3  }
0x95: {  	s3 =	sld [smem:$0x3FFD];
	_ =	sdelay $0x3  }
0x96: {  	_ =	strace s3  }
0x97: {  	_ =	strace $0x8FFFFFFF  }
0x98: {  	s19 =	sld [smem:$0x3FDB];
	_ =	sdelay $0x1  }
0x99: {  	s4 =	simm.s32 $_scs_section_size  }
0x9a: {  	s5 =	simm.s32 $_size__tile_overlayer_lowered;
	s6 =	simm.s32 $_tile_overlayer_lowered  }
0x9b: {  	s22 =	simm.s32 $0x1BFF;
	s21 =	sshll.u32 s6, $0x1;
	s3 =	sadd.s32 s4, s19  }
0x9c: {  	s7 =	simm.s32 $0x0;
	s20 =	sshll.u32 s5, $0x1;
	s5 =	sadd.s32 s21, s3  }
0x9d: {  	[timem:s7], [sflag:s22] =	dma.local [hbm:s5], s20  }
0x9e: {  	_ =	swait.ge [sflag:s22], s20  }
0x9f: {  	s4 =	ssub.s32 $0x0, s20;
	[sflag:s22] =	ssyncset.done $0x0  }
0xa0: {  	[sflag:s22] =	ssyncadd.s32 s4;
	_ =	sdelay $0x1  }
0xa1: {  	s23 =	simm.s32 $0x1B8B  }
0xa2: {  	_ =	swait.ge [sflag:s23], $0x1  }
0xa3: {  	[sflag:s23] =	ssyncset.done $0x0  }
0xa4: {  	s25 =	simm.s32 $0x1B8E;
	s24 =	sld [smem:$0x3FFE];
	[sflag:s23] =	ssyncadd.s32 $0xFFFFFFFF  }
0xa5: {  	s26 =	simm.s32 $execute0_lowered;
	[smem:$0x3FD2] =	sst s25  }
0xa6: {  	s5 =	sshll.u32 s26, $0x1;
	_ =	strace $0x80000046;
	[dreg:$0x1] =	wrdreg $0xFFFFFFFF  }
0xa7: {  	s28 =	simm.s32 $_size_execute0_lowered;
	s3 =	sadd.s32 s3, s5;
	[dreg:$0x0] =	wrdreg $0x0  }
0xa8: {  	s5 =	sshll.u32 s28, $0x1;
	[dreg:$0x2] =	wrdreg s3  }
0xa9: {  	[dreg:$0x3] =	wrdreg s5  }
0xaa: {  	[dreg:$0x4] =	wrdreg $0xC0  }
0xab: {  	_ =	task [dreg:s7], $0x5FFFF  }
0xac: {  	[dreg:$0x1] =	wrdreg $0xFFFFFFFF  }
0xad: {  	[dreg:$0x0] =	wrdreg $0x60  }
0xae: {  	[dreg:$0x2] =	wrdreg s24  }
0xaf: {  	[dreg:$0x3] =	wrdreg s2  }
0xb0: {  	[dreg:$0x4] =	wrdreg $0x92800  }
0xb1: {  	[dreg:$0x5] =	wrdreg $0x1D2800  }
0xb2: {  	[dreg:$0x6] =	wrdreg $0x9  }
0xb3: {  	_ =	task.clear_ibuf [dreg:s7], $0x7FFFF;
	_ =	strace $0x90000046  }
0xb4: {  	s29 =	simm.s32 $0x9;
	_ =	strace $0x80000048  }
0xb5: {  	_ =	swait.ge [sflag:s29], $0x1  }
0xb6: {  	[sflag:s29] =	ssyncadd.s32 $0xFFFFFFFF  }
0xb7: {  	_ =	strace $0x90000048  }
0xb8: {  	_ =	sfence  }
0xb9: {  	s30 =	sld [smem:$0x0];
	_ =	sdelay $0x2  }
0xba: {  	s31 =	sshll.u32 s1, $0xD;
	s1 =	sshrl.u32 s1, $0x2  }
0xbb: {  	s3 =	sand.u32 $0x4000, s31;
	s1 =	sadd.s32 s1, s30  }
0xbc: {  	s0 =	sor.u32 s3, s0;
	s1 =	sshll.u32 s1, $0x11  }
0xbd: {  	s0 =	sor.u32 s1, s0  }
0xbe: {  	s0 =	sadd.s32 $0x8F2B, s0  }
0xbf: {  	[sflag:s0] =	ssyncadd.remote.s32 $0x1  }
0xc0: {  	_ =	sfence.sel $0xFFFF  }
0xc1: {  	[dreg:$0x0] =	wrdreg $0xFFFFFFFF;
	(pc) =	sbr.abs _section_cstart, $3  }
0xc2: {  	[dreg:$0x1] =	wrdreg $0xFFFFFFFF  }
0xc3: {  	_ =	task.clear_ibuf [dreg:s7], $0x2FFFF;
	_ =	strace $0x9FFFFFFF  }
0xc4: {  	(tm) =	ssettm $0x7FFFFFFF  }
0xc5: {  	_ =	shalt  }
tec
execute0_lowered:
.L_overlay_start_1:
0x0: {  	(tag) =	ssettag $0x1  }
0x1: {  	s0 =	srdreg.scid;
	s1 =	stileid.u32  }
0x2: {  	s19 =	sand.u32 $0x1, s0;
	s2 =	smul.u32 $0x280, s1  }
0x3: {  	s6 =	rddreg [dreg:$0x0];
	s15 =	smul.u32 $0x14000, s1;
	s0 =	ssub.s32 $0x2, s19  }
0x4: {  	s11 =	sadd.s32 $0x3FA00, s6;
	s21 =	smul.u32 $0x140000, s19;
	s3 =	sshrl.u32 s0, $0x1  }
0x5: {  	s25 =	sor.u32 $0x40, s2;
	s4 =	sadd.s32 $0x80, s2;
	s5 =	sadd.s32 $0xC0, s2  }
0x6: {  	s7 =	sadd.s32 $0x100, s2;
	s9 =	sadd.s32 $0x140, s2;
	s12 =	sadd.s32 $0x180, s2  }
0x7: {  	s0 =	ssub.s32 s0, s3;
	[smem:$0x7F4] =	sst s25;
	s8 =	sshll.u32 s25, $0x7  }
0x8: {  	s26 =	sshll.u32 s4, $0x7;
	s14 =	sshll.u32 s5, $0x7;
	s10 =	sshll.u32 s7, $0x7  }
0x9: {  	s13 =	sshll.u32 s9, $0x7;
	s16 =	sadd.s32 s15, s21;
	s15 =	sshll.u32 s12, $0x7  }
0xa: {  	s28 =	sshll.u32 s9, $0x1;
	s29 =	sshll.u32 s12, $0x1;
	[smem:$0x7FC] =	sst s0  }
0xb: {  	[smem:$0x7F5] =	sst s26;
	s16 =	sshrl.u32 s16, $0x3;
	s17 =	sadd.s32 s21, s8  }
0xc: {  	s22 =	sadd.s32 s21, s26;
	s25 =	sadd.s32 s21, s14;
	s3 =	sadd.s32 s21, s10  }
0xd: {  	s28 =	sand.u32 $0xFF00, s28;
	s18 =	sadd.s32 s11, s16;
	s20 =	sshrl.u32 s17, $0x3  }
0xe: {  	s24 =	sshrl.u32 s22, $0x3;
	[dreg:$0x5] =	wrdreg s18;
	s23 =	sadd.s32 s11, s20  }
0xf: {  	s0 =	sshrl.u32 s25, $0x3;
	s26 =	sadd.s32 s11, s24;
	[dreg:$0x6] =	wrdreg s23  }
0x10: {  	s17 =	sshrl.u32 s3, $0x3;
	s16 =	sadd.s32 s11, s0;
	[dreg:$0x7] =	wrdreg s26  }
0x11: {  	s18 =	sadd.s32 s21, s13;
	s20 =	sadd.s32 s11, s17;
	[dreg:$0x8] =	wrdreg s16  }
0x12: {  	s0 =	sshll.u32 s4, $0x1;
	[dreg:$0x9] =	wrdreg s20;
	s22 =	sshrl.u32 s18, $0x3  }
0x13: {  	s23 =	sadd.s32 s21, s15;
	s16 =	sadd.s32 $0x1C0, s2;
	s18 =	sadd.s32 $0x240, s2  }
0x14: {  	s24 =	sadd.s32 s11, s22;
	s17 =	sshrl.u32 s23, $0x3;
	s20 =	sshll.u32 s16, $0x7  }
0x15: {  	s30 =	sshll.u32 s16, $0x1;
	s31 =	sshll.u32 s18, $0x1;
	[dreg:$0xa] =	wrdreg s24  }
0x16: {  	s25 =	sadd.s32 s11, s17;
	s17 =	sadd.s32 $0x200, s2;
	s23 =	sadd.s32 s21, s20  }
0x17: {  	s30 =	sand.u32 $0xFF00, s30;
	s31 =	sand.u32 $0xFF00, s31;
	[dreg:$0xb] =	wrdreg s25  }
0x18: {  	s22 =	sshll.u32 s17, $0x7;
	s24 =	sshrl.u32 s23, $0x3;
	s23 =	sshll.u32 s18, $0x7  }
0x19: {  	s25 =	sadd.s32 s21, s22;
	s26 =	sadd.s32 s11, s24;
	s21 =	sadd.s32 s21, s23  }
0x1a: {  	[dreg:$0xc] =	wrdreg s26;
	s3 =	sshrl.u32 s25, $0x3;
	s21 =	sshrl.u32 s21, $0x3  }
0x1b: {  	s25 =	smul.u32 $0x500, s1;
	s1 =	sshll.u32 s5, $0x1;
	s24 =	sadd.s32 s11, s3  }
0x1c: {  	s26 =	sadd.s32 s11, s21;
	s11 =	sshll.u32 s19, $0x7;
	[dreg:$0xd] =	wrdreg s24  }
0x1d: {  	s3 =	sshll.u32 s17, $0x1;
	[dreg:$0xe] =	wrdreg s26;
	s24 =	sor.u32 s11, s25  }
0x1e: {  	s21 =	sor.u32 s11, s0;
	s25 =	sand.u32 $0xFF00, s1;
	s26 =	sshll.u32 s7, $0x1  }
0x1f: {  	s28 =	sor.u32 s11, s28;
	s29 =	sor.u32 s11, s29;
	s30 =	sor.u32 s11, s30  }
0x20: {  	s1 =	sor.u32 s11, s3;
	s31 =	sor.u32 s11, s31;
	s0 =	sadd.s32 $0x8FA00, s6  }
0x21: {  	s3 =	sshll.u32 s19, $0x4;
	s25 =	sor.u32 s11, s25;
	s26 =	sor.u32 s11, s26  }
0x22: {  	s11 =	simm.s32 $0x0;
	s21 =	sshrl.u32 s21, $0x3;
	s19 =	sshrl.u32 s24, $0x3  }
0x23: {  	s1 =	sshrl.u32 s1, $0x3;
	[smem:$0x7FF] =	sst s11;
	s21 =	sadd.s32 s0, s21  }
0x24: {  	s24 =	sshrl.u32 s26, $0x3;
	s1 =	sadd.s32 s0, s1;
	[dreg:$0xf] =	wrdreg s21  }
0x25: {  	s26 =	sshrl.u32 s29, $0x3;
	s21 =	sadd.s32 s0, s24;
	[dreg:$0x12] =	wrdreg s1  }
0x26: {  	s26 =	sadd.s32 s0, s26;
	[dreg:$0x10] =	wrdreg s21  }
0x27: {  	s0 =	sadd.s32 s0, s19;
	[dreg:$0x11] =	wrdreg s26  }
0x28: {  	s1 =	sadd.s32 $0x8FA08, s6;
	[dreg:$0x13] =	wrdreg s0  }
0x29: {  	s24 =	sshrl.u32 s25, $0x3;
	s19 =	sadd.s32 s19, s1;
	s21 =	rddreg [dreg:$0x2]  }
0x2a: {  	s0 =	sadd.s32 s24, s1;
	[dreg:$0x14] =	wrdreg s19  }
0x2b: {  	s25 =	sshrl.u32 s28, $0x3;
	[dreg:$0x15] =	wrdreg s0  }
0x2c: {  	s26 =	sshrl.u32 s30, $0x3;
	s19 =	rddreg [dreg:$0x1];
	s0 =	sadd.s32 s25, s1  }
0x2d: {  	s24 =	sadd.s32 s26, s1;
	[dreg:$0x16] =	wrdreg s0  }
0x2e: {  	s26 =	stileid.u32;
	[dreg:$0x17] =	wrdreg s24;
	s0 =	sshrl.u32 s31, $0x3  }
0x2f: {  	s24 =	rddreg [dreg:$0x3];
	s25 =	smul.u32 $0x50000, s26;
	s0 =	sadd.s32 s0, s1  }
0x30: {  	s29 =	sadd.s32 $0x3000, s6;
	[dreg:$0x18] =	wrdreg s0;
	s0 =	sor.u32 s26, s3  }
0x31: {  	s1 =	sshrl.u32 s25, $0x2;
	s26 =	sadd.s32 $0x17000, s6;
	s25 =	sadd.s32 $0x3F000, s6  }
0x32: {  	s6 =	sadd.s32 $0x3F010, s6;
	_ =	strace $0x80000047;
	[dreg:$0x19] =	wrdreg s25  }
0x33: {  	s14 =	sadd.s32 s14, s21;
	[dreg:$0x1a] =	wrdreg s6  }
0x34: {  	[dreg:$0x1d] =	wrdreg s14  }
0x35: {  	s28 =	simm.s32 $0x5280;
	s22 =	sadd.s32 s22, s21;
	s25 =	sld [smem:$0x7F4]  }
0x36: {  	s30 =	simm.s32 $0x2;
	s8 =	sadd.s32 s8, s21;
	[smem:$0x7FB] =	sst s22  }
0x37: {  	s6 =	sadd.s32 s2, s24;
	s14 =	sadd.s32 s12, s24;
	s2 =	sld [smem:$0x7F5]  }
0x38: {  	s3 =	sadd.s32 s1, s21;
	[smem:$0x7F8] =	sst s14;
	s1 =	sadd.s32 s25, s24  }
0x39: {  	s31 =	simm.s32 $0x1;
	s25 =	sadd.s32 s10, s21;
	[dreg:$0x1b] =	wrdreg s1  }
0x3a: {  	s4 =	sadd.s32 s4, s24;
	s10 =	sadd.s32 s9, s24;
	[dreg:$0x1e] =	wrdreg s25  }
0x3b: {  	s5 =	sadd.s32 s5, s24;
	s7 =	sadd.s32 s7, s24;
	[smem:$0x7F6] =	sst s10  }
0x3c: {  	s18 =	sadd.s32 s18, s24;
	s1 =	sadd.s32 s2, s21;
	s25 =	sld [smem:$0x7FC]  }
0x3d: {  	s22 =	smul.u32 $0x5000, s0;
	s2 =	sadd.s32 s13, s21;
	[dreg:$0x1c] =	wrdreg s1  }
0x3e: {  	s13 =	sadd.s32 s15, s21;
	s15 =	sadd.s32 s20, s21;
	[dreg:$0x1f] =	wrdreg s2  }
0x3f: {  	s20 =	sadd.s32 s16, s24;
	s16 =	sadd.s32 s17, s24;
	[smem:$0x7F7] =	sst s13  }
0x40: {  	s17 =	sadd.s32 s23, s21;
	s23 =	simm.s32 $0x5200;
	[smem:$0x7F9] =	sst s15  }
0x41: {  	[smem:$0x7FA] =	sst s20;
	s20 =	simm.s32 $0x40;
	s0 =	smax.u32 s25, $0x1  }
0x42: {  	v0 =	vimm.f32 $0.0e+00;
	s25 =	simm.s32 $0x2800;
	[smem:$0x7FD] =	sst s0;
	s0 =	simm.s32 $0x0  }
.LBB2_1:
0x43: {  	s1 =	rddreg [dreg:$0x19];
	s2 =	simm.s32 $0x80;
	s9 =	simm.s32 $0x100  }
0x44: {  	[tilespmem:s11], [sflag:$0x2] =	stream.strided.gather [hbm4b:s1+s2], $0x2800, s9, s2, $0x38;
	[tilespmem:$0x1D500] =	vst v63  }
0x45: {  	_ =	swait.ge [sflag:s30], $0x2800  }
0x46: {  	[sflag:s30] =	ssyncset.done $0x0  }
0x47: {  	s15 =	rddreg [dreg:$0x1a];
	[sflag:s30] =	ssyncadd.s32 $0xFFFFD800  }
0x48: {  	[tilespmem:s25], [sflag:$0x2] =	stream.strided.gather [hbm4b:s15+s2], $0x2800, s9, s2, $0x38;
	[tilespmem:$0x1D500] =	vst v63  }
0x49: {  	_ =	swait.ge [sflag:s30], $0x2800  }
0x4a: {  	[sflag:s30] =	ssyncset.done $0x0  }
0x4b: {  	s1 =	simm.s32 $0x0;
	s2 =	simm.s32 $0x200;
	[sflag:s30] =	ssyncadd.s32 $0xFFFFD800  }
.LBB2_2:
0x4c: {  	p0 =	sne.s32 s2, $0x7E00;
	[tilespmem:s1+$0x52F0] =	vst v0  }
0x4d: {  	[tilespmem:s1+$0x5280] =	vst v0  }
0x4e: {  	[tilespmem:s1+$0x5290] =	vst v0  }
.Ltmp0:
0x4f: {  	[tilespmem:s1+$0x52A0] =	vst v0;
	(pc) =	sbr.rel @p0 .LBB2_2-.Ltmp0, $4  }
0x50: {  	[tilespmem:s1+$0x52B0] =	vst v0  }
0x51: {  	[tilespmem:s1+$0x52C0] =	vst v0  }
0x52: {  	[tilespmem:s1+$0x52D0] =	vst v0  }
0x53: {  	[tilespmem:s1+$0x52E0] =	vst v0;
	s1 =	sshra.s32 s2, $0x2;
	s2 =	sadd.s32 $0x200, s2  }
0x54: {  	[tilespmem:s1+$0x52F0] =	vst v0  }
0x55: {  	[tilespmem:s1+$0x5280] =	vst v0  }
0x56: {  	[tilespmem:s1+$0x5290] =	vst v0  }
0x57: {  	[tilespmem:s1+$0x52A0] =	vst v0  }
0x58: {  	[tilespmem:s1+$0x52B0] =	vst v0  }
0x59: {  	[tilespmem:s1+$0x52C0] =	vst v0  }
0x5a: {  	[tilespmem:s1+$0x52D0] =	vst v0  }
0x5b: {  	[tilespmem:s1+$0x52E0] =	vst v0  }
0x5c: {  	[tilespmem:$0x5200] =	vst v0  }
0x5d: {  	[tilespmem:$0x5210] =	vst v0  }
0x5e: {  	[tilespmem:$0x5220] =	vst v0  }
0x5f: {  	[tilespmem:$0x5230] =	vst v0  }
0x60: {  	[spmem:s3] =	stream.linear.scatter [tilespmem:s28], [sflag:$0x2], $0x2000, $0x38;
	[tilespmem:$0x1D500] =	vst v63  }
0x61: {  	_ =	swait.ge [sflag:s30], $0x2000  }
0x62: {  	[sflag:s30] =	ssyncset.done $0x0  }
0x63: {  	[sflag:s30] =	ssyncadd.s32 $0xFFFFE000  }
0x64: {  	[spmem:s6] =	stream.linear.scatter [tilespmem:s23], [sflag:$0x2], $0x40, $0x38;
	[tilespmem:$0x1D500] =	vst v63  }
0x65: {  	_ =	swait.ge [sflag:s30], $0x40  }
0x66: {  	[sflag:s30] =	ssyncset.done $0x0  }
0x67: {  	[sflag:s30] =	ssyncadd.s32 $0xFFFFFFC0  }
0x68: {  	[spmem:s8] =	stream.linear.scatter [tilespmem:s28], [sflag:$0x2], $0x2000, $0x38;
	[tilespmem:$0x1D500] =	vst v63  }
0x69: {  	_ =	swait.ge [sflag:s30], $0x2000  }
0x6a: {  	[sflag:s30] =	ssyncset.done $0x0  }
0x6b: {  	s12 =	smov.u32 s8;
	s8 =	rddreg [dreg:$0x1b];
	[sflag:s30] =	ssyncadd.s32 $0xFFFFE000  }
0x6c: {  	[spmem:s8] =	stream.linear.scatter [tilespmem:s23], [sflag:$0x2], $0x40, $0x38;
	[tilespmem:$0x1D500] =	vst v63  }
0x6d: {  	_ =	swait.ge [sflag:s30], $0x40  }
0x6e: {  	[sflag:s30] =	ssyncset.done $0x0  }
0x6f: {  	s13 =	rddreg [dreg:$0x1c];
	[sflag:s30] =	ssyncadd.s32 $0xFFFFFFC0  }
0x70: {  	[spmem:s13] =	stream.linear.scatter [tilespmem:s28], [sflag:$0x2], $0x2000, $0x38;
	[tilespmem:$0x1D500] =	vst v63  }
0x71: {  	_ =	swait.ge [sflag:s30], $0x2000  }
0x72: {  	[sflag:s30] =	ssyncset.done $0x0  }
0x73: {  	[sflag:s30] =	ssyncadd.s32 $0xFFFFE000  }
0x74: {  	[spmem:s4] =	stream.linear.scatter [tilespmem:s23], [sflag:$0x2], $0x40, $0x38;
	[tilespmem:$0x1D500] =	vst v63  }
0x75: {  	_ =	swait.ge [sflag:s30], $0x40  }
0x76: {  	[sflag:s30] =	ssyncset.done $0x0  }
0x77: {  	s14 =	rddreg [dreg:$0x1d];
	[sflag:s30] =	ssyncadd.s32 $0xFFFFFFC0  }
0x78: {  	[spmem:s14] =	stream.linear.scatter [tilespmem:s28], [sflag:$0x2], $0x2000, $0x38;
	[tilespmem:$0x1D500] =	vst v63  }
0x79: {  	_ =	swait.ge [sflag:s30], $0x2000  }
0x7a: {  	[sflag:s30] =	ssyncset.done $0x0  }
0x7b: {  	[sflag:s30] =	ssyncadd.s32 $0xFFFFE000  }
0x7c: {  	[spmem:s5] =	stream.linear.scatter [tilespmem:s23], [sflag:$0x2], $0x40, $0x38;
	[tilespmem:$0x1D500] =	vst v63  }
0x7d: {  	_ =	swait.ge [sflag:s30], $0x40  }
0x7e: {  	[sflag:s30] =	ssyncset.done $0x0  }
0x7f: {  	s15 =	rddreg [dreg:$0x1e];
	[sflag:s30] =	ssyncadd.s32 $0xFFFFFFC0  }
0x80: {  	[spmem:s15] =	stream.linear.scatter [tilespmem:s28], [sflag:$0x2], $0x2000, $0x38;
	[tilespmem:$0x1D500] =	vst v63  }
0x81: {  	_ =	swait.ge [sflag:s30], $0x2000  }
0x82: {  	[sflag:s30] =	ssyncset.done $0x0  }
0x83: {  	[sflag:s30] =	ssyncadd.s32 $0xFFFFE000  }
0x84: {  	[spmem:s7] =	stream.linear.scatter [tilespmem:s23], [sflag:$0x2], $0x40, $0x38;
	[tilespmem:$0x1D500] =	vst v63  }
0x85: {  	_ =	swait.ge [sflag:s30], $0x40  }
0x86: {  	[sflag:s30] =	ssyncset.done $0x0  }
0x87: {  	s2 =	rddreg [dreg:$0x1f];
	[sflag:s30] =	ssyncadd.s32 $0xFFFFFFC0  }
0x88: {  	[spmem:s2] =	stream.linear.scatter [tilespmem:s28], [sflag:$0x2], $0x2000, $0x38;
	[tilespmem:$0x1D500] =	vst v63  }
0x89: {  	_ =	swait.ge [sflag:s30], $0x2000  }
0x8a: {  	s9 =	smov.u32 s3;
	s3 =	sld [smem:$0x7F6]  }
0x8b: {  	[sflag:s30] =	ssyncset.done $0x0  }
0x8c: {  	[sflag:s30] =	ssyncadd.s32 $0xFFFFE000  }
0x8d: {  	[spmem:s3] =	stream.linear.scatter [tilespmem:s23], [sflag:$0x2], $0x40, $0x38;
	[tilespmem:$0x1D500] =	vst v63  }
0x8e: {  	_ =	swait.ge [sflag:s30], $0x40  }
0x8f: {  	s13 =	smov.u32 s4;
	s4 =	sld [smem:$0x7F7]  }
0x90: {  	[sflag:s30] =	ssyncset.done $0x0  }
0x91: {  	[sflag:s30] =	ssyncadd.s32 $0xFFFFFFC0  }
0x92: {  	[spmem:s4] =	stream.linear.scatter [tilespmem:s28], [sflag:$0x2], $0x2000, $0x38;
	[tilespmem:$0x1D500] =	vst v63  }
0x93: {  	_ =	swait.ge [sflag:s30], $0x2000  }
0x94: {  	s14 =	smov.u32 s5;
	s5 =	sld [smem:$0x7F8]  }
0x95: {  	[sflag:s30] =	ssyncset.done $0x0  }
0x96: {  	[sflag:s30] =	ssyncadd.s32 $0xFFFFE000  }
0x97: {  	[spmem:s5] =	stream.linear.scatter [tilespmem:s23], [sflag:$0x2], $0x40, $0x38;
	[tilespmem:$0x1D500] =	vst v63  }
0x98: {  	_ =	swait.ge [sflag:s30], $0x40  }
0x99: {  	s10 =	smov.u32 s6;
	s6 =	sld [smem:$0x7F9]  }
0x9a: {  	[sflag:s30] =	ssyncset.done $0x0  }
0x9b: {  	[sflag:s30] =	ssyncadd.s32 $0xFFFFFFC0  }
0x9c: {  	[spmem:s6] =	stream.linear.scatter [tilespmem:s28], [sflag:$0x2], $0x2000, $0x38;
	[tilespmem:$0x1D500] =	vst v63  }
0x9d: {  	_ =	swait.ge [sflag:s30], $0x2000  }
0x9e: {  	s15 =	smov.u32 s7;
	s7 =	sld [smem:$0x7FA]  }
0x9f: {  	[sflag:s30] =	ssyncset.done $0x0  }
0xa0: {  	[sflag:s30] =	ssyncadd.s32 $0xFFFFE000  }
0xa1: {  	[spmem:s7] =	stream.linear.scatter [tilespmem:s23], [sflag:$0x2], $0x40, $0x38;
	[tilespmem:$0x1D500] =	vst v63  }
0xa2: {  	_ =	swait.ge [sflag:s30], $0x40  }
0xa3: {  	s8 =	sld [smem:$0x7FB]  }
0xa4: {  	[sflag:s30] =	ssyncset.done $0x0  }
0xa5: {  	[sflag:s30] =	ssyncadd.s32 $0xFFFFFFC0  }
0xa6: {  	[spmem:s8] =	stream.linear.scatter [tilespmem:s28], [sflag:$0x2], $0x2000, $0x38;
	[tilespmem:$0x1D500] =	vst v63  }
0xa7: {  	_ =	swait.ge [sflag:s30], $0x2000  }
0xa8: {  	[sflag:s30] =	ssyncset.done $0x0  }
0xa9: {  	[sflag:s30] =	ssyncadd.s32 $0xFFFFE000  }
0xaa: {  	[spmem:s16] =	stream.linear.scatter [tilespmem:s23], [sflag:$0x2], $0x40, $0x38;
	[tilespmem:$0x1D500] =	vst v63  }
0xab: {  	_ =	swait.ge [sflag:s30], $0x40  }
0xac: {  	[sflag:s30] =	ssyncset.done $0x0  }
0xad: {  	[sflag:s30] =	ssyncadd.s32 $0xFFFFFFC0  }
0xae: {  	[spmem:s17] =	stream.linear.scatter [tilespmem:s28], [sflag:$0x2], $0x2000, $0x38;
	[tilespmem:$0x1D500] =	vst v63  }
0xaf: {  	_ =	swait.ge [sflag:s30], $0x2000  }
0xb0: {  	[sflag:s30] =	ssyncset.done $0x0  }
0xb1: {  	[sflag:s30] =	ssyncadd.s32 $0xFFFFE000  }
0xb2: {  	[spmem:s18] =	stream.linear.scatter [tilespmem:s23], [sflag:$0x2], $0x40, $0x38;
	[tilespmem:$0x1D500] =	vst v63  }
0xb3: {  	_ =	swait.ge [sflag:s30], $0x40  }
0xb4: {  	[sflag:s30] =	ssyncset.done $0x0  }
0xb5: {  	s1 =	simm.s32 $0x0;
	[sflag:s30] =	ssyncadd.s32 $0xFFFFFFC0  }
0xb6: {  	p0 =	por $0x0, $0x0;
	s2 =	simm.s32 $0x0;
	[bflag:$0x0] =	sbarrier.arrive $0xFFFF  }
.LBB2_4:
0xb7: {  	s3 =	sshll.u32 s2, $0x7  }
0xb8: {  	s4 =	sand.u32 $0x7C00, s3  }
0xb9: {  	s3 =	sand.u32 $0x380, s3;
	s4 =	sadd.s32 s22, s4  }
0xba: {  	s5 =	sand.u32 $0x1, s2;
	s3 =	sor.u32 s3, s4  }
0xbb: {  	s6 =	sshll.u32 s5, $0x7;
	s4 =	sshrl.u32 s3, $0x3  }
0xbc: {  	s7 =	sor.u32 $0x5000, s6;
	s3 =	sadd.s32 s19, s4  }
0xbd: {  	[tilespmem:s7], [sflag:$0x2] =	stream.linear.gather [hbm4b:s3+s1], $0x80, $0x38;
	[tilespmem:$0x1D500] =	vst v63  }
0xbe: {  	_ =	swait.ge [sflag:s30], $0x80  }
0xbf: {  	[sflag:s30] =	ssyncset.done $0x0  }
0xc0: {  	s4 =	sadd.s32 s29, s4;
	s3 =	sor.u32 $0x5100, s6;
	[sflag:s30] =	ssyncadd.s32 $0xFFFFFF80  }
0xc1: {  	[tilespmem:s3], [sflag:$0x2] =	stream.linear.gather [hbm4b:s4+s1], $0x80, $0x38;
	[tilespmem:$0x1D500] =	vst v63  }
0xc2: {  	_ =	swait.ge [sflag:s30], $0x80  }
0xc3: {  	s8 =	sshll.u32 s5, $0xD;
	[sflag:s30] =	ssyncset.done $0x0  }
0xc4: {  	s4 =	sor.u32 $0x5280, s8;
	[sflag:s30] =	ssyncadd.s32 $0xFFFFFF80  }
0xc5: {  	[tilespmem:s4], [sflag:$0x1] =	stream.indirect.gather [hbm4b:s26+s20], $0x80, s7, s20, $0xb8;
	[tilespmem:$0x1D500] =	vst v63  }
0xc6: {  	v1 =	vld [tilespmem:s6+$0x5000]  }
0xc7: {  	v2 =	vld [tilespmem:s6+$0x5100];
	_ =	sdelay $0x6  }
0xc8: {  	v1 =	vld.idx.msk [tilespmem:v1+s1+$0x0], $0xffff  }
0xc9: {  	v2 =	vld.idx.msk [tilespmem:v2+s25+$0x0], $0xffff;
	_ =	sdelay $0x4  }
0xca: {  	v1 =	vadd.f32 v2, v1;
	_ =	sdelay $0x1  }
0xcb: {  	v2 =	vmul.f32 $2.000000030e-01, v1  }
0xcc: {  	vm0 =	vge.f32 v1, $0.0e+00  }
0xcd: {  	v1 =	vsel vm0, v1, v2  }
0xce: {  	v1 =	vmul.f32 $1.442695020e+00, v1;
	_ =	sdelay $0x1  }
0xcf: {  	(erf) = vpow2.f32 v1;
	_ =	sdelay $0x8  }
0xd0: {  	v1 =	vpop (erf)  }
0xd1: {  	[tilespmem:$0x5200] =	vst v1  }
0xd2: {  	v1 =	vld [tilespmem:s6+$0x5010]  }
0xd3: {  	v2 =	vld [tilespmem:s6+$0x5110];
	_ =	sdelay $0x6  }
0xd4: {  	v1 =	vld.idx.msk [tilespmem:v1+s1+$0x0], $0xffff  }
0xd5: {  	v2 =	vld.idx.msk [tilespmem:v2+s25+$0x0], $0xffff;
	_ =	sdelay $0x4  }
0xd6: {  	v1 =	vadd.f32 v2, v1;
	_ =	sdelay $0x1  }
0xd7: {  	v2 =	vmul.f32 $2.000000030e-01, v1  }
0xd8: {  	vm13 =	vge.f32 v1, $0.0e+00  }
0xd9: {  	v1 =	vsel vm13, v1, v2  }
0xda: {  	v1 =	vmul.f32 $1.442695020e+00, v1;
	_ =	sdelay $0x1  }
0xdb: {  	(erf) = vpow2.f32 v1;
	_ =	sdelay $0x8  }
0xdc: {  	v1 =	vpop (erf)  }
0xdd: {  	[tilespmem:$0x5210] =	vst v1  }
0xde: {  	v1 =	vld [tilespmem:s6+$0x5020]  }
0xdf: {  	v2 =	vld [tilespmem:s6+$0x5120];
	_ =	sdelay $0x6  }
0xe0: {  	v1 =	vld.idx.msk [tilespmem:v1+s1+$0x0], $0xffff  }
0xe1: {  	v2 =	vld.idx.msk [tilespmem:v2+s25+$0x0], $0xffff;
	_ =	sdelay $0x4  }
0xe2: {  	v1 =	vadd.f32 v2, v1;
	_ =	sdelay $0x1  }
0xe3: {  	v2 =	vmul.f32 $2.000000030e-01, v1  }
0xe4: {  	vm14 =	vge.f32 v1, $0.0e+00  }
0xe5: {  	v1 =	vsel vm14, v1, v2  }
0xe6: {  	v1 =	vmul.f32 $1.442695020e+00, v1;
	_ =	sdelay $0x1  }
0xe7: {  	(erf) = vpow2.f32 v1;
	_ =	sdelay $0x8  }
0xe8: {  	v1 =	vpop (erf)  }
0xe9: {  	[tilespmem:$0x5220] =	vst v1  }
0xea: {  	v1 =	vld [tilespmem:s6+$0x5030]  }
0xeb: {  	v2 =	vld [tilespmem:s6+$0x5130];
	_ =	sdelay $0x6  }
0xec: {  	v1 =	vld.idx.msk [tilespmem:v1+s1+$0x0], $0xffff  }
0xed: {  	v2 =	vld.idx.msk [tilespmem:v2+s25+$0x0], $0xffff;
	_ =	sdelay $0x4  }
0xee: {  	v1 =	vadd.f32 v2, v1;
	_ =	sdelay $0x1  }
0xef: {  	v2 =	vmul.f32 $2.000000030e-01, v1  }
0xf0: {  	vm15 =	vge.f32 v1, $0.0e+00  }
0xf1: {  	v1 =	vsel vm15, v1, v2  }
0xf2: {  	v1 =	vmul.f32 $1.442695020e+00, v1;
	_ =	sdelay $0x1  }
0xf3: {  	(erf) = vpow2.f32 v1;
	_ =	sdelay $0x8  }
0xf4: {  	v1 =	vpop (erf)  }
0xf5: {  	[tilespmem:$0x5230] =	vst v1  }
0xf6: {  	[spmem:s24] =	stream.indirect.scatter.add.f32 [tilespmem:s23], [sflag:$0x2], $0x1, s3, s20, $0xb8;
	[tilespmem:$0x1D500] =	vst v63  }
0xf7: {  	_ =	swait.ge [sflag:s30], $0x40  }
0xf8: {  	[sflag:s30] =	ssyncset.done $0x0  }
0xf9: {  	s5 =	simm.s32 $0x1;
	[sflag:s30] =	ssyncadd.s32 $0xFFFFFFC0  }
0xfa: {  	s5 =	simm.s32 @!p0 $0x0;
	_ =	swait.ge [sflag:s31], $0x2000  }
0xfb: {  	s5 =	sshll.u32 s5, $0xD;
	v1 =	vmov s1;
	[sflag:s31] =	ssyncset.done $0x0  }
0xfc: {  	s7 =	sor.u32 $0x52C0, s5;
	[sflag:s31] =	ssyncadd.s32 $0xFFFFE000  }
0xfd: {  	v5 =	vld [tilespmem:s7+$0x30]  }
0xfe: {  	v8 =	vld [tilespmem:s7+$0x10]  }
0xff: {  	v6 =	vld [tilespmem:s7+$0xFFFFFFC0]  }
0x100: {  	v2 =	vld.idx.msk [tilespmem:v1+s23+$0x0], $0xffff  }
0x101: {  	v10 =	vld [tilespmem:s7+$0xFFFFFFE0]  }
0x102: {  	v1 =	vld [tilespmem:s7+$0xFFFFFFF0]  }
0x103: {  	v3 =	vld [tilespmem:s7+$0x20]  }
0x104: {  	v4 =	vld [tilespmem:s7+$0xFFFFFFD0]  }
0x105: {  	v9 =	vmul.f32 v5, v2;
	v5 =	vld [tilespmem:s7+$0x0]  }
0x106: {  	v7 =	vmul.f32 v6, v2  }
0x107: {  	s5 =	smov.u32 s7;
	s6 =	simm.s32 $0x1;
	v6 =	vmul.f32 v10, v2;
	v8 =	vmul.f32 v8, v2  }
.LBB2_5:
0x108: {  	p1 =	sne.s32 s6, $0x3F  }
0x109: {  	v4 =	vmul.f32 v4, v2;
	v3 =	vmul.f32 v3, v2;
	[tilespmem:s7+$0x30] =	vst v9;
	s5 =	sadd.s32 $0x80, s5;
	s8 =	smov.u32 s6;
	s6 =	sadd.s32 $0x1, s6  }
0x10a: {  	[tilespmem:s7+$0xFFFFFFC0] =	vst v7;
	v7 =	vmul.f32 v1, v2;
	v2 =	vmul.f32 v5, v2  }
0x10b: {  	[tilespmem:s7+$0x10] =	vst v8  }
0x10c: {  	v5 =	vmov s8;
	[tilespmem:s7+$0xFFFFFFE0] =	vst v6  }
0x10d: {  	v1 =	vld [tilespmem:s5+$0xFFFFFFF0];
	[tilespmem:s7+$0xFFFFFFF0] =	vst v7  }
0x10e: {  	v6 =	vld [tilespmem:s5+$0x30];
	[tilespmem:s7+$0x0] =	vst v2  }
0x10f: {  	v8 =	vld [tilespmem:s5+$0x10];
	[tilespmem:s7+$0x20] =	vst v3  }
0x110: {  	v7 =	vld [tilespmem:s5+$0xFFFFFFC0];
	[tilespmem:s7+$0xFFFFFFD0] =	vst v4;
	s7 =	smov.u32 s5  }
0x111: {  	v2 =	vld.idx.msk [tilespmem:v5+s23+$0x0], $0xffff  }
0x112: {  	v10 =	vld [tilespmem:s5+$0xFFFFFFE0]  }
0x113: {  	v3 =	vld [tilespmem:s5+$0x20]  }
.Ltmp1:
0x114: {  	v4 =	vld [tilespmem:s5+$0xFFFFFFD0];
	(pc) =	sbr.rel @p1 .LBB2_5-.Ltmp1, $3  }
0x115: {  	v5 =	vld [tilespmem:s5+$0x0];
	_ =	sdelay $0x1  }
0x116: {  	v7 =	vmul.f32 v7, v2;
	v9 =	vmul.f32 v6, v2  }
0x117: {  	v8 =	vmul.f32 v8, v2;
	v6 =	vmul.f32 v10, v2  }
0x118: {  	[tilespmem:s7+$0x30] =	vst v9  }
0x119: {  	[tilespmem:s7+$0xFFFFFFC0] =	vst v7  }
0x11a: {  	v1 =	vmul.f32 v1, v2;
	[tilespmem:s7+$0x10] =	vst v8  }
0x11b: {  	v3 =	vmul.f32 v3, v2;
	[tilespmem:s7+$0xFFFFFFE0] =	vst v6  }
0x11c: {  	v5 =	vmul.f32 v5, v2;
	[tilespmem:s7+$0xFFFFFFF0] =	vst v1  }
0x11d: {  	s2 =	sadd.s32 $0x1, s2;
	v1 =	vmul.f32 v4, v2;
	[tilespmem:s7+$0x20] =	vst v3  }
0x11e: {  	p1 =	sne.s32 s2, $0xA0;
	[tilespmem:s7+$0x0] =	vst v5  }
.Ltmp2:
0x11f: {  	[tilespmem:s7+$0xFFFFFFD0] =	vst v1;
	(pc) =	sbr.rel @p1 .LBB2_4-.Ltmp2, $4  }
0x120: {  	[spmem:s21] =	stream.indirect.scatter.add.f32 [tilespmem:s4], [sflag:$0x2], $0x80, s3, s20, $0xb8;
	[tilespmem:$0x1D500] =	vst v63  }
0x121: {  	_ =	swait.ge [sflag:s30], $0x2000  }
0x122: {  	[sflag:s30] =	ssyncset.done $0x0  }
0x123: {  	p0 =	por !p0, !p0;
	[sflag:s30] =	ssyncadd.s32 $0xFFFFE000  }
0x124: {  	[bflag:$0x0] =	sbarrier.arrive $0xFFFF  }
0x125: {  	[tilespmem:s28], [sflag:$0x2] =	stream.linear.gather [spmem:s9], $0x2000, $0x38;
	[tilespmem:$0x1D500] =	vst v63  }
0x126: {  	_ =	swait.ge [sflag:s30], $0x2000  }
0x127: {  	[sflag:s30] =	ssyncset.done $0x0  }
0x128: {  	s1 =	rddreg [dreg:$0x5];
	[sflag:s30] =	ssyncadd.s32 $0xFFFFE000  }
0x129: {  	[hbm4b:s1+s11] =	stream.linear.scatter [tilespmem:s28], [sflag:$0x2], $0x2000, $0x38;
	[tilespmem:$0x1D500] =	vst v63  }
0x12a: {  	_ =	swait.ge [sflag:s30], $0x2000  }
0x12b: {  	[sflag:s30] =	ssyncset.done $0x0  }
0x12c: {  	[sflag:s30] =	ssyncadd.s32 $0xFFFFE000  }
0x12d: {  	[tilespmem:s23], [sflag:$0x2] =	stream.linear.gather [spmem:s10], $0x40, $0x38;
	[tilespmem:$0x1D500] =	vst v63  }
0x12e: {  	_ =	swait.ge [sflag:s30], $0x40  }
0x12f: {  	[sflag:s30] =	ssyncset.done $0x0  }
0x130: {  	s6 =	smov.u32 s10;
	s10 =	rddreg [dreg:$0x13];
	[sflag:s30] =	ssyncadd.s32 $0xFFFFFFC0  }
0x131: {  	[hbm4b:s10+s11] =	stream.linear.scatter [tilespmem:s23], [sflag:$0x2], $0x40, $0x38;
	[tilespmem:$0x1D500] =	vst v63  }
0x132: {  	_ =	swait.ge [sflag:s30], $0x40  }
0x133: {  	[sflag:s30] =	ssyncset.done $0x0  }
0x134: {  	[sflag:s30] =	ssyncadd.s32 $0xFFFFFFC0  }
0x135: {  	[tilespmem:s28], [sflag:$0x2] =	stream.linear.gather [spmem:s12], $0x2000, $0x38;
	[tilespmem:$0x1D500] =	vst v63  }
0x136: {  	_ =	swait.ge [sflag:s30], $0x2000  }
0x137: {  	[sflag:s30] =	ssyncset.done $0x0  }
0x138: {  	s2 =	rddreg [dreg:$0x6];
	[sflag:s30] =	ssyncadd.s32 $0xFFFFE000  }
0x139: {  	[hbm4b:s2+s11] =	stream.linear.scatter [tilespmem:s28], [sflag:$0x2], $0x2000, $0x38;
	[tilespmem:$0x1D500] =	vst v63  }
0x13a: {  	_ =	swait.ge [sflag:s30], $0x2000  }
0x13b: {  	[sflag:s30] =	ssyncset.done $0x0  }
0x13c: {  	s4 =	rddreg [dreg:$0x1b];
	[sflag:s30] =	ssyncadd.s32 $0xFFFFE000  }
0x13d: {  	[tilespmem:s23], [sflag:$0x2] =	stream.linear.gather [spmem:s4], $0x40, $0x38;
	[tilespmem:$0x1D500] =	vst v63  }
0x13e: {  	_ =	swait.ge [sflag:s30], $0x40  }
0x13f: {  	[sflag:s30] =	ssyncset.done $0x0  }
0x140: {  	s5 =	rddreg [dreg:$0x14];
	[sflag:s30] =	ssyncadd.s32 $0xFFFFFFC0  }
0x141: {  	[hbm4b:s5+s11] =	stream.linear.scatter [tilespmem:s23], [sflag:$0x2], $0x40, $0x38;
	[tilespmem:$0x1D500] =	vst v63  }
0x142: {  	_ =	swait.ge [sflag:s30], $0x40  }
0x143: {  	[sflag:s30] =	ssyncset.done $0x0  }
0x144: {  	s7 =	rddreg [dreg:$0x1c];
	[sflag:s30] =	ssyncadd.s32 $0xFFFFFFC0  }
0x145: {  	[tilespmem:s28], [sflag:$0x2] =	stream.linear.gather [spmem:s7], $0x2000, $0x38;
	[tilespmem:$0x1D500] =	vst v63  }
0x146: {  	_ =	swait.ge [sflag:s30], $0x2000  }
0x147: {  	[sflag:s30] =	ssyncset.done $0x0  }
0x148: {  	s3 =	smov.u32 s9;
	s9 =	rddreg [dreg:$0x7];
	[sflag:s30] =	ssyncadd.s32 $0xFFFFE000  }
0x149: {  	[hbm4b:s9+s11] =	stream.linear.scatter [tilespmem:s28], [sflag:$0x2], $0x2000, $0x38;
	[tilespmem:$0x1D500] =	vst v63  }
0x14a: {  	_ =	swait.ge [sflag:s30], $0x2000  }
0x14b: {  	[sflag:s30] =	ssyncset.done $0x0  }
0x14c: {  	[sflag:s30] =	ssyncadd.s32 $0xFFFFE000  }
0x14d: {  	[tilespmem:s23], [sflag:$0x2] =	stream.linear.gather [spmem:s13], $0x40, $0x38;
	[tilespmem:$0x1D500] =	vst v63  }
0x14e: {  	_ =	swait.ge [sflag:s30], $0x40  }
0x14f: {  	[sflag:s30] =	ssyncset.done $0x0  }
0x150: {  	s10 =	rddreg [dreg:$0xf];
	[sflag:s30] =	ssyncadd.s32 $0xFFFFFFC0  }
0x151: {  	[hbm4b:s10+s11] =	stream.linear.scatter [tilespmem:s23], [sflag:$0x2], $0x40, $0x38;
	[tilespmem:$0x1D500] =	vst v63  }
0x152: {  	_ =	swait.ge [sflag:s30], $0x40  }
0x153: {  	[sflag:s30] =	ssyncset.done $0x0  }
0x154: {  	s8 =	smov.u32 s12;
	s12 =	rddreg [dreg:$0x1d];
	[sflag:s30] =	ssyncadd.s32 $0xFFFFFFC0  }
0x155: {  	[tilespmem:s28], [sflag:$0x2] =	stream.linear.gather [spmem:s12], $0x2000, $0x38;
	[tilespmem:$0x1D500] =	vst v63  }
0x156: {  	_ =	swait.ge [sflag:s30], $0x2000  }
0x157: {  	[sflag:s30] =	ssyncset.done $0x0  }
0x158: {  	s4 =	smov.u32 s13;
	s13 =	rddreg [dreg:$0x8];
	[sflag:s30] =	ssyncadd.s32 $0xFFFFE000  }
0x159: {  	[hbm4b:s13+s11] =	stream.linear.scatter [tilespmem:s28], [sflag:$0x2], $0x2000, $0x38;
	[tilespmem:$0x1D500] =	vst v63  }
0x15a: {  	_ =	swait.ge [sflag:s30], $0x2000  }
0x15b: {  	[sflag:s30] =	ssyncset.done $0x0  }
0x15c: {  	[sflag:s30] =	ssyncadd.s32 $0xFFFFE000  }
0x15d: {  	[tilespmem:s23], [sflag:$0x2] =	stream.linear.gather [spmem:s14], $0x40, $0x38;
	[tilespmem:$0x1D500] =	vst v63  }
0x15e: {  	_ =	swait.ge [sflag:s30], $0x40  }
0x15f: {  	[sflag:s30] =	ssyncset.done $0x0  }
0x160: {  	s2 =	rddreg [dreg:$0x15];
	[sflag:s30] =	ssyncadd.s32 $0xFFFFFFC0  }
0x161: {  	[hbm4b:s2+s11] =	stream.linear.scatter [tilespmem:s23], [sflag:$0x2], $0x40, $0x38;
	[tilespmem:$0x1D500] =	vst v63  }
0x162: {  	_ =	swait.ge [sflag:s30], $0x40  }
0x163: {  	[sflag:s30] =	ssyncset.done $0x0  }
0x164: {  	s7 =	rddreg [dreg:$0x1e];
	[sflag:s30] =	ssyncadd.s32 $0xFFFFFFC0  }
0x165: {  	[tilespmem:s28], [sflag:$0x2] =	stream.linear.gather [spmem:s7], $0x2000, $0x38;
	[tilespmem:$0x1D500] =	vst v63  }
0x166: {  	_ =	swait.ge [sflag:s30], $0x2000  }
0x167: {  	[sflag:s30] =	ssyncset.done $0x0  }
0x168: {  	s9 =	rddreg [dreg:$0x9];
	[sflag:s30] =	ssyncadd.s32 $0xFFFFE000  }
0x169: {  	[hbm4b:s9+s11] =	stream.linear.scatter [tilespmem:s28], [sflag:$0x2], $0x2000, $0x38;
	[tilespmem:$0x1D500] =	vst v63  }
0x16a: {  	_ =	swait.ge [sflag:s30], $0x2000  }
0x16b: {  	[sflag:s30] =	ssyncset.done $0x0  }
0x16c: {  	[sflag:s30] =	ssyncadd.s32 $0xFFFFE000  }
0x16d: {  	[tilespmem:s23], [sflag:$0x2] =	stream.linear.gather [spmem:s15], $0x40, $0x38;
	[tilespmem:$0x1D500] =	vst v63  }
0x16e: {  	_ =	swait.ge [sflag:s30], $0x40  }
0x16f: {  	[sflag:s30] =	ssyncset.done $0x0  }
0x170: {  	s10 =	rddreg [dreg:$0x10];
	[sflag:s30] =	ssyncadd.s32 $0xFFFFFFC0  }
0x171: {  	[hbm4b:s10+s11] =	stream.linear.scatter [tilespmem:s23], [sflag:$0x2], $0x40, $0x38;
	[tilespmem:$0x1D500] =	vst v63  }
0x172: {  	_ =	swait.ge [sflag:s30], $0x40  }
0x173: {  	[sflag:s30] =	ssyncset.done $0x0  }
0x174: {  	s12 =	rddreg [dreg:$0x1f];
	[sflag:s30] =	ssyncadd.s32 $0xFFFFFFC0  }
0x175: {  	[tilespmem:s28], [sflag:$0x2] =	stream.linear.gather [spmem:s12], $0x2000, $0x38;
	[tilespmem:$0x1D500] =	vst v63  }
0x176: {  	_ =	swait.ge [sflag:s30], $0x2000  }
0x177: {  	[sflag:s30] =	ssyncset.done $0x0  }
0x178: {  	s13 =	rddreg [dreg:$0xa];
	[sflag:s30] =	ssyncadd.s32 $0xFFFFE000  }
0x179: {  	[hbm4b:s13+s11] =	stream.linear.scatter [tilespmem:s28], [sflag:$0x2], $0x2000, $0x38;
	[tilespmem:$0x1D500] =	vst v63  }
0x17a: {  	_ =	swait.ge [sflag:s30], $0x2000  }
0x17b: {  	s5 =	smov.u32 s14;
	s14 =	sld [smem:$0x7F6]  }
0x17c: {  	[sflag:s30] =	ssyncset.done $0x0  }
0x17d: {  	[sflag:s30] =	ssyncadd.s32 $0xFFFFE000  }
0x17e: {  	[tilespmem:s23], [sflag:$0x2] =	stream.linear.gather [spmem:s14], $0x40, $0x38;
	[tilespmem:$0x1D500] =	vst v63  }
0x17f: {  	_ =	swait.ge [sflag:s30], $0x40  }
0x180: {  	[sflag:s30] =	ssyncset.done $0x0  }
0x181: {  	s7 =	smov.u32 s15;
	s15 =	rddreg [dreg:$0x16];
	[sflag:s30] =	ssyncadd.s32 $0xFFFFFFC0  }
0x182: {  	[hbm4b:s15+s11] =	stream.linear.scatter [tilespmem:s23], [sflag:$0x2], $0x40, $0x38;
	[tilespmem:$0x1D500] =	vst v63  }
0x183: {  	_ =	swait.ge [sflag:s30], $0x40  }
0x184: {  	s2 =	sld [smem:$0x7F7]  }
0x185: {  	[sflag:s30] =	ssyncset.done $0x0  }
0x186: {  	[sflag:s30] =	ssyncadd.s32 $0xFFFFFFC0  }
0x187: {  	[tilespmem:s28], [sflag:$0x2] =	stream.linear.gather [spmem:s2], $0x2000, $0x38;
	[tilespmem:$0x1D500] =	vst v63  }
0x188: {  	_ =	swait.ge [sflag:s30], $0x2000  }
0x189: {  	[sflag:s30] =	ssyncset.done $0x0  }
0x18a: {  	s9 =	rddreg [dreg:$0xb];
	[sflag:s30] =	ssyncadd.s32 $0xFFFFE000  }
0x18b: {  	[hbm4b:s9+s11] =	stream.linear.scatter [tilespmem:s28], [sflag:$0x2], $0x2000, $0x38;
	[tilespmem:$0x1D500] =	vst v63  }
0x18c: {  	_ =	swait.ge [sflag:s30], $0x2000  }
0x18d: {  	s10 =	sld [smem:$0x7F8]  }
0x18e: {  	[sflag:s30] =	ssyncset.done $0x0  }
0x18f: {  	[sflag:s30] =	ssyncadd.s32 $0xFFFFE000  }
0x190: {  	[tilespmem:s23], [sflag:$0x2] =	stream.linear.gather [spmem:s10], $0x40, $0x38;
	[tilespmem:$0x1D500] =	vst v63  }
0x191: {  	_ =	swait.ge [sflag:s30], $0x40  }
0x192: {  	[sflag:s30] =	ssyncset.done $0x0  }
0x193: {  	s12 =	rddreg [dreg:$0x11];
	[sflag:s30] =	ssyncadd.s32 $0xFFFFFFC0  }
0x194: {  	[hbm4b:s12+s11] =	stream.linear.scatter [tilespmem:s23], [sflag:$0x2], $0x40, $0x38;
	[tilespmem:$0x1D500] =	vst v63  }
0x195: {  	_ =	swait.ge [sflag:s30], $0x40  }
0x196: {  	s13 =	sld [smem:$0x7F9]  }
0x197: {  	[sflag:s30] =	ssyncset.done $0x0  }
0x198: {  	[sflag:s30] =	ssyncadd.s32 $0xFFFFFFC0  }
0x199: {  	[tilespmem:s28], [sflag:$0x2] =	stream.linear.gather [spmem:s13], $0x2000, $0x38;
	[tilespmem:$0x1D500] =	vst v63  }
0x19a: {  	_ =	swait.ge [sflag:s30], $0x2000  }
0x19b: {  	[sflag:s30] =	ssyncset.done $0x0  }
0x19c: {  	s14 =	rddreg [dreg:$0xc];
	[sflag:s30] =	ssyncadd.s32 $0xFFFFE000  }
0x19d: {  	[hbm4b:s14+s11] =	stream.linear.scatter [tilespmem:s28], [sflag:$0x2], $0x2000, $0x38;
	[tilespmem:$0x1D500] =	vst v63  }
0x19e: {  	_ =	swait.ge [sflag:s30], $0x2000  }
0x19f: {  	s15 =	sld [smem:$0x7FA]  }
0x1a0: {  	[sflag:s30] =	ssyncset.done $0x0  }
0x1a1: {  	[sflag:s30] =	ssyncadd.s32 $0xFFFFE000  }
0x1a2: {  	[tilespmem:s23], [sflag:$0x2] =	stream.linear.gather [spmem:s15], $0x40, $0x38;
	[tilespmem:$0x1D500] =	vst v63  }
0x1a3: {  	_ =	swait.ge [sflag:s30], $0x40  }
0x1a4: {  	[sflag:s30] =	ssyncset.done $0x0  }
0x1a5: {  	s2 =	rddreg [dreg:$0x17];
	[sflag:s30] =	ssyncadd.s32 $0xFFFFFFC0  }
0x1a6: {  	[hbm4b:s2+s11] =	stream.linear.scatter [tilespmem:s23], [sflag:$0x2], $0x40, $0x38;
	[tilespmem:$0x1D500] =	vst v63  }
0x1a7: {  	_ =	swait.ge [sflag:s30], $0x40  }
0x1a8: {  	s9 =	sld [smem:$0x7FB]  }
0x1a9: {  	[sflag:s30] =	ssyncset.done $0x0  }
0x1aa: {  	[sflag:s30] =	ssyncadd.s32 $0xFFFFFFC0  }
0x1ab: {  	[tilespmem:s28], [sflag:$0x2] =	stream.linear.gather [spmem:s9], $0x2000, $0x38;
	[tilespmem:$0x1D500] =	vst v63  }
0x1ac: {  	_ =	swait.ge [sflag:s30], $0x2000  }
0x1ad: {  	[sflag:s30] =	ssyncset.done $0x0  }
0x1ae: {  	s10 =	rddreg [dreg:$0xd];
	[sflag:s30] =	ssyncadd.s32 $0xFFFFE000  }
0x1af: {  	[hbm4b:s10+s11] =	stream.linear.scatter [tilespmem:s28], [sflag:$0x2], $0x2000, $0x38;
	[tilespmem:$0x1D500] =	vst v63  }
0x1b0: {  	_ =	swait.ge [sflag:s30], $0x2000  }
0x1b1: {  	[sflag:s30] =	ssyncset.done $0x0  }
0x1b2: {  	[sflag:s30] =	ssyncadd.s32 $0xFFFFE000  }
0x1b3: {  	[tilespmem:s23], [sflag:$0x2] =	stream.linear.gather [spmem:s16], $0x40, $0x38;
	[tilespmem:$0x1D500] =	vst v63  }
0x1b4: {  	_ =	swait.ge [sflag:s30], $0x40  }
0x1b5: {  	[sflag:s30] =	ssyncset.done $0x0  }
0x1b6: {  	s12 =	rddreg [dreg:$0x12];
	[sflag:s30] =	ssyncadd.s32 $0xFFFFFFC0  }
0x1b7: {  	[hbm4b:s12+s11] =	stream.linear.scatter [tilespmem:s23], [sflag:$0x2], $0x40, $0x38;
	[tilespmem:$0x1D500] =	vst v63  }
0x1b8: {  	_ =	swait.ge [sflag:s30], $0x40  }
0x1b9: {  	[sflag:s30] =	ssyncset.done $0x0  }
0x1ba: {  	[sflag:s30] =	ssyncadd.s32 $0xFFFFFFC0  }
0x1bb: {  	[tilespmem:s28], [sflag:$0x2] =	stream.linear.gather [spmem:s17], $0x2000, $0x38;
	[tilespmem:$0x1D500] =	vst v63  }
0x1bc: {  	_ =	swait.ge [sflag:s30], $0x2000  }
0x1bd: {  	[sflag:s30] =	ssyncset.done $0x0  }
0x1be: {  	s13 =	rddreg [dreg:$0xe];
	[sflag:s30] =	ssyncadd.s32 $0xFFFFE000  }
0x1bf: {  	[hbm4b:s13+s11] =	stream.linear.scatter [tilespmem:s28], [sflag:$0x2], $0x2000, $0x38;
	[tilespmem:$0x1D500] =	vst v63  }
0x1c0: {  	_ =	swait.ge [sflag:s30], $0x2000  }
0x1c1: {  	[sflag:s30] =	ssyncset.done $0x0  }
0x1c2: {  	[sflag:s30] =	ssyncadd.s32 $0xFFFFE000  }
0x1c3: {  	[tilespmem:s23], [sflag:$0x2] =	stream.linear.gather [spmem:s18], $0x40, $0x38;
	[tilespmem:$0x1D500] =	vst v63  }
0x1c4: {  	_ =	swait.ge [sflag:s30], $0x40  }
0x1c5: {  	[sflag:s30] =	ssyncset.done $0x0  }
0x1c6: {  	s14 =	rddreg [dreg:$0x18];
	[sflag:s30] =	ssyncadd.s32 $0xFFFFFFC0  }
0x1c7: {  	[hbm4b:s14+s11] =	stream.linear.scatter [tilespmem:s23], [sflag:$0x2], $0x40, $0x38;
	[tilespmem:$0x1D500] =	vst v63  }
0x1c8: {  	_ =	swait.ge [sflag:s30], $0x40  }
0x1c9: {  	s15 =	sld [smem:$0x7FD];
	_ =	sdelay $0x1  }
0x1ca: {  	s0 =	sadd.s32 $0x1, s0  }
0x1cb: {  	p0 =	sne.s32 s0, s15  }
.Ltmp3:
0x1cc: {  	_ = 	snop;
	(pc) =	sbr.rel @p0 .LBB2_1-.Ltmp3, $3  }
0x1cd: {  	_ =	sdelay $0x1  }
0x1ce: {  	[sflag:s30] =	ssyncset.done $0x0  }
0x1cf: {  	[sflag:s30] =	ssyncadd.s32 $0xFFFFFFC0  }
0x1d0: {  	_ =	sfence.sel $0x180000  }
0x1d1: {  	[bflag:$0x0] =	sbarrier.arrive $0xFFFF  }
0x1d2: {  	_ =	strace $0x90000047  }
0x1d3: {  	s0 =	stileid.u32;
	[bflag:$0x2] =	sbarrier.arrive $0xFFFF  }
0x1d4: {  	p0 =	sne.s32 s0, $0x0;
	s0 =	rddreg [dreg:$0x4]  }
0x1d5: {  	s0 =	sadd.s32 @!p0 $0x100000, s0  }
0x1d6: {  	[sflag:s0] =	ssyncadd.tile.s32 @!p0 $0x1;
	_ =	shalt  }
.Lfunc_end2:
_tile_overlayer_lowered:
.L_overlay_start_2:
0x1d7: {  	(tag) =	ssettag $0x2  }
0x1d8: {  	s0 =	rddreg [dreg:$0x0];
	s2 =	stileid.u32  }
0x1d9: {  	s1 =	rddreg [dreg:$0x1];
	p0 =	sne.s32 s2, $0x0  }
0x1da: {  	s3 =	rddreg [dreg:$0x2];
	[bflag:$0x3] =	sbarrier.arrive $0xFFFF;
	s2 =	simm.s32 @!p0 $0x1C02  }
0x1db: {  	[timem:s3], [sflag:s2] =	dma.local @!p0 [hbm:s0], s1  }
0x1dc: {  	s0 =	simm.s32 @!p0 $0x2  }
0x1dd: {  	_ =	swait.ge @!p0 [sflag:s0], s1  }
0x1de: {  	s1 =	ssub.s32 @!p0 $0x0, s1;
	[sflag:s0] =	ssyncset.done @!p0 $0x0  }
0x1df: {  	[sflag:s0] =	ssyncadd.s32 @!p0 s1  }
0x1e0: {  	[bflag:$0x3] =	sbarrier.arrive $0xFFFF  }
0x1e1: {  	_ =	shalt  }

</sc_bundles>
